<compile_context>
chip_gen: v7x
topology: tpu7x:2x2x1
jax: 0.10.2.dev20260603
libtpu: 0.0.44.dev20260713+nightly
codegen_flags: <defaults>
</compile_context>

<pallas_src>
import functools

import jax
import jax.numpy as jnp
from jax import lax
from jax.experimental import pallas as pl
from jax.experimental.pallas import tpu as pltpu
from jax.experimental.pallas import tpu_sc as plsc

_SINK = 4
_RECENT = 64
_KEEP_RATIO = 0.5
_ALPHA = 0.2

_L = 16

_NB1 = 1056
_NB2 = 1024
_NB3 = 1024


def _floor_div(a, b):
    q = jax.lax.div(a, jnp.int32(b))
    r = a - q * b
    return q - jnp.where(r < 0, jnp.int32(1), jnp.int32(0))


def _row_sum_mxu(x, n_out=8):
    ones = jnp.ones((x.shape[1], n_out), x.dtype)
    out = jax.lax.dot_general(
        x, ones,
        dimension_numbers=(((1,), (0,)), ((), ())),
        preferred_element_type=jnp.float32,
    )
    return out[:, :1]


def _dense_body(w_ref, bits_ref, bud_ref, *, sink, recent, total_mid_budget,
                min_budget):
    _, H, L_q, L_kv = w_ref.shape
    eps = jnp.float32(1e-8)
    w = w_ref[0]

    scores = jnp.sum(w, axis=1)
    w2 = w.reshape(H * L_q, L_kv)
    ent_elem = w2 * jnp.log(w2 + eps)
    ent_hq = _row_sum_mxu(ent_elem)
    ent = jnp.sum(ent_hq.reshape(H, L_q), axis=1, keepdims=True)

    middle_len = L_kv - sink - recent
    head_entropy = -ent / jnp.float32(L_q)
    denom = jnp.sum(head_entropy) + eps
    alloc = head_entropy / denom
    budgets = jnp.round(alloc * jnp.float32(total_mid_budget)).astype(jnp.int32)
    budgets = jnp.maximum(budgets, jnp.int32(min_budget))
    current_total = jnp.sum(budgets)
    diff = jnp.int32(total_mid_budget) - current_total
    per_head_adj = _floor_div(diff, H)
    budgets = budgets + per_head_adj
    r = diff - per_head_adj * H
    idx_h = jax.lax.broadcasted_iota(jnp.int32, (H, 1), 0)
    budgets = budgets + jnp.where(idx_h < r, jnp.int32(1), jnp.int32(0))
    budgets = jnp.clip(budgets, jnp.int32(1), jnp.int32(middle_len))

    bits = jax.lax.bitcast_convert_type(scores, jnp.int32)
    col = jax.lax.broadcasted_iota(jnp.int32, (H, L_kv), 1)
    mid_mask = (col >= sink) & (col < L_kv - recent)
    bits_ref[0] = jnp.where(mid_mask, bits, jnp.int32(-1))
    bud_ref[0] = budgets.reshape(1, H)


def _select_body(bits_hbm, bud_hbm, out_hbm, buf, stage, budv, hist1, hist2,
                 hist3, sem0, sem1, *, sink, recent, l_kv):
    n_vec = l_kv // _L
    wid = lax.axis_index("s") * 2 + lax.axis_index("c")
    base = wid * _L
    lane = lax.broadcasted_iota(jnp.int32, (_L,), 0)
    ones16 = jnp.ones((_L,), jnp.int32)
    zeros16 = jnp.zeros((_L,), jnp.int32)
    row_base = lane * l_kv
    lkv_mask = jnp.int32(l_kv - 1)

    pltpu.sync_copy(bud_hbm.at[pl.ds(base, _L)], budv)
    bud = budv[...]

    def tidx(i):
        return row_base + jnp.bitwise_and(i + lane, lkv_mask)

    U = 8
    sems = (sem0, sem1)

    in_copies = [
        pltpu.async_copy(bits_hbm.at[base + k],
                         stage.at[pl.ds((k % 2) * l_kv, l_kv)], sems[k % 2])
        for k in range(2)
    ]
    for k in range(_L):
        in_copies[k].wait()
        half = (k % 2) * l_kv

        @plsc.parallel_loop(0, n_vec, unroll=U)
        def _cp(j, k=k, half=half):
            v = stage[pl.ds(half + j * _L, _L)]
            off = jnp.bitwise_and(j * _L + k + lane, lkv_mask)
            plsc.store_scatter(buf, [k * l_kv + off], v)

        if k + 2 < _L:
            in_copies.append(
                pltpu.async_copy(bits_hbm.at[base + k + 2],
                                 stage.at[pl.ds((k % 2) * l_kv, l_kv)],
                                 sems[k % 2]))

    def _zero(hist, nb):
        @plsc.parallel_loop(0, nb, unroll=U)
        def _z(b):
            hist[pl.ds(b * _L, _L)] = zeros16

    _zero(hist1, _NB1)
    _zero(hist2, _NB2)
    _zero(hist3, _NB3)

    def gval(i):
        return plsc.load_gather(buf, [tidx(i)])

    @plsc.parallel_loop(0, l_kv, unroll=U)
    def _h1(i):
        v = gval(i)
        valid = v >= 0
        b1 = jnp.clip(jnp.right_shift(v, 20), 0, _NB1 - 1)
        plsc.addupdate_scatter(hist1, [b1 * _L + lane], ones16, mask=valid)

    def _scan(hist, nb, target):
        def _s(t, carry):
            cum, beta, above, found = carry
            b = nb - 1 - t
            h = hist[pl.ds(b * _L, _L)]
            cum2 = cum + h
            sel = (found == 0) & (cum2 >= target)
            bv = jnp.broadcast_to(b, (_L,))
            beta = jnp.where(sel, bv, beta)
            above = jnp.where(sel, cum, above)
            found = jnp.where(sel, ones16, found)
            return cum2, beta, above, found

        _, beta, above, _ = plsc.parallel_loop(
            0, nb, unroll=U, carry=(zeros16, zeros16, zeros16, zeros16))(_s)
        return beta, above

    beta1, above1 = _scan(hist1, _NB1, bud)
    m1 = bud - above1

    @plsc.parallel_loop(0, l_kv, unroll=U)
    def _h2(i):
        v = gval(i)
        b1 = jnp.right_shift(v, 20)
        valid = (v >= 0) & (b1 == beta1)
        b2 = jnp.bitwise_and(jnp.right_shift(v, 10), _NB2 - 1)
        plsc.addupdate_scatter(hist2, [b2 * _L + lane], ones16, mask=valid)

    beta2, above2 = _scan(hist2, _NB2, m1)
    m2 = m1 - above2

    @plsc.parallel_loop(0, l_kv, unroll=U)
    def _h3(i):
        v = gval(i)
        b1 = jnp.right_shift(v, 20)
        b2 = jnp.bitwise_and(jnp.right_shift(v, 10), _NB2 - 1)
        valid = (v >= 0) & (b1 == beta1) & (b2 == beta2)
        b3 = jnp.bitwise_and(v, _NB3 - 1)
        plsc.addupdate_scatter(hist3, [b3 * _L + lane], ones16, mask=valid)

    beta3, above3 = _scan(hist3, _NB3, m2)
    m_tie = m2 - above3

    thr = jnp.bitwise_or(
        jnp.left_shift(beta1, 20),
        jnp.bitwise_or(jnp.left_shift(beta2, 10), beta3))

    def _fin(i, tiecnt):
        v = gval(i)
        tie = v == thr
        keep = (v > thr) | (tie & (tiecnt < m_tie))
        prot = (i < sink) | (i >= l_kv - recent)
        keepi = jnp.bitwise_or(
            keep.astype(jnp.int32),
            jnp.broadcast_to(prot.astype(jnp.int32), (_L,)))
        plsc.store_scatter(buf, [tidx(i)], keepi)
        return tiecnt + tie.astype(jnp.int32)

    plsc.parallel_loop(0, l_kv, unroll=U, carry=zeros16)(_fin)

    out_copies = [None, None]
    for k in range(_L):
        if out_copies[k % 2] is not None:
            out_copies[k % 2].wait()
        half = (k % 2) * l_kv

        @plsc.parallel_loop(0, n_vec, unroll=U)
        def _ob(j, k=k, half=half):
            off = jnp.bitwise_and(j * _L + k + lane, lkv_mask)
            stage[pl.ds(half + j * _L, _L)] = plsc.load_gather(
                buf, [k * l_kv + off])

        out_copies[k % 2] = pltpu.async_copy(
            stage.at[pl.ds(half, l_kv)], out_hbm.at[base + k], sems[k % 2])

    out_copies[0].wait()
    out_copies[1].wait()


def kernel(attn_weights):
    B, H, L_q, L_kv = attn_weights.shape
    sink, recent = _SINK, _RECENT
    n_protected = min(sink + recent, L_kv)
    middle_len = L_kv - n_protected
    if middle_len <= 0:
        return jnp.ones((B, H, L_kv), dtype=bool)
    total_keep = int(L_kv * _KEEP_RATIO)
    middle_budget = max(total_keep - n_protected, 0)
    total_mid_budget = middle_budget * H
    min_budget = max(int(middle_len * _KEEP_RATIO * _ALPHA), 1)

    dense = functools.partial(
        _dense_body, sink=sink, recent=recent,
        total_mid_budget=total_mid_budget, min_budget=min_budget)
    bits, budgets = pl.pallas_call(
        dense,
        grid=(B,),
        in_specs=[pl.BlockSpec((1, H, L_q, L_kv), lambda b: (b, 0, 0, 0))],
        out_specs=[
            pl.BlockSpec((1, H, L_kv), lambda b: (b, 0, 0)),
            pl.BlockSpec((1, 1, H), lambda b: (b, 0, 0)),
        ],
        out_shape=[
            jax.ShapeDtypeStruct((B, H, L_kv), jnp.int32),
            jax.ShapeDtypeStruct((B, 1, H), jnp.int32),
        ],
    )(attn_weights)

    bits2 = bits.reshape(B * H, L_kv)
    bud2 = budgets.reshape(B * H)

    mesh = plsc.VectorSubcoreMesh(core_axis_name="c", subcore_axis_name="s")
    select = functools.partial(
        _select_body, sink=sink, recent=recent, l_kv=L_kv)
    maski = pl.kernel(
        select,
        mesh=mesh,
        compiler_params=pltpu.CompilerParams(needs_layout_passes=False),
        out_type=jax.ShapeDtypeStruct((B * H, L_kv), jnp.int32),
        scratch_types=[
            pltpu.VMEM((_L * L_kv,), jnp.int32),
            pltpu.VMEM((2 * L_kv,), jnp.int32),
            pltpu.VMEM((_L,), jnp.int32),
            pltpu.VMEM((_NB1 * _L,), jnp.int32),
            pltpu.VMEM((_NB2 * _L,), jnp.int32),
            pltpu.VMEM((_NB3 * _L,), jnp.int32),
            pltpu.SemaphoreType.DMA,
            pltpu.SemaphoreType.DMA,
        ],
    )(bits2, bud2)

    return maski.astype(jnp.bool_).reshape(B, H, L_kv)

# --- scband reference (transcript-rebuilt; emitter-appended) ---
"""Pipeline reference for scband-attention-score-eviction-16355235463612 (READ-ONLY COPY).

The authoritative reference and input builder live on the scoring server;
editing this copy changes nothing except your own understanding.
"""

import jax, jax.numpy as jnp
import numpy as np

SINK = 4
RECENT = 64
KEEP_RATIO = 0.5
ALPHA = 0.2


def setup_inputs(seed: int = 0) -> dict:
    key = jax.random.key(seed)
    attn_weights = jax.random.uniform(key, (16, 32, 8, 4096), dtype=jnp.float32)
    return {"attn_weights": attn_weights}


def _compute_head_budgets(attn_weights, total_budget, seq_len):
    B, H, L_q, L_kv = attn_weights.shape
    eps = 1e-08
    entropy = -(attn_weights * jnp.log(attn_weights + eps)).sum(axis=-1)  # (B,H,L_q)
    head_entropy = entropy.mean(axis=-1)  # (B,H)
    alloc_weights = head_entropy / (head_entropy.sum(axis=-1, keepdims=True) + eps)
    head_budgets = jnp.round(alloc_weights * total_budget).astype(jnp.int32)
    min_budget = max(int(seq_len * KEEP_RATIO * ALPHA), 1)
    head_budgets = jnp.clip(head_budgets, min_budget, None)
    current_total = head_budgets.sum(axis=-1, keepdims=True)
    diff = total_budget - current_total  # (B,1)
    per_head_adj = diff // H
    head_budgets = head_budgets + per_head_adj
    r = (diff - per_head_adj * H)[:, 0]  # (B,)
    idx = jnp.arange(H)
    adj = jnp.where(idx[None, :] < jnp.abs(r)[:, None], jnp.sign(r)[:, None], 0)
    head_budgets = head_budgets + adj.astype(head_budgets.dtype)
    head_budgets = jnp.clip(head_budgets, 1, seq_len)
    return head_budgets


def reference(attn_weights):
    B, H, L_q, L_kv = attn_weights.shape
    kr = KEEP_RATIO
    sink = SINK
    recent = RECENT
    scores = attn_weights.sum(axis=2)  # (B,H,L_kv)
    mask = jnp.zeros((B, H, L_kv), dtype=bool)
    if sink > 0:
        mask = mask.at[:, :, :sink].set(True)
    if recent > 0:
        mask = mask.at[:, :, L_kv - recent:].set(True)
    n_protected = min(sink + recent, L_kv)
    middle_len = L_kv - n_protected
    if middle_len <= 0:
        return jnp.ones((B, H, L_kv), dtype=bool)
    total_keep = int(L_kv * kr)
    middle_budget = max(total_keep - n_protected, 0)
    total_middle_budget = middle_budget * H
    head_budgets = _compute_head_budgets(attn_weights, total_middle_budget, middle_len)
    end = L_kv - recent if recent > 0 else L_kv
    middle_scores = scores[:, :, sink:end]  # (B,H,middle_len)
    # variable-k top-k per (b,h): rank positions by descending score, keep rank < budget
    order = jnp.argsort(-middle_scores, axis=-1)
    ranks = jnp.argsort(order, axis=-1)
    keep_mid = ranks < head_budgets[:, :, None]
    mask = mask.at[:, :, sink:end].set(keep_mid)
    return mask

if __name__ == "__main__":
    import jax
    _d = setup_inputs()
    print(jax.jit(kernel)(*tuple(_d.values())))

</pallas_src>

<mosaic_0001>
#map = affine_map<(d0, d1) -> (0, 0)>
#map1 = affine_map<(d0, d1) -> (0)>
module attributes {stable_mosaic.version = 14 : i64} {
  func.func @_select_body(%arg0: i32, %arg1: i32, %arg2: memref<512x4096xi32, #tpu.memory_space<hbm>>, %arg3: memref<512xi32, #tpu.memory_space<hbm>>, %arg4: memref<512x4096xi32, #tpu.memory_space<hbm>>, %arg5: memref<65536xi32, #tpu.memory_space<vmem>>, %arg6: memref<8192xi32, #tpu.memory_space<vmem>>, %arg7: memref<16xi32, #tpu.memory_space<vmem>>, %arg8: memref<16896xi32, #tpu.memory_space<vmem>>, %arg9: memref<16384xi32, #tpu.memory_space<vmem>>, %arg10: memref<16384xi32, #tpu.memory_space<vmem>>, %arg11: memref<!tpu.dma_semaphore, #tpu.memory_space<semaphore_mem>>, %arg12: memref<!tpu.dma_semaphore, #tpu.memory_space<semaphore_mem>>) attributes {dimension_semantics = [#tpu.dimension_semantics<core_parallel>, #tpu.dimension_semantics<subcore_parallel>], iteration_bounds = array<i64: 2, 16>, scalar_prefetch = 0 : i64, scratch_operands = 8 : i64, tpu.core_type = #tpu.core_type<sc_vector_subcore>, window_params = [{transform_indices = #map}, {transform_indices = #map1}, {transform_indices = #map}]} {
    %mul3A = arith.constant 2 : i32
    %mul3A_0 = arith.muli %arg1, %mul3A : i32
    %add3A = arith.addi %mul3A_0, %arg0 : i32
    %mul3A_1 = arith.constant 16 : i32
    %mul3A_2 = arith.muli %add3A, %mul3A_1 : i32
    %iota3A = tpu.iota {dimensions = array<i32: 0>} : vector<16xi32>
    %broadcast_in_dim3A = arith.constant 1 : i32
    %broadcast_in_dim3A_3 = vector.broadcast %broadcast_in_dim3A : i32 to vector<16xi32>
    %broadcast_in_dim3A_4 = arith.constant 0 : i32
    %broadcast_in_dim3A_5 = vector.broadcast %broadcast_in_dim3A_4 : i32 to vector<16xi32>
    %mul3A_6 = arith.constant 4096 : i32
    %mul3A_7 = vector.broadcast %mul3A_6 : i32 to vector<16xi32>
    %mul3A_8 = arith.muli %iota3A, %mul3A_7 : vector<16xi32>
    "tpu.region"() ({
      %run_scoped3A = tpu.sem_alloc : memref<!tpu.dma_semaphore, #tpu.memory_space<semaphore_mem>>
      %dma_start3A_913 = tpu.memref_slice %arg3[%mul3A_2] : memref<512xi32, #tpu.memory_space<hbm>> -> memref<16xi32, #tpu.memory_space<hbm>>
      %dma_start3A_914 = tpu.memref_slice %arg3[%mul3A_2] : memref<512xi32, #tpu.memory_space<hbm>> -> memref<16xi32, #tpu.memory_space<hbm>>
      tpu.enqueue_dma source(%dma_start3A_914 : memref<16xi32, #tpu.memory_space<hbm>>) target(%arg7 : memref<16xi32, #tpu.memory_space<vmem>>) target_semaphore(%run_scoped3A : memref<!tpu.dma_semaphore, #tpu.memory_space<semaphore_mem>>)
      %dma_wait3A_915 = tpu.memref_slice %arg3[%mul3A_2] : memref<512xi32, #tpu.memory_space<hbm>> -> memref<16xi32, #tpu.memory_space<hbm>>
      %dma_wait3A_916 = tpu.memref_slice %arg3[%mul3A_2] : memref<512xi32, #tpu.memory_space<hbm>> -> memref<16xi32, #tpu.memory_space<hbm>>
      tpu.wait_dma2 semaphore(%run_scoped3A : memref<!tpu.dma_semaphore, #tpu.memory_space<semaphore_mem>>) src(%dma_wait3A_916 : memref<16xi32, #tpu.memory_space<hbm>>) dst(%arg7 : memref<16xi32, #tpu.memory_space<vmem>>)
      tpu.yield
    }) : () -> ()
    %get3A = arith.constant 0 : index
    %get3A_9 = tpu.vector_load %arg7[%get3A] {strides = array<i32>} : memref<16xi32, #tpu.memory_space<vmem>>, vector<16xi32>,
    %add3A_10 = arith.constant 0 : i32
    %add3A_11 = arith.addi %mul3A_2, %add3A_10 : i32
    %dma_start3A = arith.constant 0 : i32
    %dma_start3A_12 = tpu.memref_slice %arg6[%dma_start3A] : memref<8192xi32, #tpu.memory_space<vmem>> -> memref<4096xi32, #tpu.memory_space<vmem>>
    %dma_start3A_13 = arith.constant 0 : i32
    %dma_start3A_14 = tpu.memref_slice %arg2[%add3A_11, %dma_start3A_13] : memref<512x4096xi32, #tpu.memory_space<hbm>> -> memref<1x4096xi32, #tpu.memory_space<hbm>>
    %dma_start3A_15 = tpu.memref_squeeze %dma_start3A_14 : memref<1x4096xi32, #tpu.memory_space<hbm>> -> memref<4096xi32, #tpu.memory_space<hbm>>
    %dma_start3A_16 = arith.constant 0 : i32
    %dma_start3A_17 = tpu.memref_slice %arg6[%dma_start3A_16] : memref<8192xi32, #tpu.memory_space<vmem>> -> memref<4096xi32, #tpu.memory_space<vmem>>
    %dma_start3A_18 = arith.constant 0 : i32
    %dma_start3A_19 = tpu.memref_slice %arg2[%add3A_11, %dma_start3A_18] : memref<512x4096xi32, #tpu.memory_space<hbm>> -> memref<1x4096xi32, #tpu.memory_space<hbm>>
    %dma_start3A_20 = tpu.memref_squeeze %dma_start3A_19 : memref<1x4096xi32, #tpu.memory_space<hbm>> -> memref<4096xi32, #tpu.memory_space<hbm>>
    tpu.enqueue_dma source(%dma_start3A_20 : memref<4096xi32, #tpu.memory_space<hbm>>) target(%dma_start3A_17 : memref<4096xi32, #tpu.memory_space<vmem>>) target_semaphore(%arg11 : memref<!tpu.dma_semaphore, #tpu.memory_space<semaphore_mem>>)
    %add3A_21 = arith.constant 1 : i32
    %add3A_22 = arith.addi %mul3A_2, %add3A_21 : i32
    %dma_start3A_23 = arith.constant 4096 : i32
    %dma_start3A_24 = tpu.memref_slice %arg6[%dma_start3A_23] : memref<8192xi32, #tpu.memory_space<vmem>> -> memref<4096xi32, #tpu.memory_space<vmem>>
    %dma_start3A_25 = arith.constant 0 : i32
    %dma_start3A_26 = tpu.memref_slice %arg2[%add3A_22, %dma_start3A_25] : memref<512x4096xi32, #tpu.memory_space<hbm>> -> memref<1x4096xi32, #tpu.memory_space<hbm>>
    %dma_start3A_27 = tpu.memref_squeeze %dma_start3A_26 : memref<1x4096xi32, #tpu.memory_space<hbm>> -> memref<4096xi32, #tpu.memory_space<hbm>>
    %dma_start3A_28 = arith.constant 4096 : i32
    %dma_start3A_29 = tpu.memref_slice %arg6[%dma_start3A_28] : memref<8192xi32, #tpu.memory_space<vmem>> -> memref<4096xi32, #tpu.memory_space<vmem>>
    %dma_start3A_30 = arith.constant 0 : i32
    %dma_start3A_31 = tpu.memref_slice %arg2[%add3A_22, %dma_start3A_30] : memref<512x4096xi32, #tpu.memory_space<hbm>> -> memref<1x4096xi32, #tpu.memory_space<hbm>>
    %dma_start3A_32 = tpu.memref_squeeze %dma_start3A_31 : memref<1x4096xi32, #tpu.memory_space<hbm>> -> memref<4096xi32, #tpu.memory_space<hbm>>
    tpu.enqueue_dma source(%dma_start3A_32 : memref<4096xi32, #tpu.memory_space<hbm>>) target(%dma_start3A_29 : memref<4096xi32, #tpu.memory_space<vmem>>) target_semaphore(%arg12 : memref<!tpu.dma_semaphore, #tpu.memory_space<semaphore_mem>>)
    %dma_wait3A = arith.constant 0 : i32
    %dma_wait3A_33 = tpu.memref_slice %arg6[%dma_wait3A] : memref<8192xi32, #tpu.memory_space<vmem>> -> memref<4096xi32, #tpu.memory_space<vmem>>
    %dma_wait3A_34 = arith.constant 0 : i32
    %dma_wait3A_35 = tpu.memref_slice %arg2[%add3A_11, %dma_wait3A_34] : memref<512x4096xi32, #tpu.memory_space<hbm>> -> memref<1x4096xi32, #tpu.memory_space<hbm>>
    %dma_wait3A_36 = tpu.memref_squeeze %dma_wait3A_35 : memref<1x4096xi32, #tpu.memory_space<hbm>> -> memref<4096xi32, #tpu.memory_space<hbm>>
    %dma_wait3A_37 = arith.constant 0 : i32
    %dma_wait3A_38 = tpu.memref_slice %arg6[%dma_wait3A_37] : memref<8192xi32, #tpu.memory_space<vmem>> -> memref<4096xi32, #tpu.memory_space<vmem>>
    %dma_wait3A_39 = arith.constant 0 : i32
    %dma_wait3A_40 = tpu.memref_slice %arg2[%add3A_11, %dma_wait3A_39] : memref<512x4096xi32, #tpu.memory_space<hbm>> -> memref<1x4096xi32, #tpu.memory_space<hbm>>
    %dma_wait3A_41 = tpu.memref_squeeze %dma_wait3A_40 : memref<1x4096xi32, #tpu.memory_space<hbm>> -> memref<4096xi32, #tpu.memory_space<hbm>>
    tpu.wait_dma2 semaphore(%arg11 : memref<!tpu.dma_semaphore, #tpu.memory_space<semaphore_mem>>) src(%dma_wait3A_41 : memref<4096xi32, #tpu.memory_space<hbm>>) dst(%dma_wait3A_38 : memref<4096xi32, #tpu.memory_space<vmem>>)
    %parallel_loop3A = arith.constant 0 : i32
    %parallel_loop3A_42 = arith.constant 256 : i32
    %parallel_loop3A_43 = arith.constant 1 : i32
    %parallel_loop3A_44 = arith.constant 4095 : i32
    scf.for %parallel_loop3A_913 = %parallel_loop3A to %parallel_loop3A_42 step %parallel_loop3A_43  : i32 {
      %parallel_loop3A_914 = arith.constant 16 : i32
      %parallel_loop3A_915 = arith.muli %parallel_loop3A_913, %parallel_loop3A_914 : i32
      %parallel_loop3A_916 = arith.constant 0 : i32
      %parallel_loop3A_917 = arith.addi %parallel_loop3A_916, %parallel_loop3A_915 : i32
      %parallel_loop3A_918 = arith.index_cast %parallel_loop3A_917 : i32 to index
      %parallel_loop3A_919 = tpu.vector_load %arg6[%parallel_loop3A_918] {strides = array<i32>} : memref<8192xi32, #tpu.memory_space<vmem>>, vector<16xi32>,
      %parallel_loop3A_920 = arith.constant 16 : i32
      %parallel_loop3A_921 = arith.muli %parallel_loop3A_913, %parallel_loop3A_920 : i32
      %parallel_loop3A_922 = arith.constant 0 : i32
      %parallel_loop3A_923 = arith.addi %parallel_loop3A_921, %parallel_loop3A_922 : i32
      %parallel_loop3A_924 = vector.broadcast %parallel_loop3A_923 : i32 to vector<16xi32>
      %parallel_loop3A_925 = arith.addi %parallel_loop3A_924, %iota3A : vector<16xi32>
      %parallel_loop3A_926 = vector.broadcast %parallel_loop3A_44 : i32 to vector<16xi32>
      %parallel_loop3A_927 = arith.andi %parallel_loop3A_925, %parallel_loop3A_926 : vector<16xi32>
      %parallel_loop3A_928 = arith.constant 0 : i32
      %parallel_loop3A_929 = vector.broadcast %parallel_loop3A_928 : i32 to vector<16xi32>
      %parallel_loop3A_930 = arith.addi %parallel_loop3A_929, %parallel_loop3A_927 : vector<16xi32>
      tpu.vector_store_idx %arg5[%parallel_loop3A_930], %parallel_loop3A_919 : memref<65536xi32, #tpu.memory_space<vmem>>[vector<16xi32>], vector<16xi32>,
    } {sc.loop_unroll_factor = 8 : i64, sc.parallel_access}
    %add3A_45 = arith.constant 0 : i32
    %add3A_46 = arith.addi %mul3A_2, %add3A_45 : i32
    %add3A_47 = arith.constant 2 : i32
    %add3A_48 = arith.addi %add3A_46, %add3A_47 : i32
    %dma_start3A_49 = arith.constant 0 : i32
    %dma_start3A_50 = tpu.memref_slice %arg6[%dma_start3A_49] : memref<8192xi32, #tpu.memory_space<vmem>> -> memref<4096xi32, #tpu.memory_space<vmem>>
    %dma_start3A_51 = arith.constant 0 : i32
    %dma_start3A_52 = tpu.memref_slice %arg2[%add3A_48, %dma_start3A_51] : memref<512x4096xi32, #tpu.memory_space<hbm>> -> memref<1x4096xi32, #tpu.memory_space<hbm>>
    %dma_start3A_53 = tpu.memref_squeeze %dma_start3A_52 : memref<1x4096xi32, #tpu.memory_space<hbm>> -> memref<4096xi32, #tpu.memory_space<hbm>>
    %dma_start3A_54 = arith.constant 0 : i32
    %dma_start3A_55 = tpu.memref_slice %arg6[%dma_start3A_54] : memref<8192xi32, #tpu.memory_space<vmem>> -> memref<4096xi32, #tpu.memory_space<vmem>>
    %dma_start3A_56 = arith.constant 0 : i32
    %dma_start3A_57 = tpu.memref_slice %arg2[%add3A_48, %dma_start3A_56] : memref<512x4096xi32, #tpu.memory_space<hbm>> -> memref<1x4096xi32, #tpu.memory_space<hbm>>
    %dma_start3A_58 = tpu.memref_squeeze %dma_start3A_57 : memref<1x4096xi32, #tpu.memory_space<hbm>> -> memref<4096xi32, #tpu.memory_space<hbm>>
    tpu.enqueue_dma source(%dma_start3A_58 : memref<4096xi32, #tpu.memory_space<hbm>>) target(%dma_start3A_55 : memref<4096xi32, #tpu.memory_space<vmem>>) target_semaphore(%arg11 : memref<!tpu.dma_semaphore, #tpu.memory_space<semaphore_mem>>)
    %dma_wait3A_59 = arith.constant 4096 : i32
    %dma_wait3A_60 = tpu.memref_slice %arg6[%dma_wait3A_59] : memref<8192xi32, #tpu.memory_space<vmem>> -> memref<4096xi32, #tpu.memory_space<vmem>>
    %dma_wait3A_61 = arith.constant 0 : i32
    %dma_wait3A_62 = tpu.memref_slice %arg2[%add3A_22, %dma_wait3A_61] : memref<512x4096xi32, #tpu.memory_space<hbm>> -> memref<1x4096xi32, #tpu.memory_space<hbm>>
    %dma_wait3A_63 = tpu.memref_squeeze %dma_wait3A_62 : memref<1x4096xi32, #tpu.memory_space<hbm>> -> memref<4096xi32, #tpu.memory_space<hbm>>
    %dma_wait3A_64 = arith.constant 4096 : i32
    %dma_wait3A_65 = tpu.memref_slice %arg6[%dma_wait3A_64] : memref<8192xi32, #tpu.memory_space<vmem>> -> memref<4096xi32, #tpu.memory_space<vmem>>
    %dma_wait3A_66 = arith.constant 0 : i32
    %dma_wait3A_67 = tpu.memref_slice %arg2[%add3A_22, %dma_wait3A_66] : memref<512x4096xi32, #tpu.memory_space<hbm>> -> memref<1x4096xi32, #tpu.memory_space<hbm>>
    %dma_wait3A_68 = tpu.memref_squeeze %dma_wait3A_67 : memref<1x4096xi32, #tpu.memory_space<hbm>> -> memref<4096xi32, #tpu.memory_space<hbm>>
    tpu.wait_dma2 semaphore(%arg12 : memref<!tpu.dma_semaphore, #tpu.memory_space<semaphore_mem>>) src(%dma_wait3A_68 : memref<4096xi32, #tpu.memory_space<hbm>>) dst(%dma_wait3A_65 : memref<4096xi32, #tpu.memory_space<vmem>>)
    %parallel_loop3A_69 = arith.constant 0 : i32
    %parallel_loop3A_70 = arith.constant 256 : i32
    %parallel_loop3A_71 = arith.constant 1 : i32
    %parallel_loop3A_72 = arith.constant 4095 : i32
    scf.for %parallel_loop3A_913 = %parallel_loop3A_69 to %parallel_loop3A_70 step %parallel_loop3A_71  : i32 {
      %parallel_loop3A_914 = arith.constant 16 : i32
      %parallel_loop3A_915 = arith.muli %parallel_loop3A_913, %parallel_loop3A_914 : i32
      %parallel_loop3A_916 = arith.constant 4096 : i32
      %parallel_loop3A_917 = arith.addi %parallel_loop3A_916, %parallel_loop3A_915 : i32
      %parallel_loop3A_918 = arith.index_cast %parallel_loop3A_917 : i32 to index
      %parallel_loop3A_919 = tpu.vector_load %arg6[%parallel_loop3A_918] {strides = array<i32>} : memref<8192xi32, #tpu.memory_space<vmem>>, vector<16xi32>,
      %parallel_loop3A_920 = arith.constant 16 : i32
      %parallel_loop3A_921 = arith.muli %parallel_loop3A_913, %parallel_loop3A_920 : i32
      %parallel_loop3A_922 = arith.constant 1 : i32
      %parallel_loop3A_923 = arith.addi %parallel_loop3A_921, %parallel_loop3A_922 : i32
      %parallel_loop3A_924 = vector.broadcast %parallel_loop3A_923 : i32 to vector<16xi32>
      %parallel_loop3A_925 = arith.addi %parallel_loop3A_924, %iota3A : vector<16xi32>
      %parallel_loop3A_926 = vector.broadcast %parallel_loop3A_72 : i32 to vector<16xi32>
      %parallel_loop3A_927 = arith.andi %parallel_loop3A_925, %parallel_loop3A_926 : vector<16xi32>
      %parallel_loop3A_928 = arith.constant 4096 : i32
      %parallel_loop3A_929 = vector.broadcast %parallel_loop3A_928 : i32 to vector<16xi32>
      %parallel_loop3A_930 = arith.addi %parallel_loop3A_929, %parallel_loop3A_927 : vector<16xi32>
      tpu.vector_store_idx %arg5[%parallel_loop3A_930], %parallel_loop3A_919 : memref<65536xi32, #tpu.memory_space<vmem>>[vector<16xi32>], vector<16xi32>,
    } {sc.loop_unroll_factor = 8 : i64, sc.parallel_access}
    %add3A_73 = arith.constant 1 : i32
    %add3A_74 = arith.addi %mul3A_2, %add3A_73 : i32
    %add3A_75 = arith.constant 2 : i32
    %add3A_76 = arith.addi %add3A_74, %add3A_75 : i32
    %dma_start3A_77 = arith.constant 4096 : i32
    %dma_start3A_78 = tpu.memref_slice %arg6[%dma_start3A_77] : memref<8192xi32, #tpu.memory_space<vmem>> -> memref<4096xi32, #tpu.memory_space<vmem>>
    %dma_start3A_79 = arith.constant 0 : i32
    %dma_start3A_80 = tpu.memref_slice %arg2[%add3A_76, %dma_start3A_79] : memref<512x4096xi32, #tpu.memory_space<hbm>> -> memref<1x4096xi32, #tpu.memory_space<hbm>>
    %dma_start3A_81 = tpu.memref_squeeze %dma_start3A_80 : memref<1x4096xi32, #tpu.memory_space<hbm>> -> memref<4096xi32, #tpu.memory_space<hbm>>
    %dma_start3A_82 = arith.constant 4096 : i32
    %dma_start3A_83 = tpu.memref_slice %arg6[%dma_start3A_82] : memref<8192xi32, #tpu.memory_space<vmem>> -> memref<4096xi32, #tpu.memory_space<vmem>>
    %dma_start3A_84 = arith.constant 0 : i32
    %dma_start3A_85 = tpu.memref_slice %arg2[%add3A_76, %dma_start3A_84] : memref<512x4096xi32, #tpu.memory_space<hbm>> -> memref<1x4096xi32, #tpu.memory_space<hbm>>
    %dma_start3A_86 = tpu.memref_squeeze %dma_start3A_85 : memref<1x4096xi32, #tpu.memory_space<hbm>> -> memref<4096xi32, #tpu.memory_space<hbm>>
    tpu.enqueue_dma source(%dma_start3A_86 : memref<4096xi32, #tpu.memory_space<hbm>>) target(%dma_start3A_83 : memref<4096xi32, #tpu.memory_space<vmem>>) target_semaphore(%arg12 : memref<!tpu.dma_semaphore, #tpu.memory_space<semaphore_mem>>)
    %dma_wait3A_87 = arith.constant 0 : i32
    %dma_wait3A_88 = tpu.memref_slice %arg6[%dma_wait3A_87] : memref<8192xi32, #tpu.memory_space<vmem>> -> memref<4096xi32, #tpu.memory_space<vmem>>
    %dma_wait3A_89 = arith.constant 0 : i32
    %dma_wait3A_90 = tpu.memref_slice %arg2[%add3A_48, %dma_wait3A_89] : memref<512x4096xi32, #tpu.memory_space<hbm>> -> memref<1x4096xi32, #tpu.memory_space<hbm>>
    %dma_wait3A_91 = tpu.memref_squeeze %dma_wait3A_90 : memref<1x4096xi32, #tpu.memory_space<hbm>> -> memref<4096xi32, #tpu.memory_space<hbm>>
    %dma_wait3A_92 = arith.constant 0 : i32
    %dma_wait3A_93 = tpu.memref_slice %arg6[%dma_wait3A_92] : memref<8192xi32, #tpu.memory_space<vmem>> -> memref<4096xi32, #tpu.memory_space<vmem>>
    %dma_wait3A_94 = arith.constant 0 : i32
    %dma_wait3A_95 = tpu.memref_slice %arg2[%add3A_48, %dma_wait3A_94] : memref<512x4096xi32, #tpu.memory_space<hbm>> -> memref<1x4096xi32, #tpu.memory_space<hbm>>
    %dma_wait3A_96 = tpu.memref_squeeze %dma_wait3A_95 : memref<1x4096xi32, #tpu.memory_space<hbm>> -> memref<4096xi32, #tpu.memory_space<hbm>>
    tpu.wait_dma2 semaphore(%arg11 : memref<!tpu.dma_semaphore, #tpu.memory_space<semaphore_mem>>) src(%dma_wait3A_96 : memref<4096xi32, #tpu.memory_space<hbm>>) dst(%dma_wait3A_93 : memref<4096xi32, #tpu.memory_space<vmem>>)
    %parallel_loop3A_97 = arith.constant 0 : i32
    %parallel_loop3A_98 = arith.constant 256 : i32
    %parallel_loop3A_99 = arith.constant 1 : i32
    %parallel_loop3A_100 = arith.constant 4095 : i32
    scf.for %parallel_loop3A_913 = %parallel_loop3A_97 to %parallel_loop3A_98 step %parallel_loop3A_99  : i32 {
      %parallel_loop3A_914 = arith.constant 16 : i32
      %parallel_loop3A_915 = arith.muli %parallel_loop3A_913, %parallel_loop3A_914 : i32
      %parallel_loop3A_916 = arith.constant 0 : i32
      %parallel_loop3A_917 = arith.addi %parallel_loop3A_916, %parallel_loop3A_915 : i32
      %parallel_loop3A_918 = arith.index_cast %parallel_loop3A_917 : i32 to index
      %parallel_loop3A_919 = tpu.vector_load %arg6[%parallel_loop3A_918] {strides = array<i32>} : memref<8192xi32, #tpu.memory_space<vmem>>, vector<16xi32>,
      %parallel_loop3A_920 = arith.constant 16 : i32
      %parallel_loop3A_921 = arith.muli %parallel_loop3A_913, %parallel_loop3A_920 : i32
      %parallel_loop3A_922 = arith.constant 2 : i32
      %parallel_loop3A_923 = arith.addi %parallel_loop3A_921, %parallel_loop3A_922 : i32
      %parallel_loop3A_924 = vector.broadcast %parallel_loop3A_923 : i32 to vector<16xi32>
      %parallel_loop3A_925 = arith.addi %parallel_loop3A_924, %iota3A : vector<16xi32>
      %parallel_loop3A_926 = vector.broadcast %parallel_loop3A_100 : i32 to vector<16xi32>
      %parallel_loop3A_927 = arith.andi %parallel_loop3A_925, %parallel_loop3A_926 : vector<16xi32>
      %parallel_loop3A_928 = arith.constant 8192 : i32
      %parallel_loop3A_929 = vector.broadcast %parallel_loop3A_928 : i32 to vector<16xi32>
      %parallel_loop3A_930 = arith.addi %parallel_loop3A_929, %parallel_loop3A_927 : vector<16xi32>
      tpu.vector_store_idx %arg5[%parallel_loop3A_930], %parallel_loop3A_919 : memref<65536xi32, #tpu.memory_space<vmem>>[vector<16xi32>], vector<16xi32>,
    } {sc.loop_unroll_factor = 8 : i64, sc.parallel_access}
    %add3A_101 = arith.constant 2 : i32
    %add3A_102 = arith.addi %mul3A_2, %add3A_101 : i32
    %add3A_103 = arith.constant 2 : i32
    %add3A_104 = arith.addi %add3A_102, %add3A_103 : i32
    %dma_start3A_105 = arith.constant 0 : i32
    %dma_start3A_106 = tpu.memref_slice %arg6[%dma_start3A_105] : memref<8192xi32, #tpu.memory_space<vmem>> -> memref<4096xi32, #tpu.memory_space<vmem>>
    %dma_start3A_107 = arith.constant 0 : i32
    %dma_start3A_108 = tpu.memref_slice %arg2[%add3A_104, %dma_start3A_107] : memref<512x4096xi32, #tpu.memory_space<hbm>> -> memref<1x4096xi32, #tpu.memory_space<hbm>>
    %dma_start3A_109 = tpu.memref_squeeze %dma_start3A_108 : memref<1x4096xi32, #tpu.memory_space<hbm>> -> memref<4096xi32, #tpu.memory_space<hbm>>
    %dma_start3A_110 = arith.constant 0 : i32
    %dma_start3A_111 = tpu.memref_slice %arg6[%dma_start3A_110] : memref<8192xi32, #tpu.memory_space<vmem>> -> memref<4096xi32, #tpu.memory_space<vmem>>
    %dma_start3A_112 = arith.constant 0 : i32
    %dma_start3A_113 = tpu.memref_slice %arg2[%add3A_104, %dma_start3A_112] : memref<512x4096xi32, #tpu.memory_space<hbm>> -> memref<1x4096xi32, #tpu.memory_space<hbm>>
    %dma_start3A_114 = tpu.memref_squeeze %dma_start3A_113 : memref<1x4096xi32, #tpu.memory_space<hbm>> -> memref<4096xi32, #tpu.memory_space<hbm>>
    tpu.enqueue_dma source(%dma_start3A_114 : memref<4096xi32, #tpu.memory_space<hbm>>) target(%dma_start3A_111 : memref<4096xi32, #tpu.memory_space<vmem>>) target_semaphore(%arg11 : memref<!tpu.dma_semaphore, #tpu.memory_space<semaphore_mem>>)
    %dma_wait3A_115 = arith.constant 4096 : i32
    %dma_wait3A_116 = tpu.memref_slice %arg6[%dma_wait3A_115] : memref<8192xi32, #tpu.memory_space<vmem>> -> memref<4096xi32, #tpu.memory_space<vmem>>
    %dma_wait3A_117 = arith.constant 0 : i32
    %dma_wait3A_118 = tpu.memref_slice %arg2[%add3A_76, %dma_wait3A_117] : memref<512x4096xi32, #tpu.memory_space<hbm>> -> memref<1x4096xi32, #tpu.memory_space<hbm>>
    %dma_wait3A_119 = tpu.memref_squeeze %dma_wait3A_118 : memref<1x4096xi32, #tpu.memory_space<hbm>> -> memref<4096xi32, #tpu.memory_space<hbm>>
    %dma_wait3A_120 = arith.constant 4096 : i32
    %dma_wait3A_121 = tpu.memref_slice %arg6[%dma_wait3A_120] : memref<8192xi32, #tpu.memory_space<vmem>> -> memref<4096xi32, #tpu.memory_space<vmem>>
    %dma_wait3A_122 = arith.constant 0 : i32
    %dma_wait3A_123 = tpu.memref_slice %arg2[%add3A_76, %dma_wait3A_122] : memref<512x4096xi32, #tpu.memory_space<hbm>> -> memref<1x4096xi32, #tpu.memory_space<hbm>>
    %dma_wait3A_124 = tpu.memref_squeeze %dma_wait3A_123 : memref<1x4096xi32, #tpu.memory_space<hbm>> -> memref<4096xi32, #tpu.memory_space<hbm>>
    tpu.wait_dma2 semaphore(%arg12 : memref<!tpu.dma_semaphore, #tpu.memory_space<semaphore_mem>>) src(%dma_wait3A_124 : memref<4096xi32, #tpu.memory_space<hbm>>) dst(%dma_wait3A_121 : memref<4096xi32, #tpu.memory_space<vmem>>)
    %parallel_loop3A_125 = arith.constant 0 : i32
    %parallel_loop3A_126 = arith.constant 256 : i32
    %parallel_loop3A_127 = arith.constant 1 : i32
    %parallel_loop3A_128 = arith.constant 4095 : i32
    scf.for %parallel_loop3A_913 = %parallel_loop3A_125 to %parallel_loop3A_126 step %parallel_loop3A_127  : i32 {
      %parallel_loop3A_914 = arith.constant 16 : i32
      %parallel_loop3A_915 = arith.muli %parallel_loop3A_913, %parallel_loop3A_914 : i32
      %parallel_loop3A_916 = arith.constant 4096 : i32
      %parallel_loop3A_917 = arith.addi %parallel_loop3A_916, %parallel_loop3A_915 : i32
      %parallel_loop3A_918 = arith.index_cast %parallel_loop3A_917 : i32 to index
      %parallel_loop3A_919 = tpu.vector_load %arg6[%parallel_loop3A_918] {strides = array<i32>} : memref<8192xi32, #tpu.memory_space<vmem>>, vector<16xi32>,
      %parallel_loop3A_920 = arith.constant 16 : i32
      %parallel_loop3A_921 = arith.muli %parallel_loop3A_913, %parallel_loop3A_920 : i32
      %parallel_loop3A_922 = arith.constant 3 : i32
      %parallel_loop3A_923 = arith.addi %parallel_loop3A_921, %parallel_loop3A_922 : i32
      %parallel_loop3A_924 = vector.broadcast %parallel_loop3A_923 : i32 to vector<16xi32>
      %parallel_loop3A_925 = arith.addi %parallel_loop3A_924, %iota3A : vector<16xi32>
      %parallel_loop3A_926 = vector.broadcast %parallel_loop3A_128 : i32 to vector<16xi32>
      %parallel_loop3A_927 = arith.andi %parallel_loop3A_925, %parallel_loop3A_926 : vector<16xi32>
      %parallel_loop3A_928 = arith.constant 12288 : i32
      %parallel_loop3A_929 = vector.broadcast %parallel_loop3A_928 : i32 to vector<16xi32>
      %parallel_loop3A_930 = arith.addi %parallel_loop3A_929, %parallel_loop3A_927 : vector<16xi32>
      tpu.vector_store_idx %arg5[%parallel_loop3A_930], %parallel_loop3A_919 : memref<65536xi32, #tpu.memory_space<vmem>>[vector<16xi32>], vector<16xi32>,
    } {sc.loop_unroll_factor = 8 : i64, sc.parallel_access}
    %add3A_129 = arith.constant 3 : i32
    %add3A_130 = arith.addi %mul3A_2, %add3A_129 : i32
    %add3A_131 = arith.constant 2 : i32
    %add3A_132 = arith.addi %add3A_130, %add3A_131 : i32
    %dma_start3A_133 = arith.constant 4096 : i32
    %dma_start3A_134 = tpu.memref_slice %arg6[%dma_start3A_133] : memref<8192xi32, #tpu.memory_space<vmem>> -> memref<4096xi32, #tpu.memory_space<vmem>>
    %dma_start3A_135 = arith.constant 0 : i32
    %dma_start3A_136 = tpu.memref_slice %arg2[%add3A_132, %dma_start3A_135] : memref<512x4096xi32, #tpu.memory_space<hbm>> -> memref<1x4096xi32, #tpu.memory_space<hbm>>
    %dma_start3A_137 = tpu.memref_squeeze %dma_start3A_136 : memref<1x4096xi32, #tpu.memory_space<hbm>> -> memref<4096xi32, #tpu.memory_space<hbm>>
    %dma_start3A_138 = arith.constant 4096 : i32
    %dma_start3A_139 = tpu.memref_slice %arg6[%dma_start3A_138] : memref<8192xi32, #tpu.memory_space<vmem>> -> memref<4096xi32, #tpu.memory_space<vmem>>
    %dma_start3A_140 = arith.constant 0 : i32
    %dma_start3A_141 = tpu.memref_slice %arg2[%add3A_132, %dma_start3A_140] : memref<512x4096xi32, #tpu.memory_space<hbm>> -> memref<1x4096xi32, #tpu.memory_space<hbm>>
    %dma_start3A_142 = tpu.memref_squeeze %dma_start3A_141 : memref<1x4096xi32, #tpu.memory_space<hbm>> -> memref<4096xi32, #tpu.memory_space<hbm>>
    tpu.enqueue_dma source(%dma_start3A_142 : memref<4096xi32, #tpu.memory_space<hbm>>) target(%dma_start3A_139 : memref<4096xi32, #tpu.memory_space<vmem>>) target_semaphore(%arg12 : memref<!tpu.dma_semaphore, #tpu.memory_space<semaphore_mem>>)
    %dma_wait3A_143 = arith.constant 0 : i32
    %dma_wait3A_144 = tpu.memref_slice %arg6[%dma_wait3A_143] : memref<8192xi32, #tpu.memory_space<vmem>> -> memref<4096xi32, #tpu.memory_space<vmem>>
    %dma_wait3A_145 = arith.constant 0 : i32
    %dma_wait3A_146 = tpu.memref_slice %arg2[%add3A_104, %dma_wait3A_145] : memref<512x4096xi32, #tpu.memory_space<hbm>> -> memref<1x4096xi32, #tpu.memory_space<hbm>>
    %dma_wait3A_147 = tpu.memref_squeeze %dma_wait3A_146 : memref<1x4096xi32, #tpu.memory_space<hbm>> -> memref<4096xi32, #tpu.memory_space<hbm>>
    %dma_wait3A_148 = arith.constant 0 : i32
    %dma_wait3A_149 = tpu.memref_slice %arg6[%dma_wait3A_148] : memref<8192xi32, #tpu.memory_space<vmem>> -> memref<4096xi32, #tpu.memory_space<vmem>>
    %dma_wait3A_150 = arith.constant 0 : i32
    %dma_wait3A_151 = tpu.memref_slice %arg2[%add3A_104, %dma_wait3A_150] : memref<512x4096xi32, #tpu.memory_space<hbm>> -> memref<1x4096xi32, #tpu.memory_space<hbm>>
    %dma_wait3A_152 = tpu.memref_squeeze %dma_wait3A_151 : memref<1x4096xi32, #tpu.memory_space<hbm>> -> memref<4096xi32, #tpu.memory_space<hbm>>
    tpu.wait_dma2 semaphore(%arg11 : memref<!tpu.dma_semaphore, #tpu.memory_space<semaphore_mem>>) src(%dma_wait3A_152 : memref<4096xi32, #tpu.memory_space<hbm>>) dst(%dma_wait3A_149 : memref<4096xi32, #tpu.memory_space<vmem>>)
    %parallel_loop3A_153 = arith.constant 0 : i32
    %parallel_loop3A_154 = arith.constant 256 : i32
    %parallel_loop3A_155 = arith.constant 1 : i32
    %parallel_loop3A_156 = arith.constant 4095 : i32
    scf.for %parallel_loop3A_913 = %parallel_loop3A_153 to %parallel_loop3A_154 step %parallel_loop3A_155  : i32 {
      %parallel_loop3A_914 = arith.constant 16 : i32
      %parallel_loop3A_915 = arith.muli %parallel_loop3A_913, %parallel_loop3A_914 : i32
      %parallel_loop3A_916 = arith.constant 0 : i32
      %parallel_loop3A_917 = arith.addi %parallel_loop3A_916, %parallel_loop3A_915 : i32
      %parallel_loop3A_918 = arith.index_cast %parallel_loop3A_917 : i32 to index
      %parallel_loop3A_919 = tpu.vector_load %arg6[%parallel_loop3A_918] {strides = array<i32>} : memref<8192xi32, #tpu.memory_space<vmem>>, vector<16xi32>,
      %parallel_loop3A_920 = arith.constant 16 : i32
      %parallel_loop3A_921 = arith.muli %parallel_loop3A_913, %parallel_loop3A_920 : i32
      %parallel_loop3A_922 = arith.constant 4 : i32
      %parallel_loop3A_923 = arith.addi %parallel_loop3A_921, %parallel_loop3A_922 : i32
      %parallel_loop3A_924 = vector.broadcast %parallel_loop3A_923 : i32 to vector<16xi32>
      %parallel_loop3A_925 = arith.addi %parallel_loop3A_924, %iota3A : vector<16xi32>
      %parallel_loop3A_926 = vector.broadcast %parallel_loop3A_156 : i32 to vector<16xi32>
      %parallel_loop3A_927 = arith.andi %parallel_loop3A_925, %parallel_loop3A_926 : vector<16xi32>
      %parallel_loop3A_928 = arith.constant 16384 : i32
      %parallel_loop3A_929 = vector.broadcast %parallel_loop3A_928 : i32 to vector<16xi32>
      %parallel_loop3A_930 = arith.addi %parallel_loop3A_929, %parallel_loop3A_927 : vector<16xi32>
      tpu.vector_store_idx %arg5[%parallel_loop3A_930], %parallel_loop3A_919 : memref<65536xi32, #tpu.memory_space<vmem>>[vector<16xi32>], vector<16xi32>,
    } {sc.loop_unroll_factor = 8 : i64, sc.parallel_access}
    %add3A_157 = arith.constant 4 : i32
    %add3A_158 = arith.addi %mul3A_2, %add3A_157 : i32
    %add3A_159 = arith.constant 2 : i32
    %add3A_160 = arith.addi %add3A_158, %add3A_159 : i32
    %dma_start3A_161 = arith.constant 0 : i32
    %dma_start3A_162 = tpu.memref_slice %arg6[%dma_start3A_161] : memref<8192xi32, #tpu.memory_space<vmem>> -> memref<4096xi32, #tpu.memory_space<vmem>>
    %dma_start3A_163 = arith.constant 0 : i32
    %dma_start3A_164 = tpu.memref_slice %arg2[%add3A_160, %dma_start3A_163] : memref<512x4096xi32, #tpu.memory_space<hbm>> -> memref<1x4096xi32, #tpu.memory_space<hbm>>
    %dma_start3A_165 = tpu.memref_squeeze %dma_start3A_164 : memref<1x4096xi32, #tpu.memory_space<hbm>> -> memref<4096xi32, #tpu.memory_space<hbm>>
    %dma_start3A_166 = arith.constant 0 : i32
    %dma_start3A_167 = tpu.memref_slice %arg6[%dma_start3A_166] : memref<8192xi32, #tpu.memory_space<vmem>> -> memref<4096xi32, #tpu.memory_space<vmem>>
    %dma_start3A_168 = arith.constant 0 : i32
    %dma_start3A_169 = tpu.memref_slice %arg2[%add3A_160, %dma_start3A_168] : memref<512x4096xi32, #tpu.memory_space<hbm>> -> memref<1x4096xi32, #tpu.memory_space<hbm>>
    %dma_start3A_170 = tpu.memref_squeeze %dma_start3A_169 : memref<1x4096xi32, #tpu.memory_space<hbm>> -> memref<4096xi32, #tpu.memory_space<hbm>>
    tpu.enqueue_dma source(%dma_start3A_170 : memref<4096xi32, #tpu.memory_space<hbm>>) target(%dma_start3A_167 : memref<4096xi32, #tpu.memory_space<vmem>>) target_semaphore(%arg11 : memref<!tpu.dma_semaphore, #tpu.memory_space<semaphore_mem>>)
    %dma_wait3A_171 = arith.constant 4096 : i32
    %dma_wait3A_172 = tpu.memref_slice %arg6[%dma_wait3A_171] : memref<8192xi32, #tpu.memory_space<vmem>> -> memref<4096xi32, #tpu.memory_space<vmem>>
    %dma_wait3A_173 = arith.constant 0 : i32
    %dma_wait3A_174 = tpu.memref_slice %arg2[%add3A_132, %dma_wait3A_173] : memref<512x4096xi32, #tpu.memory_space<hbm>> -> memref<1x4096xi32, #tpu.memory_space<hbm>>
    %dma_wait3A_175 = tpu.memref_squeeze %dma_wait3A_174 : memref<1x4096xi32, #tpu.memory_space<hbm>> -> memref<4096xi32, #tpu.memory_space<hbm>>
    %dma_wait3A_176 = arith.constant 4096 : i32
    %dma_wait3A_177 = tpu.memref_slice %arg6[%dma_wait3A_176] : memref<8192xi32, #tpu.memory_space<vmem>> -> memref<4096xi32, #tpu.memory_space<vmem>>
    %dma_wait3A_178 = arith.constant 0 : i32
    %dma_wait3A_179 = tpu.memref_slice %arg2[%add3A_132, %dma_wait3A_178] : memref<512x4096xi32, #tpu.memory_space<hbm>> -> memref<1x4096xi32, #tpu.memory_space<hbm>>
    %dma_wait3A_180 = tpu.memref_squeeze %dma_wait3A_179 : memref<1x4096xi32, #tpu.memory_space<hbm>> -> memref<4096xi32, #tpu.memory_space<hbm>>
    tpu.wait_dma2 semaphore(%arg12 : memref<!tpu.dma_semaphore, #tpu.memory_space<semaphore_mem>>) src(%dma_wait3A_180 : memref<4096xi32, #tpu.memory_space<hbm>>) dst(%dma_wait3A_177 : memref<4096xi32, #tpu.memory_space<vmem>>)
    %parallel_loop3A_181 = arith.constant 0 : i32
    %parallel_loop3A_182 = arith.constant 256 : i32
    %parallel_loop3A_183 = arith.constant 1 : i32
    %parallel_loop3A_184 = arith.constant 4095 : i32
    scf.for %parallel_loop3A_913 = %parallel_loop3A_181 to %parallel_loop3A_182 step %parallel_loop3A_183  : i32 {
      %parallel_loop3A_914 = arith.constant 16 : i32
      %parallel_loop3A_915 = arith.muli %parallel_loop3A_913, %parallel_loop3A_914 : i32
      %parallel_loop3A_916 = arith.constant 4096 : i32
      %parallel_loop3A_917 = arith.addi %parallel_loop3A_916, %parallel_loop3A_915 : i32
      %parallel_loop3A_918 = arith.index_cast %parallel_loop3A_917 : i32 to index
      %parallel_loop3A_919 = tpu.vector_load %arg6[%parallel_loop3A_918] {strides = array<i32>} : memref<8192xi32, #tpu.memory_space<vmem>>, vector<16xi32>,
      %parallel_loop3A_920 = arith.constant 16 : i32
      %parallel_loop3A_921 = arith.muli %parallel_loop3A_913, %parallel_loop3A_920 : i32
      %parallel_loop3A_922 = arith.constant 5 : i32
      %parallel_loop3A_923 = arith.addi %parallel_loop3A_921, %parallel_loop3A_922 : i32
      %parallel_loop3A_924 = vector.broadcast %parallel_loop3A_923 : i32 to vector<16xi32>
      %parallel_loop3A_925 = arith.addi %parallel_loop3A_924, %iota3A : vector<16xi32>
      %parallel_loop3A_926 = vector.broadcast %parallel_loop3A_184 : i32 to vector<16xi32>
      %parallel_loop3A_927 = arith.andi %parallel_loop3A_925, %parallel_loop3A_926 : vector<16xi32>
      %parallel_loop3A_928 = arith.constant 20480 : i32
      %parallel_loop3A_929 = vector.broadcast %parallel_loop3A_928 : i32 to vector<16xi32>
      %parallel_loop3A_930 = arith.addi %parallel_loop3A_929, %parallel_loop3A_927 : vector<16xi32>
      tpu.vector_store_idx %arg5[%parallel_loop3A_930], %parallel_loop3A_919 : memref<65536xi32, #tpu.memory_space<vmem>>[vector<16xi32>], vector<16xi32>,
    } {sc.loop_unroll_factor = 8 : i64, sc.parallel_access}
    %add3A_185 = arith.constant 5 : i32
    %add3A_186 = arith.addi %mul3A_2, %add3A_185 : i32
    %add3A_187 = arith.constant 2 : i32
    %add3A_188 = arith.addi %add3A_186, %add3A_187 : i32
    %dma_start3A_189 = arith.constant 4096 : i32
    %dma_start3A_190 = tpu.memref_slice %arg6[%dma_start3A_189] : memref<8192xi32, #tpu.memory_space<vmem>> -> memref<4096xi32, #tpu.memory_space<vmem>>
    %dma_start3A_191 = arith.constant 0 : i32
    %dma_start3A_192 = tpu.memref_slice %arg2[%add3A_188, %dma_start3A_191] : memref<512x4096xi32, #tpu.memory_space<hbm>> -> memref<1x4096xi32, #tpu.memory_space<hbm>>
    %dma_start3A_193 = tpu.memref_squeeze %dma_start3A_192 : memref<1x4096xi32, #tpu.memory_space<hbm>> -> memref<4096xi32, #tpu.memory_space<hbm>>
    %dma_start3A_194 = arith.constant 4096 : i32
    %dma_start3A_195 = tpu.memref_slice %arg6[%dma_start3A_194] : memref<8192xi32, #tpu.memory_space<vmem>> -> memref<4096xi32, #tpu.memory_space<vmem>>
    %dma_start3A_196 = arith.constant 0 : i32
    %dma_start3A_197 = tpu.memref_slice %arg2[%add3A_188, %dma_start3A_196] : memref<512x4096xi32, #tpu.memory_space<hbm>> -> memref<1x4096xi32, #tpu.memory_space<hbm>>
    %dma_start3A_198 = tpu.memref_squeeze %dma_start3A_197 : memref<1x4096xi32, #tpu.memory_space<hbm>> -> memref<4096xi32, #tpu.memory_space<hbm>>
    tpu.enqueue_dma source(%dma_start3A_198 : memref<4096xi32, #tpu.memory_space<hbm>>) target(%dma_start3A_195 : memref<4096xi32, #tpu.memory_space<vmem>>) target_semaphore(%arg12 : memref<!tpu.dma_semaphore, #tpu.memory_space<semaphore_mem>>)
    %dma_wait3A_199 = arith.constant 0 : i32
    %dma_wait3A_200 = tpu.memref_slice %arg6[%dma_wait3A_199] : memref<8192xi32, #tpu.memory_space<vmem>> -> memref<4096xi32, #tpu.memory_space<vmem>>
    %dma_wait3A_201 = arith.constant 0 : i32
    %dma_wait3A_202 = tpu.memref_slice %arg2[%add3A_160, %dma_wait3A_201] : memref<512x4096xi32, #tpu.memory_space<hbm>> -> memref<1x4096xi32, #tpu.memory_space<hbm>>
    %dma_wait3A_203 = tpu.memref_squeeze %dma_wait3A_202 : memref<1x4096xi32, #tpu.memory_space<hbm>> -> memref<4096xi32, #tpu.memory_space<hbm>>
    %dma_wait3A_204 = arith.constant 0 : i32
    %dma_wait3A_205 = tpu.memref_slice %arg6[%dma_wait3A_204] : memref<8192xi32, #tpu.memory_space<vmem>> -> memref<4096xi32, #tpu.memory_space<vmem>>
    %dma_wait3A_206 = arith.constant 0 : i32
    %dma_wait3A_207 = tpu.memref_slice %arg2[%add3A_160, %dma_wait3A_206] : memref<512x4096xi32, #tpu.memory_space<hbm>> -> memref<1x4096xi32, #tpu.memory_space<hbm>>
    %dma_wait3A_208 = tpu.memref_squeeze %dma_wait3A_207 : memref<1x4096xi32, #tpu.memory_space<hbm>> -> memref<4096xi32, #tpu.memory_space<hbm>>
    tpu.wait_dma2 semaphore(%arg11 : memref<!tpu.dma_semaphore, #tpu.memory_space<semaphore_mem>>) src(%dma_wait3A_208 : memref<4096xi32, #tpu.memory_space<hbm>>) dst(%dma_wait3A_205 : memref<4096xi32, #tpu.memory_space<vmem>>)
    %parallel_loop3A_209 = arith.constant 0 : i32
    %parallel_loop3A_210 = arith.constant 256 : i32
    %parallel_loop3A_211 = arith.constant 1 : i32
    %parallel_loop3A_212 = arith.constant 4095 : i32
    scf.for %parallel_loop3A_913 = %parallel_loop3A_209 to %parallel_loop3A_210 step %parallel_loop3A_211  : i32 {
      %parallel_loop3A_914 = arith.constant 16 : i32
      %parallel_loop3A_915 = arith.muli %parallel_loop3A_913, %parallel_loop3A_914 : i32
      %parallel_loop3A_916 = arith.constant 0 : i32
      %parallel_loop3A_917 = arith.addi %parallel_loop3A_916, %parallel_loop3A_915 : i32
      %parallel_loop3A_918 = arith.index_cast %parallel_loop3A_917 : i32 to index
      %parallel_loop3A_919 = tpu.vector_load %arg6[%parallel_loop3A_918] {strides = array<i32>} : memref<8192xi32, #tpu.memory_space<vmem>>, vector<16xi32>,
      %parallel_loop3A_920 = arith.constant 16 : i32
      %parallel_loop3A_921 = arith.muli %parallel_loop3A_913, %parallel_loop3A_920 : i32
      %parallel_loop3A_922 = arith.constant 6 : i32
      %parallel_loop3A_923 = arith.addi %parallel_loop3A_921, %parallel_loop3A_922 : i32
      %parallel_loop3A_924 = vector.broadcast %parallel_loop3A_923 : i32 to vector<16xi32>
      %parallel_loop3A_925 = arith.addi %parallel_loop3A_924, %iota3A : vector<16xi32>
      %parallel_loop3A_926 = vector.broadcast %parallel_loop3A_212 : i32 to vector<16xi32>
      %parallel_loop3A_927 = arith.andi %parallel_loop3A_925, %parallel_loop3A_926 : vector<16xi32>
      %parallel_loop3A_928 = arith.constant 24576 : i32
      %parallel_loop3A_929 = vector.broadcast %parallel_loop3A_928 : i32 to vector<16xi32>
      %parallel_loop3A_930 = arith.addi %parallel_loop3A_929, %parallel_loop3A_927 : vector<16xi32>
      tpu.vector_store_idx %arg5[%parallel_loop3A_930], %parallel_loop3A_919 : memref<65536xi32, #tpu.memory_space<vmem>>[vector<16xi32>], vector<16xi32>,
    } {sc.loop_unroll_factor = 8 : i64, sc.parallel_access}
    %add3A_213 = arith.constant 6 : i32
    %add3A_214 = arith.addi %mul3A_2, %add3A_213 : i32
    %add3A_215 = arith.constant 2 : i32
    %add3A_216 = arith.addi %add3A_214, %add3A_215 : i32
    %dma_start3A_217 = arith.constant 0 : i32
    %dma_start3A_218 = tpu.memref_slice %arg6[%dma_start3A_217] : memref<8192xi32, #tpu.memory_space<vmem>> -> memref<4096xi32, #tpu.memory_space<vmem>>
    %dma_start3A_219 = arith.constant 0 : i32
    %dma_start3A_220 = tpu.memref_slice %arg2[%add3A_216, %dma_start3A_219] : memref<512x4096xi32, #tpu.memory_space<hbm>> -> memref<1x4096xi32, #tpu.memory_space<hbm>>
    %dma_start3A_221 = tpu.memref_squeeze %dma_start3A_220 : memref<1x4096xi32, #tpu.memory_space<hbm>> -> memref<4096xi32, #tpu.memory_space<hbm>>
    %dma_start3A_222 = arith.constant 0 : i32
    %dma_start3A_223 = tpu.memref_slice %arg6[%dma_start3A_222] : memref<8192xi32, #tpu.memory_space<vmem>> -> memref<4096xi32, #tpu.memory_space<vmem>>
    %dma_start3A_224 = arith.constant 0 : i32
    %dma_start3A_225 = tpu.memref_slice %arg2[%add3A_216, %dma_start3A_224] : memref<512x4096xi32, #tpu.memory_space<hbm>> -> memref<1x4096xi32, #tpu.memory_space<hbm>>
    %dma_start3A_226 = tpu.memref_squeeze %dma_start3A_225 : memref<1x4096xi32, #tpu.memory_space<hbm>> -> memref<4096xi32, #tpu.memory_space<hbm>>
    tpu.enqueue_dma source(%dma_start3A_226 : memref<4096xi32, #tpu.memory_space<hbm>>) target(%dma_start3A_223 : memref<4096xi32, #tpu.memory_space<vmem>>) target_semaphore(%arg11 : memref<!tpu.dma_semaphore, #tpu.memory_space<semaphore_mem>>)
    %dma_wait3A_227 = arith.constant 4096 : i32
    %dma_wait3A_228 = tpu.memref_slice %arg6[%dma_wait3A_227] : memref<8192xi32, #tpu.memory_space<vmem>> -> memref<4096xi32, #tpu.memory_space<vmem>>
    %dma_wait3A_229 = arith.constant 0 : i32
    %dma_wait3A_230 = tpu.memref_slice %arg2[%add3A_188, %dma_wait3A_229] : memref<512x4096xi32, #tpu.memory_space<hbm>> -> memref<1x4096xi32, #tpu.memory_space<hbm>>
    %dma_wait3A_231 = tpu.memref_squeeze %dma_wait3A_230 : memref<1x4096xi32, #tpu.memory_space<hbm>> -> memref<4096xi32, #tpu.memory_space<hbm>>
    %dma_wait3A_232 = arith.constant 4096 : i32
    %dma_wait3A_233 = tpu.memref_slice %arg6[%dma_wait3A_232] : memref<8192xi32, #tpu.memory_space<vmem>> -> memref<4096xi32, #tpu.memory_space<vmem>>
    %dma_wait3A_234 = arith.constant 0 : i32
    %dma_wait3A_235 = tpu.memref_slice %arg2[%add3A_188, %dma_wait3A_234] : memref<512x4096xi32, #tpu.memory_space<hbm>> -> memref<1x4096xi32, #tpu.memory_space<hbm>>
    %dma_wait3A_236 = tpu.memref_squeeze %dma_wait3A_235 : memref<1x4096xi32, #tpu.memory_space<hbm>> -> memref<4096xi32, #tpu.memory_space<hbm>>
    tpu.wait_dma2 semaphore(%arg12 : memref<!tpu.dma_semaphore, #tpu.memory_space<semaphore_mem>>) src(%dma_wait3A_236 : memref<4096xi32, #tpu.memory_space<hbm>>) dst(%dma_wait3A_233 : memref<4096xi32, #tpu.memory_space<vmem>>)
    %parallel_loop3A_237 = arith.constant 0 : i32
    %parallel_loop3A_238 = arith.constant 256 : i32
    %parallel_loop3A_239 = arith.constant 1 : i32
    %parallel_loop3A_240 = arith.constant 4095 : i32
    scf.for %parallel_loop3A_913 = %parallel_loop3A_237 to %parallel_loop3A_238 step %parallel_loop3A_239  : i32 {
      %parallel_loop3A_914 = arith.constant 16 : i32
      %parallel_loop3A_915 = arith.muli %parallel_loop3A_913, %parallel_loop3A_914 : i32
      %parallel_loop3A_916 = arith.constant 4096 : i32
      %parallel_loop3A_917 = arith.addi %parallel_loop3A_916, %parallel_loop3A_915 : i32
      %parallel_loop3A_918 = arith.index_cast %parallel_loop3A_917 : i32 to index
      %parallel_loop3A_919 = tpu.vector_load %arg6[%parallel_loop3A_918] {strides = array<i32>} : memref<8192xi32, #tpu.memory_space<vmem>>, vector<16xi32>,
      %parallel_loop3A_920 = arith.constant 16 : i32
      %parallel_loop3A_921 = arith.muli %parallel_loop3A_913, %parallel_loop3A_920 : i32
      %parallel_loop3A_922 = arith.constant 7 : i32
      %parallel_loop3A_923 = arith.addi %parallel_loop3A_921, %parallel_loop3A_922 : i32
      %parallel_loop3A_924 = vector.broadcast %parallel_loop3A_923 : i32 to vector<16xi32>
      %parallel_loop3A_925 = arith.addi %parallel_loop3A_924, %iota3A : vector<16xi32>
      %parallel_loop3A_926 = vector.broadcast %parallel_loop3A_240 : i32 to vector<16xi32>
      %parallel_loop3A_927 = arith.andi %parallel_loop3A_925, %parallel_loop3A_926 : vector<16xi32>
      %parallel_loop3A_928 = arith.constant 28672 : i32
      %parallel_loop3A_929 = vector.broadcast %parallel_loop3A_928 : i32 to vector<16xi32>
      %parallel_loop3A_930 = arith.addi %parallel_loop3A_929, %parallel_loop3A_927 : vector<16xi32>
      tpu.vector_store_idx %arg5[%parallel_loop3A_930], %parallel_loop3A_919 : memref<65536xi32, #tpu.memory_space<vmem>>[vector<16xi32>], vector<16xi32>,
    } {sc.loop_unroll_factor = 8 : i64, sc.parallel_access}
    %add3A_241 = arith.constant 7 : i32
    %add3A_242 = arith.addi %mul3A_2, %add3A_241 : i32
    %add3A_243 = arith.constant 2 : i32
    %add3A_244 = arith.addi %add3A_242, %add3A_243 : i32
    %dma_start3A_245 = arith.constant 4096 : i32
    %dma_start3A_246 = tpu.memref_slice %arg6[%dma_start3A_245] : memref<8192xi32, #tpu.memory_space<vmem>> -> memref<4096xi32, #tpu.memory_space<vmem>>
    %dma_start3A_247 = arith.constant 0 : i32
    %dma_start3A_248 = tpu.memref_slice %arg2[%add3A_244, %dma_start3A_247] : memref<512x4096xi32, #tpu.memory_space<hbm>> -> memref<1x4096xi32, #tpu.memory_space<hbm>>
    %dma_start3A_249 = tpu.memref_squeeze %dma_start3A_248 : memref<1x4096xi32, #tpu.memory_space<hbm>> -> memref<4096xi32, #tpu.memory_space<hbm>>
    %dma_start3A_250 = arith.constant 4096 : i32
    %dma_start3A_251 = tpu.memref_slice %arg6[%dma_start3A_250] : memref<8192xi32, #tpu.memory_space<vmem>> -> memref<4096xi32, #tpu.memory_space<vmem>>
    %dma_start3A_252 = arith.constant 0 : i32
    %dma_start3A_253 = tpu.memref_slice %arg2[%add3A_244, %dma_start3A_252] : memref<512x4096xi32, #tpu.memory_space<hbm>> -> memref<1x4096xi32, #tpu.memory_space<hbm>>
    %dma_start3A_254 = tpu.memref_squeeze %dma_start3A_253 : memref<1x4096xi32, #tpu.memory_space<hbm>> -> memref<4096xi32, #tpu.memory_space<hbm>>
    tpu.enqueue_dma source(%dma_start3A_254 : memref<4096xi32, #tpu.memory_space<hbm>>) target(%dma_start3A_251 : memref<4096xi32, #tpu.memory_space<vmem>>) target_semaphore(%arg12 : memref<!tpu.dma_semaphore, #tpu.memory_space<semaphore_mem>>)
    %dma_wait3A_255 = arith.constant 0 : i32
    %dma_wait3A_256 = tpu.memref_slice %arg6[%dma_wait3A_255] : memref<8192xi32, #tpu.memory_space<vmem>> -> memref<4096xi32, #tpu.memory_space<vmem>>
    %dma_wait3A_257 = arith.constant 0 : i32
    %dma_wait3A_258 = tpu.memref_slice %arg2[%add3A_216, %dma_wait3A_257] : memref<512x4096xi32, #tpu.memory_space<hbm>> -> memref<1x4096xi32, #tpu.memory_space<hbm>>
    %dma_wait3A_259 = tpu.memref_squeeze %dma_wait3A_258 : memref<1x4096xi32, #tpu.memory_space<hbm>> -> memref<4096xi32, #tpu.memory_space<hbm>>
    %dma_wait3A_260 = arith.constant 0 : i32
    %dma_wait3A_261 = tpu.memref_slice %arg6[%dma_wait3A_260] : memref<8192xi32, #tpu.memory_space<vmem>> -> memref<4096xi32, #tpu.memory_space<vmem>>
    %dma_wait3A_262 = arith.constant 0 : i32
    %dma_wait3A_263 = tpu.memref_slice %arg2[%add3A_216, %dma_wait3A_262] : memref<512x4096xi32, #tpu.memory_space<hbm>> -> memref<1x4096xi32, #tpu.memory_space<hbm>>
    %dma_wait3A_264 = tpu.memref_squeeze %dma_wait3A_263 : memref<1x4096xi32, #tpu.memory_space<hbm>> -> memref<4096xi32, #tpu.memory_space<hbm>>
    tpu.wait_dma2 semaphore(%arg11 : memref<!tpu.dma_semaphore, #tpu.memory_space<semaphore_mem>>) src(%dma_wait3A_264 : memref<4096xi32, #tpu.memory_space<hbm>>) dst(%dma_wait3A_261 : memref<4096xi32, #tpu.memory_space<vmem>>)
    %parallel_loop3A_265 = arith.constant 0 : i32
    %parallel_loop3A_266 = arith.constant 256 : i32
    %parallel_loop3A_267 = arith.constant 1 : i32
    %parallel_loop3A_268 = arith.constant 4095 : i32
    scf.for %parallel_loop3A_913 = %parallel_loop3A_265 to %parallel_loop3A_266 step %parallel_loop3A_267  : i32 {
      %parallel_loop3A_914 = arith.constant 16 : i32
      %parallel_loop3A_915 = arith.muli %parallel_loop3A_913, %parallel_loop3A_914 : i32
      %parallel_loop3A_916 = arith.constant 0 : i32
      %parallel_loop3A_917 = arith.addi %parallel_loop3A_916, %parallel_loop3A_915 : i32
      %parallel_loop3A_918 = arith.index_cast %parallel_loop3A_917 : i32 to index
      %parallel_loop3A_919 = tpu.vector_load %arg6[%parallel_loop3A_918] {strides = array<i32>} : memref<8192xi32, #tpu.memory_space<vmem>>, vector<16xi32>,
      %parallel_loop3A_920 = arith.constant 16 : i32
      %parallel_loop3A_921 = arith.muli %parallel_loop3A_913, %parallel_loop3A_920 : i32
      %parallel_loop3A_922 = arith.constant 8 : i32
      %parallel_loop3A_923 = arith.addi %parallel_loop3A_921, %parallel_loop3A_922 : i32
      %parallel_loop3A_924 = vector.broadcast %parallel_loop3A_923 : i32 to vector<16xi32>
      %parallel_loop3A_925 = arith.addi %parallel_loop3A_924, %iota3A : vector<16xi32>
      %parallel_loop3A_926 = vector.broadcast %parallel_loop3A_268 : i32 to vector<16xi32>
      %parallel_loop3A_927 = arith.andi %parallel_loop3A_925, %parallel_loop3A_926 : vector<16xi32>
      %parallel_loop3A_928 = arith.constant 32768 : i32
      %parallel_loop3A_929 = vector.broadcast %parallel_loop3A_928 : i32 to vector<16xi32>
      %parallel_loop3A_930 = arith.addi %parallel_loop3A_929, %parallel_loop3A_927 : vector<16xi32>
      tpu.vector_store_idx %arg5[%parallel_loop3A_930], %parallel_loop3A_919 : memref<65536xi32, #tpu.memory_space<vmem>>[vector<16xi32>], vector<16xi32>,
    } {sc.loop_unroll_factor = 8 : i64, sc.parallel_access}
    %add3A_269 = arith.constant 8 : i32
    %add3A_270 = arith.addi %mul3A_2, %add3A_269 : i32
    %add3A_271 = arith.constant 2 : i32
    %add3A_272 = arith.addi %add3A_270, %add3A_271 : i32
    %dma_start3A_273 = arith.constant 0 : i32
    %dma_start3A_274 = tpu.memref_slice %arg6[%dma_start3A_273] : memref<8192xi32, #tpu.memory_space<vmem>> -> memref<4096xi32, #tpu.memory_space<vmem>>
    %dma_start3A_275 = arith.constant 0 : i32
    %dma_start3A_276 = tpu.memref_slice %arg2[%add3A_272, %dma_start3A_275] : memref<512x4096xi32, #tpu.memory_space<hbm>> -> memref<1x4096xi32, #tpu.memory_space<hbm>>
    %dma_start3A_277 = tpu.memref_squeeze %dma_start3A_276 : memref<1x4096xi32, #tpu.memory_space<hbm>> -> memref<4096xi32, #tpu.memory_space<hbm>>
    %dma_start3A_278 = arith.constant 0 : i32
    %dma_start3A_279 = tpu.memref_slice %arg6[%dma_start3A_278] : memref<8192xi32, #tpu.memory_space<vmem>> -> memref<4096xi32, #tpu.memory_space<vmem>>
    %dma_start3A_280 = arith.constant 0 : i32
    %dma_start3A_281 = tpu.memref_slice %arg2[%add3A_272, %dma_start3A_280] : memref<512x4096xi32, #tpu.memory_space<hbm>> -> memref<1x4096xi32, #tpu.memory_space<hbm>>
    %dma_start3A_282 = tpu.memref_squeeze %dma_start3A_281 : memref<1x4096xi32, #tpu.memory_space<hbm>> -> memref<4096xi32, #tpu.memory_space<hbm>>
    tpu.enqueue_dma source(%dma_start3A_282 : memref<4096xi32, #tpu.memory_space<hbm>>) target(%dma_start3A_279 : memref<4096xi32, #tpu.memory_space<vmem>>) target_semaphore(%arg11 : memref<!tpu.dma_semaphore, #tpu.memory_space<semaphore_mem>>)
    %dma_wait3A_283 = arith.constant 4096 : i32
    %dma_wait3A_284 = tpu.memref_slice %arg6[%dma_wait3A_283] : memref<8192xi32, #tpu.memory_space<vmem>> -> memref<4096xi32, #tpu.memory_space<vmem>>
    %dma_wait3A_285 = arith.constant 0 : i32
    %dma_wait3A_286 = tpu.memref_slice %arg2[%add3A_244, %dma_wait3A_285] : memref<512x4096xi32, #tpu.memory_space<hbm>> -> memref<1x4096xi32, #tpu.memory_space<hbm>>
    %dma_wait3A_287 = tpu.memref_squeeze %dma_wait3A_286 : memref<1x4096xi32, #tpu.memory_space<hbm>> -> memref<4096xi32, #tpu.memory_space<hbm>>
    %dma_wait3A_288 = arith.constant 4096 : i32
    %dma_wait3A_289 = tpu.memref_slice %arg6[%dma_wait3A_288] : memref<8192xi32, #tpu.memory_space<vmem>> -> memref<4096xi32, #tpu.memory_space<vmem>>
    %dma_wait3A_290 = arith.constant 0 : i32
    %dma_wait3A_291 = tpu.memref_slice %arg2[%add3A_244, %dma_wait3A_290] : memref<512x4096xi32, #tpu.memory_space<hbm>> -> memref<1x4096xi32, #tpu.memory_space<hbm>>
    %dma_wait3A_292 = tpu.memref_squeeze %dma_wait3A_291 : memref<1x4096xi32, #tpu.memory_space<hbm>> -> memref<4096xi32, #tpu.memory_space<hbm>>
    tpu.wait_dma2 semaphore(%arg12 : memref<!tpu.dma_semaphore, #tpu.memory_space<semaphore_mem>>) src(%dma_wait3A_292 : memref<4096xi32, #tpu.memory_space<hbm>>) dst(%dma_wait3A_289 : memref<4096xi32, #tpu.memory_space<vmem>>)
    %parallel_loop3A_293 = arith.constant 0 : i32
    %parallel_loop3A_294 = arith.constant 256 : i32
    %parallel_loop3A_295 = arith.constant 1 : i32
    %parallel_loop3A_296 = arith.constant 4095 : i32
    scf.for %parallel_loop3A_913 = %parallel_loop3A_293 to %parallel_loop3A_294 step %parallel_loop3A_295  : i32 {
      %parallel_loop3A_914 = arith.constant 16 : i32
      %parallel_loop3A_915 = arith.muli %parallel_loop3A_913, %parallel_loop3A_914 : i32
      %parallel_loop3A_916 = arith.constant 4096 : i32
      %parallel_loop3A_917 = arith.addi %parallel_loop3A_916, %parallel_loop3A_915 : i32
      %parallel_loop3A_918 = arith.index_cast %parallel_loop3A_917 : i32 to index
      %parallel_loop3A_919 = tpu.vector_load %arg6[%parallel_loop3A_918] {strides = array<i32>} : memref<8192xi32, #tpu.memory_space<vmem>>, vector<16xi32>,
      %parallel_loop3A_920 = arith.constant 16 : i32
      %parallel_loop3A_921 = arith.muli %parallel_loop3A_913, %parallel_loop3A_920 : i32
      %parallel_loop3A_922 = arith.constant 9 : i32
      %parallel_loop3A_923 = arith.addi %parallel_loop3A_921, %parallel_loop3A_922 : i32
      %parallel_loop3A_924 = vector.broadcast %parallel_loop3A_923 : i32 to vector<16xi32>
      %parallel_loop3A_925 = arith.addi %parallel_loop3A_924, %iota3A : vector<16xi32>
      %parallel_loop3A_926 = vector.broadcast %parallel_loop3A_296 : i32 to vector<16xi32>
      %parallel_loop3A_927 = arith.andi %parallel_loop3A_925, %parallel_loop3A_926 : vector<16xi32>
      %parallel_loop3A_928 = arith.constant 36864 : i32
      %parallel_loop3A_929 = vector.broadcast %parallel_loop3A_928 : i32 to vector<16xi32>
      %parallel_loop3A_930 = arith.addi %parallel_loop3A_929, %parallel_loop3A_927 : vector<16xi32>
      tpu.vector_store_idx %arg5[%parallel_loop3A_930], %parallel_loop3A_919 : memref<65536xi32, #tpu.memory_space<vmem>>[vector<16xi32>], vector<16xi32>,
    } {sc.loop_unroll_factor = 8 : i64, sc.parallel_access}
    %add3A_297 = arith.constant 9 : i32
    %add3A_298 = arith.addi %mul3A_2, %add3A_297 : i32
    %add3A_299 = arith.constant 2 : i32
    %add3A_300 = arith.addi %add3A_298, %add3A_299 : i32
    %dma_start3A_301 = arith.constant 4096 : i32
    %dma_start3A_302 = tpu.memref_slice %arg6[%dma_start3A_301] : memref<8192xi32, #tpu.memory_space<vmem>> -> memref<4096xi32, #tpu.memory_space<vmem>>
    %dma_start3A_303 = arith.constant 0 : i32
    %dma_start3A_304 = tpu.memref_slice %arg2[%add3A_300, %dma_start3A_303] : memref<512x4096xi32, #tpu.memory_space<hbm>> -> memref<1x4096xi32, #tpu.memory_space<hbm>>
    %dma_start3A_305 = tpu.memref_squeeze %dma_start3A_304 : memref<1x4096xi32, #tpu.memory_space<hbm>> -> memref<4096xi32, #tpu.memory_space<hbm>>
    %dma_start3A_306 = arith.constant 4096 : i32
    %dma_start3A_307 = tpu.memref_slice %arg6[%dma_start3A_306] : memref<8192xi32, #tpu.memory_space<vmem>> -> memref<4096xi32, #tpu.memory_space<vmem>>
    %dma_start3A_308 = arith.constant 0 : i32
    %dma_start3A_309 = tpu.memref_slice %arg2[%add3A_300, %dma_start3A_308] : memref<512x4096xi32, #tpu.memory_space<hbm>> -> memref<1x4096xi32, #tpu.memory_space<hbm>>
    %dma_start3A_310 = tpu.memref_squeeze %dma_start3A_309 : memref<1x4096xi32, #tpu.memory_space<hbm>> -> memref<4096xi32, #tpu.memory_space<hbm>>
    tpu.enqueue_dma source(%dma_start3A_310 : memref<4096xi32, #tpu.memory_space<hbm>>) target(%dma_start3A_307 : memref<4096xi32, #tpu.memory_space<vmem>>) target_semaphore(%arg12 : memref<!tpu.dma_semaphore, #tpu.memory_space<semaphore_mem>>)
    %dma_wait3A_311 = arith.constant 0 : i32
    %dma_wait3A_312 = tpu.memref_slice %arg6[%dma_wait3A_311] : memref<8192xi32, #tpu.memory_space<vmem>> -> memref<4096xi32, #tpu.memory_space<vmem>>
    %dma_wait3A_313 = arith.constant 0 : i32
    %dma_wait3A_314 = tpu.memref_slice %arg2[%add3A_272, %dma_wait3A_313] : memref<512x4096xi32, #tpu.memory_space<hbm>> -> memref<1x4096xi32, #tpu.memory_space<hbm>>
    %dma_wait3A_315 = tpu.memref_squeeze %dma_wait3A_314 : memref<1x4096xi32, #tpu.memory_space<hbm>> -> memref<4096xi32, #tpu.memory_space<hbm>>
    %dma_wait3A_316 = arith.constant 0 : i32
    %dma_wait3A_317 = tpu.memref_slice %arg6[%dma_wait3A_316] : memref<8192xi32, #tpu.memory_space<vmem>> -> memref<4096xi32, #tpu.memory_space<vmem>>
    %dma_wait3A_318 = arith.constant 0 : i32
    %dma_wait3A_319 = tpu.memref_slice %arg2[%add3A_272, %dma_wait3A_318] : memref<512x4096xi32, #tpu.memory_space<hbm>> -> memref<1x4096xi32, #tpu.memory_space<hbm>>
    %dma_wait3A_320 = tpu.memref_squeeze %dma_wait3A_319 : memref<1x4096xi32, #tpu.memory_space<hbm>> -> memref<4096xi32, #tpu.memory_space<hbm>>
    tpu.wait_dma2 semaphore(%arg11 : memref<!tpu.dma_semaphore, #tpu.memory_space<semaphore_mem>>) src(%dma_wait3A_320 : memref<4096xi32, #tpu.memory_space<hbm>>) dst(%dma_wait3A_317 : memref<4096xi32, #tpu.memory_space<vmem>>)
    %parallel_loop3A_321 = arith.constant 0 : i32
    %parallel_loop3A_322 = arith.constant 256 : i32
    %parallel_loop3A_323 = arith.constant 1 : i32
    %parallel_loop3A_324 = arith.constant 4095 : i32
    scf.for %parallel_loop3A_913 = %parallel_loop3A_321 to %parallel_loop3A_322 step %parallel_loop3A_323  : i32 {
      %parallel_loop3A_914 = arith.constant 16 : i32
      %parallel_loop3A_915 = arith.muli %parallel_loop3A_913, %parallel_loop3A_914 : i32
      %parallel_loop3A_916 = arith.constant 0 : i32
      %parallel_loop3A_917 = arith.addi %parallel_loop3A_916, %parallel_loop3A_915 : i32
      %parallel_loop3A_918 = arith.index_cast %parallel_loop3A_917 : i32 to index
      %parallel_loop3A_919 = tpu.vector_load %arg6[%parallel_loop3A_918] {strides = array<i32>} : memref<8192xi32, #tpu.memory_space<vmem>>, vector<16xi32>,
      %parallel_loop3A_920 = arith.constant 16 : i32
      %parallel_loop3A_921 = arith.muli %parallel_loop3A_913, %parallel_loop3A_920 : i32
      %parallel_loop3A_922 = arith.constant 10 : i32
      %parallel_loop3A_923 = arith.addi %parallel_loop3A_921, %parallel_loop3A_922 : i32
      %parallel_loop3A_924 = vector.broadcast %parallel_loop3A_923 : i32 to vector<16xi32>
      %parallel_loop3A_925 = arith.addi %parallel_loop3A_924, %iota3A : vector<16xi32>
      %parallel_loop3A_926 = vector.broadcast %parallel_loop3A_324 : i32 to vector<16xi32>
      %parallel_loop3A_927 = arith.andi %parallel_loop3A_925, %parallel_loop3A_926 : vector<16xi32>
      %parallel_loop3A_928 = arith.constant 40960 : i32
      %parallel_loop3A_929 = vector.broadcast %parallel_loop3A_928 : i32 to vector<16xi32>
      %parallel_loop3A_930 = arith.addi %parallel_loop3A_929, %parallel_loop3A_927 : vector<16xi32>
      tpu.vector_store_idx %arg5[%parallel_loop3A_930], %parallel_loop3A_919 : memref<65536xi32, #tpu.memory_space<vmem>>[vector<16xi32>], vector<16xi32>,
    } {sc.loop_unroll_factor = 8 : i64, sc.parallel_access}
    %add3A_325 = arith.constant 10 : i32
    %add3A_326 = arith.addi %mul3A_2, %add3A_325 : i32
    %add3A_327 = arith.constant 2 : i32
    %add3A_328 = arith.addi %add3A_326, %add3A_327 : i32
    %dma_start3A_329 = arith.constant 0 : i32
    %dma_start3A_330 = tpu.memref_slice %arg6[%dma_start3A_329] : memref<8192xi32, #tpu.memory_space<vmem>> -> memref<4096xi32, #tpu.memory_space<vmem>>
    %dma_start3A_331 = arith.constant 0 : i32
    %dma_start3A_332 = tpu.memref_slice %arg2[%add3A_328, %dma_start3A_331] : memref<512x4096xi32, #tpu.memory_space<hbm>> -> memref<1x4096xi32, #tpu.memory_space<hbm>>
    %dma_start3A_333 = tpu.memref_squeeze %dma_start3A_332 : memref<1x4096xi32, #tpu.memory_space<hbm>> -> memref<4096xi32, #tpu.memory_space<hbm>>
    %dma_start3A_334 = arith.constant 0 : i32
    %dma_start3A_335 = tpu.memref_slice %arg6[%dma_start3A_334] : memref<8192xi32, #tpu.memory_space<vmem>> -> memref<4096xi32, #tpu.memory_space<vmem>>
    %dma_start3A_336 = arith.constant 0 : i32
    %dma_start3A_337 = tpu.memref_slice %arg2[%add3A_328, %dma_start3A_336] : memref<512x4096xi32, #tpu.memory_space<hbm>> -> memref<1x4096xi32, #tpu.memory_space<hbm>>
    %dma_start3A_338 = tpu.memref_squeeze %dma_start3A_337 : memref<1x4096xi32, #tpu.memory_space<hbm>> -> memref<4096xi32, #tpu.memory_space<hbm>>
    tpu.enqueue_dma source(%dma_start3A_338 : memref<4096xi32, #tpu.memory_space<hbm>>) target(%dma_start3A_335 : memref<4096xi32, #tpu.memory_space<vmem>>) target_semaphore(%arg11 : memref<!tpu.dma_semaphore, #tpu.memory_space<semaphore_mem>>)
    %dma_wait3A_339 = arith.constant 4096 : i32
    %dma_wait3A_340 = tpu.memref_slice %arg6[%dma_wait3A_339] : memref<8192xi32, #tpu.memory_space<vmem>> -> memref<4096xi32, #tpu.memory_space<vmem>>
    %dma_wait3A_341 = arith.constant 0 : i32
    %dma_wait3A_342 = tpu.memref_slice %arg2[%add3A_300, %dma_wait3A_341] : memref<512x4096xi32, #tpu.memory_space<hbm>> -> memref<1x4096xi32, #tpu.memory_space<hbm>>
    %dma_wait3A_343 = tpu.memref_squeeze %dma_wait3A_342 : memref<1x4096xi32, #tpu.memory_space<hbm>> -> memref<4096xi32, #tpu.memory_space<hbm>>
    %dma_wait3A_344 = arith.constant 4096 : i32
    %dma_wait3A_345 = tpu.memref_slice %arg6[%dma_wait3A_344] : memref<8192xi32, #tpu.memory_space<vmem>> -> memref<4096xi32, #tpu.memory_space<vmem>>
    %dma_wait3A_346 = arith.constant 0 : i32
    %dma_wait3A_347 = tpu.memref_slice %arg2[%add3A_300, %dma_wait3A_346] : memref<512x4096xi32, #tpu.memory_space<hbm>> -> memref<1x4096xi32, #tpu.memory_space<hbm>>
    %dma_wait3A_348 = tpu.memref_squeeze %dma_wait3A_347 : memref<1x4096xi32, #tpu.memory_space<hbm>> -> memref<4096xi32, #tpu.memory_space<hbm>>
    tpu.wait_dma2 semaphore(%arg12 : memref<!tpu.dma_semaphore, #tpu.memory_space<semaphore_mem>>) src(%dma_wait3A_348 : memref<4096xi32, #tpu.memory_space<hbm>>) dst(%dma_wait3A_345 : memref<4096xi32, #tpu.memory_space<vmem>>)
    %parallel_loop3A_349 = arith.constant 0 : i32
    %parallel_loop3A_350 = arith.constant 256 : i32
    %parallel_loop3A_351 = arith.constant 1 : i32
    %parallel_loop3A_352 = arith.constant 4095 : i32
    scf.for %parallel_loop3A_913 = %parallel_loop3A_349 to %parallel_loop3A_350 step %parallel_loop3A_351  : i32 {
      %parallel_loop3A_914 = arith.constant 16 : i32
      %parallel_loop3A_915 = arith.muli %parallel_loop3A_913, %parallel_loop3A_914 : i32
      %parallel_loop3A_916 = arith.constant 4096 : i32
      %parallel_loop3A_917 = arith.addi %parallel_loop3A_916, %parallel_loop3A_915 : i32
      %parallel_loop3A_918 = arith.index_cast %parallel_loop3A_917 : i32 to index
      %parallel_loop3A_919 = tpu.vector_load %arg6[%parallel_loop3A_918] {strides = array<i32>} : memref<8192xi32, #tpu.memory_space<vmem>>, vector<16xi32>,
      %parallel_loop3A_920 = arith.constant 16 : i32
      %parallel_loop3A_921 = arith.muli %parallel_loop3A_913, %parallel_loop3A_920 : i32
      %parallel_loop3A_922 = arith.constant 11 : i32
      %parallel_loop3A_923 = arith.addi %parallel_loop3A_921, %parallel_loop3A_922 : i32
      %parallel_loop3A_924 = vector.broadcast %parallel_loop3A_923 : i32 to vector<16xi32>
      %parallel_loop3A_925 = arith.addi %parallel_loop3A_924, %iota3A : vector<16xi32>
      %parallel_loop3A_926 = vector.broadcast %parallel_loop3A_352 : i32 to vector<16xi32>
      %parallel_loop3A_927 = arith.andi %parallel_loop3A_925, %parallel_loop3A_926 : vector<16xi32>
      %parallel_loop3A_928 = arith.constant 45056 : i32
      %parallel_loop3A_929 = vector.broadcast %parallel_loop3A_928 : i32 to vector<16xi32>
      %parallel_loop3A_930 = arith.addi %parallel_loop3A_929, %parallel_loop3A_927 : vector<16xi32>
      tpu.vector_store_idx %arg5[%parallel_loop3A_930], %parallel_loop3A_919 : memref<65536xi32, #tpu.memory_space<vmem>>[vector<16xi32>], vector<16xi32>,
    } {sc.loop_unroll_factor = 8 : i64, sc.parallel_access}
    %add3A_353 = arith.constant 11 : i32
    %add3A_354 = arith.addi %mul3A_2, %add3A_353 : i32
    %add3A_355 = arith.constant 2 : i32
    %add3A_356 = arith.addi %add3A_354, %add3A_355 : i32
    %dma_start3A_357 = arith.constant 4096 : i32
    %dma_start3A_358 = tpu.memref_slice %arg6[%dma_start3A_357] : memref<8192xi32, #tpu.memory_space<vmem>> -> memref<4096xi32, #tpu.memory_space<vmem>>
    %dma_start3A_359 = arith.constant 0 : i32
    %dma_start3A_360 = tpu.memref_slice %arg2[%add3A_356, %dma_start3A_359] : memref<512x4096xi32, #tpu.memory_space<hbm>> -> memref<1x4096xi32, #tpu.memory_space<hbm>>
    %dma_start3A_361 = tpu.memref_squeeze %dma_start3A_360 : memref<1x4096xi32, #tpu.memory_space<hbm>> -> memref<4096xi32, #tpu.memory_space<hbm>>
    %dma_start3A_362 = arith.constant 4096 : i32
    %dma_start3A_363 = tpu.memref_slice %arg6[%dma_start3A_362] : memref<8192xi32, #tpu.memory_space<vmem>> -> memref<4096xi32, #tpu.memory_space<vmem>>
    %dma_start3A_364 = arith.constant 0 : i32
    %dma_start3A_365 = tpu.memref_slice %arg2[%add3A_356, %dma_start3A_364] : memref<512x4096xi32, #tpu.memory_space<hbm>> -> memref<1x4096xi32, #tpu.memory_space<hbm>>
    %dma_start3A_366 = tpu.memref_squeeze %dma_start3A_365 : memref<1x4096xi32, #tpu.memory_space<hbm>> -> memref<4096xi32, #tpu.memory_space<hbm>>
    tpu.enqueue_dma source(%dma_start3A_366 : memref<4096xi32, #tpu.memory_space<hbm>>) target(%dma_start3A_363 : memref<4096xi32, #tpu.memory_space<vmem>>) target_semaphore(%arg12 : memref<!tpu.dma_semaphore, #tpu.memory_space<semaphore_mem>>)
    %dma_wait3A_367 = arith.constant 0 : i32
    %dma_wait3A_368 = tpu.memref_slice %arg6[%dma_wait3A_367] : memref<8192xi32, #tpu.memory_space<vmem>> -> memref<4096xi32, #tpu.memory_space<vmem>>
    %dma_wait3A_369 = arith.constant 0 : i32
    %dma_wait3A_370 = tpu.memref_slice %arg2[%add3A_328, %dma_wait3A_369] : memref<512x4096xi32, #tpu.memory_space<hbm>> -> memref<1x4096xi32, #tpu.memory_space<hbm>>
    %dma_wait3A_371 = tpu.memref_squeeze %dma_wait3A_370 : memref<1x4096xi32, #tpu.memory_space<hbm>> -> memref<4096xi32, #tpu.memory_space<hbm>>
    %dma_wait3A_372 = arith.constant 0 : i32
    %dma_wait3A_373 = tpu.memref_slice %arg6[%dma_wait3A_372] : memref<8192xi32, #tpu.memory_space<vmem>> -> memref<4096xi32, #tpu.memory_space<vmem>>
    %dma_wait3A_374 = arith.constant 0 : i32
    %dma_wait3A_375 = tpu.memref_slice %arg2[%add3A_328, %dma_wait3A_374] : memref<512x4096xi32, #tpu.memory_space<hbm>> -> memref<1x4096xi32, #tpu.memory_space<hbm>>
    %dma_wait3A_376 = tpu.memref_squeeze %dma_wait3A_375 : memref<1x4096xi32, #tpu.memory_space<hbm>> -> memref<4096xi32, #tpu.memory_space<hbm>>
    tpu.wait_dma2 semaphore(%arg11 : memref<!tpu.dma_semaphore, #tpu.memory_space<semaphore_mem>>) src(%dma_wait3A_376 : memref<4096xi32, #tpu.memory_space<hbm>>) dst(%dma_wait3A_373 : memref<4096xi32, #tpu.memory_space<vmem>>)
    %parallel_loop3A_377 = arith.constant 0 : i32
    %parallel_loop3A_378 = arith.constant 256 : i32
    %parallel_loop3A_379 = arith.constant 1 : i32
    %parallel_loop3A_380 = arith.constant 4095 : i32
    scf.for %parallel_loop3A_913 = %parallel_loop3A_377 to %parallel_loop3A_378 step %parallel_loop3A_379  : i32 {
      %parallel_loop3A_914 = arith.constant 16 : i32
      %parallel_loop3A_915 = arith.muli %parallel_loop3A_913, %parallel_loop3A_914 : i32
      %parallel_loop3A_916 = arith.constant 0 : i32
      %parallel_loop3A_917 = arith.addi %parallel_loop3A_916, %parallel_loop3A_915 : i32
      %parallel_loop3A_918 = arith.index_cast %parallel_loop3A_917 : i32 to index
      %parallel_loop3A_919 = tpu.vector_load %arg6[%parallel_loop3A_918] {strides = array<i32>} : memref<8192xi32, #tpu.memory_space<vmem>>, vector<16xi32>,
      %parallel_loop3A_920 = arith.constant 16 : i32
      %parallel_loop3A_921 = arith.muli %parallel_loop3A_913, %parallel_loop3A_920 : i32
      %parallel_loop3A_922 = arith.constant 12 : i32
      %parallel_loop3A_923 = arith.addi %parallel_loop3A_921, %parallel_loop3A_922 : i32
      %parallel_loop3A_924 = vector.broadcast %parallel_loop3A_923 : i32 to vector<16xi32>
      %parallel_loop3A_925 = arith.addi %parallel_loop3A_924, %iota3A : vector<16xi32>
      %parallel_loop3A_926 = vector.broadcast %parallel_loop3A_380 : i32 to vector<16xi32>
      %parallel_loop3A_927 = arith.andi %parallel_loop3A_925, %parallel_loop3A_926 : vector<16xi32>
      %parallel_loop3A_928 = arith.constant 49152 : i32
      %parallel_loop3A_929 = vector.broadcast %parallel_loop3A_928 : i32 to vector<16xi32>
      %parallel_loop3A_930 = arith.addi %parallel_loop3A_929, %parallel_loop3A_927 : vector<16xi32>
      tpu.vector_store_idx %arg5[%parallel_loop3A_930], %parallel_loop3A_919 : memref<65536xi32, #tpu.memory_space<vmem>>[vector<16xi32>], vector<16xi32>,
    } {sc.loop_unroll_factor = 8 : i64, sc.parallel_access}
    %add3A_381 = arith.constant 12 : i32
    %add3A_382 = arith.addi %mul3A_2, %add3A_381 : i32
    %add3A_383 = arith.constant 2 : i32
    %add3A_384 = arith.addi %add3A_382, %add3A_383 : i32
    %dma_start3A_385 = arith.constant 0 : i32
    %dma_start3A_386 = tpu.memref_slice %arg6[%dma_start3A_385] : memref<8192xi32, #tpu.memory_space<vmem>> -> memref<4096xi32, #tpu.memory_space<vmem>>
    %dma_start3A_387 = arith.constant 0 : i32
    %dma_start3A_388 = tpu.memref_slice %arg2[%add3A_384, %dma_start3A_387] : memref<512x4096xi32, #tpu.memory_space<hbm>> -> memref<1x4096xi32, #tpu.memory_space<hbm>>
    %dma_start3A_389 = tpu.memref_squeeze %dma_start3A_388 : memref<1x4096xi32, #tpu.memory_space<hbm>> -> memref<4096xi32, #tpu.memory_space<hbm>>
    %dma_start3A_390 = arith.constant 0 : i32
    %dma_start3A_391 = tpu.memref_slice %arg6[%dma_start3A_390] : memref<8192xi32, #tpu.memory_space<vmem>> -> memref<4096xi32, #tpu.memory_space<vmem>>
    %dma_start3A_392 = arith.constant 0 : i32
    %dma_start3A_393 = tpu.memref_slice %arg2[%add3A_384, %dma_start3A_392] : memref<512x4096xi32, #tpu.memory_space<hbm>> -> memref<1x4096xi32, #tpu.memory_space<hbm>>
    %dma_start3A_394 = tpu.memref_squeeze %dma_start3A_393 : memref<1x4096xi32, #tpu.memory_space<hbm>> -> memref<4096xi32, #tpu.memory_space<hbm>>
    tpu.enqueue_dma source(%dma_start3A_394 : memref<4096xi32, #tpu.memory_space<hbm>>) target(%dma_start3A_391 : memref<4096xi32, #tpu.memory_space<vmem>>) target_semaphore(%arg11 : memref<!tpu.dma_semaphore, #tpu.memory_space<semaphore_mem>>)
    %dma_wait3A_395 = arith.constant 4096 : i32
    %dma_wait3A_396 = tpu.memref_slice %arg6[%dma_wait3A_395] : memref<8192xi32, #tpu.memory_space<vmem>> -> memref<4096xi32, #tpu.memory_space<vmem>>
    %dma_wait3A_397 = arith.constant 0 : i32
    %dma_wait3A_398 = tpu.memref_slice %arg2[%add3A_356, %dma_wait3A_397] : memref<512x4096xi32, #tpu.memory_space<hbm>> -> memref<1x4096xi32, #tpu.memory_space<hbm>>
    %dma_wait3A_399 = tpu.memref_squeeze %dma_wait3A_398 : memref<1x4096xi32, #tpu.memory_space<hbm>> -> memref<4096xi32, #tpu.memory_space<hbm>>
    %dma_wait3A_400 = arith.constant 4096 : i32
    %dma_wait3A_401 = tpu.memref_slice %arg6[%dma_wait3A_400] : memref<8192xi32, #tpu.memory_space<vmem>> -> memref<4096xi32, #tpu.memory_space<vmem>>
    %dma_wait3A_402 = arith.constant 0 : i32
    %dma_wait3A_403 = tpu.memref_slice %arg2[%add3A_356, %dma_wait3A_402] : memref<512x4096xi32, #tpu.memory_space<hbm>> -> memref<1x4096xi32, #tpu.memory_space<hbm>>
    %dma_wait3A_404 = tpu.memref_squeeze %dma_wait3A_403 : memref<1x4096xi32, #tpu.memory_space<hbm>> -> memref<4096xi32, #tpu.memory_space<hbm>>
    tpu.wait_dma2 semaphore(%arg12 : memref<!tpu.dma_semaphore, #tpu.memory_space<semaphore_mem>>) src(%dma_wait3A_404 : memref<4096xi32, #tpu.memory_space<hbm>>) dst(%dma_wait3A_401 : memref<4096xi32, #tpu.memory_space<vmem>>)
    %parallel_loop3A_405 = arith.constant 0 : i32
    %parallel_loop3A_406 = arith.constant 256 : i32
    %parallel_loop3A_407 = arith.constant 1 : i32
    %parallel_loop3A_408 = arith.constant 4095 : i32
    scf.for %parallel_loop3A_913 = %parallel_loop3A_405 to %parallel_loop3A_406 step %parallel_loop3A_407  : i32 {
      %parallel_loop3A_914 = arith.constant 16 : i32
      %parallel_loop3A_915 = arith.muli %parallel_loop3A_913, %parallel_loop3A_914 : i32
      %parallel_loop3A_916 = arith.constant 4096 : i32
      %parallel_loop3A_917 = arith.addi %parallel_loop3A_916, %parallel_loop3A_915 : i32
      %parallel_loop3A_918 = arith.index_cast %parallel_loop3A_917 : i32 to index
      %parallel_loop3A_919 = tpu.vector_load %arg6[%parallel_loop3A_918] {strides = array<i32>} : memref<8192xi32, #tpu.memory_space<vmem>>, vector<16xi32>,
      %parallel_loop3A_920 = arith.constant 16 : i32
      %parallel_loop3A_921 = arith.muli %parallel_loop3A_913, %parallel_loop3A_920 : i32
      %parallel_loop3A_922 = arith.constant 13 : i32
      %parallel_loop3A_923 = arith.addi %parallel_loop3A_921, %parallel_loop3A_922 : i32
      %parallel_loop3A_924 = vector.broadcast %parallel_loop3A_923 : i32 to vector<16xi32>
      %parallel_loop3A_925 = arith.addi %parallel_loop3A_924, %iota3A : vector<16xi32>
      %parallel_loop3A_926 = vector.broadcast %parallel_loop3A_408 : i32 to vector<16xi32>
      %parallel_loop3A_927 = arith.andi %parallel_loop3A_925, %parallel_loop3A_926 : vector<16xi32>
      %parallel_loop3A_928 = arith.constant 53248 : i32
      %parallel_loop3A_929 = vector.broadcast %parallel_loop3A_928 : i32 to vector<16xi32>
      %parallel_loop3A_930 = arith.addi %parallel_loop3A_929, %parallel_loop3A_927 : vector<16xi32>
      tpu.vector_store_idx %arg5[%parallel_loop3A_930], %parallel_loop3A_919 : memref<65536xi32, #tpu.memory_space<vmem>>[vector<16xi32>], vector<16xi32>,
    } {sc.loop_unroll_factor = 8 : i64, sc.parallel_access}
    %add3A_409 = arith.constant 13 : i32
    %add3A_410 = arith.addi %mul3A_2, %add3A_409 : i32
    %add3A_411 = arith.constant 2 : i32
    %add3A_412 = arith.addi %add3A_410, %add3A_411 : i32
    %dma_start3A_413 = arith.constant 4096 : i32
    %dma_start3A_414 = tpu.memref_slice %arg6[%dma_start3A_413] : memref<8192xi32, #tpu.memory_space<vmem>> -> memref<4096xi32, #tpu.memory_space<vmem>>
    %dma_start3A_415 = arith.constant 0 : i32
    %dma_start3A_416 = tpu.memref_slice %arg2[%add3A_412, %dma_start3A_415] : memref<512x4096xi32, #tpu.memory_space<hbm>> -> memref<1x4096xi32, #tpu.memory_space<hbm>>
    %dma_start3A_417 = tpu.memref_squeeze %dma_start3A_416 : memref<1x4096xi32, #tpu.memory_space<hbm>> -> memref<4096xi32, #tpu.memory_space<hbm>>
    %dma_start3A_418 = arith.constant 4096 : i32
    %dma_start3A_419 = tpu.memref_slice %arg6[%dma_start3A_418] : memref<8192xi32, #tpu.memory_space<vmem>> -> memref<4096xi32, #tpu.memory_space<vmem>>
    %dma_start3A_420 = arith.constant 0 : i32
    %dma_start3A_421 = tpu.memref_slice %arg2[%add3A_412, %dma_start3A_420] : memref<512x4096xi32, #tpu.memory_space<hbm>> -> memref<1x4096xi32, #tpu.memory_space<hbm>>
    %dma_start3A_422 = tpu.memref_squeeze %dma_start3A_421 : memref<1x4096xi32, #tpu.memory_space<hbm>> -> memref<4096xi32, #tpu.memory_space<hbm>>
    tpu.enqueue_dma source(%dma_start3A_422 : memref<4096xi32, #tpu.memory_space<hbm>>) target(%dma_start3A_419 : memref<4096xi32, #tpu.memory_space<vmem>>) target_semaphore(%arg12 : memref<!tpu.dma_semaphore, #tpu.memory_space<semaphore_mem>>)
    %dma_wait3A_423 = arith.constant 0 : i32
    %dma_wait3A_424 = tpu.memref_slice %arg6[%dma_wait3A_423] : memref<8192xi32, #tpu.memory_space<vmem>> -> memref<4096xi32, #tpu.memory_space<vmem>>
    %dma_wait3A_425 = arith.constant 0 : i32
    %dma_wait3A_426 = tpu.memref_slice %arg2[%add3A_384, %dma_wait3A_425] : memref<512x4096xi32, #tpu.memory_space<hbm>> -> memref<1x4096xi32, #tpu.memory_space<hbm>>
    %dma_wait3A_427 = tpu.memref_squeeze %dma_wait3A_426 : memref<1x4096xi32, #tpu.memory_space<hbm>> -> memref<4096xi32, #tpu.memory_space<hbm>>
    %dma_wait3A_428 = arith.constant 0 : i32
    %dma_wait3A_429 = tpu.memref_slice %arg6[%dma_wait3A_428] : memref<8192xi32, #tpu.memory_space<vmem>> -> memref<4096xi32, #tpu.memory_space<vmem>>
    %dma_wait3A_430 = arith.constant 0 : i32
    %dma_wait3A_431 = tpu.memref_slice %arg2[%add3A_384, %dma_wait3A_430] : memref<512x4096xi32, #tpu.memory_space<hbm>> -> memref<1x4096xi32, #tpu.memory_space<hbm>>
    %dma_wait3A_432 = tpu.memref_squeeze %dma_wait3A_431 : memref<1x4096xi32, #tpu.memory_space<hbm>> -> memref<4096xi32, #tpu.memory_space<hbm>>
    tpu.wait_dma2 semaphore(%arg11 : memref<!tpu.dma_semaphore, #tpu.memory_space<semaphore_mem>>) src(%dma_wait3A_432 : memref<4096xi32, #tpu.memory_space<hbm>>) dst(%dma_wait3A_429 : memref<4096xi32, #tpu.memory_space<vmem>>)
    %parallel_loop3A_433 = arith.constant 0 : i32
    %parallel_loop3A_434 = arith.constant 256 : i32
    %parallel_loop3A_435 = arith.constant 1 : i32
    %parallel_loop3A_436 = arith.constant 4095 : i32
    scf.for %parallel_loop3A_913 = %parallel_loop3A_433 to %parallel_loop3A_434 step %parallel_loop3A_435  : i32 {
      %parallel_loop3A_914 = arith.constant 16 : i32
      %parallel_loop3A_915 = arith.muli %parallel_loop3A_913, %parallel_loop3A_914 : i32
      %parallel_loop3A_916 = arith.constant 0 : i32
      %parallel_loop3A_917 = arith.addi %parallel_loop3A_916, %parallel_loop3A_915 : i32
      %parallel_loop3A_918 = arith.index_cast %parallel_loop3A_917 : i32 to index
      %parallel_loop3A_919 = tpu.vector_load %arg6[%parallel_loop3A_918] {strides = array<i32>} : memref<8192xi32, #tpu.memory_space<vmem>>, vector<16xi32>,
      %parallel_loop3A_920 = arith.constant 16 : i32
      %parallel_loop3A_921 = arith.muli %parallel_loop3A_913, %parallel_loop3A_920 : i32
      %parallel_loop3A_922 = arith.constant 14 : i32
      %parallel_loop3A_923 = arith.addi %parallel_loop3A_921, %parallel_loop3A_922 : i32
      %parallel_loop3A_924 = vector.broadcast %parallel_loop3A_923 : i32 to vector<16xi32>
      %parallel_loop3A_925 = arith.addi %parallel_loop3A_924, %iota3A : vector<16xi32>
      %parallel_loop3A_926 = vector.broadcast %parallel_loop3A_436 : i32 to vector<16xi32>
      %parallel_loop3A_927 = arith.andi %parallel_loop3A_925, %parallel_loop3A_926 : vector<16xi32>
      %parallel_loop3A_928 = arith.constant 57344 : i32
      %parallel_loop3A_929 = vector.broadcast %parallel_loop3A_928 : i32 to vector<16xi32>
      %parallel_loop3A_930 = arith.addi %parallel_loop3A_929, %parallel_loop3A_927 : vector<16xi32>
      tpu.vector_store_idx %arg5[%parallel_loop3A_930], %parallel_loop3A_919 : memref<65536xi32, #tpu.memory_space<vmem>>[vector<16xi32>], vector<16xi32>,
    } {sc.loop_unroll_factor = 8 : i64, sc.parallel_access}
    %dma_wait3A_437 = arith.constant 4096 : i32
    %dma_wait3A_438 = tpu.memref_slice %arg6[%dma_wait3A_437] : memref<8192xi32, #tpu.memory_space<vmem>> -> memref<4096xi32, #tpu.memory_space<vmem>>
    %dma_wait3A_439 = arith.constant 0 : i32
    %dma_wait3A_440 = tpu.memref_slice %arg2[%add3A_412, %dma_wait3A_439] : memref<512x4096xi32, #tpu.memory_space<hbm>> -> memref<1x4096xi32, #tpu.memory_space<hbm>>
    %dma_wait3A_441 = tpu.memref_squeeze %dma_wait3A_440 : memref<1x4096xi32, #tpu.memory_space<hbm>> -> memref<4096xi32, #tpu.memory_space<hbm>>
    %dma_wait3A_442 = arith.constant 4096 : i32
    %dma_wait3A_443 = tpu.memref_slice %arg6[%dma_wait3A_442] : memref<8192xi32, #tpu.memory_space<vmem>> -> memref<4096xi32, #tpu.memory_space<vmem>>
    %dma_wait3A_444 = arith.constant 0 : i32
    %dma_wait3A_445 = tpu.memref_slice %arg2[%add3A_412, %dma_wait3A_444] : memref<512x4096xi32, #tpu.memory_space<hbm>> -> memref<1x4096xi32, #tpu.memory_space<hbm>>
    %dma_wait3A_446 = tpu.memref_squeeze %dma_wait3A_445 : memref<1x4096xi32, #tpu.memory_space<hbm>> -> memref<4096xi32, #tpu.memory_space<hbm>>
    tpu.wait_dma2 semaphore(%arg12 : memref<!tpu.dma_semaphore, #tpu.memory_space<semaphore_mem>>) src(%dma_wait3A_446 : memref<4096xi32, #tpu.memory_space<hbm>>) dst(%dma_wait3A_443 : memref<4096xi32, #tpu.memory_space<vmem>>)
    %parallel_loop3A_447 = arith.constant 0 : i32
    %parallel_loop3A_448 = arith.constant 256 : i32
    %parallel_loop3A_449 = arith.constant 1 : i32
    %parallel_loop3A_450 = arith.constant 4095 : i32
    scf.for %parallel_loop3A_913 = %parallel_loop3A_447 to %parallel_loop3A_448 step %parallel_loop3A_449  : i32 {
      %parallel_loop3A_914 = arith.constant 16 : i32
      %parallel_loop3A_915 = arith.muli %parallel_loop3A_913, %parallel_loop3A_914 : i32
      %parallel_loop3A_916 = arith.constant 4096 : i32
      %parallel_loop3A_917 = arith.addi %parallel_loop3A_916, %parallel_loop3A_915 : i32
      %parallel_loop3A_918 = arith.index_cast %parallel_loop3A_917 : i32 to index
      %parallel_loop3A_919 = tpu.vector_load %arg6[%parallel_loop3A_918] {strides = array<i32>} : memref<8192xi32, #tpu.memory_space<vmem>>, vector<16xi32>,
      %parallel_loop3A_920 = arith.constant 16 : i32
      %parallel_loop3A_921 = arith.muli %parallel_loop3A_913, %parallel_loop3A_920 : i32
      %parallel_loop3A_922 = arith.constant 15 : i32
      %parallel_loop3A_923 = arith.addi %parallel_loop3A_921, %parallel_loop3A_922 : i32
      %parallel_loop3A_924 = vector.broadcast %parallel_loop3A_923 : i32 to vector<16xi32>
      %parallel_loop3A_925 = arith.addi %parallel_loop3A_924, %iota3A : vector<16xi32>
      %parallel_loop3A_926 = vector.broadcast %parallel_loop3A_450 : i32 to vector<16xi32>
      %parallel_loop3A_927 = arith.andi %parallel_loop3A_925, %parallel_loop3A_926 : vector<16xi32>
      %parallel_loop3A_928 = arith.constant 61440 : i32
      %parallel_loop3A_929 = vector.broadcast %parallel_loop3A_928 : i32 to vector<16xi32>
      %parallel_loop3A_930 = arith.addi %parallel_loop3A_929, %parallel_loop3A_927 : vector<16xi32>
      tpu.vector_store_idx %arg5[%parallel_loop3A_930], %parallel_loop3A_919 : memref<65536xi32, #tpu.memory_space<vmem>>[vector<16xi32>], vector<16xi32>,
    } {sc.loop_unroll_factor = 8 : i64, sc.parallel_access}
    %parallel_loop3A_451 = arith.constant 0 : i32
    %parallel_loop3A_452 = arith.constant 1056 : i32
    %parallel_loop3A_453 = arith.constant 1 : i32
    scf.for %parallel_loop3A_913 = %parallel_loop3A_451 to %parallel_loop3A_452 step %parallel_loop3A_453  : i32 {
      %parallel_loop3A_914 = arith.constant 16 : i32
      %parallel_loop3A_915 = arith.muli %parallel_loop3A_913, %parallel_loop3A_914 : i32
      %parallel_loop3A_916 = arith.index_cast %parallel_loop3A_915 : i32 to index
      %parallel_loop3A_917 = tpu.vector_load %arg8[%parallel_loop3A_916] {strides = array<i32>} : memref<16896xi32, #tpu.memory_space<vmem>>, vector<16xi32>,
      tpu.vector_store %arg8[%parallel_loop3A_916], %broadcast_in_dim3A_5 {strides = array<i32>} : memref<16896xi32, #tpu.memory_space<vmem>>, vector<16xi32>,
    } {sc.loop_unroll_factor = 8 : i64, sc.parallel_access}
    %parallel_loop3A_454 = arith.constant 0 : i32
    %parallel_loop3A_455 = arith.constant 1024 : i32
    %parallel_loop3A_456 = arith.constant 1 : i32
    scf.for %parallel_loop3A_913 = %parallel_loop3A_454 to %parallel_loop3A_455 step %parallel_loop3A_456  : i32 {
      %parallel_loop3A_914 = arith.constant 16 : i32
      %parallel_loop3A_915 = arith.muli %parallel_loop3A_913, %parallel_loop3A_914 : i32
      %parallel_loop3A_916 = arith.index_cast %parallel_loop3A_915 : i32 to index
      %parallel_loop3A_917 = tpu.vector_load %arg9[%parallel_loop3A_916] {strides = array<i32>} : memref<16384xi32, #tpu.memory_space<vmem>>, vector<16xi32>,
      tpu.vector_store %arg9[%parallel_loop3A_916], %broadcast_in_dim3A_5 {strides = array<i32>} : memref<16384xi32, #tpu.memory_space<vmem>>, vector<16xi32>,
    } {sc.loop_unroll_factor = 8 : i64, sc.parallel_access}
    %parallel_loop3A_457 = arith.constant 0 : i32
    %parallel_loop3A_458 = arith.constant 1024 : i32
    %parallel_loop3A_459 = arith.constant 1 : i32
    scf.for %parallel_loop3A_913 = %parallel_loop3A_457 to %parallel_loop3A_458 step %parallel_loop3A_459  : i32 {
      %parallel_loop3A_914 = arith.constant 16 : i32
      %parallel_loop3A_915 = arith.muli %parallel_loop3A_913, %parallel_loop3A_914 : i32
      %parallel_loop3A_916 = arith.index_cast %parallel_loop3A_915 : i32 to index
      %parallel_loop3A_917 = tpu.vector_load %arg10[%parallel_loop3A_916] {strides = array<i32>} : memref<16384xi32, #tpu.memory_space<vmem>>, vector<16xi32>,
      tpu.vector_store %arg10[%parallel_loop3A_916], %broadcast_in_dim3A_5 {strides = array<i32>} : memref<16384xi32, #tpu.memory_space<vmem>>, vector<16xi32>,
    } {sc.loop_unroll_factor = 8 : i64, sc.parallel_access}
    %parallel_loop3A_460 = arith.constant 0 : i32
    %parallel_loop3A_461 = arith.constant 4096 : i32
    %parallel_loop3A_462 = arith.constant 1 : i32
    %parallel_loop3A_463 = arith.constant 4095 : i32
    scf.for %parallel_loop3A_913 = %parallel_loop3A_460 to %parallel_loop3A_461 step %parallel_loop3A_462  : i32 {
      %parallel_loop3A_914 = vector.broadcast %parallel_loop3A_913 : i32 to vector<16xi32>
      %parallel_loop3A_915 = arith.addi %parallel_loop3A_914, %iota3A : vector<16xi32>
      %parallel_loop3A_916 = vector.broadcast %parallel_loop3A_463 : i32 to vector<16xi32>
      %parallel_loop3A_917 = arith.andi %parallel_loop3A_915, %parallel_loop3A_916 : vector<16xi32>
      %parallel_loop3A_918 = arith.addi %mul3A_8, %parallel_loop3A_917 : vector<16xi32>
      %parallel_loop3A_919 = tpu.vector_load_idx %arg5[%parallel_loop3A_918] : memref<65536xi32, #tpu.memory_space<vmem>>[vector<16xi32>], vector<16xi32>,
      %parallel_loop3A_920 = arith.constant 0 : i32
      %parallel_loop3A_921 = vector.broadcast %parallel_loop3A_920 : i32 to vector<16xi32>
      %parallel_loop3A_922 = arith.cmpi sge, %parallel_loop3A_919, %parallel_loop3A_921 : vector<16xi32>
      %parallel_loop3A_923 = arith.constant 20 : i32
      %parallel_loop3A_924 = vector.broadcast %parallel_loop3A_923 : i32 to vector<16xi32>
      %parallel_loop3A_925 = arith.shrsi %parallel_loop3A_919, %parallel_loop3A_924 : vector<16xi32>
      %parallel_loop3A_926 = arith.constant 0 : i32
      %parallel_loop3A_927 = arith.constant 1055 : i32
      %parallel_loop3A_928 = vector.broadcast %parallel_loop3A_926 : i32 to vector<16xi32>
      %parallel_loop3A_929 = arith.maxsi %parallel_loop3A_928, %parallel_loop3A_925 : vector<16xi32>
      %parallel_loop3A_930 = vector.broadcast %parallel_loop3A_927 : i32 to vector<16xi32>
      %parallel_loop3A_931 = arith.minsi %parallel_loop3A_930, %parallel_loop3A_929 : vector<16xi32>
      %parallel_loop3A_932 = arith.constant 16 : i32
      %parallel_loop3A_933 = vector.broadcast %parallel_loop3A_932 : i32 to vector<16xi32>
      %parallel_loop3A_934 = arith.muli %parallel_loop3A_931, %parallel_loop3A_933 : vector<16xi32>
      %parallel_loop3A_935 = arith.addi %parallel_loop3A_934, %iota3A : vector<16xi32>
      tpu.vector_store_idx %arg8[%parallel_loop3A_935], %broadcast_in_dim3A_3 masked %parallel_loop3A_922 {add = true} : memref<16896xi32, #tpu.memory_space<vmem>>[vector<16xi32>], vector<16xi32>, vector<16xi1>
    } {sc.loop_unroll_factor = 8 : i64, sc.parallel_access}
    %parallel_loop3A_464 = arith.constant 0 : i32
    %parallel_loop3A_465 = arith.constant 1056 : i32
    %parallel_loop3A_466 = arith.constant 1 : i32
    %parallel_loop3A_467:4 = scf.for %parallel_loop3A_913 = %parallel_loop3A_464 to %parallel_loop3A_465 step %parallel_loop3A_466 iter_args(%parallel_loop3A_914 = %broadcast_in_dim3A_5, %parallel_loop3A_915 = %broadcast_in_dim3A_5, %parallel_loop3A_916 = %broadcast_in_dim3A_5, %parallel_loop3A_917 = %broadcast_in_dim3A_5) -> (vector<16xi32>, vector<16xi32>, vector<16xi32>, vector<16xi32>)  : i32 {
      %parallel_loop3A_918 = arith.constant 1055 : i32
      %parallel_loop3A_919 = arith.subi %parallel_loop3A_918, %parallel_loop3A_913 : i32
      %parallel_loop3A_920 = arith.constant 16 : i32
      %parallel_loop3A_921 = arith.muli %parallel_loop3A_919, %parallel_loop3A_920 : i32
      %parallel_loop3A_922 = arith.index_cast %parallel_loop3A_921 : i32 to index
      %parallel_loop3A_923 = tpu.vector_load %arg8[%parallel_loop3A_922] {strides = array<i32>} : memref<16896xi32, #tpu.memory_space<vmem>>, vector<16xi32>,
      %parallel_loop3A_924 = arith.addi %parallel_loop3A_914, %parallel_loop3A_923 : vector<16xi32>
      %parallel_loop3A_925 = arith.constant 0 : i32
      %parallel_loop3A_926 = vector.broadcast %parallel_loop3A_925 : i32 to vector<16xi32>
      %parallel_loop3A_927 = arith.cmpi eq, %parallel_loop3A_917, %parallel_loop3A_926 : vector<16xi32>
      %parallel_loop3A_928 = arith.cmpi sge, %parallel_loop3A_924, %get3A_9 : vector<16xi32>
      %parallel_loop3A_929 = arith.andi %parallel_loop3A_927, %parallel_loop3A_928 : vector<16xi1>
      %parallel_loop3A_930 = vector.broadcast %parallel_loop3A_919 : i32 to vector<16xi32>
      %parallel_loop3A_931 = arith.select %parallel_loop3A_929, %parallel_loop3A_930, %parallel_loop3A_915 : vector<16xi1>, vector<16xi32>
      %parallel_loop3A_932 = arith.select %parallel_loop3A_929, %parallel_loop3A_914, %parallel_loop3A_916 : vector<16xi1>, vector<16xi32>
      %parallel_loop3A_933 = arith.select %parallel_loop3A_929, %broadcast_in_dim3A_3, %parallel_loop3A_917 : vector<16xi1>, vector<16xi32>
      scf.yield %parallel_loop3A_924, %parallel_loop3A_931, %parallel_loop3A_932, %parallel_loop3A_933 : vector<16xi32>, vector<16xi32>, vector<16xi32>, vector<16xi32>
    } {sc.loop_unroll_factor = 8 : i64, sc.parallel_access}
    %sub3A = arith.subi %get3A_9, %parallel_loop3A_467#2 : vector<16xi32>
    %parallel_loop3A_468 = arith.constant 0 : i32
    %parallel_loop3A_469 = arith.constant 4096 : i32
    %parallel_loop3A_470 = arith.constant 1 : i32
    %parallel_loop3A_471 = arith.constant 4095 : i32
    scf.for %parallel_loop3A_913 = %parallel_loop3A_468 to %parallel_loop3A_469 step %parallel_loop3A_470  : i32 {
      %parallel_loop3A_914 = vector.broadcast %parallel_loop3A_913 : i32 to vector<16xi32>
      %parallel_loop3A_915 = arith.addi %parallel_loop3A_914, %iota3A : vector<16xi32>
      %parallel_loop3A_916 = vector.broadcast %parallel_loop3A_471 : i32 to vector<16xi32>
      %parallel_loop3A_917 = arith.andi %parallel_loop3A_915, %parallel_loop3A_916 : vector<16xi32>
      %parallel_loop3A_918 = arith.addi %mul3A_8, %parallel_loop3A_917 : vector<16xi32>
      %parallel_loop3A_919 = tpu.vector_load_idx %arg5[%parallel_loop3A_918] : memref<65536xi32, #tpu.memory_space<vmem>>[vector<16xi32>], vector<16xi32>,
      %parallel_loop3A_920 = arith.constant 20 : i32
      %parallel_loop3A_921 = vector.broadcast %parallel_loop3A_920 : i32 to vector<16xi32>
      %parallel_loop3A_922 = arith.shrsi %parallel_loop3A_919, %parallel_loop3A_921 : vector<16xi32>
      %parallel_loop3A_923 = arith.constant 0 : i32
      %parallel_loop3A_924 = vector.broadcast %parallel_loop3A_923 : i32 to vector<16xi32>
      %parallel_loop3A_925 = arith.cmpi sge, %parallel_loop3A_919, %parallel_loop3A_924 : vector<16xi32>
      %parallel_loop3A_926 = arith.cmpi eq, %parallel_loop3A_922, %parallel_loop3A_467#1 : vector<16xi32>
      %parallel_loop3A_927 = arith.andi %parallel_loop3A_925, %parallel_loop3A_926 : vector<16xi1>
      %parallel_loop3A_928 = arith.constant 10 : i32
      %parallel_loop3A_929 = vector.broadcast %parallel_loop3A_928 : i32 to vector<16xi32>
      %parallel_loop3A_930 = arith.shrsi %parallel_loop3A_919, %parallel_loop3A_929 : vector<16xi32>
      %parallel_loop3A_931 = arith.constant 1023 : i32
      %parallel_loop3A_932 = vector.broadcast %parallel_loop3A_931 : i32 to vector<16xi32>
      %parallel_loop3A_933 = arith.andi %parallel_loop3A_930, %parallel_loop3A_932 : vector<16xi32>
      %parallel_loop3A_934 = arith.constant 16 : i32
      %parallel_loop3A_935 = vector.broadcast %parallel_loop3A_934 : i32 to vector<16xi32>
      %parallel_loop3A_936 = arith.muli %parallel_loop3A_933, %parallel_loop3A_935 : vector<16xi32>
      %parallel_loop3A_937 = arith.addi %parallel_loop3A_936, %iota3A : vector<16xi32>
      tpu.vector_store_idx %arg9[%parallel_loop3A_937], %broadcast_in_dim3A_3 masked %parallel_loop3A_927 {add = true} : memref<16384xi32, #tpu.memory_space<vmem>>[vector<16xi32>], vector<16xi32>, vector<16xi1>
    } {sc.loop_unroll_factor = 8 : i64, sc.parallel_access}
    %parallel_loop3A_472 = arith.constant 0 : i32
    %parallel_loop3A_473 = arith.constant 1024 : i32
    %parallel_loop3A_474 = arith.constant 1 : i32
    %parallel_loop3A_475:4 = scf.for %parallel_loop3A_913 = %parallel_loop3A_472 to %parallel_loop3A_473 step %parallel_loop3A_474 iter_args(%parallel_loop3A_914 = %broadcast_in_dim3A_5, %parallel_loop3A_915 = %broadcast_in_dim3A_5, %parallel_loop3A_916 = %broadcast_in_dim3A_5, %parallel_loop3A_917 = %broadcast_in_dim3A_5) -> (vector<16xi32>, vector<16xi32>, vector<16xi32>, vector<16xi32>)  : i32 {
      %parallel_loop3A_918 = arith.constant 1023 : i32
      %parallel_loop3A_919 = arith.subi %parallel_loop3A_918, %parallel_loop3A_913 : i32
      %parallel_loop3A_920 = arith.constant 16 : i32
      %parallel_loop3A_921 = arith.muli %parallel_loop3A_919, %parallel_loop3A_920 : i32
      %parallel_loop3A_922 = arith.index_cast %parallel_loop3A_921 : i32 to index
      %parallel_loop3A_923 = tpu.vector_load %arg9[%parallel_loop3A_922] {strides = array<i32>} : memref<16384xi32, #tpu.memory_space<vmem>>, vector<16xi32>,
      %parallel_loop3A_924 = arith.addi %parallel_loop3A_914, %parallel_loop3A_923 : vector<16xi32>
      %parallel_loop3A_925 = arith.constant 0 : i32
      %parallel_loop3A_926 = vector.broadcast %parallel_loop3A_925 : i32 to vector<16xi32>
      %parallel_loop3A_927 = arith.cmpi eq, %parallel_loop3A_917, %parallel_loop3A_926 : vector<16xi32>
      %parallel_loop3A_928 = arith.cmpi sge, %parallel_loop3A_924, %sub3A : vector<16xi32>
      %parallel_loop3A_929 = arith.andi %parallel_loop3A_927, %parallel_loop3A_928 : vector<16xi1>
      %parallel_loop3A_930 = vector.broadcast %parallel_loop3A_919 : i32 to vector<16xi32>
      %parallel_loop3A_931 = arith.select %parallel_loop3A_929, %parallel_loop3A_930, %parallel_loop3A_915 : vector<16xi1>, vector<16xi32>
      %parallel_loop3A_932 = arith.select %parallel_loop3A_929, %parallel_loop3A_914, %parallel_loop3A_916 : vector<16xi1>, vector<16xi32>
      %parallel_loop3A_933 = arith.select %parallel_loop3A_929, %broadcast_in_dim3A_3, %parallel_loop3A_917 : vector<16xi1>, vector<16xi32>
      scf.yield %parallel_loop3A_924, %parallel_loop3A_931, %parallel_loop3A_932, %parallel_loop3A_933 : vector<16xi32>, vector<16xi32>, vector<16xi32>, vector<16xi32>
    } {sc.loop_unroll_factor = 8 : i64, sc.parallel_access}
    %sub3A_476 = arith.subi %sub3A, %parallel_loop3A_475#2 : vector<16xi32>
    %parallel_loop3A_477 = arith.constant 0 : i32
    %parallel_loop3A_478 = arith.constant 4096 : i32
    %parallel_loop3A_479 = arith.constant 1 : i32
    %parallel_loop3A_480 = arith.constant 4095 : i32
    scf.for %parallel_loop3A_913 = %parallel_loop3A_477 to %parallel_loop3A_478 step %parallel_loop3A_479  : i32 {
      %parallel_loop3A_914 = vector.broadcast %parallel_loop3A_913 : i32 to vector<16xi32>
      %parallel_loop3A_915 = arith.addi %parallel_loop3A_914, %iota3A : vector<16xi32>
      %parallel_loop3A_916 = vector.broadcast %parallel_loop3A_480 : i32 to vector<16xi32>
      %parallel_loop3A_917 = arith.andi %parallel_loop3A_915, %parallel_loop3A_916 : vector<16xi32>
      %parallel_loop3A_918 = arith.addi %mul3A_8, %parallel_loop3A_917 : vector<16xi32>
      %parallel_loop3A_919 = tpu.vector_load_idx %arg5[%parallel_loop3A_918] : memref<65536xi32, #tpu.memory_space<vmem>>[vector<16xi32>], vector<16xi32>,
      %parallel_loop3A_920 = arith.constant 20 : i32
      %parallel_loop3A_921 = vector.broadcast %parallel_loop3A_920 : i32 to vector<16xi32>
      %parallel_loop3A_922 = arith.shrsi %parallel_loop3A_919, %parallel_loop3A_921 : vector<16xi32>
      %parallel_loop3A_923 = arith.constant 10 : i32
      %parallel_loop3A_924 = vector.broadcast %parallel_loop3A_923 : i32 to vector<16xi32>
      %parallel_loop3A_925 = arith.shrsi %parallel_loop3A_919, %parallel_loop3A_924 : vector<16xi32>
      %parallel_loop3A_926 = arith.constant 1023 : i32
      %parallel_loop3A_927 = vector.broadcast %parallel_loop3A_926 : i32 to vector<16xi32>
      %parallel_loop3A_928 = arith.andi %parallel_loop3A_925, %parallel_loop3A_927 : vector<16xi32>
      %parallel_loop3A_929 = arith.constant 0 : i32
      %parallel_loop3A_930 = vector.broadcast %parallel_loop3A_929 : i32 to vector<16xi32>
      %parallel_loop3A_931 = arith.cmpi sge, %parallel_loop3A_919, %parallel_loop3A_930 : vector<16xi32>
      %parallel_loop3A_932 = arith.cmpi eq, %parallel_loop3A_922, %parallel_loop3A_467#1 : vector<16xi32>
      %parallel_loop3A_933 = arith.andi %parallel_loop3A_931, %parallel_loop3A_932 : vector<16xi1>
      %parallel_loop3A_934 = arith.cmpi eq, %parallel_loop3A_928, %parallel_loop3A_475#1 : vector<16xi32>
      %parallel_loop3A_935 = arith.andi %parallel_loop3A_933, %parallel_loop3A_934 : vector<16xi1>
      %parallel_loop3A_936 = arith.constant 1023 : i32
      %parallel_loop3A_937 = vector.broadcast %parallel_loop3A_936 : i32 to vector<16xi32>
      %parallel_loop3A_938 = arith.andi %parallel_loop3A_919, %parallel_loop3A_937 : vector<16xi32>
      %parallel_loop3A_939 = arith.constant 16 : i32
      %parallel_loop3A_940 = vector.broadcast %parallel_loop3A_939 : i32 to vector<16xi32>
      %parallel_loop3A_941 = arith.muli %parallel_loop3A_938, %parallel_loop3A_940 : vector<16xi32>
      %parallel_loop3A_942 = arith.addi %parallel_loop3A_941, %iota3A : vector<16xi32>
      tpu.vector_store_idx %arg10[%parallel_loop3A_942], %broadcast_in_dim3A_3 masked %parallel_loop3A_935 {add = true} : memref<16384xi32, #tpu.memory_space<vmem>>[vector<16xi32>], vector<16xi32>, vector<16xi1>
    } {sc.loop_unroll_factor = 8 : i64, sc.parallel_access}
    %parallel_loop3A_481 = arith.constant 0 : i32
    %parallel_loop3A_482 = arith.constant 1024 : i32
    %parallel_loop3A_483 = arith.constant 1 : i32
    %parallel_loop3A_484:4 = scf.for %parallel_loop3A_913 = %parallel_loop3A_481 to %parallel_loop3A_482 step %parallel_loop3A_483 iter_args(%parallel_loop3A_914 = %broadcast_in_dim3A_5, %parallel_loop3A_915 = %broadcast_in_dim3A_5, %parallel_loop3A_916 = %broadcast_in_dim3A_5, %parallel_loop3A_917 = %broadcast_in_dim3A_5) -> (vector<16xi32>, vector<16xi32>, vector<16xi32>, vector<16xi32>)  : i32 {
      %parallel_loop3A_918 = arith.constant 1023 : i32
      %parallel_loop3A_919 = arith.subi %parallel_loop3A_918, %parallel_loop3A_913 : i32
      %parallel_loop3A_920 = arith.constant 16 : i32
      %parallel_loop3A_921 = arith.muli %parallel_loop3A_919, %parallel_loop3A_920 : i32
      %parallel_loop3A_922 = arith.index_cast %parallel_loop3A_921 : i32 to index
      %parallel_loop3A_923 = tpu.vector_load %arg10[%parallel_loop3A_922] {strides = array<i32>} : memref<16384xi32, #tpu.memory_space<vmem>>, vector<16xi32>,
      %parallel_loop3A_924 = arith.addi %parallel_loop3A_914, %parallel_loop3A_923 : vector<16xi32>
      %parallel_loop3A_925 = arith.constant 0 : i32
      %parallel_loop3A_926 = vector.broadcast %parallel_loop3A_925 : i32 to vector<16xi32>
      %parallel_loop3A_927 = arith.cmpi eq, %parallel_loop3A_917, %parallel_loop3A_926 : vector<16xi32>
      %parallel_loop3A_928 = arith.cmpi sge, %parallel_loop3A_924, %sub3A_476 : vector<16xi32>
      %parallel_loop3A_929 = arith.andi %parallel_loop3A_927, %parallel_loop3A_928 : vector<16xi1>
      %parallel_loop3A_930 = vector.broadcast %parallel_loop3A_919 : i32 to vector<16xi32>
      %parallel_loop3A_931 = arith.select %parallel_loop3A_929, %parallel_loop3A_930, %parallel_loop3A_915 : vector<16xi1>, vector<16xi32>
      %parallel_loop3A_932 = arith.select %parallel_loop3A_929, %parallel_loop3A_914, %parallel_loop3A_916 : vector<16xi1>, vector<16xi32>
      %parallel_loop3A_933 = arith.select %parallel_loop3A_929, %broadcast_in_dim3A_3, %parallel_loop3A_917 : vector<16xi1>, vector<16xi32>
      scf.yield %parallel_loop3A_924, %parallel_loop3A_931, %parallel_loop3A_932, %parallel_loop3A_933 : vector<16xi32>, vector<16xi32>, vector<16xi32>, vector<16xi32>
    } {sc.loop_unroll_factor = 8 : i64, sc.parallel_access}
    %sub3A_485 = arith.subi %sub3A_476, %parallel_loop3A_484#2 : vector<16xi32>
    %shift_left3A = arith.constant 20 : i32
    %shift_left3A_486 = vector.broadcast %shift_left3A : i32 to vector<16xi32>
    %shift_left3A_487 = arith.shli %parallel_loop3A_467#1, %shift_left3A_486 : vector<16xi32>
    %shift_left3A_488 = arith.constant 10 : i32
    %shift_left3A_489 = vector.broadcast %shift_left3A_488 : i32 to vector<16xi32>
    %shift_left3A_490 = arith.shli %parallel_loop3A_475#1, %shift_left3A_489 : vector<16xi32>
    %or3A = arith.ori %shift_left3A_490, %parallel_loop3A_484#1 : vector<16xi32>
    %or3A_491 = arith.ori %shift_left3A_487, %or3A : vector<16xi32>
    %parallel_loop3A_492 = arith.constant 0 : i32
    %parallel_loop3A_493 = arith.constant 4096 : i32
    %parallel_loop3A_494 = arith.constant 1 : i32
    %parallel_loop3A_495 = arith.constant 4095 : i32
    %parallel_loop3A_496 = scf.for %parallel_loop3A_913 = %parallel_loop3A_492 to %parallel_loop3A_493 step %parallel_loop3A_494 iter_args(%parallel_loop3A_914 = %broadcast_in_dim3A_5) -> (vector<16xi32>)  : i32 {
      %parallel_loop3A_915 = vector.broadcast %parallel_loop3A_913 : i32 to vector<16xi32>
      %parallel_loop3A_916 = arith.addi %parallel_loop3A_915, %iota3A : vector<16xi32>
      %parallel_loop3A_917 = vector.broadcast %parallel_loop3A_495 : i32 to vector<16xi32>
      %parallel_loop3A_918 = arith.andi %parallel_loop3A_916, %parallel_loop3A_917 : vector<16xi32>
      %parallel_loop3A_919 = arith.addi %mul3A_8, %parallel_loop3A_918 : vector<16xi32>
      %parallel_loop3A_920 = tpu.vector_load_idx %arg5[%parallel_loop3A_919] : memref<65536xi32, #tpu.memory_space<vmem>>[vector<16xi32>], vector<16xi32>,
      %parallel_loop3A_921 = arith.cmpi eq, %parallel_loop3A_920, %or3A_491 : vector<16xi32>
      %parallel_loop3A_922 = arith.cmpi sgt, %parallel_loop3A_920, %or3A_491 : vector<16xi32>
      %parallel_loop3A_923 = arith.cmpi slt, %parallel_loop3A_914, %sub3A_485 : vector<16xi32>
      %parallel_loop3A_924 = arith.andi %parallel_loop3A_921, %parallel_loop3A_923 : vector<16xi1>
      %parallel_loop3A_925 = arith.ori %parallel_loop3A_922, %parallel_loop3A_924 : vector<16xi1>
      %parallel_loop3A_926 = arith.constant 4 : i32
      %parallel_loop3A_927 = arith.cmpi slt, %parallel_loop3A_913, %parallel_loop3A_926 : i32
      %parallel_loop3A_928 = arith.constant 4032 : i32
      %parallel_loop3A_929 = arith.cmpi sge, %parallel_loop3A_913, %parallel_loop3A_928 : i32
      %parallel_loop3A_930 = arith.ori %parallel_loop3A_927, %parallel_loop3A_929 : i1
      %parallel_loop3A_931 = arith.extui %parallel_loop3A_925 : vector<16xi1> to vector<16xi32>
      %parallel_loop3A_932 = arith.extui %parallel_loop3A_930 : i1 to i32
      %parallel_loop3A_933 = vector.broadcast %parallel_loop3A_932 : i32 to vector<16xi32>
      %parallel_loop3A_934 = arith.ori %parallel_loop3A_931, %parallel_loop3A_933 : vector<16xi32>
      %parallel_loop3A_935 = vector.broadcast %parallel_loop3A_913 : i32 to vector<16xi32>
      %parallel_loop3A_936 = arith.addi %parallel_loop3A_935, %iota3A : vector<16xi32>
      %parallel_loop3A_937 = vector.broadcast %parallel_loop3A_495 : i32 to vector<16xi32>
      %parallel_loop3A_938 = arith.andi %parallel_loop3A_936, %parallel_loop3A_937 : vector<16xi32>
      %parallel_loop3A_939 = arith.addi %mul3A_8, %parallel_loop3A_938 : vector<16xi32>
      tpu.vector_store_idx %arg5[%parallel_loop3A_939], %parallel_loop3A_934 : memref<65536xi32, #tpu.memory_space<vmem>>[vector<16xi32>], vector<16xi32>,
      %parallel_loop3A_940 = arith.extui %parallel_loop3A_921 : vector<16xi1> to vector<16xi32>
      %parallel_loop3A_941 = arith.addi %parallel_loop3A_914, %parallel_loop3A_940 : vector<16xi32>
      scf.yield %parallel_loop3A_941 : vector<16xi32>
    } {sc.loop_unroll_factor = 8 : i64, sc.parallel_access}
    %parallel_loop3A_497 = arith.constant 0 : i32
    %parallel_loop3A_498 = arith.constant 256 : i32
    %parallel_loop3A_499 = arith.constant 1 : i32
    %parallel_loop3A_500 = arith.constant 4095 : i32
    scf.for %parallel_loop3A_913 = %parallel_loop3A_497 to %parallel_loop3A_498 step %parallel_loop3A_499  : i32 {
      %parallel_loop3A_914 = arith.constant 16 : i32
      %parallel_loop3A_915 = arith.muli %parallel_loop3A_913, %parallel_loop3A_914 : i32
      %parallel_loop3A_916 = arith.constant 0 : i32
      %parallel_loop3A_917 = arith.addi %parallel_loop3A_915, %parallel_loop3A_916 : i32
      %parallel_loop3A_918 = vector.broadcast %parallel_loop3A_917 : i32 to vector<16xi32>
      %parallel_loop3A_919 = arith.addi %parallel_loop3A_918, %iota3A : vector<16xi32>
      %parallel_loop3A_920 = vector.broadcast %parallel_loop3A_500 : i32 to vector<16xi32>
      %parallel_loop3A_921 = arith.andi %parallel_loop3A_919, %parallel_loop3A_920 : vector<16xi32>
      %parallel_loop3A_922 = arith.constant 0 : i32
      %parallel_loop3A_923 = vector.broadcast %parallel_loop3A_922 : i32 to vector<16xi32>
      %parallel_loop3A_924 = arith.addi %parallel_loop3A_923, %parallel_loop3A_921 : vector<16xi32>
      %parallel_loop3A_925 = tpu.vector_load_idx %arg5[%parallel_loop3A_924] : memref<65536xi32, #tpu.memory_space<vmem>>[vector<16xi32>], vector<16xi32>,
      %parallel_loop3A_926 = arith.constant 16 : i32
      %parallel_loop3A_927 = arith.muli %parallel_loop3A_913, %parallel_loop3A_926 : i32
      %parallel_loop3A_928 = arith.constant 0 : i32
      %parallel_loop3A_929 = arith.addi %parallel_loop3A_928, %parallel_loop3A_927 : i32
      %parallel_loop3A_930 = arith.index_cast %parallel_loop3A_929 : i32 to index
      %parallel_loop3A_931 = tpu.vector_load %arg6[%parallel_loop3A_930] {strides = array<i32>} : memref<8192xi32, #tpu.memory_space<vmem>>, vector<16xi32>,
      tpu.vector_store %arg6[%parallel_loop3A_930], %parallel_loop3A_925 {strides = array<i32>} : memref<8192xi32, #tpu.memory_space<vmem>>, vector<16xi32>,
    } {sc.loop_unroll_factor = 8 : i64, sc.parallel_access}
    %add3A_501 = arith.constant 0 : i32
    %add3A_502 = arith.addi %mul3A_2, %add3A_501 : i32
    %dma_start3A_503 = arith.constant 0 : i32
    %dma_start3A_504 = tpu.memref_slice %arg6[%dma_start3A_503] : memref<8192xi32, #tpu.memory_space<vmem>> -> memref<4096xi32, #tpu.memory_space<vmem>>
    %dma_start3A_505 = arith.constant 0 : i32
    %dma_start3A_506 = tpu.memref_slice %arg4[%add3A_502, %dma_start3A_505] : memref<512x4096xi32, #tpu.memory_space<hbm>> -> memref<1x4096xi32, #tpu.memory_space<hbm>>
    %dma_start3A_507 = tpu.memref_squeeze %dma_start3A_506 : memref<1x4096xi32, #tpu.memory_space<hbm>> -> memref<4096xi32, #tpu.memory_space<hbm>>
    %dma_start3A_508 = arith.constant 0 : i32
    %dma_start3A_509 = tpu.memref_slice %arg4[%add3A_502, %dma_start3A_508] : memref<512x4096xi32, #tpu.memory_space<hbm>> -> memref<1x4096xi32, #tpu.memory_space<hbm>>
    %dma_start3A_510 = tpu.memref_squeeze %dma_start3A_509 : memref<1x4096xi32, #tpu.memory_space<hbm>> -> memref<4096xi32, #tpu.memory_space<hbm>>
    %dma_start3A_511 = arith.constant 0 : i32
    %dma_start3A_512 = tpu.memref_slice %arg6[%dma_start3A_511] : memref<8192xi32, #tpu.memory_space<vmem>> -> memref<4096xi32, #tpu.memory_space<vmem>>
    tpu.enqueue_dma source(%dma_start3A_512 : memref<4096xi32, #tpu.memory_space<vmem>>) target(%dma_start3A_510 : memref<4096xi32, #tpu.memory_space<hbm>>) target_semaphore(%arg11 : memref<!tpu.dma_semaphore, #tpu.memory_space<semaphore_mem>>)
    %parallel_loop3A_513 = arith.constant 0 : i32
    %parallel_loop3A_514 = arith.constant 256 : i32
    %parallel_loop3A_515 = arith.constant 1 : i32
    %parallel_loop3A_516 = arith.constant 4095 : i32
    scf.for %parallel_loop3A_913 = %parallel_loop3A_513 to %parallel_loop3A_514 step %parallel_loop3A_515  : i32 {
      %parallel_loop3A_914 = arith.constant 16 : i32
      %parallel_loop3A_915 = arith.muli %parallel_loop3A_913, %parallel_loop3A_914 : i32
      %parallel_loop3A_916 = arith.constant 1 : i32
      %parallel_loop3A_917 = arith.addi %parallel_loop3A_915, %parallel_loop3A_916 : i32
      %parallel_loop3A_918 = vector.broadcast %parallel_loop3A_917 : i32 to vector<16xi32>
      %parallel_loop3A_919 = arith.addi %parallel_loop3A_918, %iota3A : vector<16xi32>
      %parallel_loop3A_920 = vector.broadcast %parallel_loop3A_516 : i32 to vector<16xi32>
      %parallel_loop3A_921 = arith.andi %parallel_loop3A_919, %parallel_loop3A_920 : vector<16xi32>
      %parallel_loop3A_922 = arith.constant 4096 : i32
      %parallel_loop3A_923 = vector.broadcast %parallel_loop3A_922 : i32 to vector<16xi32>
      %parallel_loop3A_924 = arith.addi %parallel_loop3A_923, %parallel_loop3A_921 : vector<16xi32>
      %parallel_loop3A_925 = tpu.vector_load_idx %arg5[%parallel_loop3A_924] : memref<65536xi32, #tpu.memory_space<vmem>>[vector<16xi32>], vector<16xi32>,
      %parallel_loop3A_926 = arith.constant 16 : i32
      %parallel_loop3A_927 = arith.muli %parallel_loop3A_913, %parallel_loop3A_926 : i32
      %parallel_loop3A_928 = arith.constant 4096 : i32
      %parallel_loop3A_929 = arith.addi %parallel_loop3A_928, %parallel_loop3A_927 : i32
      %parallel_loop3A_930 = arith.index_cast %parallel_loop3A_929 : i32 to index
      %parallel_loop3A_931 = tpu.vector_load %arg6[%parallel_loop3A_930] {strides = array<i32>} : memref<8192xi32, #tpu.memory_space<vmem>>, vector<16xi32>,
      tpu.vector_store %arg6[%parallel_loop3A_930], %parallel_loop3A_925 {strides = array<i32>} : memref<8192xi32, #tpu.memory_space<vmem>>, vector<16xi32>,
    } {sc.loop_unroll_factor = 8 : i64, sc.parallel_access}
    %add3A_517 = arith.constant 1 : i32
    %add3A_518 = arith.addi %mul3A_2, %add3A_517 : i32
    %dma_start3A_519 = arith.constant 4096 : i32
    %dma_start3A_520 = tpu.memref_slice %arg6[%dma_start3A_519] : memref<8192xi32, #tpu.memory_space<vmem>> -> memref<4096xi32, #tpu.memory_space<vmem>>
    %dma_start3A_521 = arith.constant 0 : i32
    %dma_start3A_522 = tpu.memref_slice %arg4[%add3A_518, %dma_start3A_521] : memref<512x4096xi32, #tpu.memory_space<hbm>> -> memref<1x4096xi32, #tpu.memory_space<hbm>>
    %dma_start3A_523 = tpu.memref_squeeze %dma_start3A_522 : memref<1x4096xi32, #tpu.memory_space<hbm>> -> memref<4096xi32, #tpu.memory_space<hbm>>
    %dma_start3A_524 = arith.constant 0 : i32
    %dma_start3A_525 = tpu.memref_slice %arg4[%add3A_518, %dma_start3A_524] : memref<512x4096xi32, #tpu.memory_space<hbm>> -> memref<1x4096xi32, #tpu.memory_space<hbm>>
    %dma_start3A_526 = tpu.memref_squeeze %dma_start3A_525 : memref<1x4096xi32, #tpu.memory_space<hbm>> -> memref<4096xi32, #tpu.memory_space<hbm>>
    %dma_start3A_527 = arith.constant 4096 : i32
    %dma_start3A_528 = tpu.memref_slice %arg6[%dma_start3A_527] : memref<8192xi32, #tpu.memory_space<vmem>> -> memref<4096xi32, #tpu.memory_space<vmem>>
    tpu.enqueue_dma source(%dma_start3A_528 : memref<4096xi32, #tpu.memory_space<vmem>>) target(%dma_start3A_526 : memref<4096xi32, #tpu.memory_space<hbm>>) target_semaphore(%arg12 : memref<!tpu.dma_semaphore, #tpu.memory_space<semaphore_mem>>)
    %dma_wait3A_529 = arith.constant 0 : i32
    %dma_wait3A_530 = tpu.memref_slice %arg6[%dma_wait3A_529] : memref<8192xi32, #tpu.memory_space<vmem>> -> memref<4096xi32, #tpu.memory_space<vmem>>
    %dma_wait3A_531 = arith.constant 0 : i32
    %dma_wait3A_532 = tpu.memref_slice %arg4[%add3A_502, %dma_wait3A_531] : memref<512x4096xi32, #tpu.memory_space<hbm>> -> memref<1x4096xi32, #tpu.memory_space<hbm>>
    %dma_wait3A_533 = tpu.memref_squeeze %dma_wait3A_532 : memref<1x4096xi32, #tpu.memory_space<hbm>> -> memref<4096xi32, #tpu.memory_space<hbm>>
    %dma_wait3A_534 = arith.constant 0 : i32
    %dma_wait3A_535 = tpu.memref_slice %arg4[%add3A_502, %dma_wait3A_534] : memref<512x4096xi32, #tpu.memory_space<hbm>> -> memref<1x4096xi32, #tpu.memory_space<hbm>>
    %dma_wait3A_536 = tpu.memref_squeeze %dma_wait3A_535 : memref<1x4096xi32, #tpu.memory_space<hbm>> -> memref<4096xi32, #tpu.memory_space<hbm>>
    %dma_wait3A_537 = arith.constant 0 : i32
    %dma_wait3A_538 = tpu.memref_slice %arg6[%dma_wait3A_537] : memref<8192xi32, #tpu.memory_space<vmem>> -> memref<4096xi32, #tpu.memory_space<vmem>>
    tpu.wait_dma2 semaphore(%arg11 : memref<!tpu.dma_semaphore, #tpu.memory_space<semaphore_mem>>) src(%dma_wait3A_538 : memref<4096xi32, #tpu.memory_space<vmem>>) dst(%dma_wait3A_536 : memref<4096xi32, #tpu.memory_space<hbm>>)
    %parallel_loop3A_539 = arith.constant 0 : i32
    %parallel_loop3A_540 = arith.constant 256 : i32
    %parallel_loop3A_541 = arith.constant 1 : i32
    %parallel_loop3A_542 = arith.constant 4095 : i32
    scf.for %parallel_loop3A_913 = %parallel_loop3A_539 to %parallel_loop3A_540 step %parallel_loop3A_541  : i32 {
      %parallel_loop3A_914 = arith.constant 16 : i32
      %parallel_loop3A_915 = arith.muli %parallel_loop3A_913, %parallel_loop3A_914 : i32
      %parallel_loop3A_916 = arith.constant 2 : i32
      %parallel_loop3A_917 = arith.addi %parallel_loop3A_915, %parallel_loop3A_916 : i32
      %parallel_loop3A_918 = vector.broadcast %parallel_loop3A_917 : i32 to vector<16xi32>
      %parallel_loop3A_919 = arith.addi %parallel_loop3A_918, %iota3A : vector<16xi32>
      %parallel_loop3A_920 = vector.broadcast %parallel_loop3A_542 : i32 to vector<16xi32>
      %parallel_loop3A_921 = arith.andi %parallel_loop3A_919, %parallel_loop3A_920 : vector<16xi32>
      %parallel_loop3A_922 = arith.constant 8192 : i32
      %parallel_loop3A_923 = vector.broadcast %parallel_loop3A_922 : i32 to vector<16xi32>
      %parallel_loop3A_924 = arith.addi %parallel_loop3A_923, %parallel_loop3A_921 : vector<16xi32>
      %parallel_loop3A_925 = tpu.vector_load_idx %arg5[%parallel_loop3A_924] : memref<65536xi32, #tpu.memory_space<vmem>>[vector<16xi32>], vector<16xi32>,
      %parallel_loop3A_926 = arith.constant 16 : i32
      %parallel_loop3A_927 = arith.muli %parallel_loop3A_913, %parallel_loop3A_926 : i32
      %parallel_loop3A_928 = arith.constant 0 : i32
      %parallel_loop3A_929 = arith.addi %parallel_loop3A_928, %parallel_loop3A_927 : i32
      %parallel_loop3A_930 = arith.index_cast %parallel_loop3A_929 : i32 to index
      %parallel_loop3A_931 = tpu.vector_load %arg6[%parallel_loop3A_930] {strides = array<i32>} : memref<8192xi32, #tpu.memory_space<vmem>>, vector<16xi32>,
      tpu.vector_store %arg6[%parallel_loop3A_930], %parallel_loop3A_925 {strides = array<i32>} : memref<8192xi32, #tpu.memory_space<vmem>>, vector<16xi32>,
    } {sc.loop_unroll_factor = 8 : i64, sc.parallel_access}
    %add3A_543 = arith.constant 2 : i32
    %add3A_544 = arith.addi %mul3A_2, %add3A_543 : i32
    %dma_start3A_545 = arith.constant 0 : i32
    %dma_start3A_546 = tpu.memref_slice %arg6[%dma_start3A_545] : memref<8192xi32, #tpu.memory_space<vmem>> -> memref<4096xi32, #tpu.memory_space<vmem>>
    %dma_start3A_547 = arith.constant 0 : i32
    %dma_start3A_548 = tpu.memref_slice %arg4[%add3A_544, %dma_start3A_547] : memref<512x4096xi32, #tpu.memory_space<hbm>> -> memref<1x4096xi32, #tpu.memory_space<hbm>>
    %dma_start3A_549 = tpu.memref_squeeze %dma_start3A_548 : memref<1x4096xi32, #tpu.memory_space<hbm>> -> memref<4096xi32, #tpu.memory_space<hbm>>
    %dma_start3A_550 = arith.constant 0 : i32
    %dma_start3A_551 = tpu.memref_slice %arg4[%add3A_544, %dma_start3A_550] : memref<512x4096xi32, #tpu.memory_space<hbm>> -> memref<1x4096xi32, #tpu.memory_space<hbm>>
    %dma_start3A_552 = tpu.memref_squeeze %dma_start3A_551 : memref<1x4096xi32, #tpu.memory_space<hbm>> -> memref<4096xi32, #tpu.memory_space<hbm>>
    %dma_start3A_553 = arith.constant 0 : i32
    %dma_start3A_554 = tpu.memref_slice %arg6[%dma_start3A_553] : memref<8192xi32, #tpu.memory_space<vmem>> -> memref<4096xi32, #tpu.memory_space<vmem>>
    tpu.enqueue_dma source(%dma_start3A_554 : memref<4096xi32, #tpu.memory_space<vmem>>) target(%dma_start3A_552 : memref<4096xi32, #tpu.memory_space<hbm>>) target_semaphore(%arg11 : memref<!tpu.dma_semaphore, #tpu.memory_space<semaphore_mem>>)
    %dma_wait3A_555 = arith.constant 4096 : i32
    %dma_wait3A_556 = tpu.memref_slice %arg6[%dma_wait3A_555] : memref<8192xi32, #tpu.memory_space<vmem>> -> memref<4096xi32, #tpu.memory_space<vmem>>
    %dma_wait3A_557 = arith.constant 0 : i32
    %dma_wait3A_558 = tpu.memref_slice %arg4[%add3A_518, %dma_wait3A_557] : memref<512x4096xi32, #tpu.memory_space<hbm>> -> memref<1x4096xi32, #tpu.memory_space<hbm>>
    %dma_wait3A_559 = tpu.memref_squeeze %dma_wait3A_558 : memref<1x4096xi32, #tpu.memory_space<hbm>> -> memref<4096xi32, #tpu.memory_space<hbm>>
    %dma_wait3A_560 = arith.constant 0 : i32
    %dma_wait3A_561 = tpu.memref_slice %arg4[%add3A_518, %dma_wait3A_560] : memref<512x4096xi32, #tpu.memory_space<hbm>> -> memref<1x4096xi32, #tpu.memory_space<hbm>>
    %dma_wait3A_562 = tpu.memref_squeeze %dma_wait3A_561 : memref<1x4096xi32, #tpu.memory_space<hbm>> -> memref<4096xi32, #tpu.memory_space<hbm>>
    %dma_wait3A_563 = arith.constant 4096 : i32
    %dma_wait3A_564 = tpu.memref_slice %arg6[%dma_wait3A_563] : memref<8192xi32, #tpu.memory_space<vmem>> -> memref<4096xi32, #tpu.memory_space<vmem>>
    tpu.wait_dma2 semaphore(%arg12 : memref<!tpu.dma_semaphore, #tpu.memory_space<semaphore_mem>>) src(%dma_wait3A_564 : memref<4096xi32, #tpu.memory_space<vmem>>) dst(%dma_wait3A_562 : memref<4096xi32, #tpu.memory_space<hbm>>)
    %parallel_loop3A_565 = arith.constant 0 : i32
    %parallel_loop3A_566 = arith.constant 256 : i32
    %parallel_loop3A_567 = arith.constant 1 : i32
    %parallel_loop3A_568 = arith.constant 4095 : i32
    scf.for %parallel_loop3A_913 = %parallel_loop3A_565 to %parallel_loop3A_566 step %parallel_loop3A_567  : i32 {
      %parallel_loop3A_914 = arith.constant 16 : i32
      %parallel_loop3A_915 = arith.muli %parallel_loop3A_913, %parallel_loop3A_914 : i32
      %parallel_loop3A_916 = arith.constant 3 : i32
      %parallel_loop3A_917 = arith.addi %parallel_loop3A_915, %parallel_loop3A_916 : i32
      %parallel_loop3A_918 = vector.broadcast %parallel_loop3A_917 : i32 to vector<16xi32>
      %parallel_loop3A_919 = arith.addi %parallel_loop3A_918, %iota3A : vector<16xi32>
      %parallel_loop3A_920 = vector.broadcast %parallel_loop3A_568 : i32 to vector<16xi32>
      %parallel_loop3A_921 = arith.andi %parallel_loop3A_919, %parallel_loop3A_920 : vector<16xi32>
      %parallel_loop3A_922 = arith.constant 12288 : i32
      %parallel_loop3A_923 = vector.broadcast %parallel_loop3A_922 : i32 to vector<16xi32>
      %parallel_loop3A_924 = arith.addi %parallel_loop3A_923, %parallel_loop3A_921 : vector<16xi32>
      %parallel_loop3A_925 = tpu.vector_load_idx %arg5[%parallel_loop3A_924] : memref<65536xi32, #tpu.memory_space<vmem>>[vector<16xi32>], vector<16xi32>,
      %parallel_loop3A_926 = arith.constant 16 : i32
      %parallel_loop3A_927 = arith.muli %parallel_loop3A_913, %parallel_loop3A_926 : i32
      %parallel_loop3A_928 = arith.constant 4096 : i32
      %parallel_loop3A_929 = arith.addi %parallel_loop3A_928, %parallel_loop3A_927 : i32
      %parallel_loop3A_930 = arith.index_cast %parallel_loop3A_929 : i32 to index
      %parallel_loop3A_931 = tpu.vector_load %arg6[%parallel_loop3A_930] {strides = array<i32>} : memref<8192xi32, #tpu.memory_space<vmem>>, vector<16xi32>,
      tpu.vector_store %arg6[%parallel_loop3A_930], %parallel_loop3A_925 {strides = array<i32>} : memref<8192xi32, #tpu.memory_space<vmem>>, vector<16xi32>,
    } {sc.loop_unroll_factor = 8 : i64, sc.parallel_access}
    %add3A_569 = arith.constant 3 : i32
    %add3A_570 = arith.addi %mul3A_2, %add3A_569 : i32
    %dma_start3A_571 = arith.constant 4096 : i32
    %dma_start3A_572 = tpu.memref_slice %arg6[%dma_start3A_571] : memref<8192xi32, #tpu.memory_space<vmem>> -> memref<4096xi32, #tpu.memory_space<vmem>>
    %dma_start3A_573 = arith.constant 0 : i32
    %dma_start3A_574 = tpu.memref_slice %arg4[%add3A_570, %dma_start3A_573] : memref<512x4096xi32, #tpu.memory_space<hbm>> -> memref<1x4096xi32, #tpu.memory_space<hbm>>
    %dma_start3A_575 = tpu.memref_squeeze %dma_start3A_574 : memref<1x4096xi32, #tpu.memory_space<hbm>> -> memref<4096xi32, #tpu.memory_space<hbm>>
    %dma_start3A_576 = arith.constant 0 : i32
    %dma_start3A_577 = tpu.memref_slice %arg4[%add3A_570, %dma_start3A_576] : memref<512x4096xi32, #tpu.memory_space<hbm>> -> memref<1x4096xi32, #tpu.memory_space<hbm>>
    %dma_start3A_578 = tpu.memref_squeeze %dma_start3A_577 : memref<1x4096xi32, #tpu.memory_space<hbm>> -> memref<4096xi32, #tpu.memory_space<hbm>>
    %dma_start3A_579 = arith.constant 4096 : i32
    %dma_start3A_580 = tpu.memref_slice %arg6[%dma_start3A_579] : memref<8192xi32, #tpu.memory_space<vmem>> -> memref<4096xi32, #tpu.memory_space<vmem>>
    tpu.enqueue_dma source(%dma_start3A_580 : memref<4096xi32, #tpu.memory_space<vmem>>) target(%dma_start3A_578 : memref<4096xi32, #tpu.memory_space<hbm>>) target_semaphore(%arg12 : memref<!tpu.dma_semaphore, #tpu.memory_space<semaphore_mem>>)
    %dma_wait3A_581 = arith.constant 0 : i32
    %dma_wait3A_582 = tpu.memref_slice %arg6[%dma_wait3A_581] : memref<8192xi32, #tpu.memory_space<vmem>> -> memref<4096xi32, #tpu.memory_space<vmem>>
    %dma_wait3A_583 = arith.constant 0 : i32
    %dma_wait3A_584 = tpu.memref_slice %arg4[%add3A_544, %dma_wait3A_583] : memref<512x4096xi32, #tpu.memory_space<hbm>> -> memref<1x4096xi32, #tpu.memory_space<hbm>>
    %dma_wait3A_585 = tpu.memref_squeeze %dma_wait3A_584 : memref<1x4096xi32, #tpu.memory_space<hbm>> -> memref<4096xi32, #tpu.memory_space<hbm>>
    %dma_wait3A_586 = arith.constant 0 : i32
    %dma_wait3A_587 = tpu.memref_slice %arg4[%add3A_544, %dma_wait3A_586] : memref<512x4096xi32, #tpu.memory_space<hbm>> -> memref<1x4096xi32, #tpu.memory_space<hbm>>
    %dma_wait3A_588 = tpu.memref_squeeze %dma_wait3A_587 : memref<1x4096xi32, #tpu.memory_space<hbm>> -> memref<4096xi32, #tpu.memory_space<hbm>>
    %dma_wait3A_589 = arith.constant 0 : i32
    %dma_wait3A_590 = tpu.memref_slice %arg6[%dma_wait3A_589] : memref<8192xi32, #tpu.memory_space<vmem>> -> memref<4096xi32, #tpu.memory_space<vmem>>
    tpu.wait_dma2 semaphore(%arg11 : memref<!tpu.dma_semaphore, #tpu.memory_space<semaphore_mem>>) src(%dma_wait3A_590 : memref<4096xi32, #tpu.memory_space<vmem>>) dst(%dma_wait3A_588 : memref<4096xi32, #tpu.memory_space<hbm>>)
    %parallel_loop3A_591 = arith.constant 0 : i32
    %parallel_loop3A_592 = arith.constant 256 : i32
    %parallel_loop3A_593 = arith.constant 1 : i32
    %parallel_loop3A_594 = arith.constant 4095 : i32
    scf.for %parallel_loop3A_913 = %parallel_loop3A_591 to %parallel_loop3A_592 step %parallel_loop3A_593  : i32 {
      %parallel_loop3A_914 = arith.constant 16 : i32
      %parallel_loop3A_915 = arith.muli %parallel_loop3A_913, %parallel_loop3A_914 : i32
      %parallel_loop3A_916 = arith.constant 4 : i32
      %parallel_loop3A_917 = arith.addi %parallel_loop3A_915, %parallel_loop3A_916 : i32
      %parallel_loop3A_918 = vector.broadcast %parallel_loop3A_917 : i32 to vector<16xi32>
      %parallel_loop3A_919 = arith.addi %parallel_loop3A_918, %iota3A : vector<16xi32>
      %parallel_loop3A_920 = vector.broadcast %parallel_loop3A_594 : i32 to vector<16xi32>
      %parallel_loop3A_921 = arith.andi %parallel_loop3A_919, %parallel_loop3A_920 : vector<16xi32>
      %parallel_loop3A_922 = arith.constant 16384 : i32
      %parallel_loop3A_923 = vector.broadcast %parallel_loop3A_922 : i32 to vector<16xi32>
      %parallel_loop3A_924 = arith.addi %parallel_loop3A_923, %parallel_loop3A_921 : vector<16xi32>
      %parallel_loop3A_925 = tpu.vector_load_idx %arg5[%parallel_loop3A_924] : memref<65536xi32, #tpu.memory_space<vmem>>[vector<16xi32>], vector<16xi32>,
      %parallel_loop3A_926 = arith.constant 16 : i32
      %parallel_loop3A_927 = arith.muli %parallel_loop3A_913, %parallel_loop3A_926 : i32
      %parallel_loop3A_928 = arith.constant 0 : i32
      %parallel_loop3A_929 = arith.addi %parallel_loop3A_928, %parallel_loop3A_927 : i32
      %parallel_loop3A_930 = arith.index_cast %parallel_loop3A_929 : i32 to index
      %parallel_loop3A_931 = tpu.vector_load %arg6[%parallel_loop3A_930] {strides = array<i32>} : memref<8192xi32, #tpu.memory_space<vmem>>, vector<16xi32>,
      tpu.vector_store %arg6[%parallel_loop3A_930], %parallel_loop3A_925 {strides = array<i32>} : memref<8192xi32, #tpu.memory_space<vmem>>, vector<16xi32>,
    } {sc.loop_unroll_factor = 8 : i64, sc.parallel_access}
    %add3A_595 = arith.constant 4 : i32
    %add3A_596 = arith.addi %mul3A_2, %add3A_595 : i32
    %dma_start3A_597 = arith.constant 0 : i32
    %dma_start3A_598 = tpu.memref_slice %arg6[%dma_start3A_597] : memref<8192xi32, #tpu.memory_space<vmem>> -> memref<4096xi32, #tpu.memory_space<vmem>>
    %dma_start3A_599 = arith.constant 0 : i32
    %dma_start3A_600 = tpu.memref_slice %arg4[%add3A_596, %dma_start3A_599] : memref<512x4096xi32, #tpu.memory_space<hbm>> -> memref<1x4096xi32, #tpu.memory_space<hbm>>
    %dma_start3A_601 = tpu.memref_squeeze %dma_start3A_600 : memref<1x4096xi32, #tpu.memory_space<hbm>> -> memref<4096xi32, #tpu.memory_space<hbm>>
    %dma_start3A_602 = arith.constant 0 : i32
    %dma_start3A_603 = tpu.memref_slice %arg4[%add3A_596, %dma_start3A_602] : memref<512x4096xi32, #tpu.memory_space<hbm>> -> memref<1x4096xi32, #tpu.memory_space<hbm>>
    %dma_start3A_604 = tpu.memref_squeeze %dma_start3A_603 : memref<1x4096xi32, #tpu.memory_space<hbm>> -> memref<4096xi32, #tpu.memory_space<hbm>>
    %dma_start3A_605 = arith.constant 0 : i32
    %dma_start3A_606 = tpu.memref_slice %arg6[%dma_start3A_605] : memref<8192xi32, #tpu.memory_space<vmem>> -> memref<4096xi32, #tpu.memory_space<vmem>>
    tpu.enqueue_dma source(%dma_start3A_606 : memref<4096xi32, #tpu.memory_space<vmem>>) target(%dma_start3A_604 : memref<4096xi32, #tpu.memory_space<hbm>>) target_semaphore(%arg11 : memref<!tpu.dma_semaphore, #tpu.memory_space<semaphore_mem>>)
    %dma_wait3A_607 = arith.constant 4096 : i32
    %dma_wait3A_608 = tpu.memref_slice %arg6[%dma_wait3A_607] : memref<8192xi32, #tpu.memory_space<vmem>> -> memref<4096xi32, #tpu.memory_space<vmem>>
    %dma_wait3A_609 = arith.constant 0 : i32
    %dma_wait3A_610 = tpu.memref_slice %arg4[%add3A_570, %dma_wait3A_609] : memref<512x4096xi32, #tpu.memory_space<hbm>> -> memref<1x4096xi32, #tpu.memory_space<hbm>>
    %dma_wait3A_611 = tpu.memref_squeeze %dma_wait3A_610 : memref<1x4096xi32, #tpu.memory_space<hbm>> -> memref<4096xi32, #tpu.memory_space<hbm>>
    %dma_wait3A_612 = arith.constant 0 : i32
    %dma_wait3A_613 = tpu.memref_slice %arg4[%add3A_570, %dma_wait3A_612] : memref<512x4096xi32, #tpu.memory_space<hbm>> -> memref<1x4096xi32, #tpu.memory_space<hbm>>
    %dma_wait3A_614 = tpu.memref_squeeze %dma_wait3A_613 : memref<1x4096xi32, #tpu.memory_space<hbm>> -> memref<4096xi32, #tpu.memory_space<hbm>>
    %dma_wait3A_615 = arith.constant 4096 : i32
    %dma_wait3A_616 = tpu.memref_slice %arg6[%dma_wait3A_615] : memref<8192xi32, #tpu.memory_space<vmem>> -> memref<4096xi32, #tpu.memory_space<vmem>>
    tpu.wait_dma2 semaphore(%arg12 : memref<!tpu.dma_semaphore, #tpu.memory_space<semaphore_mem>>) src(%dma_wait3A_616 : memref<4096xi32, #tpu.memory_space<vmem>>) dst(%dma_wait3A_614 : memref<4096xi32, #tpu.memory_space<hbm>>)
    %parallel_loop3A_617 = arith.constant 0 : i32
    %parallel_loop3A_618 = arith.constant 256 : i32
    %parallel_loop3A_619 = arith.constant 1 : i32
    %parallel_loop3A_620 = arith.constant 4095 : i32
    scf.for %parallel_loop3A_913 = %parallel_loop3A_617 to %parallel_loop3A_618 step %parallel_loop3A_619  : i32 {
      %parallel_loop3A_914 = arith.constant 16 : i32
      %parallel_loop3A_915 = arith.muli %parallel_loop3A_913, %parallel_loop3A_914 : i32
      %parallel_loop3A_916 = arith.constant 5 : i32
      %parallel_loop3A_917 = arith.addi %parallel_loop3A_915, %parallel_loop3A_916 : i32
      %parallel_loop3A_918 = vector.broadcast %parallel_loop3A_917 : i32 to vector<16xi32>
      %parallel_loop3A_919 = arith.addi %parallel_loop3A_918, %iota3A : vector<16xi32>
      %parallel_loop3A_920 = vector.broadcast %parallel_loop3A_620 : i32 to vector<16xi32>
      %parallel_loop3A_921 = arith.andi %parallel_loop3A_919, %parallel_loop3A_920 : vector<16xi32>
      %parallel_loop3A_922 = arith.constant 20480 : i32
      %parallel_loop3A_923 = vector.broadcast %parallel_loop3A_922 : i32 to vector<16xi32>
      %parallel_loop3A_924 = arith.addi %parallel_loop3A_923, %parallel_loop3A_921 : vector<16xi32>
      %parallel_loop3A_925 = tpu.vector_load_idx %arg5[%parallel_loop3A_924] : memref<65536xi32, #tpu.memory_space<vmem>>[vector<16xi32>], vector<16xi32>,
      %parallel_loop3A_926 = arith.constant 16 : i32
      %parallel_loop3A_927 = arith.muli %parallel_loop3A_913, %parallel_loop3A_926 : i32
      %parallel_loop3A_928 = arith.constant 4096 : i32
      %parallel_loop3A_929 = arith.addi %parallel_loop3A_928, %parallel_loop3A_927 : i32
      %parallel_loop3A_930 = arith.index_cast %parallel_loop3A_929 : i32 to index
      %parallel_loop3A_931 = tpu.vector_load %arg6[%parallel_loop3A_930] {strides = array<i32>} : memref<8192xi32, #tpu.memory_space<vmem>>, vector<16xi32>,
      tpu.vector_store %arg6[%parallel_loop3A_930], %parallel_loop3A_925 {strides = array<i32>} : memref<8192xi32, #tpu.memory_space<vmem>>, vector<16xi32>,
    } {sc.loop_unroll_factor = 8 : i64, sc.parallel_access}
    %add3A_621 = arith.constant 5 : i32
    %add3A_622 = arith.addi %mul3A_2, %add3A_621 : i32
    %dma_start3A_623 = arith.constant 4096 : i32
    %dma_start3A_624 = tpu.memref_slice %arg6[%dma_start3A_623] : memref<8192xi32, #tpu.memory_space<vmem>> -> memref<4096xi32, #tpu.memory_space<vmem>>
    %dma_start3A_625 = arith.constant 0 : i32
    %dma_start3A_626 = tpu.memref_slice %arg4[%add3A_622, %dma_start3A_625] : memref<512x4096xi32, #tpu.memory_space<hbm>> -> memref<1x4096xi32, #tpu.memory_space<hbm>>
    %dma_start3A_627 = tpu.memref_squeeze %dma_start3A_626 : memref<1x4096xi32, #tpu.memory_space<hbm>> -> memref<4096xi32, #tpu.memory_space<hbm>>
    %dma_start3A_628 = arith.constant 0 : i32
    %dma_start3A_629 = tpu.memref_slice %arg4[%add3A_622, %dma_start3A_628] : memref<512x4096xi32, #tpu.memory_space<hbm>> -> memref<1x4096xi32, #tpu.memory_space<hbm>>
    %dma_start3A_630 = tpu.memref_squeeze %dma_start3A_629 : memref<1x4096xi32, #tpu.memory_space<hbm>> -> memref<4096xi32, #tpu.memory_space<hbm>>
    %dma_start3A_631 = arith.constant 4096 : i32
    %dma_start3A_632 = tpu.memref_slice %arg6[%dma_start3A_631] : memref<8192xi32, #tpu.memory_space<vmem>> -> memref<4096xi32, #tpu.memory_space<vmem>>
    tpu.enqueue_dma source(%dma_start3A_632 : memref<4096xi32, #tpu.memory_space<vmem>>) target(%dma_start3A_630 : memref<4096xi32, #tpu.memory_space<hbm>>) target_semaphore(%arg12 : memref<!tpu.dma_semaphore, #tpu.memory_space<semaphore_mem>>)
    %dma_wait3A_633 = arith.constant 0 : i32
    %dma_wait3A_634 = tpu.memref_slice %arg6[%dma_wait3A_633] : memref<8192xi32, #tpu.memory_space<vmem>> -> memref<4096xi32, #tpu.memory_space<vmem>>
    %dma_wait3A_635 = arith.constant 0 : i32
    %dma_wait3A_636 = tpu.memref_slice %arg4[%add3A_596, %dma_wait3A_635] : memref<512x4096xi32, #tpu.memory_space<hbm>> -> memref<1x4096xi32, #tpu.memory_space<hbm>>
    %dma_wait3A_637 = tpu.memref_squeeze %dma_wait3A_636 : memref<1x4096xi32, #tpu.memory_space<hbm>> -> memref<4096xi32, #tpu.memory_space<hbm>>
    %dma_wait3A_638 = arith.constant 0 : i32
    %dma_wait3A_639 = tpu.memref_slice %arg4[%add3A_596, %dma_wait3A_638] : memref<512x4096xi32, #tpu.memory_space<hbm>> -> memref<1x4096xi32, #tpu.memory_space<hbm>>
    %dma_wait3A_640 = tpu.memref_squeeze %dma_wait3A_639 : memref<1x4096xi32, #tpu.memory_space<hbm>> -> memref<4096xi32, #tpu.memory_space<hbm>>
    %dma_wait3A_641 = arith.constant 0 : i32
    %dma_wait3A_642 = tpu.memref_slice %arg6[%dma_wait3A_641] : memref<8192xi32, #tpu.memory_space<vmem>> -> memref<4096xi32, #tpu.memory_space<vmem>>
    tpu.wait_dma2 semaphore(%arg11 : memref<!tpu.dma_semaphore, #tpu.memory_space<semaphore_mem>>) src(%dma_wait3A_642 : memref<4096xi32, #tpu.memory_space<vmem>>) dst(%dma_wait3A_640 : memref<4096xi32, #tpu.memory_space<hbm>>)
    %parallel_loop3A_643 = arith.constant 0 : i32
    %parallel_loop3A_644 = arith.constant 256 : i32
    %parallel_loop3A_645 = arith.constant 1 : i32
    %parallel_loop3A_646 = arith.constant 4095 : i32
    scf.for %parallel_loop3A_913 = %parallel_loop3A_643 to %parallel_loop3A_644 step %parallel_loop3A_645  : i32 {
      %parallel_loop3A_914 = arith.constant 16 : i32
      %parallel_loop3A_915 = arith.muli %parallel_loop3A_913, %parallel_loop3A_914 : i32
      %parallel_loop3A_916 = arith.constant 6 : i32
      %parallel_loop3A_917 = arith.addi %parallel_loop3A_915, %parallel_loop3A_916 : i32
      %parallel_loop3A_918 = vector.broadcast %parallel_loop3A_917 : i32 to vector<16xi32>
      %parallel_loop3A_919 = arith.addi %parallel_loop3A_918, %iota3A : vector<16xi32>
      %parallel_loop3A_920 = vector.broadcast %parallel_loop3A_646 : i32 to vector<16xi32>
      %parallel_loop3A_921 = arith.andi %parallel_loop3A_919, %parallel_loop3A_920 : vector<16xi32>
      %parallel_loop3A_922 = arith.constant 24576 : i32
      %parallel_loop3A_923 = vector.broadcast %parallel_loop3A_922 : i32 to vector<16xi32>
      %parallel_loop3A_924 = arith.addi %parallel_loop3A_923, %parallel_loop3A_921 : vector<16xi32>
      %parallel_loop3A_925 = tpu.vector_load_idx %arg5[%parallel_loop3A_924] : memref<65536xi32, #tpu.memory_space<vmem>>[vector<16xi32>], vector<16xi32>,
      %parallel_loop3A_926 = arith.constant 16 : i32
      %parallel_loop3A_927 = arith.muli %parallel_loop3A_913, %parallel_loop3A_926 : i32
      %parallel_loop3A_928 = arith.constant 0 : i32
      %parallel_loop3A_929 = arith.addi %parallel_loop3A_928, %parallel_loop3A_927 : i32
      %parallel_loop3A_930 = arith.index_cast %parallel_loop3A_929 : i32 to index
      %parallel_loop3A_931 = tpu.vector_load %arg6[%parallel_loop3A_930] {strides = array<i32>} : memref<8192xi32, #tpu.memory_space<vmem>>, vector<16xi32>,
      tpu.vector_store %arg6[%parallel_loop3A_930], %parallel_loop3A_925 {strides = array<i32>} : memref<8192xi32, #tpu.memory_space<vmem>>, vector<16xi32>,
    } {sc.loop_unroll_factor = 8 : i64, sc.parallel_access}
    %add3A_647 = arith.constant 6 : i32
    %add3A_648 = arith.addi %mul3A_2, %add3A_647 : i32
    %dma_start3A_649 = arith.constant 0 : i32
    %dma_start3A_650 = tpu.memref_slice %arg6[%dma_start3A_649] : memref<8192xi32, #tpu.memory_space<vmem>> -> memref<4096xi32, #tpu.memory_space<vmem>>
    %dma_start3A_651 = arith.constant 0 : i32
    %dma_start3A_652 = tpu.memref_slice %arg4[%add3A_648, %dma_start3A_651] : memref<512x4096xi32, #tpu.memory_space<hbm>> -> memref<1x4096xi32, #tpu.memory_space<hbm>>
    %dma_start3A_653 = tpu.memref_squeeze %dma_start3A_652 : memref<1x4096xi32, #tpu.memory_space<hbm>> -> memref<4096xi32, #tpu.memory_space<hbm>>
    %dma_start3A_654 = arith.constant 0 : i32
    %dma_start3A_655 = tpu.memref_slice %arg4[%add3A_648, %dma_start3A_654] : memref<512x4096xi32, #tpu.memory_space<hbm>> -> memref<1x4096xi32, #tpu.memory_space<hbm>>
    %dma_start3A_656 = tpu.memref_squeeze %dma_start3A_655 : memref<1x4096xi32, #tpu.memory_space<hbm>> -> memref<4096xi32, #tpu.memory_space<hbm>>
    %dma_start3A_657 = arith.constant 0 : i32
    %dma_start3A_658 = tpu.memref_slice %arg6[%dma_start3A_657] : memref<8192xi32, #tpu.memory_space<vmem>> -> memref<4096xi32, #tpu.memory_space<vmem>>
    tpu.enqueue_dma source(%dma_start3A_658 : memref<4096xi32, #tpu.memory_space<vmem>>) target(%dma_start3A_656 : memref<4096xi32, #tpu.memory_space<hbm>>) target_semaphore(%arg11 : memref<!tpu.dma_semaphore, #tpu.memory_space<semaphore_mem>>)
    %dma_wait3A_659 = arith.constant 4096 : i32
    %dma_wait3A_660 = tpu.memref_slice %arg6[%dma_wait3A_659] : memref<8192xi32, #tpu.memory_space<vmem>> -> memref<4096xi32, #tpu.memory_space<vmem>>
    %dma_wait3A_661 = arith.constant 0 : i32
    %dma_wait3A_662 = tpu.memref_slice %arg4[%add3A_622, %dma_wait3A_661] : memref<512x4096xi32, #tpu.memory_space<hbm>> -> memref<1x4096xi32, #tpu.memory_space<hbm>>
    %dma_wait3A_663 = tpu.memref_squeeze %dma_wait3A_662 : memref<1x4096xi32, #tpu.memory_space<hbm>> -> memref<4096xi32, #tpu.memory_space<hbm>>
    %dma_wait3A_664 = arith.constant 0 : i32
    %dma_wait3A_665 = tpu.memref_slice %arg4[%add3A_622, %dma_wait3A_664] : memref<512x4096xi32, #tpu.memory_space<hbm>> -> memref<1x4096xi32, #tpu.memory_space<hbm>>
    %dma_wait3A_666 = tpu.memref_squeeze %dma_wait3A_665 : memref<1x4096xi32, #tpu.memory_space<hbm>> -> memref<4096xi32, #tpu.memory_space<hbm>>
    %dma_wait3A_667 = arith.constant 4096 : i32
    %dma_wait3A_668 = tpu.memref_slice %arg6[%dma_wait3A_667] : memref<8192xi32, #tpu.memory_space<vmem>> -> memref<4096xi32, #tpu.memory_space<vmem>>
    tpu.wait_dma2 semaphore(%arg12 : memref<!tpu.dma_semaphore, #tpu.memory_space<semaphore_mem>>) src(%dma_wait3A_668 : memref<4096xi32, #tpu.memory_space<vmem>>) dst(%dma_wait3A_666 : memref<4096xi32, #tpu.memory_space<hbm>>)
    %parallel_loop3A_669 = arith.constant 0 : i32
    %parallel_loop3A_670 = arith.constant 256 : i32
    %parallel_loop3A_671 = arith.constant 1 : i32
    %parallel_loop3A_672 = arith.constant 4095 : i32
    scf.for %parallel_loop3A_913 = %parallel_loop3A_669 to %parallel_loop3A_670 step %parallel_loop3A_671  : i32 {
      %parallel_loop3A_914 = arith.constant 16 : i32
      %parallel_loop3A_915 = arith.muli %parallel_loop3A_913, %parallel_loop3A_914 : i32
      %parallel_loop3A_916 = arith.constant 7 : i32
      %parallel_loop3A_917 = arith.addi %parallel_loop3A_915, %parallel_loop3A_916 : i32
      %parallel_loop3A_918 = vector.broadcast %parallel_loop3A_917 : i32 to vector<16xi32>
      %parallel_loop3A_919 = arith.addi %parallel_loop3A_918, %iota3A : vector<16xi32>
      %parallel_loop3A_920 = vector.broadcast %parallel_loop3A_672 : i32 to vector<16xi32>
      %parallel_loop3A_921 = arith.andi %parallel_loop3A_919, %parallel_loop3A_920 : vector<16xi32>
      %parallel_loop3A_922 = arith.constant 28672 : i32
      %parallel_loop3A_923 = vector.broadcast %parallel_loop3A_922 : i32 to vector<16xi32>
      %parallel_loop3A_924 = arith.addi %parallel_loop3A_923, %parallel_loop3A_921 : vector<16xi32>
      %parallel_loop3A_925 = tpu.vector_load_idx %arg5[%parallel_loop3A_924] : memref<65536xi32, #tpu.memory_space<vmem>>[vector<16xi32>], vector<16xi32>,
      %parallel_loop3A_926 = arith.constant 16 : i32
      %parallel_loop3A_927 = arith.muli %parallel_loop3A_913, %parallel_loop3A_926 : i32
      %parallel_loop3A_928 = arith.constant 4096 : i32
      %parallel_loop3A_929 = arith.addi %parallel_loop3A_928, %parallel_loop3A_927 : i32
      %parallel_loop3A_930 = arith.index_cast %parallel_loop3A_929 : i32 to index
      %parallel_loop3A_931 = tpu.vector_load %arg6[%parallel_loop3A_930] {strides = array<i32>} : memref<8192xi32, #tpu.memory_space<vmem>>, vector<16xi32>,
      tpu.vector_store %arg6[%parallel_loop3A_930], %parallel_loop3A_925 {strides = array<i32>} : memref<8192xi32, #tpu.memory_space<vmem>>, vector<16xi32>,
    } {sc.loop_unroll_factor = 8 : i64, sc.parallel_access}
    %add3A_673 = arith.constant 7 : i32
    %add3A_674 = arith.addi %mul3A_2, %add3A_673 : i32
    %dma_start3A_675 = arith.constant 4096 : i32
    %dma_start3A_676 = tpu.memref_slice %arg6[%dma_start3A_675] : memref<8192xi32, #tpu.memory_space<vmem>> -> memref<4096xi32, #tpu.memory_space<vmem>>
    %dma_start3A_677 = arith.constant 0 : i32
    %dma_start3A_678 = tpu.memref_slice %arg4[%add3A_674, %dma_start3A_677] : memref<512x4096xi32, #tpu.memory_space<hbm>> -> memref<1x4096xi32, #tpu.memory_space<hbm>>
    %dma_start3A_679 = tpu.memref_squeeze %dma_start3A_678 : memref<1x4096xi32, #tpu.memory_space<hbm>> -> memref<4096xi32, #tpu.memory_space<hbm>>
    %dma_start3A_680 = arith.constant 0 : i32
    %dma_start3A_681 = tpu.memref_slice %arg4[%add3A_674, %dma_start3A_680] : memref<512x4096xi32, #tpu.memory_space<hbm>> -> memref<1x4096xi32, #tpu.memory_space<hbm>>
    %dma_start3A_682 = tpu.memref_squeeze %dma_start3A_681 : memref<1x4096xi32, #tpu.memory_space<hbm>> -> memref<4096xi32, #tpu.memory_space<hbm>>
    %dma_start3A_683 = arith.constant 4096 : i32
    %dma_start3A_684 = tpu.memref_slice %arg6[%dma_start3A_683] : memref<8192xi32, #tpu.memory_space<vmem>> -> memref<4096xi32, #tpu.memory_space<vmem>>
    tpu.enqueue_dma source(%dma_start3A_684 : memref<4096xi32, #tpu.memory_space<vmem>>) target(%dma_start3A_682 : memref<4096xi32, #tpu.memory_space<hbm>>) target_semaphore(%arg12 : memref<!tpu.dma_semaphore, #tpu.memory_space<semaphore_mem>>)
    %dma_wait3A_685 = arith.constant 0 : i32
    %dma_wait3A_686 = tpu.memref_slice %arg6[%dma_wait3A_685] : memref<8192xi32, #tpu.memory_space<vmem>> -> memref<4096xi32, #tpu.memory_space<vmem>>
    %dma_wait3A_687 = arith.constant 0 : i32
    %dma_wait3A_688 = tpu.memref_slice %arg4[%add3A_648, %dma_wait3A_687] : memref<512x4096xi32, #tpu.memory_space<hbm>> -> memref<1x4096xi32, #tpu.memory_space<hbm>>
    %dma_wait3A_689 = tpu.memref_squeeze %dma_wait3A_688 : memref<1x4096xi32, #tpu.memory_space<hbm>> -> memref<4096xi32, #tpu.memory_space<hbm>>
    %dma_wait3A_690 = arith.constant 0 : i32
    %dma_wait3A_691 = tpu.memref_slice %arg4[%add3A_648, %dma_wait3A_690] : memref<512x4096xi32, #tpu.memory_space<hbm>> -> memref<1x4096xi32, #tpu.memory_space<hbm>>
    %dma_wait3A_692 = tpu.memref_squeeze %dma_wait3A_691 : memref<1x4096xi32, #tpu.memory_space<hbm>> -> memref<4096xi32, #tpu.memory_space<hbm>>
    %dma_wait3A_693 = arith.constant 0 : i32
    %dma_wait3A_694 = tpu.memref_slice %arg6[%dma_wait3A_693] : memref<8192xi32, #tpu.memory_space<vmem>> -> memref<4096xi32, #tpu.memory_space<vmem>>
    tpu.wait_dma2 semaphore(%arg11 : memref<!tpu.dma_semaphore, #tpu.memory_space<semaphore_mem>>) src(%dma_wait3A_694 : memref<4096xi32, #tpu.memory_space<vmem>>) dst(%dma_wait3A_692 : memref<4096xi32, #tpu.memory_space<hbm>>)
    %parallel_loop3A_695 = arith.constant 0 : i32
    %parallel_loop3A_696 = arith.constant 256 : i32
    %parallel_loop3A_697 = arith.constant 1 : i32
    %parallel_loop3A_698 = arith.constant 4095 : i32
    scf.for %parallel_loop3A_913 = %parallel_loop3A_695 to %parallel_loop3A_696 step %parallel_loop3A_697  : i32 {
      %parallel_loop3A_914 = arith.constant 16 : i32
      %parallel_loop3A_915 = arith.muli %parallel_loop3A_913, %parallel_loop3A_914 : i32
      %parallel_loop3A_916 = arith.constant 8 : i32
      %parallel_loop3A_917 = arith.addi %parallel_loop3A_915, %parallel_loop3A_916 : i32
      %parallel_loop3A_918 = vector.broadcast %parallel_loop3A_917 : i32 to vector<16xi32>
      %parallel_loop3A_919 = arith.addi %parallel_loop3A_918, %iota3A : vector<16xi32>
      %parallel_loop3A_920 = vector.broadcast %parallel_loop3A_698 : i32 to vector<16xi32>
      %parallel_loop3A_921 = arith.andi %parallel_loop3A_919, %parallel_loop3A_920 : vector<16xi32>
      %parallel_loop3A_922 = arith.constant 32768 : i32
      %parallel_loop3A_923 = vector.broadcast %parallel_loop3A_922 : i32 to vector<16xi32>
      %parallel_loop3A_924 = arith.addi %parallel_loop3A_923, %parallel_loop3A_921 : vector<16xi32>
      %parallel_loop3A_925 = tpu.vector_load_idx %arg5[%parallel_loop3A_924] : memref<65536xi32, #tpu.memory_space<vmem>>[vector<16xi32>], vector<16xi32>,
      %parallel_loop3A_926 = arith.constant 16 : i32
      %parallel_loop3A_927 = arith.muli %parallel_loop3A_913, %parallel_loop3A_926 : i32
      %parallel_loop3A_928 = arith.constant 0 : i32
      %parallel_loop3A_929 = arith.addi %parallel_loop3A_928, %parallel_loop3A_927 : i32
      %parallel_loop3A_930 = arith.index_cast %parallel_loop3A_929 : i32 to index
      %parallel_loop3A_931 = tpu.vector_load %arg6[%parallel_loop3A_930] {strides = array<i32>} : memref<8192xi32, #tpu.memory_space<vmem>>, vector<16xi32>,
      tpu.vector_store %arg6[%parallel_loop3A_930], %parallel_loop3A_925 {strides = array<i32>} : memref<8192xi32, #tpu.memory_space<vmem>>, vector<16xi32>,
    } {sc.loop_unroll_factor = 8 : i64, sc.parallel_access}
    %add3A_699 = arith.constant 8 : i32
    %add3A_700 = arith.addi %mul3A_2, %add3A_699 : i32
    %dma_start3A_701 = arith.constant 0 : i32
    %dma_start3A_702 = tpu.memref_slice %arg6[%dma_start3A_701] : memref<8192xi32, #tpu.memory_space<vmem>> -> memref<4096xi32, #tpu.memory_space<vmem>>
    %dma_start3A_703 = arith.constant 0 : i32
    %dma_start3A_704 = tpu.memref_slice %arg4[%add3A_700, %dma_start3A_703] : memref<512x4096xi32, #tpu.memory_space<hbm>> -> memref<1x4096xi32, #tpu.memory_space<hbm>>
    %dma_start3A_705 = tpu.memref_squeeze %dma_start3A_704 : memref<1x4096xi32, #tpu.memory_space<hbm>> -> memref<4096xi32, #tpu.memory_space<hbm>>
    %dma_start3A_706 = arith.constant 0 : i32
    %dma_start3A_707 = tpu.memref_slice %arg4[%add3A_700, %dma_start3A_706] : memref<512x4096xi32, #tpu.memory_space<hbm>> -> memref<1x4096xi32, #tpu.memory_space<hbm>>
    %dma_start3A_708 = tpu.memref_squeeze %dma_start3A_707 : memref<1x4096xi32, #tpu.memory_space<hbm>> -> memref<4096xi32, #tpu.memory_space<hbm>>
    %dma_start3A_709 = arith.constant 0 : i32
    %dma_start3A_710 = tpu.memref_slice %arg6[%dma_start3A_709] : memref<8192xi32, #tpu.memory_space<vmem>> -> memref<4096xi32, #tpu.memory_space<vmem>>
    tpu.enqueue_dma source(%dma_start3A_710 : memref<4096xi32, #tpu.memory_space<vmem>>) target(%dma_start3A_708 : memref<4096xi32, #tpu.memory_space<hbm>>) target_semaphore(%arg11 : memref<!tpu.dma_semaphore, #tpu.memory_space<semaphore_mem>>)
    %dma_wait3A_711 = arith.constant 4096 : i32
    %dma_wait3A_712 = tpu.memref_slice %arg6[%dma_wait3A_711] : memref<8192xi32, #tpu.memory_space<vmem>> -> memref<4096xi32, #tpu.memory_space<vmem>>
    %dma_wait3A_713 = arith.constant 0 : i32
    %dma_wait3A_714 = tpu.memref_slice %arg4[%add3A_674, %dma_wait3A_713] : memref<512x4096xi32, #tpu.memory_space<hbm>> -> memref<1x4096xi32, #tpu.memory_space<hbm>>
    %dma_wait3A_715 = tpu.memref_squeeze %dma_wait3A_714 : memref<1x4096xi32, #tpu.memory_space<hbm>> -> memref<4096xi32, #tpu.memory_space<hbm>>
    %dma_wait3A_716 = arith.constant 0 : i32
    %dma_wait3A_717 = tpu.memref_slice %arg4[%add3A_674, %dma_wait3A_716] : memref<512x4096xi32, #tpu.memory_space<hbm>> -> memref<1x4096xi32, #tpu.memory_space<hbm>>
    %dma_wait3A_718 = tpu.memref_squeeze %dma_wait3A_717 : memref<1x4096xi32, #tpu.memory_space<hbm>> -> memref<4096xi32, #tpu.memory_space<hbm>>
    %dma_wait3A_719 = arith.constant 4096 : i32
    %dma_wait3A_720 = tpu.memref_slice %arg6[%dma_wait3A_719] : memref<8192xi32, #tpu.memory_space<vmem>> -> memref<4096xi32, #tpu.memory_space<vmem>>
    tpu.wait_dma2 semaphore(%arg12 : memref<!tpu.dma_semaphore, #tpu.memory_space<semaphore_mem>>) src(%dma_wait3A_720 : memref<4096xi32, #tpu.memory_space<vmem>>) dst(%dma_wait3A_718 : memref<4096xi32, #tpu.memory_space<hbm>>)
    %parallel_loop3A_721 = arith.constant 0 : i32
    %parallel_loop3A_722 = arith.constant 256 : i32
    %parallel_loop3A_723 = arith.constant 1 : i32
    %parallel_loop3A_724 = arith.constant 4095 : i32
    scf.for %parallel_loop3A_913 = %parallel_loop3A_721 to %parallel_loop3A_722 step %parallel_loop3A_723  : i32 {
      %parallel_loop3A_914 = arith.constant 16 : i32
      %parallel_loop3A_915 = arith.muli %parallel_loop3A_913, %parallel_loop3A_914 : i32
      %parallel_loop3A_916 = arith.constant 9 : i32
      %parallel_loop3A_917 = arith.addi %parallel_loop3A_915, %parallel_loop3A_916 : i32
      %parallel_loop3A_918 = vector.broadcast %parallel_loop3A_917 : i32 to vector<16xi32>
      %parallel_loop3A_919 = arith.addi %parallel_loop3A_918, %iota3A : vector<16xi32>
      %parallel_loop3A_920 = vector.broadcast %parallel_loop3A_724 : i32 to vector<16xi32>
      %parallel_loop3A_921 = arith.andi %parallel_loop3A_919, %parallel_loop3A_920 : vector<16xi32>
      %parallel_loop3A_922 = arith.constant 36864 : i32
      %parallel_loop3A_923 = vector.broadcast %parallel_loop3A_922 : i32 to vector<16xi32>
      %parallel_loop3A_924 = arith.addi %parallel_loop3A_923, %parallel_loop3A_921 : vector<16xi32>
      %parallel_loop3A_925 = tpu.vector_load_idx %arg5[%parallel_loop3A_924] : memref<65536xi32, #tpu.memory_space<vmem>>[vector<16xi32>], vector<16xi32>,
      %parallel_loop3A_926 = arith.constant 16 : i32
      %parallel_loop3A_927 = arith.muli %parallel_loop3A_913, %parallel_loop3A_926 : i32
      %parallel_loop3A_928 = arith.constant 4096 : i32
      %parallel_loop3A_929 = arith.addi %parallel_loop3A_928, %parallel_loop3A_927 : i32
      %parallel_loop3A_930 = arith.index_cast %parallel_loop3A_929 : i32 to index
      %parallel_loop3A_931 = tpu.vector_load %arg6[%parallel_loop3A_930] {strides = array<i32>} : memref<8192xi32, #tpu.memory_space<vmem>>, vector<16xi32>,
      tpu.vector_store %arg6[%parallel_loop3A_930], %parallel_loop3A_925 {strides = array<i32>} : memref<8192xi32, #tpu.memory_space<vmem>>, vector<16xi32>,
    } {sc.loop_unroll_factor = 8 : i64, sc.parallel_access}
    %add3A_725 = arith.constant 9 : i32
    %add3A_726 = arith.addi %mul3A_2, %add3A_725 : i32
    %dma_start3A_727 = arith.constant 4096 : i32
    %dma_start3A_728 = tpu.memref_slice %arg6[%dma_start3A_727] : memref<8192xi32, #tpu.memory_space<vmem>> -> memref<4096xi32, #tpu.memory_space<vmem>>
    %dma_start3A_729 = arith.constant 0 : i32
    %dma_start3A_730 = tpu.memref_slice %arg4[%add3A_726, %dma_start3A_729] : memref<512x4096xi32, #tpu.memory_space<hbm>> -> memref<1x4096xi32, #tpu.memory_space<hbm>>
    %dma_start3A_731 = tpu.memref_squeeze %dma_start3A_730 : memref<1x4096xi32, #tpu.memory_space<hbm>> -> memref<4096xi32, #tpu.memory_space<hbm>>
    %dma_start3A_732 = arith.constant 0 : i32
    %dma_start3A_733 = tpu.memref_slice %arg4[%add3A_726, %dma_start3A_732] : memref<512x4096xi32, #tpu.memory_space<hbm>> -> memref<1x4096xi32, #tpu.memory_space<hbm>>
    %dma_start3A_734 = tpu.memref_squeeze %dma_start3A_733 : memref<1x4096xi32, #tpu.memory_space<hbm>> -> memref<4096xi32, #tpu.memory_space<hbm>>
    %dma_start3A_735 = arith.constant 4096 : i32
    %dma_start3A_736 = tpu.memref_slice %arg6[%dma_start3A_735] : memref<8192xi32, #tpu.memory_space<vmem>> -> memref<4096xi32, #tpu.memory_space<vmem>>
    tpu.enqueue_dma source(%dma_start3A_736 : memref<4096xi32, #tpu.memory_space<vmem>>) target(%dma_start3A_734 : memref<4096xi32, #tpu.memory_space<hbm>>) target_semaphore(%arg12 : memref<!tpu.dma_semaphore, #tpu.memory_space<semaphore_mem>>)
    %dma_wait3A_737 = arith.constant 0 : i32
    %dma_wait3A_738 = tpu.memref_slice %arg6[%dma_wait3A_737] : memref<8192xi32, #tpu.memory_space<vmem>> -> memref<4096xi32, #tpu.memory_space<vmem>>
    %dma_wait3A_739 = arith.constant 0 : i32
    %dma_wait3A_740 = tpu.memref_slice %arg4[%add3A_700, %dma_wait3A_739] : memref<512x4096xi32, #tpu.memory_space<hbm>> -> memref<1x4096xi32, #tpu.memory_space<hbm>>
    %dma_wait3A_741 = tpu.memref_squeeze %dma_wait3A_740 : memref<1x4096xi32, #tpu.memory_space<hbm>> -> memref<4096xi32, #tpu.memory_space<hbm>>
    %dma_wait3A_742 = arith.constant 0 : i32
    %dma_wait3A_743 = tpu.memref_slice %arg4[%add3A_700, %dma_wait3A_742] : memref<512x4096xi32, #tpu.memory_space<hbm>> -> memref<1x4096xi32, #tpu.memory_space<hbm>>
    %dma_wait3A_744 = tpu.memref_squeeze %dma_wait3A_743 : memref<1x4096xi32, #tpu.memory_space<hbm>> -> memref<4096xi32, #tpu.memory_space<hbm>>
    %dma_wait3A_745 = arith.constant 0 : i32
    %dma_wait3A_746 = tpu.memref_slice %arg6[%dma_wait3A_745] : memref<8192xi32, #tpu.memory_space<vmem>> -> memref<4096xi32, #tpu.memory_space<vmem>>
    tpu.wait_dma2 semaphore(%arg11 : memref<!tpu.dma_semaphore, #tpu.memory_space<semaphore_mem>>) src(%dma_wait3A_746 : memref<4096xi32, #tpu.memory_space<vmem>>) dst(%dma_wait3A_744 : memref<4096xi32, #tpu.memory_space<hbm>>)
    %parallel_loop3A_747 = arith.constant 0 : i32
    %parallel_loop3A_748 = arith.constant 256 : i32
    %parallel_loop3A_749 = arith.constant 1 : i32
    %parallel_loop3A_750 = arith.constant 4095 : i32
    scf.for %parallel_loop3A_913 = %parallel_loop3A_747 to %parallel_loop3A_748 step %parallel_loop3A_749  : i32 {
      %parallel_loop3A_914 = arith.constant 16 : i32
      %parallel_loop3A_915 = arith.muli %parallel_loop3A_913, %parallel_loop3A_914 : i32
      %parallel_loop3A_916 = arith.constant 10 : i32
      %parallel_loop3A_917 = arith.addi %parallel_loop3A_915, %parallel_loop3A_916 : i32
      %parallel_loop3A_918 = vector.broadcast %parallel_loop3A_917 : i32 to vector<16xi32>
      %parallel_loop3A_919 = arith.addi %parallel_loop3A_918, %iota3A : vector<16xi32>
      %parallel_loop3A_920 = vector.broadcast %parallel_loop3A_750 : i32 to vector<16xi32>
      %parallel_loop3A_921 = arith.andi %parallel_loop3A_919, %parallel_loop3A_920 : vector<16xi32>
      %parallel_loop3A_922 = arith.constant 40960 : i32
      %parallel_loop3A_923 = vector.broadcast %parallel_loop3A_922 : i32 to vector<16xi32>
      %parallel_loop3A_924 = arith.addi %parallel_loop3A_923, %parallel_loop3A_921 : vector<16xi32>
      %parallel_loop3A_925 = tpu.vector_load_idx %arg5[%parallel_loop3A_924] : memref<65536xi32, #tpu.memory_space<vmem>>[vector<16xi32>], vector<16xi32>,
      %parallel_loop3A_926 = arith.constant 16 : i32
      %parallel_loop3A_927 = arith.muli %parallel_loop3A_913, %parallel_loop3A_926 : i32
      %parallel_loop3A_928 = arith.constant 0 : i32
      %parallel_loop3A_929 = arith.addi %parallel_loop3A_928, %parallel_loop3A_927 : i32
      %parallel_loop3A_930 = arith.index_cast %parallel_loop3A_929 : i32 to index
      %parallel_loop3A_931 = tpu.vector_load %arg6[%parallel_loop3A_930] {strides = array<i32>} : memref<8192xi32, #tpu.memory_space<vmem>>, vector<16xi32>,
      tpu.vector_store %arg6[%parallel_loop3A_930], %parallel_loop3A_925 {strides = array<i32>} : memref<8192xi32, #tpu.memory_space<vmem>>, vector<16xi32>,
    } {sc.loop_unroll_factor = 8 : i64, sc.parallel_access}
    %add3A_751 = arith.constant 10 : i32
    %add3A_752 = arith.addi %mul3A_2, %add3A_751 : i32
    %dma_start3A_753 = arith.constant 0 : i32
    %dma_start3A_754 = tpu.memref_slice %arg6[%dma_start3A_753] : memref<8192xi32, #tpu.memory_space<vmem>> -> memref<4096xi32, #tpu.memory_space<vmem>>
    %dma_start3A_755 = arith.constant 0 : i32
    %dma_start3A_756 = tpu.memref_slice %arg4[%add3A_752, %dma_start3A_755] : memref<512x4096xi32, #tpu.memory_space<hbm>> -> memref<1x4096xi32, #tpu.memory_space<hbm>>
    %dma_start3A_757 = tpu.memref_squeeze %dma_start3A_756 : memref<1x4096xi32, #tpu.memory_space<hbm>> -> memref<4096xi32, #tpu.memory_space<hbm>>
    %dma_start3A_758 = arith.constant 0 : i32
    %dma_start3A_759 = tpu.memref_slice %arg4[%add3A_752, %dma_start3A_758] : memref<512x4096xi32, #tpu.memory_space<hbm>> -> memref<1x4096xi32, #tpu.memory_space<hbm>>
    %dma_start3A_760 = tpu.memref_squeeze %dma_start3A_759 : memref<1x4096xi32, #tpu.memory_space<hbm>> -> memref<4096xi32, #tpu.memory_space<hbm>>
    %dma_start3A_761 = arith.constant 0 : i32
    %dma_start3A_762 = tpu.memref_slice %arg6[%dma_start3A_761] : memref<8192xi32, #tpu.memory_space<vmem>> -> memref<4096xi32, #tpu.memory_space<vmem>>
    tpu.enqueue_dma source(%dma_start3A_762 : memref<4096xi32, #tpu.memory_space<vmem>>) target(%dma_start3A_760 : memref<4096xi32, #tpu.memory_space<hbm>>) target_semaphore(%arg11 : memref<!tpu.dma_semaphore, #tpu.memory_space<semaphore_mem>>)
    %dma_wait3A_763 = arith.constant 4096 : i32
    %dma_wait3A_764 = tpu.memref_slice %arg6[%dma_wait3A_763] : memref<8192xi32, #tpu.memory_space<vmem>> -> memref<4096xi32, #tpu.memory_space<vmem>>
    %dma_wait3A_765 = arith.constant 0 : i32
    %dma_wait3A_766 = tpu.memref_slice %arg4[%add3A_726, %dma_wait3A_765] : memref<512x4096xi32, #tpu.memory_space<hbm>> -> memref<1x4096xi32, #tpu.memory_space<hbm>>
    %dma_wait3A_767 = tpu.memref_squeeze %dma_wait3A_766 : memref<1x4096xi32, #tpu.memory_space<hbm>> -> memref<4096xi32, #tpu.memory_space<hbm>>
    %dma_wait3A_768 = arith.constant 0 : i32
    %dma_wait3A_769 = tpu.memref_slice %arg4[%add3A_726, %dma_wait3A_768] : memref<512x4096xi32, #tpu.memory_space<hbm>> -> memref<1x4096xi32, #tpu.memory_space<hbm>>
    %dma_wait3A_770 = tpu.memref_squeeze %dma_wait3A_769 : memref<1x4096xi32, #tpu.memory_space<hbm>> -> memref<4096xi32, #tpu.memory_space<hbm>>
    %dma_wait3A_771 = arith.constant 4096 : i32
    %dma_wait3A_772 = tpu.memref_slice %arg6[%dma_wait3A_771] : memref<8192xi32, #tpu.memory_space<vmem>> -> memref<4096xi32, #tpu.memory_space<vmem>>
    tpu.wait_dma2 semaphore(%arg12 : memref<!tpu.dma_semaphore, #tpu.memory_space<semaphore_mem>>) src(%dma_wait3A_772 : memref<4096xi32, #tpu.memory_space<vmem>>) dst(%dma_wait3A_770 : memref<4096xi32, #tpu.memory_space<hbm>>)
    %parallel_loop3A_773 = arith.constant 0 : i32
    %parallel_loop3A_774 = arith.constant 256 : i32
    %parallel_loop3A_775 = arith.constant 1 : i32
    %parallel_loop3A_776 = arith.constant 4095 : i32
    scf.for %parallel_loop3A_913 = %parallel_loop3A_773 to %parallel_loop3A_774 step %parallel_loop3A_775  : i32 {
      %parallel_loop3A_914 = arith.constant 16 : i32
      %parallel_loop3A_915 = arith.muli %parallel_loop3A_913, %parallel_loop3A_914 : i32
      %parallel_loop3A_916 = arith.constant 11 : i32
      %parallel_loop3A_917 = arith.addi %parallel_loop3A_915, %parallel_loop3A_916 : i32
      %parallel_loop3A_918 = vector.broadcast %parallel_loop3A_917 : i32 to vector<16xi32>
      %parallel_loop3A_919 = arith.addi %parallel_loop3A_918, %iota3A : vector<16xi32>
      %parallel_loop3A_920 = vector.broadcast %parallel_loop3A_776 : i32 to vector<16xi32>
      %parallel_loop3A_921 = arith.andi %parallel_loop3A_919, %parallel_loop3A_920 : vector<16xi32>
      %parallel_loop3A_922 = arith.constant 45056 : i32
      %parallel_loop3A_923 = vector.broadcast %parallel_loop3A_922 : i32 to vector<16xi32>
      %parallel_loop3A_924 = arith.addi %parallel_loop3A_923, %parallel_loop3A_921 : vector<16xi32>
      %parallel_loop3A_925 = tpu.vector_load_idx %arg5[%parallel_loop3A_924] : memref<65536xi32, #tpu.memory_space<vmem>>[vector<16xi32>], vector<16xi32>,
      %parallel_loop3A_926 = arith.constant 16 : i32
      %parallel_loop3A_927 = arith.muli %parallel_loop3A_913, %parallel_loop3A_926 : i32
      %parallel_loop3A_928 = arith.constant 4096 : i32
      %parallel_loop3A_929 = arith.addi %parallel_loop3A_928, %parallel_loop3A_927 : i32
      %parallel_loop3A_930 = arith.index_cast %parallel_loop3A_929 : i32 to index
      %parallel_loop3A_931 = tpu.vector_load %arg6[%parallel_loop3A_930] {strides = array<i32>} : memref<8192xi32, #tpu.memory_space<vmem>>, vector<16xi32>,
      tpu.vector_store %arg6[%parallel_loop3A_930], %parallel_loop3A_925 {strides = array<i32>} : memref<8192xi32, #tpu.memory_space<vmem>>, vector<16xi32>,
    } {sc.loop_unroll_factor = 8 : i64, sc.parallel_access}
    %add3A_777 = arith.constant 11 : i32
    %add3A_778 = arith.addi %mul3A_2, %add3A_777 : i32
    %dma_start3A_779 = arith.constant 4096 : i32
    %dma_start3A_780 = tpu.memref_slice %arg6[%dma_start3A_779] : memref<8192xi32, #tpu.memory_space<vmem>> -> memref<4096xi32, #tpu.memory_space<vmem>>
    %dma_start3A_781 = arith.constant 0 : i32
    %dma_start3A_782 = tpu.memref_slice %arg4[%add3A_778, %dma_start3A_781] : memref<512x4096xi32, #tpu.memory_space<hbm>> -> memref<1x4096xi32, #tpu.memory_space<hbm>>
    %dma_start3A_783 = tpu.memref_squeeze %dma_start3A_782 : memref<1x4096xi32, #tpu.memory_space<hbm>> -> memref<4096xi32, #tpu.memory_space<hbm>>
    %dma_start3A_784 = arith.constant 0 : i32
    %dma_start3A_785 = tpu.memref_slice %arg4[%add3A_778, %dma_start3A_784] : memref<512x4096xi32, #tpu.memory_space<hbm>> -> memref<1x4096xi32, #tpu.memory_space<hbm>>
    %dma_start3A_786 = tpu.memref_squeeze %dma_start3A_785 : memref<1x4096xi32, #tpu.memory_space<hbm>> -> memref<4096xi32, #tpu.memory_space<hbm>>
    %dma_start3A_787 = arith.constant 4096 : i32
    %dma_start3A_788 = tpu.memref_slice %arg6[%dma_start3A_787] : memref<8192xi32, #tpu.memory_space<vmem>> -> memref<4096xi32, #tpu.memory_space<vmem>>
    tpu.enqueue_dma source(%dma_start3A_788 : memref<4096xi32, #tpu.memory_space<vmem>>) target(%dma_start3A_786 : memref<4096xi32, #tpu.memory_space<hbm>>) target_semaphore(%arg12 : memref<!tpu.dma_semaphore, #tpu.memory_space<semaphore_mem>>)
    %dma_wait3A_789 = arith.constant 0 : i32
    %dma_wait3A_790 = tpu.memref_slice %arg6[%dma_wait3A_789] : memref<8192xi32, #tpu.memory_space<vmem>> -> memref<4096xi32, #tpu.memory_space<vmem>>
    %dma_wait3A_791 = arith.constant 0 : i32
    %dma_wait3A_792 = tpu.memref_slice %arg4[%add3A_752, %dma_wait3A_791] : memref<512x4096xi32, #tpu.memory_space<hbm>> -> memref<1x4096xi32, #tpu.memory_space<hbm>>
    %dma_wait3A_793 = tpu.memref_squeeze %dma_wait3A_792 : memref<1x4096xi32, #tpu.memory_space<hbm>> -> memref<4096xi32, #tpu.memory_space<hbm>>
    %dma_wait3A_794 = arith.constant 0 : i32
    %dma_wait3A_795 = tpu.memref_slice %arg4[%add3A_752, %dma_wait3A_794] : memref<512x4096xi32, #tpu.memory_space<hbm>> -> memref<1x4096xi32, #tpu.memory_space<hbm>>
    %dma_wait3A_796 = tpu.memref_squeeze %dma_wait3A_795 : memref<1x4096xi32, #tpu.memory_space<hbm>> -> memref<4096xi32, #tpu.memory_space<hbm>>
    %dma_wait3A_797 = arith.constant 0 : i32
    %dma_wait3A_798 = tpu.memref_slice %arg6[%dma_wait3A_797] : memref<8192xi32, #tpu.memory_space<vmem>> -> memref<4096xi32, #tpu.memory_space<vmem>>
    tpu.wait_dma2 semaphore(%arg11 : memref<!tpu.dma_semaphore, #tpu.memory_space<semaphore_mem>>) src(%dma_wait3A_798 : memref<4096xi32, #tpu.memory_space<vmem>>) dst(%dma_wait3A_796 : memref<4096xi32, #tpu.memory_space<hbm>>)
    %parallel_loop3A_799 = arith.constant 0 : i32
    %parallel_loop3A_800 = arith.constant 256 : i32
    %parallel_loop3A_801 = arith.constant 1 : i32
    %parallel_loop3A_802 = arith.constant 4095 : i32
    scf.for %parallel_loop3A_913 = %parallel_loop3A_799 to %parallel_loop3A_800 step %parallel_loop3A_801  : i32 {
      %parallel_loop3A_914 = arith.constant 16 : i32
      %parallel_loop3A_915 = arith.muli %parallel_loop3A_913, %parallel_loop3A_914 : i32
      %parallel_loop3A_916 = arith.constant 12 : i32
      %parallel_loop3A_917 = arith.addi %parallel_loop3A_915, %parallel_loop3A_916 : i32
      %parallel_loop3A_918 = vector.broadcast %parallel_loop3A_917 : i32 to vector<16xi32>
      %parallel_loop3A_919 = arith.addi %parallel_loop3A_918, %iota3A : vector<16xi32>
      %parallel_loop3A_920 = vector.broadcast %parallel_loop3A_802 : i32 to vector<16xi32>
      %parallel_loop3A_921 = arith.andi %parallel_loop3A_919, %parallel_loop3A_920 : vector<16xi32>
      %parallel_loop3A_922 = arith.constant 49152 : i32
      %parallel_loop3A_923 = vector.broadcast %parallel_loop3A_922 : i32 to vector<16xi32>
      %parallel_loop3A_924 = arith.addi %parallel_loop3A_923, %parallel_loop3A_921 : vector<16xi32>
      %parallel_loop3A_925 = tpu.vector_load_idx %arg5[%parallel_loop3A_924] : memref<65536xi32, #tpu.memory_space<vmem>>[vector<16xi32>], vector<16xi32>,
      %parallel_loop3A_926 = arith.constant 16 : i32
      %parallel_loop3A_927 = arith.muli %parallel_loop3A_913, %parallel_loop3A_926 : i32
      %parallel_loop3A_928 = arith.constant 0 : i32
      %parallel_loop3A_929 = arith.addi %parallel_loop3A_928, %parallel_loop3A_927 : i32
      %parallel_loop3A_930 = arith.index_cast %parallel_loop3A_929 : i32 to index
      %parallel_loop3A_931 = tpu.vector_load %arg6[%parallel_loop3A_930] {strides = array<i32>} : memref<8192xi32, #tpu.memory_space<vmem>>, vector<16xi32>,
      tpu.vector_store %arg6[%parallel_loop3A_930], %parallel_loop3A_925 {strides = array<i32>} : memref<8192xi32, #tpu.memory_space<vmem>>, vector<16xi32>,
    } {sc.loop_unroll_factor = 8 : i64, sc.parallel_access}
    %add3A_803 = arith.constant 12 : i32
    %add3A_804 = arith.addi %mul3A_2, %add3A_803 : i32
    %dma_start3A_805 = arith.constant 0 : i32
    %dma_start3A_806 = tpu.memref_slice %arg6[%dma_start3A_805] : memref<8192xi32, #tpu.memory_space<vmem>> -> memref<4096xi32, #tpu.memory_space<vmem>>
    %dma_start3A_807 = arith.constant 0 : i32
    %dma_start3A_808 = tpu.memref_slice %arg4[%add3A_804, %dma_start3A_807] : memref<512x4096xi32, #tpu.memory_space<hbm>> -> memref<1x4096xi32, #tpu.memory_space<hbm>>
    %dma_start3A_809 = tpu.memref_squeeze %dma_start3A_808 : memref<1x4096xi32, #tpu.memory_space<hbm>> -> memref<4096xi32, #tpu.memory_space<hbm>>
    %dma_start3A_810 = arith.constant 0 : i32
    %dma_start3A_811 = tpu.memref_slice %arg4[%add3A_804, %dma_start3A_810] : memref<512x4096xi32, #tpu.memory_space<hbm>> -> memref<1x4096xi32, #tpu.memory_space<hbm>>
    %dma_start3A_812 = tpu.memref_squeeze %dma_start3A_811 : memref<1x4096xi32, #tpu.memory_space<hbm>> -> memref<4096xi32, #tpu.memory_space<hbm>>
    %dma_start3A_813 = arith.constant 0 : i32
    %dma_start3A_814 = tpu.memref_slice %arg6[%dma_start3A_813] : memref<8192xi32, #tpu.memory_space<vmem>> -> memref<4096xi32, #tpu.memory_space<vmem>>
    tpu.enqueue_dma source(%dma_start3A_814 : memref<4096xi32, #tpu.memory_space<vmem>>) target(%dma_start3A_812 : memref<4096xi32, #tpu.memory_space<hbm>>) target_semaphore(%arg11 : memref<!tpu.dma_semaphore, #tpu.memory_space<semaphore_mem>>)
    %dma_wait3A_815 = arith.constant 4096 : i32
    %dma_wait3A_816 = tpu.memref_slice %arg6[%dma_wait3A_815] : memref<8192xi32, #tpu.memory_space<vmem>> -> memref<4096xi32, #tpu.memory_space<vmem>>
    %dma_wait3A_817 = arith.constant 0 : i32
    %dma_wait3A_818 = tpu.memref_slice %arg4[%add3A_778, %dma_wait3A_817] : memref<512x4096xi32, #tpu.memory_space<hbm>> -> memref<1x4096xi32, #tpu.memory_space<hbm>>
    %dma_wait3A_819 = tpu.memref_squeeze %dma_wait3A_818 : memref<1x4096xi32, #tpu.memory_space<hbm>> -> memref<4096xi32, #tpu.memory_space<hbm>>
    %dma_wait3A_820 = arith.constant 0 : i32
    %dma_wait3A_821 = tpu.memref_slice %arg4[%add3A_778, %dma_wait3A_820] : memref<512x4096xi32, #tpu.memory_space<hbm>> -> memref<1x4096xi32, #tpu.memory_space<hbm>>
    %dma_wait3A_822 = tpu.memref_squeeze %dma_wait3A_821 : memref<1x4096xi32, #tpu.memory_space<hbm>> -> memref<4096xi32, #tpu.memory_space<hbm>>
    %dma_wait3A_823 = arith.constant 4096 : i32
    %dma_wait3A_824 = tpu.memref_slice %arg6[%dma_wait3A_823] : memref<8192xi32, #tpu.memory_space<vmem>> -> memref<4096xi32, #tpu.memory_space<vmem>>
    tpu.wait_dma2 semaphore(%arg12 : memref<!tpu.dma_semaphore, #tpu.memory_space<semaphore_mem>>) src(%dma_wait3A_824 : memref<4096xi32, #tpu.memory_space<vmem>>) dst(%dma_wait3A_822 : memref<4096xi32, #tpu.memory_space<hbm>>)
    %parallel_loop3A_825 = arith.constant 0 : i32
    %parallel_loop3A_826 = arith.constant 256 : i32
    %parallel_loop3A_827 = arith.constant 1 : i32
    %parallel_loop3A_828 = arith.constant 4095 : i32
    scf.for %parallel_loop3A_913 = %parallel_loop3A_825 to %parallel_loop3A_826 step %parallel_loop3A_827  : i32 {
      %parallel_loop3A_914 = arith.constant 16 : i32
      %parallel_loop3A_915 = arith.muli %parallel_loop3A_913, %parallel_loop3A_914 : i32
      %parallel_loop3A_916 = arith.constant 13 : i32
      %parallel_loop3A_917 = arith.addi %parallel_loop3A_915, %parallel_loop3A_916 : i32
      %parallel_loop3A_918 = vector.broadcast %parallel_loop3A_917 : i32 to vector<16xi32>
      %parallel_loop3A_919 = arith.addi %parallel_loop3A_918, %iota3A : vector<16xi32>
      %parallel_loop3A_920 = vector.broadcast %parallel_loop3A_828 : i32 to vector<16xi32>
      %parallel_loop3A_921 = arith.andi %parallel_loop3A_919, %parallel_loop3A_920 : vector<16xi32>
      %parallel_loop3A_922 = arith.constant 53248 : i32
      %parallel_loop3A_923 = vector.broadcast %parallel_loop3A_922 : i32 to vector<16xi32>
      %parallel_loop3A_924 = arith.addi %parallel_loop3A_923, %parallel_loop3A_921 : vector<16xi32>
      %parallel_loop3A_925 = tpu.vector_load_idx %arg5[%parallel_loop3A_924] : memref<65536xi32, #tpu.memory_space<vmem>>[vector<16xi32>], vector<16xi32>,
      %parallel_loop3A_926 = arith.constant 16 : i32
      %parallel_loop3A_927 = arith.muli %parallel_loop3A_913, %parallel_loop3A_926 : i32
      %parallel_loop3A_928 = arith.constant 4096 : i32
      %parallel_loop3A_929 = arith.addi %parallel_loop3A_928, %parallel_loop3A_927 : i32
      %parallel_loop3A_930 = arith.index_cast %parallel_loop3A_929 : i32 to index
      %parallel_loop3A_931 = tpu.vector_load %arg6[%parallel_loop3A_930] {strides = array<i32>} : memref<8192xi32, #tpu.memory_space<vmem>>, vector<16xi32>,
      tpu.vector_store %arg6[%parallel_loop3A_930], %parallel_loop3A_925 {strides = array<i32>} : memref<8192xi32, #tpu.memory_space<vmem>>, vector<16xi32>,
    } {sc.loop_unroll_factor = 8 : i64, sc.parallel_access}
    %add3A_829 = arith.constant 13 : i32
    %add3A_830 = arith.addi %mul3A_2, %add3A_829 : i32
    %dma_start3A_831 = arith.constant 4096 : i32
    %dma_start3A_832 = tpu.memref_slice %arg6[%dma_start3A_831] : memref<8192xi32, #tpu.memory_space<vmem>> -> memref<4096xi32, #tpu.memory_space<vmem>>
    %dma_start3A_833 = arith.constant 0 : i32
    %dma_start3A_834 = tpu.memref_slice %arg4[%add3A_830, %dma_start3A_833] : memref<512x4096xi32, #tpu.memory_space<hbm>> -> memref<1x4096xi32, #tpu.memory_space<hbm>>
    %dma_start3A_835 = tpu.memref_squeeze %dma_start3A_834 : memref<1x4096xi32, #tpu.memory_space<hbm>> -> memref<4096xi32, #tpu.memory_space<hbm>>
    %dma_start3A_836 = arith.constant 0 : i32
    %dma_start3A_837 = tpu.memref_slice %arg4[%add3A_830, %dma_start3A_836] : memref<512x4096xi32, #tpu.memory_space<hbm>> -> memref<1x4096xi32, #tpu.memory_space<hbm>>
    %dma_start3A_838 = tpu.memref_squeeze %dma_start3A_837 : memref<1x4096xi32, #tpu.memory_space<hbm>> -> memref<4096xi32, #tpu.memory_space<hbm>>
    %dma_start3A_839 = arith.constant 4096 : i32
    %dma_start3A_840 = tpu.memref_slice %arg6[%dma_start3A_839] : memref<8192xi32, #tpu.memory_space<vmem>> -> memref<4096xi32, #tpu.memory_space<vmem>>
    tpu.enqueue_dma source(%dma_start3A_840 : memref<4096xi32, #tpu.memory_space<vmem>>) target(%dma_start3A_838 : memref<4096xi32, #tpu.memory_space<hbm>>) target_semaphore(%arg12 : memref<!tpu.dma_semaphore, #tpu.memory_space<semaphore_mem>>)
    %dma_wait3A_841 = arith.constant 0 : i32
    %dma_wait3A_842 = tpu.memref_slice %arg6[%dma_wait3A_841] : memref<8192xi32, #tpu.memory_space<vmem>> -> memref<4096xi32, #tpu.memory_space<vmem>>
    %dma_wait3A_843 = arith.constant 0 : i32
    %dma_wait3A_844 = tpu.memref_slice %arg4[%add3A_804, %dma_wait3A_843] : memref<512x4096xi32, #tpu.memory_space<hbm>> -> memref<1x4096xi32, #tpu.memory_space<hbm>>
    %dma_wait3A_845 = tpu.memref_squeeze %dma_wait3A_844 : memref<1x4096xi32, #tpu.memory_space<hbm>> -> memref<4096xi32, #tpu.memory_space<hbm>>
    %dma_wait3A_846 = arith.constant 0 : i32
    %dma_wait3A_847 = tpu.memref_slice %arg4[%add3A_804, %dma_wait3A_846] : memref<512x4096xi32, #tpu.memory_space<hbm>> -> memref<1x4096xi32, #tpu.memory_space<hbm>>
    %dma_wait3A_848 = tpu.memref_squeeze %dma_wait3A_847 : memref<1x4096xi32, #tpu.memory_space<hbm>> -> memref<4096xi32, #tpu.memory_space<hbm>>
    %dma_wait3A_849 = arith.constant 0 : i32
    %dma_wait3A_850 = tpu.memref_slice %arg6[%dma_wait3A_849] : memref<8192xi32, #tpu.memory_space<vmem>> -> memref<4096xi32, #tpu.memory_space<vmem>>
    tpu.wait_dma2 semaphore(%arg11 : memref<!tpu.dma_semaphore, #tpu.memory_space<semaphore_mem>>) src(%dma_wait3A_850 : memref<4096xi32, #tpu.memory_space<vmem>>) dst(%dma_wait3A_848 : memref<4096xi32, #tpu.memory_space<hbm>>)
    %parallel_loop3A_851 = arith.constant 0 : i32
    %parallel_loop3A_852 = arith.constant 256 : i32
    %parallel_loop3A_853 = arith.constant 1 : i32
    %parallel_loop3A_854 = arith.constant 4095 : i32
    scf.for %parallel_loop3A_913 = %parallel_loop3A_851 to %parallel_loop3A_852 step %parallel_loop3A_853  : i32 {
      %parallel_loop3A_914 = arith.constant 16 : i32
      %parallel_loop3A_915 = arith.muli %parallel_loop3A_913, %parallel_loop3A_914 : i32
      %parallel_loop3A_916 = arith.constant 14 : i32
      %parallel_loop3A_917 = arith.addi %parallel_loop3A_915, %parallel_loop3A_916 : i32
      %parallel_loop3A_918 = vector.broadcast %parallel_loop3A_917 : i32 to vector<16xi32>
      %parallel_loop3A_919 = arith.addi %parallel_loop3A_918, %iota3A : vector<16xi32>
      %parallel_loop3A_920 = vector.broadcast %parallel_loop3A_854 : i32 to vector<16xi32>
      %parallel_loop3A_921 = arith.andi %parallel_loop3A_919, %parallel_loop3A_920 : vector<16xi32>
      %parallel_loop3A_922 = arith.constant 57344 : i32
      %parallel_loop3A_923 = vector.broadcast %parallel_loop3A_922 : i32 to vector<16xi32>
      %parallel_loop3A_924 = arith.addi %parallel_loop3A_923, %parallel_loop3A_921 : vector<16xi32>
      %parallel_loop3A_925 = tpu.vector_load_idx %arg5[%parallel_loop3A_924] : memref<65536xi32, #tpu.memory_space<vmem>>[vector<16xi32>], vector<16xi32>,
      %parallel_loop3A_926 = arith.constant 16 : i32
      %parallel_loop3A_927 = arith.muli %parallel_loop3A_913, %parallel_loop3A_926 : i32
      %parallel_loop3A_928 = arith.constant 0 : i32
      %parallel_loop3A_929 = arith.addi %parallel_loop3A_928, %parallel_loop3A_927 : i32
      %parallel_loop3A_930 = arith.index_cast %parallel_loop3A_929 : i32 to index
      %parallel_loop3A_931 = tpu.vector_load %arg6[%parallel_loop3A_930] {strides = array<i32>} : memref<8192xi32, #tpu.memory_space<vmem>>, vector<16xi32>,
      tpu.vector_store %arg6[%parallel_loop3A_930], %parallel_loop3A_925 {strides = array<i32>} : memref<8192xi32, #tpu.memory_space<vmem>>, vector<16xi32>,
    } {sc.loop_unroll_factor = 8 : i64, sc.parallel_access}
    %add3A_855 = arith.constant 14 : i32
    %add3A_856 = arith.addi %mul3A_2, %add3A_855 : i32
    %dma_start3A_857 = arith.constant 0 : i32
    %dma_start3A_858 = tpu.memref_slice %arg6[%dma_start3A_857] : memref<8192xi32, #tpu.memory_space<vmem>> -> memref<4096xi32, #tpu.memory_space<vmem>>
    %dma_start3A_859 = arith.constant 0 : i32
    %dma_start3A_860 = tpu.memref_slice %arg4[%add3A_856, %dma_start3A_859] : memref<512x4096xi32, #tpu.memory_space<hbm>> -> memref<1x4096xi32, #tpu.memory_space<hbm>>
    %dma_start3A_861 = tpu.memref_squeeze %dma_start3A_860 : memref<1x4096xi32, #tpu.memory_space<hbm>> -> memref<4096xi32, #tpu.memory_space<hbm>>
    %dma_start3A_862 = arith.constant 0 : i32
    %dma_start3A_863 = tpu.memref_slice %arg4[%add3A_856, %dma_start3A_862] : memref<512x4096xi32, #tpu.memory_space<hbm>> -> memref<1x4096xi32, #tpu.memory_space<hbm>>
    %dma_start3A_864 = tpu.memref_squeeze %dma_start3A_863 : memref<1x4096xi32, #tpu.memory_space<hbm>> -> memref<4096xi32, #tpu.memory_space<hbm>>
    %dma_start3A_865 = arith.constant 0 : i32
    %dma_start3A_866 = tpu.memref_slice %arg6[%dma_start3A_865] : memref<8192xi32, #tpu.memory_space<vmem>> -> memref<4096xi32, #tpu.memory_space<vmem>>
    tpu.enqueue_dma source(%dma_start3A_866 : memref<4096xi32, #tpu.memory_space<vmem>>) target(%dma_start3A_864 : memref<4096xi32, #tpu.memory_space<hbm>>) target_semaphore(%arg11 : memref<!tpu.dma_semaphore, #tpu.memory_space<semaphore_mem>>)
    %dma_wait3A_867 = arith.constant 4096 : i32
    %dma_wait3A_868 = tpu.memref_slice %arg6[%dma_wait3A_867] : memref<8192xi32, #tpu.memory_space<vmem>> -> memref<4096xi32, #tpu.memory_space<vmem>>
    %dma_wait3A_869 = arith.constant 0 : i32
    %dma_wait3A_870 = tpu.memref_slice %arg4[%add3A_830, %dma_wait3A_869] : memref<512x4096xi32, #tpu.memory_space<hbm>> -> memref<1x4096xi32, #tpu.memory_space<hbm>>
    %dma_wait3A_871 = tpu.memref_squeeze %dma_wait3A_870 : memref<1x4096xi32, #tpu.memory_space<hbm>> -> memref<4096xi32, #tpu.memory_space<hbm>>
    %dma_wait3A_872 = arith.constant 0 : i32
    %dma_wait3A_873 = tpu.memref_slice %arg4[%add3A_830, %dma_wait3A_872] : memref<512x4096xi32, #tpu.memory_space<hbm>> -> memref<1x4096xi32, #tpu.memory_space<hbm>>
    %dma_wait3A_874 = tpu.memref_squeeze %dma_wait3A_873 : memref<1x4096xi32, #tpu.memory_space<hbm>> -> memref<4096xi32, #tpu.memory_space<hbm>>
    %dma_wait3A_875 = arith.constant 4096 : i32
    %dma_wait3A_876 = tpu.memref_slice %arg6[%dma_wait3A_875] : memref<8192xi32, #tpu.memory_space<vmem>> -> memref<4096xi32, #tpu.memory_space<vmem>>
    tpu.wait_dma2 semaphore(%arg12 : memref<!tpu.dma_semaphore, #tpu.memory_space<semaphore_mem>>) src(%dma_wait3A_876 : memref<4096xi32, #tpu.memory_space<vmem>>) dst(%dma_wait3A_874 : memref<4096xi32, #tpu.memory_space<hbm>>)
    %parallel_loop3A_877 = arith.constant 0 : i32
    %parallel_loop3A_878 = arith.constant 256 : i32
    %parallel_loop3A_879 = arith.constant 1 : i32
    %parallel_loop3A_880 = arith.constant 4095 : i32
    scf.for %parallel_loop3A_913 = %parallel_loop3A_877 to %parallel_loop3A_878 step %parallel_loop3A_879  : i32 {
      %parallel_loop3A_914 = arith.constant 16 : i32
      %parallel_loop3A_915 = arith.muli %parallel_loop3A_913, %parallel_loop3A_914 : i32
      %parallel_loop3A_916 = arith.constant 15 : i32
      %parallel_loop3A_917 = arith.addi %parallel_loop3A_915, %parallel_loop3A_916 : i32
      %parallel_loop3A_918 = vector.broadcast %parallel_loop3A_917 : i32 to vector<16xi32>
      %parallel_loop3A_919 = arith.addi %parallel_loop3A_918, %iota3A : vector<16xi32>
      %parallel_loop3A_920 = vector.broadcast %parallel_loop3A_880 : i32 to vector<16xi32>
      %parallel_loop3A_921 = arith.andi %parallel_loop3A_919, %parallel_loop3A_920 : vector<16xi32>
      %parallel_loop3A_922 = arith.constant 61440 : i32
      %parallel_loop3A_923 = vector.broadcast %parallel_loop3A_922 : i32 to vector<16xi32>
      %parallel_loop3A_924 = arith.addi %parallel_loop3A_923, %parallel_loop3A_921 : vector<16xi32>
      %parallel_loop3A_925 = tpu.vector_load_idx %arg5[%parallel_loop3A_924] : memref<65536xi32, #tpu.memory_space<vmem>>[vector<16xi32>], vector<16xi32>,
      %parallel_loop3A_926 = arith.constant 16 : i32
      %parallel_loop3A_927 = arith.muli %parallel_loop3A_913, %parallel_loop3A_926 : i32
      %parallel_loop3A_928 = arith.constant 4096 : i32
      %parallel_loop3A_929 = arith.addi %parallel_loop3A_928, %parallel_loop3A_927 : i32
      %parallel_loop3A_930 = arith.index_cast %parallel_loop3A_929 : i32 to index
      %parallel_loop3A_931 = tpu.vector_load %arg6[%parallel_loop3A_930] {strides = array<i32>} : memref<8192xi32, #tpu.memory_space<vmem>>, vector<16xi32>,
      tpu.vector_store %arg6[%parallel_loop3A_930], %parallel_loop3A_925 {strides = array<i32>} : memref<8192xi32, #tpu.memory_space<vmem>>, vector<16xi32>,
    } {sc.loop_unroll_factor = 8 : i64, sc.parallel_access}
    %add3A_881 = arith.constant 15 : i32
    %add3A_882 = arith.addi %mul3A_2, %add3A_881 : i32
    %dma_start3A_883 = arith.constant 4096 : i32
    %dma_start3A_884 = tpu.memref_slice %arg6[%dma_start3A_883] : memref<8192xi32, #tpu.memory_space<vmem>> -> memref<4096xi32, #tpu.memory_space<vmem>>
    %dma_start3A_885 = arith.constant 0 : i32
    %dma_start3A_886 = tpu.memref_slice %arg4[%add3A_882, %dma_start3A_885] : memref<512x4096xi32, #tpu.memory_space<hbm>> -> memref<1x4096xi32, #tpu.memory_space<hbm>>
    %dma_start3A_887 = tpu.memref_squeeze %dma_start3A_886 : memref<1x4096xi32, #tpu.memory_space<hbm>> -> memref<4096xi32, #tpu.memory_space<hbm>>
    %dma_start3A_888 = arith.constant 0 : i32
    %dma_start3A_889 = tpu.memref_slice %arg4[%add3A_882, %dma_start3A_888] : memref<512x4096xi32, #tpu.memory_space<hbm>> -> memref<1x4096xi32, #tpu.memory_space<hbm>>
    %dma_start3A_890 = tpu.memref_squeeze %dma_start3A_889 : memref<1x4096xi32, #tpu.memory_space<hbm>> -> memref<4096xi32, #tpu.memory_space<hbm>>
    %dma_start3A_891 = arith.constant 4096 : i32
    %dma_start3A_892 = tpu.memref_slice %arg6[%dma_start3A_891] : memref<8192xi32, #tpu.memory_space<vmem>> -> memref<4096xi32, #tpu.memory_space<vmem>>
    tpu.enqueue_dma source(%dma_start3A_892 : memref<4096xi32, #tpu.memory_space<vmem>>) target(%dma_start3A_890 : memref<4096xi32, #tpu.memory_space<hbm>>) target_semaphore(%arg12 : memref<!tpu.dma_semaphore, #tpu.memory_space<semaphore_mem>>)
    %dma_wait3A_893 = arith.constant 0 : i32
    %dma_wait3A_894 = tpu.memref_slice %arg6[%dma_wait3A_893] : memref<8192xi32, #tpu.memory_space<vmem>> -> memref<4096xi32, #tpu.memory_space<vmem>>
    %dma_wait3A_895 = arith.constant 0 : i32
    %dma_wait3A_896 = tpu.memref_slice %arg4[%add3A_856, %dma_wait3A_895] : memref<512x4096xi32, #tpu.memory_space<hbm>> -> memref<1x4096xi32, #tpu.memory_space<hbm>>
    %dma_wait3A_897 = tpu.memref_squeeze %dma_wait3A_896 : memref<1x4096xi32, #tpu.memory_space<hbm>> -> memref<4096xi32, #tpu.memory_space<hbm>>
    %dma_wait3A_898 = arith.constant 0 : i32
    %dma_wait3A_899 = tpu.memref_slice %arg4[%add3A_856, %dma_wait3A_898] : memref<512x4096xi32, #tpu.memory_space<hbm>> -> memref<1x4096xi32, #tpu.memory_space<hbm>>
    %dma_wait3A_900 = tpu.memref_squeeze %dma_wait3A_899 : memref<1x4096xi32, #tpu.memory_space<hbm>> -> memref<4096xi32, #tpu.memory_space<hbm>>
    %dma_wait3A_901 = arith.constant 0 : i32
    %dma_wait3A_902 = tpu.memref_slice %arg6[%dma_wait3A_901] : memref<8192xi32, #tpu.memory_space<vmem>> -> memref<4096xi32, #tpu.memory_space<vmem>>
    tpu.wait_dma2 semaphore(%arg11 : memref<!tpu.dma_semaphore, #tpu.memory_space<semaphore_mem>>) src(%dma_wait3A_902 : memref<4096xi32, #tpu.memory_space<vmem>>) dst(%dma_wait3A_900 : memref<4096xi32, #tpu.memory_space<hbm>>)
    %dma_wait3A_903 = arith.constant 4096 : i32
    %dma_wait3A_904 = tpu.memref_slice %arg6[%dma_wait3A_903] : memref<8192xi32, #tpu.memory_space<vmem>> -> memref<4096xi32, #tpu.memory_space<vmem>>
    %dma_wait3A_905 = arith.constant 0 : i32
    %dma_wait3A_906 = tpu.memref_slice %arg4[%add3A_882, %dma_wait3A_905] : memref<512x4096xi32, #tpu.memory_space<hbm>> -> memref<1x4096xi32, #tpu.memory_space<hbm>>
    %dma_wait3A_907 = tpu.memref_squeeze %dma_wait3A_906 : memref<1x4096xi32, #tpu.memory_space<hbm>> -> memref<4096xi32, #tpu.memory_space<hbm>>
    %dma_wait3A_908 = arith.constant 0 : i32
    %dma_wait3A_909 = tpu.memref_slice %arg4[%add3A_882, %dma_wait3A_908] : memref<512x4096xi32, #tpu.memory_space<hbm>> -> memref<1x4096xi32, #tpu.memory_space<hbm>>
    %dma_wait3A_910 = tpu.memref_squeeze %dma_wait3A_909 : memref<1x4096xi32, #tpu.memory_space<hbm>> -> memref<4096xi32, #tpu.memory_space<hbm>>
    %dma_wait3A_911 = arith.constant 4096 : i32
    %dma_wait3A_912 = tpu.memref_slice %arg6[%dma_wait3A_911] : memref<8192xi32, #tpu.memory_space<vmem>> -> memref<4096xi32, #tpu.memory_space<vmem>>
    tpu.wait_dma2 semaphore(%arg12 : memref<!tpu.dma_semaphore, #tpu.memory_space<semaphore_mem>>) src(%dma_wait3A_912 : memref<4096xi32, #tpu.memory_space<vmem>>) dst(%dma_wait3A_910 : memref<4096xi32, #tpu.memory_space<hbm>>)
    return
  }
}

module attributes {stable_mosaic.version = 14 : i64} {
  func.func @_dense_body(%arg0: i32, %arg1: memref<1x32x8x4096xf32, #tpu.memory_space<vmem>>, %arg2: memref<1x32x4096xi32, #tpu.memory_space<vmem>>, %arg3: memref<1x1x32xi32, #tpu.memory_space<vmem>>) attributes {dimension_semantics = [#tpu.dimension_semantics<arbitrary>], iteration_bounds = array<i64: 16>, scalar_prefetch = 0 : i64, scratch_operands = 0 : i64, tpu.core_type = #tpu.core_type<tc>, window_params = [{transform_indices = @transform_0, window_bounds = array<i64: 1, 32, 8, 4096>}, {transform_indices = @transform_1, window_bounds = array<i64: 1, 32, 4096>}, {transform_indices = @transform_2, window_bounds = array<i64: 1, 1, 32>}]} {
    %get3A = arith.constant 0 : index
    %get3A_0 = arith.constant 0 : index
    %get3A_1 = arith.constant 0 : index
    %get3A_2 = arith.constant 0 : index
    %get3A_3 = vector.load %arg1[%get3A, %get3A_0, %get3A_1, %get3A_2] : memref<1x32x8x4096xf32, #tpu.memory_space<vmem>>, vector<1x32x8x4096xf32>
    %get3A_4 = vector.shape_cast %get3A_3 : vector<1x32x8x4096xf32> to vector<32x8x4096xf32>
    %reduce_sum3A = arith.constant dense<0.000000e+00> : vector<32x4096xf32>
    %reduce_sum3A_5 = vector.multi_reduction <add>, %get3A_4, %reduce_sum3A [1] : vector<32x8x4096xf32> to vector<32x4096xf32>
    %reshape3A = vector.shape_cast %get3A_4 : vector<32x8x4096xf32> to vector<256x4096xf32>
    %add3A = arith.constant 9.99999993E-9 : f32
    %add3A_6 = vector.broadcast %add3A : f32 to vector<256x4096xf32>
    %add3A_7 = arith.addf %reshape3A, %add3A_6 : vector<256x4096xf32>
    %log3A = math.log %add3A_7 : vector<256x4096xf32>
    %mul3A = arith.mulf %reshape3A, %log3A : vector<256x4096xf32>
    %broadcast_in_dim3A = arith.constant 1.000000e+00 : f32
    %broadcast_in_dim3A_8 = vector.broadcast %broadcast_in_dim3A : f32 to vector<4096x8xf32>
    %dot_general3A = arith.constant dense<0.000000e+00> : vector<256x8xf32>
    %dot_general3A_9 = tpu.matmul %mul3A, %broadcast_in_dim3A_8, %dot_general3A {dimension_numbers = #tpu.dot_dimension_numbers<[1], [0], [0], [1], [0, 0, 1, 1], [], []>, transpose_lhs_hint = false} : vector<256x4096xf32>, vector<4096x8xf32>, vector<256x8xf32> -> vector<256x8xf32>
    %slice3A = vector.extract_strided_slice %dot_general3A_9 {offsets = [0, 0], sizes = [256, 1], strides = [1, 1]} : vector<256x8xf32> to vector<256x1xf32>
    %reshape3A_10 = vector.shape_cast %slice3A : vector<256x1xf32> to vector<32x8xf32>
    %reduce_sum3A_11 = arith.constant dense<0.000000e+00> : vector<32xf32>
    %reduce_sum3A_12 = vector.multi_reduction <add>, %reshape3A_10, %reduce_sum3A_11 [1] : vector<32x8xf32> to vector<32xf32>
    %broadcast_in_dim3A_13 = vector.shape_cast %reduce_sum3A_12 : vector<32xf32> to vector<32x1xf32>
    %neg3A = arith.constant 0.000000e+00 : f32
    %neg3A_14 = vector.broadcast %neg3A : f32 to vector<32x1xf32>
    %neg3A_15 = arith.subf %neg3A_14, %broadcast_in_dim3A_13 : vector<32x1xf32>
    %div3A = arith.constant 8.000000e+00 : f32
    %div3A_16 = vector.broadcast %div3A : f32 to vector<32x1xf32>
    %div3A_17 = arith.divf %neg3A_15, %div3A_16 : vector<32x1xf32>
    %reduce_sum3A_18 = vector.shape_cast %div3A_17 : vector<32x1xf32> to vector<1x32x1xf32>
    %reduce_sum3A_19 = arith.constant dense<0.000000e+00> : vector<1xf32>
    %reduce_sum3A_20 = vector.multi_reduction <add>, %reduce_sum3A_18, %reduce_sum3A_19 [1, 2] : vector<1x32x1xf32> to vector<1xf32>
    %reduce_sum3A_21 = vector.shape_cast %reduce_sum3A_20 : vector<1xf32> to vector<1x1x1xf32>
    %reduce_sum3A_22 = vector.extract %reduce_sum3A_21[0, 0, 0] : f32 from vector<1x1x1xf32>
    %add3A_23 = arith.constant 9.99999993E-9 : f32
    %add3A_24 = arith.addf %reduce_sum3A_22, %add3A_23 : f32
    %div3A_25 = vector.broadcast %add3A_24 : f32 to vector<32x1xf32>
    %div3A_26 = arith.divf %div3A_17, %div3A_25 : vector<32x1xf32>
    %mul3A_27 = arith.constant 6.336000e+04 : f32
    %mul3A_28 = vector.broadcast %mul3A_27 : f32 to vector<32x1xf32>
    %mul3A_29 = arith.mulf %div3A_26, %mul3A_28 : vector<32x1xf32>
    %round3A = math.roundeven %mul3A_29 : vector<32x1xf32>
    %convert_element_type3A = arith.fptosi %round3A : vector<32x1xf32> to vector<32x1xi32>
    %max3A = arith.constant 402 : i32
    %max3A_30 = vector.broadcast %max3A : i32 to vector<32x1xi32>
    %max3A_31 = arith.maxsi %convert_element_type3A, %max3A_30 : vector<32x1xi32>
    %reduce_sum3A_32 = vector.shape_cast %max3A_31 : vector<32x1xi32> to vector<1x32x1xi32>
    %reduce_sum3A_33 = arith.constant dense<0> : vector<1xi32>
    %reduce_sum3A_34 = vector.multi_reduction <add>, %reduce_sum3A_32, %reduce_sum3A_33 [1, 2] : vector<1x32x1xi32> to vector<1xi32>
    %reduce_sum3A_35 = vector.shape_cast %reduce_sum3A_34 : vector<1xi32> to vector<1x1x1xi32>
    %reduce_sum3A_36 = vector.extract %reduce_sum3A_35[0, 0, 0] : i32 from vector<1x1x1xi32>
    %sub3A = arith.constant 63360 : i32
    %sub3A_37 = arith.subi %sub3A, %reduce_sum3A_36 : i32
    %div3A_38 = arith.constant 32 : i32
    %div3A_39 = arith.divsi %sub3A_37, %div3A_38 : i32
    %mul3A_40 = arith.constant 32 : i32
    %mul3A_41 = arith.muli %div3A_39, %mul3A_40 : i32
    %sub3A_42 = arith.subi %sub3A_37, %mul3A_41 : i32
    %lt3A = arith.constant 0 : i32
    %lt3A_43 = arith.cmpi slt, %sub3A_42, %lt3A : i32
    %jit3A = arith.constant 1 : i32
    %jit3A_44 = arith.constant 0 : i32
    %select_n3A = arith.select %lt3A_43, %jit3A, %jit3A_44 : i32
    %sub3A_45 = arith.subi %div3A_39, %select_n3A : i32
    %add3A_46 = vector.broadcast %sub3A_45 : i32 to vector<32x1xi32>
    %add3A_47 = arith.addi %max3A_31, %add3A_46 : vector<32x1xi32>
    %mul3A_48 = arith.constant 32 : i32
    %mul3A_49 = arith.muli %sub3A_45, %mul3A_48 : i32
    %sub3A_50 = arith.subi %sub3A_37, %mul3A_49 : i32
    %iota3A = tpu.iota {dimensions = array<i32: 0>} : vector<32x1xi32>
    %lt3A_51 = vector.broadcast %sub3A_50 : i32 to vector<32x1xi32>
    %lt3A_52 = arith.cmpi slt, %iota3A, %lt3A_51 : vector<32x1xi32>
    %jit3A_53 = arith.constant 1 : i32
    %jit3A_54 = arith.constant 0 : i32
    %broadcast_in_dim3A_55 = vector.broadcast %jit3A_53 : i32 to vector<32x1xi32>
    %broadcast_in_dim3A_56 = vector.broadcast %jit3A_54 : i32 to vector<32x1xi32>
    %select_n3A_57 = arith.select %lt3A_52, %broadcast_in_dim3A_55, %broadcast_in_dim3A_56 : vector<32x1xi1>, vector<32x1xi32>
    %add3A_58 = arith.addi %add3A_47, %select_n3A_57 : vector<32x1xi32>
    %jit3A_59 = arith.constant 1 : i32
    %jit3A_60 = arith.constant 4028 : i32
    %max3A_61 = vector.broadcast %jit3A_59 : i32 to vector<32x1xi32>
    %max3A_62 = arith.maxsi %max3A_61, %add3A_58 : vector<32x1xi32>
    %min3A = vector.broadcast %jit3A_60 : i32 to vector<32x1xi32>
    %min3A_63 = arith.minsi %min3A, %max3A_62 : vector<32x1xi32>
    %bitcast_convert_type3A = tpu.bitcast %reduce_sum3A_5 : vector<32x4096xf32> -> vector<32x4096xi32>
    %iota3A_64 = tpu.iota {dimensions = array<i32: 1>} : vector<32x4096xi32>
    %ge3A = arith.constant 4 : i32
    %ge3A_65 = vector.broadcast %ge3A : i32 to vector<32x4096xi32>
    %ge3A_66 = arith.cmpi sge, %iota3A_64, %ge3A_65 : vector<32x4096xi32>
    %lt3A_67 = arith.constant 4032 : i32
    %lt3A_68 = vector.broadcast %lt3A_67 : i32 to vector<32x4096xi32>
    %lt3A_69 = arith.cmpi slt, %iota3A_64, %lt3A_68 : vector<32x4096xi32>
    %and3A = arith.andi %ge3A_66, %lt3A_69 : vector<32x4096xi1>
    %jit3A_70 = arith.constant -1 : i32
    %broadcast_in_dim3A_71 = vector.broadcast %jit3A_70 : i32 to vector<32x4096xi32>
    %select_n3A_72 = arith.select %and3A, %bitcast_convert_type3A, %broadcast_in_dim3A_71 : vector<32x4096xi1>, vector<32x4096xi32>
    %swap3A = arith.constant 0 : index
    %swap3A_73 = arith.constant 0 : index
    %swap3A_74 = arith.constant 0 : index
    %swap3A_75 = vector.load %arg2[%swap3A, %swap3A_73, %swap3A_74] : memref<1x32x4096xi32, #tpu.memory_space<vmem>>, vector<1x32x4096xi32>
    %swap3A_76 = vector.shape_cast %swap3A_75 : vector<1x32x4096xi32> to vector<32x4096xi32>
    %swap3A_77 = vector.shape_cast %select_n3A_72 : vector<32x4096xi32> to vector<1x32x4096xi32>
    tpu.vector_store %arg2[%swap3A, %swap3A_73, %swap3A_74], %swap3A_77 {strides = array<i32>} : memref<1x32x4096xi32, #tpu.memory_space<vmem>>, vector<1x32x4096xi32>,
    %reshape3A_78 = vector.shape_cast %min3A_63 : vector<32x1xi32> to vector<1x32xi32>
    %swap3A_79 = arith.constant 0 : index
    %swap3A_80 = arith.constant 0 : index
    %swap3A_81 = arith.constant 0 : index
    %swap3A_82 = vector.load %arg3[%swap3A_79, %swap3A_80, %swap3A_81] : memref<1x1x32xi32, #tpu.memory_space<vmem>>, vector<1x1x32xi32>
    %swap3A_83 = vector.shape_cast %swap3A_82 : vector<1x1x32xi32> to vector<1x32xi32>
    %swap3A_84 = vector.shape_cast %reshape3A_78 : vector<1x32xi32> to vector<1x1x32xi32>
    tpu.vector_store %arg3[%swap3A_79, %swap3A_80, %swap3A_81], %swap3A_84 {strides = array<i32>} : memref<1x1x32xi32, #tpu.memory_space<vmem>>, vector<1x1x32xi32>,
    return
  }
  func.func @transform_0(%arg0: i32) -> (i32, i32, i32, i32) {
    %c0_i32 = arith.constant 0 : i32
    %c0_i32_0 = arith.constant 0 : i32
    %c0_i32_1 = arith.constant 0 : i32
    %c0_i32_2 = arith.constant 0 : i32
    return %arg0, %c0_i32, %c0_i32_0, %c0_i32_1 : i32, i32, i32, i32
  }
  func.func @transform_1(%arg0: i32) -> (i32, i32, i32) {
    %c0_i32 = arith.constant 0 : i32
    %c0_i32_0 = arith.constant 0 : i32
    %c0_i32_1 = arith.constant 0 : i32
    return %arg0, %c0_i32, %c0_i32_0 : i32, i32, i32
  }
  func.func @transform_2(%arg0: i32) -> (i32, i32, i32) {
    %c0_i32 = arith.constant 0 : i32
    %c0_i32_0 = arith.constant 0 : i32
    %c0_i32_1 = arith.constant 0 : i32
    return %arg0, %c0_i32, %c0_i32_0 : i32, i32, i32
  }
}

</mosaic_0001>

<sc_bundles>
// kernel: kernel.4.cloned.1.call-start
scs
__scs_entry_jumppad:
0x0: {  	(pc) =	sbr.rel $0x88, $3  }
0x1: {  	(tag) =	ssettag $0x0;
	lr =	simm.s32 $0x1  }
0x2: {  	[smem:$0x3FA0] =	sst lr;
	_ =	strace $0xD0000000  }
0x3: {  	_ = 	snop  }
0x4: {  	_ = 	snop  }
0x5: {  	_ = 	snop  }
0x6: {  	_ = 	snop  }
0x7: {  	_ = 	snop  }
__scs_overlays_trampoline_lowered:
0x8: {  	[smem:$0x3FAF] =	sst s0  }
0x9: {  	[smem:$0x3FB0] =	sst s1  }
0xa: {  	[smem:$0x3FB1] =	sst s2  }
0xb: {  	[smem:$0x3FB2] =	sst s3  }
0xc: {  	[smem:$0x3FB3] =	sst s4  }
0xd: {  	[smem:$0x3FB4] =	sst s5  }
0xe: {  	[smem:$0x3FB5] =	sst s6  }
0xf: {  	[smem:$0x3FB6] =	sst s7  }
0x10: {  	[smem:$0x3FB7] =	sst s8  }
0x11: {  	[smem:$0x3FB8] =	sst s9;
	s0 =	simm.s32 @!p0 $0x0  }
0x12: {  	s1 =	sld [smem:$0x3F9E];
	s0 =	simm.s32 @p0 $0x1  }
0x13: {  	[smem:$0x3FB9] =	sst s0;
	s0 =	simm.s32 @!p1 $0x0  }
0x14: {  	s2 =	sld [smem:$0x3F9D];
	s0 =	simm.s32 @p1 $0x1  }
0x15: {  	[smem:$0x3FBA] =	sst s0;
	s0 =	simm.s32 @!p2 $0x0  }
0x16: {  	s3 =	sld [smem:$0x3FDB];
	s0 =	simm.s32 @p2 $0x1  }
0x17: {  	s4 =	simm.s32 $0x1BF5;
	[smem:$0x3FBC] =	sst s0  }
0x18: {  	s0 =	sld [smem:$0x3F9F];
	_ =	swait.ge [sflag:s4], $0x0  }
0x19: {  	s7 =	sld [smem:$0x3FA0]  }
0x1a: {  	s8 =	sadd.s32 $0xFFFFE003, lr  }
0x1b: {  	s9 =	sadd.s32 $0xFFFFFEF7, lr;
	s5 =	simm.s32 $0xFFFFFFFF;
	p2 =	slt.u32 s8, $0xFFFFF086  }
0x1c: {  	p1 =	slt.u32 s9, $0xF7A;
	s5 =	simm.s32 @!p2 $0x0  }
0x1d: {  	s5 =	simm.s32 @p1 $0x1;
	p0 =	seq.s32 s7, s2  }
0x1e: {  	s7 =	smul.u32 @!p0 $0xF7A, s2;
	p2 =	seq.s32 @!p0 s5, $0x0  }
0x1f: {  	s9 =	smul.u32 $0xF7A, s1;
	s8 =	simm.s32 @!p0 $0x1BF5;
	p2 =	por !p2, p0  }
0x20: {  	[sflag:s8] =	ssyncset.s32 @!p0 $0xFFFFF086;
	s6 =	sadd.s32 @!p0 s3, s7;
	s7 =	simm.s32 @!p0 $0x108  }
0x21: {  	s3 =	sadd.s32 s3, s9;
	s6 =	sadd.s32 @!p0 $0x88, s6;
	s7 =	simm.s32 @p2 $0x1082  }
0x22: {  	[simem:s7], [sflag:s8] =	dma.local @!p0 [hbm:s6], $0xF7A  }
0x23: {  	s9 =	sor.u32 $0xD0000000, s2;
	s6 =	simm.s32 $0x108;
	_ =	swait.ge @!p0 [sflag:s8], $0x0  }
0x24: {  	s3 =	sadd.s32 $0x88, s3;
	s6 =	simm.s32 @!p1 $0x1082;
	[sflag:s4] =	ssyncset.s32 $0xFFFFF086  }
0x25: {  	[simem:s6], [sflag:s4] =	dma.local [hbm:s3], $0xF7A  }
0x26: {  	[smem:$0x3FA0] =	sst s1;
	(tag) =	ssettag s2;
	_ =	strace s9  }
0x27: {  	s1 =	sld [smem:$0x3FB0]  }
0x28: {  	s2 =	sld [smem:$0x3FB1]  }
0x29: {  	s4 =	sld [smem:$0x3FB3]  }
0x2a: {  	p0 =	seq.s32 s5, $0x0;
	s5 =	sld [smem:$0x3FB4]  }
0x2b: {  	s6 =	sld [smem:$0x3FB5]  }
0x2c: {  	s7 =	sld [smem:$0x3FB6]  }
0x2d: {  	s3 =	simm.s32 $0x108;
	s8 =	sld [smem:$0x3FB7]  }
0x2e: {  	s3 =	simm.s32 @!p0 $0x1082;
	s9 =	sld [smem:$0x3FB8]  }
0x2f: {  	lr =	sadd.s32 s0, s3;
	s0 =	sld [smem:$0x3FAF]  }
0x30: {  	s3 =	sld [smem:$0x3FB2]  }
0x31: {  	[smem:$0x3FBB] =	sst s10  }
0x32: {  	s10 =	sld [smem:$0x3FB9];
	_ =	sdelay $0x3  }
0x33: {  	p0 =	seq.s32 s10, $0x1;
	s10 =	sld [smem:$0x3FBB];
	_ =	sdelay $0x3  }
0x34: {  	[smem:$0x3FBB] =	sst s10  }
0x35: {  	s10 =	sld [smem:$0x3FBA];
	_ =	sdelay $0x3  }
0x36: {  	p1 =	seq.s32 s10, $0x1;
	s10 =	sld [smem:$0x3FBB];
	_ =	sdelay $0x3  }
0x37: {  	[smem:$0x3FBB] =	sst s10  }
0x38: {  	s10 =	sld [smem:$0x3FBC]  }
0x39: {  	_ = 	snop;
	(pc) =	sbr.ind lr, $3  }
0x3a: {  	_ = 	snop  }
0x3b: {  	_ = 	snop  }
0x3c: {  	p2 =	seq.s32 s10, $0x1;
	s10 =	sld [smem:$0x3FBB]  }
0x3d: {  	_ =	shalt  }
0x3e: {  	_ =	shalt  }
0x3f: {  	_ =	shalt  }
0x40: {  	_ =	shalt  }
0x41: {  	_ =	shalt  }
0x42: {  	_ =	shalt  }
0x43: {  	_ =	shalt  }
0x44: {  	_ =	shalt  }
0x45: {  	_ =	shalt  }
0x46: {  	_ =	shalt  }
0x47: {  	_ =	shalt  }
0x48: {  	_ =	shalt  }
0x49: {  	_ =	shalt  }
0x4a: {  	_ =	shalt  }
0x4b: {  	_ =	shalt  }
0x4c: {  	_ =	shalt  }
0x4d: {  	_ =	shalt  }
0x4e: {  	_ =	shalt  }
0x4f: {  	_ =	shalt  }
0x50: {  	_ =	shalt  }
0x51: {  	_ =	shalt  }
0x52: {  	_ =	shalt  }
0x53: {  	_ =	shalt  }
0x54: {  	_ =	shalt  }
0x55: {  	_ =	shalt  }
0x56: {  	_ =	shalt  }
0x57: {  	_ =	shalt  }
0x58: {  	_ =	shalt  }
0x59: {  	_ =	shalt  }
0x5a: {  	_ =	shalt  }
0x5b: {  	_ =	shalt  }
0x5c: {  	_ =	shalt  }
0x5d: {  	_ =	shalt  }
0x5e: {  	_ =	shalt  }
0x5f: {  	_ =	shalt  }
0x60: {  	_ =	shalt  }
0x61: {  	_ =	shalt  }
0x62: {  	_ =	shalt  }
0x63: {  	_ =	shalt  }
0x64: {  	_ =	shalt  }
0x65: {  	_ =	shalt  }
0x66: {  	_ =	shalt  }
0x67: {  	_ =	shalt  }
0x68: {  	_ =	shalt  }
0x69: {  	_ =	shalt  }
0x6a: {  	_ =	shalt  }
0x6b: {  	_ =	shalt  }
0x6c: {  	_ =	shalt  }
0x6d: {  	_ =	shalt  }
0x6e: {  	_ =	shalt  }
0x6f: {  	_ =	shalt  }
0x70: {  	_ =	shalt  }
0x71: {  	_ =	shalt  }
0x72: {  	_ =	shalt  }
0x73: {  	_ =	shalt  }
0x74: {  	_ =	shalt  }
0x75: {  	_ =	shalt  }
0x76: {  	_ =	shalt  }
0x77: {  	_ =	shalt  }
0x78: {  	_ =	shalt  }
0x79: {  	_ =	shalt  }
0x7a: {  	_ =	shalt  }
0x7b: {  	_ =	shalt  }
0x7c: {  	_ =	shalt  }
0x7d: {  	_ =	shalt  }
0x7e: {  	_ =	shalt  }
0x7f: {  	_ =	shalt  }
0x80: {  	_ =	shalt  }
0x81: {  	_ =	shalt  }
0x82: {  	_ =	shalt  }
0x83: {  	_ =	shalt  }
0x84: {  	_ =	shalt  }
0x85: {  	_ =	shalt  }
0x86: {  	_ =	shalt  }
0x87: {  	_ =	shalt  }
.Lfunc_end0:
.L_simem_size_0:
called_computation_lowered:
.L_overlay_start_0:
0x88: {  	s2 =	sld [smem:$0x3FD9]  }
0x89: {  	s3 =	sld [smem:$0x3FFE];
	_ =	sdelay $0x1  }
0x8a: {  	s1 =	srdreg.scid  }
0x8b: {  	s0 =	sand.u32 $0x1, s1  }
0x8c: {  	s17 =	sshll.u32 s0, $0xA;
	s2 =	sadd.s32 s3, s2  }
0x8d: {  	s2 =	sadd.s32 s2, s17  }
0x8e: {  	[smem:$0x3FC7] =	sst s2  }
0x8f: {  	_ = 	snop  }
0x90: {  	s2 =	sld [smem:$0x3FD0];
	(tm) =	ssettm $0x1  }
0x91: {  	s18 =	sld [smem:$0x3FFB];
	_ =	sdelay $0x3  }
0x92: {  	_ =	strace s18  }
0x93: {  	s3 =	sld [smem:$0x3FFC];
	_ =	sdelay $0x3  }
0x94: {  	_ =	strace s3  }
0x95: {  	s3 =	sld [smem:$0x3FFD];
	_ =	sdelay $0x3  }
0x96: {  	_ =	strace s3  }
0x97: {  	_ =	strace $0x8FFFFFFF  }
0x98: {  	s19 =	sld [smem:$0x3FDB];
	_ =	sdelay $0x1  }
0x99: {  	s4 =	simm.s32 $_scs_section_size  }
0x9a: {  	s5 =	simm.s32 $_size__tile_overlayer_lowered;
	s6 =	simm.s32 $_tile_overlayer_lowered  }
0x9b: {  	s22 =	simm.s32 $0x1BFF;
	s21 =	sshll.u32 s6, $0x1;
	s3 =	sadd.s32 s4, s19  }
0x9c: {  	s7 =	simm.s32 $0x0;
	s20 =	sshll.u32 s5, $0x1;
	s5 =	sadd.s32 s21, s3  }
0x9d: {  	[timem:s7], [sflag:s22] =	dma.local [hbm:s5], s20  }
0x9e: {  	_ =	swait.ge [sflag:s22], s20  }
0x9f: {  	s4 =	ssub.s32 $0x0, s20;
	[sflag:s22] =	ssyncset.done $0x0  }
0xa0: {  	[sflag:s22] =	ssyncadd.s32 s4;
	_ =	sdelay $0x1  }
0xa1: {  	s23 =	simm.s32 $0x1B8B  }
0xa2: {  	_ =	swait.ge [sflag:s23], $0x1  }
0xa3: {  	[sflag:s23] =	ssyncset.done $0x0  }
0xa4: {  	s25 =	simm.s32 $0x1B8E;
	s24 =	sld [smem:$0x3FFE];
	[sflag:s23] =	ssyncadd.s32 $0xFFFFFFFF  }
0xa5: {  	s26 =	simm.s32 $execute0_lowered;
	[smem:$0x3FD2] =	sst s25  }
0xa6: {  	s5 =	sshll.u32 s26, $0x1;
	_ =	strace $0x80000046;
	[dreg:$0x1] =	wrdreg $0xFFFFFFFF  }
0xa7: {  	s28 =	simm.s32 $_size_execute0_lowered;
	s3 =	sadd.s32 s3, s5;
	[dreg:$0x0] =	wrdreg $0x0  }
0xa8: {  	s5 =	sshll.u32 s28, $0x1;
	[dreg:$0x2] =	wrdreg s3  }
0xa9: {  	[dreg:$0x3] =	wrdreg s5  }
0xaa: {  	[dreg:$0x4] =	wrdreg $0xC0  }
0xab: {  	_ =	task [dreg:s7], $0x5FFFF  }
0xac: {  	[dreg:$0x1] =	wrdreg $0xFFFFFFFF  }
0xad: {  	[dreg:$0x0] =	wrdreg $0x60  }
0xae: {  	[dreg:$0x2] =	wrdreg s24  }
0xaf: {  	[dreg:$0x3] =	wrdreg s2  }
0xb0: {  	[dreg:$0x4] =	wrdreg $0x9  }
0xb1: {  	_ =	task.clear_ibuf [dreg:s7], $0x5FFFF;
	_ =	strace $0x90000046  }
0xb2: {  	s29 =	simm.s32 $0x9;
	_ =	strace $0x80000048  }
0xb3: {  	_ =	swait.ge [sflag:s29], $0x1  }
0xb4: {  	[sflag:s29] =	ssyncadd.s32 $0xFFFFFFFF  }
0xb5: {  	_ =	strace $0x90000048  }
0xb6: {  	_ =	sfence  }
0xb7: {  	s30 =	sld [smem:$0x0];
	_ =	sdelay $0x2  }
0xb8: {  	s31 =	sshll.u32 s1, $0xD;
	s1 =	sshrl.u32 s1, $0x2  }
0xb9: {  	s3 =	sand.u32 $0x4000, s31;
	s1 =	sadd.s32 s1, s30  }
0xba: {  	s0 =	sor.u32 s3, s0;
	s1 =	sshll.u32 s1, $0x11  }
0xbb: {  	s0 =	sor.u32 s1, s0  }
0xbc: {  	s0 =	sadd.s32 $0x8F2B, s0  }
0xbd: {  	[sflag:s0] =	ssyncadd.remote.s32 $0x1  }
0xbe: {  	_ =	sfence.sel $0xFFFF  }
0xbf: {  	[dreg:$0x0] =	wrdreg $0xFFFFFFFF;
	(pc) =	sbr.abs _section_cstart, $3  }
0xc0: {  	[dreg:$0x1] =	wrdreg $0xFFFFFFFF  }
0xc1: {  	_ =	task.clear_ibuf [dreg:s7], $0x2FFFF;
	_ =	strace $0x9FFFFFFF  }
0xc2: {  	(tm) =	ssettm $0x7FFFFFFF  }
0xc3: {  	_ =	shalt  }
tec
execute0_lowered:
.L_overlay_start_1:
0x0: {  	(tag) =	ssettag $0x1  }
0x1: {  	s0 =	rddreg [dreg:$0x0]  }
0x2: {  	s2 =	rddreg [dreg:$0x1];
	s3 =	srdreg.scid  }
0x3: {  	s1 =	simm.s32 $0x0;
	s4 =	stileid.u32;
	s3 =	sand.u32 $0x1, s3  }
0x4: {  	s7 =	sshll.u32 s4, $0x5;
	s5 =	ssub.s32 $0x2, s3;
	s3 =	sshll.u32 s3, $0x4  }
0x5: {  	[smem:$0x7FF] =	sst s1;
	s6 =	sadd.s32 $0x400, s0;
	s3 =	sor.u32 s3, s7  }
0x6: {  	s4 =	sadd.s32 $0x40400, s0;
	s25 =	sshrl.u32 s5, $0x1;
	s26 =	sshrl.u32 s3, $0x3  }
0x7: {  	s5 =	ssub.s32 s5, s25;
	s3 =	sshll.u32 s3, $0x9;
	s0 =	sadd.s32 s2, s26  }
0x8: {  	s2 =	sadd.s32 s6, s3;
	s7 =	sor.u32 $0x10, s3;
	s22 =	sor.u32 $0x20, s3  }
0x9: {  	s23 =	sor.u32 $0x30, s3;
	s25 =	sor.u32 $0x40, s3;
	[dreg:$0x3] =	wrdreg s0  }
0xa: {  	s26 =	sor.u32 $0x50, s3;
	[dreg:$0x4] =	wrdreg s2;
	s21 =	sadd.s32 s6, s7  }
0xb: {  	s10 =	sor.u32 $0x60, s3;
	s8 =	sadd.s32 s6, s22;
	[dreg:$0x5] =	wrdreg s21  }
0xc: {  	s13 =	sor.u32 $0x1010, s3;
	s24 =	sadd.s32 s6, s23;
	[dreg:$0x6] =	wrdreg s8  }
0xd: {  	s16 =	sor.u32 $0x1040, s3;
	s9 =	sadd.s32 s6, s25;
	[dreg:$0x7] =	wrdreg s24  }
0xe: {  	s5 =	smax.u32 s5, $0x1;
	s11 =	sadd.s32 s6, s26;
	[dreg:$0x8] =	wrdreg s9  }
0xf: {  	s18 =	sadd.s32 s6, s10;
	s19 =	sadd.s32 s6, s13;
	[dreg:$0x9] =	wrdreg s11  }
0x10: {  	s20 =	sadd.s32 s6, s16;
	s0 =	sadd.s32 s4, s7;
	[dreg:$0xa] =	wrdreg s18  }
0x11: {  	s22 =	sadd.s32 s4, s22;
	s23 =	sadd.s32 s4, s23;
	[dreg:$0xd] =	wrdreg s19  }
0x12: {  	s29 =	sadd.s32 s4, s13;
	s7 =	simm.s32 $0x80;
	[dreg:$0x10] =	wrdreg s20  }
0x13: {  	s13 =	simm.s32 $0x12080;
	s11 =	sor.u32 $0x70, s3;
	[dreg:$0x15] =	wrdreg s0  }
0x14: {  	s21 =	sor.u32 $0x1060, s3;
	s19 =	sor.u32 $0x1070, s3;
	[dreg:$0x16] =	wrdreg s22  }
0x15: {  	[dreg:$0x17] =	wrdreg s23;
	s24 =	sadd.s32 s4, s25;
	s25 =	sadd.s32 s4, s26  }
0x16: {  	s26 =	sadd.s32 s4, s10;
	s0 =	sadd.s32 s4, s16;
	s8 =	simm.s32 $0x400  }
0x17: {  	s9 =	simm.s32 $0x10000;
	s10 =	simm.s32 $0x11000;
	[dreg:$0x18] =	wrdreg s24  }
0x18: {  	s16 =	simm.s32 $0x0;
	s12 =	sadd.s32 s6, s11;
	[dreg:$0x19] =	wrdreg s25  }
0x19: {  	s20 =	sadd.s32 s6, s21;
	[dreg:$0xb] =	wrdreg s12;
	s12 =	sor.u32 $0x1000, s3  }
0x1a: {  	[dreg:$0x1a] =	wrdreg s26;
	s26 =	sadd.s32 s4, s11;
	s14 =	sadd.s32 s6, s12  }
0x1b: {  	v0 =	vlaneseq.u32;
	v23 =	vimm.s32 $0x0;
	s11 =	simm.s32 $0x1;
	[dreg:$0xc] =	wrdreg s14;
	s14 =	sor.u32 $0x1020, s3  }
0x1c: {  	v25 =	vimm.s32 $0x1;
	v1 =	vor.u32 $0x10, v0;
	v2 =	vor.u32 $0x20, v0;
	[dreg:$0x12] =	wrdreg s20;
	s28 =	sadd.s32 s4, s12;
	s15 =	sadd.s32 s6, s14  }
0x1d: {  	v3 =	vor.u32 $0x30, v0;
	v4 =	vor.u32 $0x40, v0;
	v5 =	vor.u32 $0x50, v0;
	s12 =	simm.s32 $0x2;
	[dreg:$0xe] =	wrdreg s15;
	s15 =	sor.u32 $0x1030, s3  }
0x1e: {  	v6 =	vor.u32 $0x60, v0;
	v7 =	vor.u32 $0x70, v0;
	v8 =	vor.u32 $0x1000, v0;
	s30 =	sadd.s32 s4, s14;
	s14 =	simm.s32 $0x16280;
	s17 =	sadd.s32 s6, s15  }
0x1f: {  	v9 =	vor.u32 $0x2000, v0;
	v10 =	vor.u32 $0x3000, v0;
	v11 =	vor.u32 $0x4000, v0;
	[dreg:$0xf] =	wrdreg s17;
	s17 =	sor.u32 $0x1050, s3;
	s3 =	sadd.s32 s4, s3  }
0x20: {  	v12 =	vor.u32 $0x5000, v0;
	v13 =	vor.u32 $0x6000, v0;
	v14 =	vor.u32 $0x7000, v0;
	s31 =	sadd.s32 s4, s15;
	s18 =	sadd.s32 s6, s17;
	[dreg:$0x14] =	wrdreg s3  }
0x21: {  	v15 =	vor.u32 $0x8000, v0;
	v16 =	vor.u32 $0x9000, v0;
	v17 =	vor.u32 $0xA000, v0;
	s15 =	simm.s32 $0x1A280;
	s6 =	sadd.s32 s6, s19;
	[dreg:$0x11] =	wrdreg s18  }
0x22: {  	v18 =	vor.u32 $0xB000, v0;
	v19 =	vor.u32 $0xC000, v0;
	v20 =	vor.u32 $0xD000, v0;
	s2 =	sadd.s32 s4, s17;
	s3 =	sadd.s32 s4, s21;
	[dreg:$0x13] =	wrdreg s6  }
0x23: {  	v21 =	vor.u32 $0xE000, v0;
	v22 =	vor.u32 $0xF000, v0;
	v24 =	vmul.u32 $0x1000, v0;
	s4 =	sadd.s32 s4, s19;
	s6 =	simm.s32 $0x3;
	_ =	strace $0x80000047  }
.LBB2_1:
0x24: {  	s17 =	rddreg [dreg:$0x3];
	s18 =	simm.s32 $0x12000  }
0x25: {  	[tilespmem:s18], [sflag:$0x3] =	stream.linear.gather [hbm4b:s17+s1], $0x10, $0x38;
	[tilespmem:$0x1E280] =	vst v63  }
0x26: {  	_ =	swait.ge [sflag:s6], $0x10  }
0x27: {  	[sflag:s6] =	ssyncset.done $0x0  }
0x28: {  	s23 =	rddreg [dreg:$0x4];
	[sflag:s6] =	ssyncadd.s32 $0xFFFFFFF0  }
0x29: {  	v26 =	vld [tilespmem:$0x12000];
	[tilespmem:s9], [sflag:$0x1] =	stream.strided.gather [hbm4b:s23+s7], $0x1000, s8, s7, $0x38  }
0x2a: {  	s24 =	rddreg [dreg:$0x5]  }
0x2b: {  	[tilespmem:s10], [sflag:$0x2] =	stream.strided.gather [hbm4b:s24+s7], $0x1000, s8, s7, $0x38;
	[tilespmem:$0x1E280] =	vst v63  }
0x2c: {  	_ =	swait.ge [sflag:s11], $0x1000  }
0x2d: {  	v27 =	vmov s1;
	[sflag:s11] =	ssyncset.done $0x0  }
0x2e: {  	s25 =	simm.s32 $0x10040;
	v27 =	vshrl.u32 v27, $0x7;
	[sflag:s11] =	ssyncadd.s32 $0xFFFFF000  }
0x2f: {  	v27 =	vand.u32 $0x1F, v27;
	v47 =	vld [tilespmem:s25+$0x10]  }
0x30: {  	v27 =	vshll.u32 v27, $0x7;
	v34 =	vld [tilespmem:s25+$0x30]  }
0x31: {  	s19 =	simm.s32 $0x80;
	s17 =	simm.s32 $0x100C0;
	v33 =	vbroadcast v27, $0x0;
	v36 =	vld [tilespmem:s25+$0xFFFFFFE0]  }
0x32: {  	v28 =	vmov s19;
	v27 =	vld [tilespmem:s17+$0x10]  }
0x33: {  	v28 =	vshrl.u32 v28, $0x7;
	v42 =	vor.u32 v7, v33;
	v31 =	vld [tilespmem:s25+$0xFFFFFFF0]  }
0x34: {  	v28 =	vand.u32 $0x1F, v28;
	v48 =	vor.u32 v5, v33;
	v30 =	vld [tilespmem:s25+$0xFFFFFFD0]  }
0x35: {  	v32 =	vshll.u32 v28, $0x7;
	v43 =	vor.u32 v0, v33;
	v44 =	vld [tilespmem:s25+$0xFFFFFFC0]  }
0x36: {  	v39 =	vbroadcast v32, $0x0;
	v29 =	vor.u32 v6, v33;
	v40 =	vor.u32 v2, v33;
	v35 =	vld [tilespmem:s25+$0x20]  }
0x37: {  	v28 =	vor.u32 v1, v33;
	v32 =	vor.u32 v3, v33;
	v37 =	vor.u32 v4, v33;
	v45 =	vld [tilespmem:s25+$0x0]  }
0x38: {  	v41 =	vor.u32 v0, v39;
	v38 =	vor.u32 v6, v39;
	v33 =	vld [tilespmem:s17+$0x30];
	[tilespmem:v42+s1+$0x0] =	vst.idx.msk $0xffff, v34  }
0x39: {  	s20 =	simm.s32 $0x10140;
	s18 =	simm.s32 $0x8;
	s19 =	simm.s32 $0x100;
	v46 =	vor.u32 v2, v39;
	v34 =	vor.u32 v1, v39;
	v42 =	vld [tilespmem:s17+$0xFFFFFFE0];
	[tilespmem:v48+s1+$0x0] =	vst.idx.msk $0xffff, v47  }
.LBB2_2:
0x3a: {  	v47 =	vmov s19;
	v48 =	vld [tilespmem:s20+$0x10];
	s18 =	sadd.s32 $0x8, s18;
	v49 =	vor.u32 v3, v39;
	v50 =	vor.u32 v5, v39;
	[tilespmem:v43+s1+$0x0] =	vst.idx.msk $0xffff, v44;
	v51 =	vmovc v30  }
0x3b: {  	v44 =	vor.u32 v4, v39;
	v52 =	vor.u32 v7, v39;
	v30 =	vshrl.u32 v47, $0x7;
	p0 =	slt.u32 s18, $0xF8;
	v47 =	vld [tilespmem:s17+$0xFFFFFFF0];
	[tilespmem:v40+s1+$0x0] =	vst.idx.msk $0xffff, v36  }
0x3c: {  	v43 =	vmovc v41;
	v40 =	vmov v46;
	v53 =	vand.u32 $0x1F, v30;
	v30 =	vld [tilespmem:s17+$0xFFFFFFD0];
	[tilespmem:v37+s1+$0x0] =	vst.idx.msk $0xffff, v45;
	v37 =	vmov v44  }
.Ltmp0:
0x3d: {  	v41 =	vshll.u32 v53, $0x7;
	v44 =	vld [tilespmem:s17+$0xFFFFFFC0];
	[tilespmem:v29+s1+$0x0] =	vst.idx.msk $0xffff, v35;
	v29 =	vmov v38;
	(pc) =	sbr.rel @p0 .LBB2_2-.Ltmp0, $4  }
0x3e: {  	v39 =	vbroadcast v41, $0x0;
	v35 =	vld [tilespmem:s17+$0x20];
	[tilespmem:v32+s1+$0x0] =	vst.idx.msk $0xffff, v31;
	v32 =	vmov v49;
	v36 =	vmov v42  }
0x3f: {  	v45 =	vld [tilespmem:s17+$0x0];
	[tilespmem:v28+s1+$0x0] =	vst.idx.msk $0xffff, v51;
	v28 =	vmov v34;
	s17 =	smov.u32 s20  }
0x40: {  	v41 =	vor.u32 v0, v39;
	v38 =	vor.u32 v6, v39;
	[tilespmem:v52+s1+$0x0] =	vst.idx.msk $0xffff, v33;
	v33 =	vld [tilespmem:s20+$0x30];
	v31 =	vmov v47  }
0x41: {  	s19 =	sadd.s32 $0x80, s19;
	v34 =	vor.u32 v1, v39;
	v46 =	vor.u32 v2, v39;
	s20 =	sadd.s32 $0x80, s20;
	v42 =	vld [tilespmem:s17+$0xFFFFFFE0];
	[tilespmem:v50+s1+$0x0] =	vst.idx.msk $0xffff, v27;
	v27 =	vmov v48  }
0x42: {  	_ =	sdelay $0x3  }
0x43: {  	[tilespmem:v43+s1+$0x0] =	vst.idx.msk $0xffff, v44  }
0x44: {  	[tilespmem:v40+s1+$0x0] =	vst.idx.msk $0xffff, v36  }
0x45: {  	v57 =	vor.u32 v7, v39;
	[tilespmem:v32+s1+$0x0] =	vst.idx.msk $0xffff, v31  }
0x46: {  	v58 =	vor.u32 v5, v39;
	[tilespmem:v28+s1+$0x0] =	vst.idx.msk $0xffff, v30  }
0x47: {  	v59 =	vld [tilespmem:s17+$0xFFFFFFC0];
	[tilespmem:v29+s1+$0x0] =	vst.idx.msk $0xffff, v35  }
0x48: {  	v28 =	vld [tilespmem:s17+$0x20];
	[tilespmem:v37+s1+$0x0] =	vst.idx.msk $0xffff, v45  }
0x49: {  	v30 =	vor.u32 v3, v39;
	v60 =	vld [tilespmem:s17+$0xFFFFFFF0];
	[tilespmem:v46+s1+$0x0] =	vst.idx.msk $0xffff, v42  }
0x4a: {  	v31 =	vld [tilespmem:s17+$0x0];
	v29 =	vor.u32 v4, v39;
	[tilespmem:v57+s1+$0x0] =	vst.idx.msk $0xffff, v33  }
0x4b: {  	[tilespmem:v58+s1+$0x0] =	vst.idx.msk $0xffff, v27;
	v27 =	vld [tilespmem:s17+$0xFFFFFFD0]  }
0x4c: {  	[tilespmem:v41+s1+$0x0] =	vst.idx.msk $0xffff, v59  }
0x4d: {  	[tilespmem:v38+s1+$0x0] =	vst.idx.msk $0xffff, v28  }
0x4e: {  	[tilespmem:v30+s1+$0x0] =	vst.idx.msk $0xffff, v60  }
0x4f: {  	[tilespmem:v29+s1+$0x0] =	vst.idx.msk $0xffff, v31  }
0x50: {  	[tilespmem:v34+s1+$0x0] =	vst.idx.msk $0xffff, v27  }
0x51: {  	s21 =	rddreg [dreg:$0x6]  }
0x52: {  	[tilespmem:s9], [sflag:$0x1] =	stream.strided.gather [hbm4b:s21+s7], $0x1000, s8, s7, $0x38;
	[tilespmem:$0x1E280] =	vst v63  }
0x53: {  	_ =	swait.ge [sflag:s12], $0x1000  }
0x54: {  	[sflag:s12] =	ssyncset.done $0x0  }
0x55: {  	s18 =	simm.s32 $0x11070;
	[sflag:s12] =	ssyncadd.s32 $0xFFFFF000  }
0x56: {  	v29 =	vld [tilespmem:s18+$0x0]  }
0x57: {  	s22 =	simm.s32 $0x61;
	v27 =	vld [tilespmem:s18+$0xFFFFFFA0]  }
0x58: {  	v62 =	vadd.s32 s22, v8;
	v61 =	vld [tilespmem:s18+$0xFFFFFFF0]  }
0x59: {  	s23 =	simm.s32 $0x71;
	s25 =	simm.s32 $0x41;
	v34 =	vld [tilespmem:s18+$0xFFFFFFD0]  }
0x5a: {  	s20 =	simm.s32 $0x51;
	v39 =	vadd.s32 s25, v8;
	v30 =	vadd.s32 s23, v0;
	v35 =	vld [tilespmem:s18+$0xFFFFFFE0]  }
0x5b: {  	s19 =	simm.s32 $0x1;
	v37 =	vadd.s32 s20, v8;
	v63 =	vand.u32 $0xFFF, v30;
	v31 =	vld [tilespmem:s18+$0xFFFFFF90]  }
0x5c: {  	s24 =	simm.s32 $0x11;
	s20 =	simm.s32 $0x21;
	v28 =	vadd.s32 s19, v8;
	v32 =	vor.u32 $0x1000, v63;
	s21 =	simm.s32 $0x31;
	v36 =	vld [tilespmem:s18+$0xFFFFFFC0]  }
0x5d: {  	s17 =	simm.s32 $0x0;
	s19 =	simm.s32 $0x110F0;
	v30 =	vadd.s32 s24, v8;
	v38 =	vadd.s32 s21, v8;
	v33 =	vld [tilespmem:s18+$0xFFFFFFB0];
	s18 =	simm.s32 $0xF1;
	[tilespmem:v62+s1+$0x0] =	vst.idx.msk $0xffff, v61  }
.LBB2_4:
0x5e: {  	s21 =	sadd.s32 $0xFFFFFF90, s18  }
0x5f: {  	s22 =	sadd.s32 $0xFFFFFFC0, s18;
	s23 =	sadd.s32 $0xFFFFFFE0, s18;
	v40 =	vld [tilespmem:s19+$0x0];
	v41 =	vadd.s32 s18, v0;
	v42 =	vadd.s32 s20, v8;
	[tilespmem:v39+s1+$0x0] =	vst.idx.msk $0xffff, v34;
	s20 =	sadd.s32 $0xFFFFFFA0, s18  }
0x60: {  	s24 =	sadd.s32 $0xFFFFFFF0, s18;
	s17 =	sadd.s32 $0x8, s17;
	v43 =	vadd.s32 s21, v8;
	v44 =	vld [tilespmem:s19+$0xFFFFFFA0];
	s21 =	sadd.s32 $0xFFFFFFD0, s18;
	v34 =	vand.u32 $0xFFF, v41;
	[tilespmem:v37+s1+$0x0] =	vst.idx.msk $0xffff, v35  }
0x61: {  	v41 =	vadd.s32 s20, v8;
	v46 =	vadd.s32 s24, v8;
	p0 =	slt.u32 s17, $0xF8;
	v45 =	vld [tilespmem:s19+$0xFFFFFFF0];
	[tilespmem:v32+s1+$0x0] =	vst.idx.msk $0xffff, v29;
	v32 =	vor.u32 $0x1000, v34  }
.Ltmp1:
0x62: {  	v37 =	vadd.s32 s23, v8;
	v39 =	vadd.s32 s21, v8;
	v34 =	vld [tilespmem:s19+$0xFFFFFFD0];
	[tilespmem:v28+s1+$0x0] =	vst.idx.msk $0xffff, v31;
	v28 =	vmov v43;
	(pc) =	sbr.rel @p0 .LBB2_4-.Ltmp1, $4  }
0x63: {  	v35 =	vld [tilespmem:s19+$0xFFFFFFE0];
	[tilespmem:v38+s1+$0x0] =	vst.idx.msk $0xffff, v36  }
0x64: {  	v31 =	vld [tilespmem:s19+$0xFFFFFF90];
	[tilespmem:v30+s1+$0x0] =	vst.idx.msk $0xffff, v27;
	v29 =	vmov v40;
	v30 =	vmov v41  }
0x65: {  	v36 =	vld [tilespmem:s19+$0xFFFFFFC0];
	[tilespmem:v42+s1+$0x0] =	vst.idx.msk $0xffff, v33;
	v27 =	vmov v44  }
0x66: {  	s20 =	sadd.s32 $0xFFFFFFB0, s18;
	s18 =	sadd.s32 $0x80, s18;
	v38 =	vadd.s32 s22, v8;
	v33 =	vld [tilespmem:s19+$0xFFFFFFB0];
	[tilespmem:v46+s1+$0x0] =	vst.idx.msk $0xffff, v45;
	s19 =	sadd.s32 $0x80, s19  }
0x67: {  	_ =	sdelay $0x3  }
0x68: {  	[tilespmem:v39+s1+$0x0] =	vst.idx.msk $0xffff, v34  }
0x69: {  	v62 =	vadd.s32 s20, v8;
	[tilespmem:v32+s1+$0x0] =	vst.idx.msk $0xffff, v29  }
0x6a: {  	[tilespmem:v30+s1+$0x0] =	vst.idx.msk $0xffff, v27  }
0x6b: {  	[tilespmem:v37+s1+$0x0] =	vst.idx.msk $0xffff, v35  }
0x6c: {  	[tilespmem:v28+s1+$0x0] =	vst.idx.msk $0xffff, v31  }
0x6d: {  	[tilespmem:v38+s1+$0x0] =	vst.idx.msk $0xffff, v36  }
0x6e: {  	[tilespmem:v62+s1+$0x0] =	vst.idx.msk $0xffff, v33  }
0x6f: {  	s17 =	rddreg [dreg:$0x7]  }
0x70: {  	[tilespmem:s10], [sflag:$0x2] =	stream.strided.gather [hbm4b:s17+s7], $0x1000, s8, s7, $0x38;
	[tilespmem:$0x1E280] =	vst v63  }
0x71: {  	_ =	swait.ge [sflag:s11], $0x1000  }
0x72: {  	[sflag:s11] =	ssyncset.done $0x0  }
0x73: {  	s18 =	simm.s32 $0x10040;
	[sflag:s11] =	ssyncadd.s32 $0xFFFFF000  }
0x74: {  	v29 =	vld [tilespmem:s18+$0x30]  }
0x75: {  	s21 =	simm.s32 $0x62;
	v27 =	vld [tilespmem:s18+$0xFFFFFFD0]  }
0x76: {  	v41 =	vadd.s32 s21, v9;
	v40 =	vld [tilespmem:s18+$0x20]  }
0x77: {  	s22 =	simm.s32 $0x72;
	s24 =	simm.s32 $0x42;
	v34 =	vld [tilespmem:s18+$0x0]  }
0x78: {  	s25 =	simm.s32 $0x52;
	v30 =	vadd.s32 s22, v0;
	v39 =	vadd.s32 s24, v9;
	v35 =	vld [tilespmem:s18+$0x10]  }
0x79: {  	s19 =	simm.s32 $0x2;
	v37 =	vadd.s32 s25, v9;
	v63 =	vand.u32 $0xFFF, v30;
	v31 =	vld [tilespmem:s18+$0xFFFFFFC0]  }
0x7a: {  	s23 =	simm.s32 $0x12;
	s20 =	simm.s32 $0x22;
	s21 =	simm.s32 $0x32;
	v28 =	vadd.s32 s19, v9;
	v32 =	vor.u32 $0x2000, v63;
	v36 =	vld [tilespmem:s18+$0xFFFFFFF0]  }
0x7b: {  	v30 =	vadd.s32 s23, v9;
	s19 =	simm.s32 $0x100C0;
	v38 =	vadd.s32 s21, v9;
	s17 =	simm.s32 $0x0;
	v33 =	vld [tilespmem:s18+$0xFFFFFFE0];
	s18 =	simm.s32 $0xF2;
	[tilespmem:v41+s1+$0x0] =	vst.idx.msk $0xffff, v40  }
.LBB2_6:
0x7c: {  	s21 =	sadd.s32 $0xFFFFFF90, s18  }
0x7d: {  	s22 =	sadd.s32 $0xFFFFFFC0, s18;
	s23 =	sadd.s32 $0xFFFFFFE0, s18;
	v40 =	vld [tilespmem:s19+$0x30];
	v41 =	vadd.s32 s18, v0;
	v42 =	vadd.s32 s20, v9;
	[tilespmem:v39+s1+$0x0] =	vst.idx.msk $0xffff, v34;
	s20 =	sadd.s32 $0xFFFFFFA0, s18  }
0x7e: {  	s24 =	sadd.s32 $0xFFFFFFF0, s18;
	s17 =	sadd.s32 $0x8, s17;
	v43 =	vadd.s32 s21, v9;
	v44 =	vld [tilespmem:s19+$0xFFFFFFD0];
	s21 =	sadd.s32 $0xFFFFFFD0, s18;
	v34 =	vand.u32 $0xFFF, v41;
	[tilespmem:v37+s1+$0x0] =	vst.idx.msk $0xffff, v35  }
0x7f: {  	v41 =	vadd.s32 s20, v9;
	v46 =	vadd.s32 s24, v9;
	p0 =	slt.u32 s17, $0xF8;
	v45 =	vld [tilespmem:s19+$0x20];
	[tilespmem:v32+s1+$0x0] =	vst.idx.msk $0xffff, v29;
	v32 =	vor.u32 $0x2000, v34  }
.Ltmp2:
0x80: {  	v37 =	vadd.s32 s23, v9;
	v39 =	vadd.s32 s21, v9;
	v34 =	vld [tilespmem:s19+$0x0];
	[tilespmem:v28+s1+$0x0] =	vst.idx.msk $0xffff, v31;
	v28 =	vmov v43;
	(pc) =	sbr.rel @p0 .LBB2_6-.Ltmp2, $4  }
0x81: {  	v35 =	vld [tilespmem:s19+$0x10];
	[tilespmem:v38+s1+$0x0] =	vst.idx.msk $0xffff, v36  }
0x82: {  	v31 =	vld [tilespmem:s19+$0xFFFFFFC0];
	[tilespmem:v30+s1+$0x0] =	vst.idx.msk $0xffff, v27;
	v29 =	vmov v40;
	v30 =	vmov v41  }
0x83: {  	v36 =	vld [tilespmem:s19+$0xFFFFFFF0];
	[tilespmem:v42+s1+$0x0] =	vst.idx.msk $0xffff, v33;
	v27 =	vmov v44  }
0x84: {  	s20 =	sadd.s32 $0xFFFFFFB0, s18;
	s18 =	sadd.s32 $0x80, s18;
	v38 =	vadd.s32 s22, v9;
	v33 =	vld [tilespmem:s19+$0xFFFFFFE0];
	[tilespmem:v46+s1+$0x0] =	vst.idx.msk $0xffff, v45;
	s19 =	sadd.s32 $0x80, s19  }
0x85: {  	_ =	sdelay $0x3  }
0x86: {  	[tilespmem:v39+s1+$0x0] =	vst.idx.msk $0xffff, v34  }
0x87: {  	v62 =	vadd.s32 s20, v9;
	[tilespmem:v32+s1+$0x0] =	vst.idx.msk $0xffff, v29  }
0x88: {  	[tilespmem:v30+s1+$0x0] =	vst.idx.msk $0xffff, v27  }
0x89: {  	[tilespmem:v37+s1+$0x0] =	vst.idx.msk $0xffff, v35  }
0x8a: {  	[tilespmem:v28+s1+$0x0] =	vst.idx.msk $0xffff, v31  }
0x8b: {  	[tilespmem:v38+s1+$0x0] =	vst.idx.msk $0xffff, v36  }
0x8c: {  	[tilespmem:v62+s1+$0x0] =	vst.idx.msk $0xffff, v33  }
0x8d: {  	s17 =	rddreg [dreg:$0x8]  }
0x8e: {  	[tilespmem:s9], [sflag:$0x1] =	stream.strided.gather [hbm4b:s17+s7], $0x1000, s8, s7, $0x38;
	[tilespmem:$0x1E280] =	vst v63  }
0x8f: {  	_ =	swait.ge [sflag:s12], $0x1000  }
0x90: {  	[sflag:s12] =	ssyncset.done $0x0  }
0x91: {  	s18 =	simm.s32 $0x11070;
	[sflag:s12] =	ssyncadd.s32 $0xFFFFF000  }
0x92: {  	v29 =	vld [tilespmem:s18+$0x0]  }
0x93: {  	s21 =	simm.s32 $0x63;
	v27 =	vld [tilespmem:s18+$0xFFFFFFA0]  }
0x94: {  	v41 =	vadd.s32 s21, v10;
	v40 =	vld [tilespmem:s18+$0xFFFFFFF0]  }
0x95: {  	s22 =	simm.s32 $0x73;
	s24 =	simm.s32 $0x43;
	v34 =	vld [tilespmem:s18+$0xFFFFFFD0]  }
0x96: {  	s25 =	simm.s32 $0x53;
	v30 =	vadd.s32 s22, v0;
	v39 =	vadd.s32 s24, v10;
	v35 =	vld [tilespmem:s18+$0xFFFFFFE0]  }
0x97: {  	s19 =	simm.s32 $0x3;
	v37 =	vadd.s32 s25, v10;
	v63 =	vand.u32 $0xFFF, v30;
	v31 =	vld [tilespmem:s18+$0xFFFFFF90]  }
0x98: {  	s23 =	simm.s32 $0x13;
	s20 =	simm.s32 $0x23;
	s21 =	simm.s32 $0x33;
	v28 =	vadd.s32 s19, v10;
	v32 =	vor.u32 $0x3000, v63;
	v36 =	vld [tilespmem:s18+$0xFFFFFFC0]  }
0x99: {  	v30 =	vadd.s32 s23, v10;
	s19 =	simm.s32 $0x110F0;
	v38 =	vadd.s32 s21, v10;
	s17 =	simm.s32 $0x0;
	v33 =	vld [tilespmem:s18+$0xFFFFFFB0];
	s18 =	simm.s32 $0xF3;
	[tilespmem:v41+s1+$0x0] =	vst.idx.msk $0xffff, v40  }
.LBB2_8:
0x9a: {  	s21 =	sadd.s32 $0xFFFFFF90, s18  }
0x9b: {  	s22 =	sadd.s32 $0xFFFFFFC0, s18;
	s23 =	sadd.s32 $0xFFFFFFE0, s18;
	v40 =	vld [tilespmem:s19+$0x0];
	v41 =	vadd.s32 s18, v0;
	v42 =	vadd.s32 s20, v10;
	[tilespmem:v39+s1+$0x0] =	vst.idx.msk $0xffff, v34;
	s20 =	sadd.s32 $0xFFFFFFA0, s18  }
0x9c: {  	s24 =	sadd.s32 $0xFFFFFFF0, s18;
	s17 =	sadd.s32 $0x8, s17;
	v43 =	vadd.s32 s21, v10;
	v44 =	vld [tilespmem:s19+$0xFFFFFFA0];
	s21 =	sadd.s32 $0xFFFFFFD0, s18;
	v34 =	vand.u32 $0xFFF, v41;
	[tilespmem:v37+s1+$0x0] =	vst.idx.msk $0xffff, v35  }
0x9d: {  	v41 =	vadd.s32 s20, v10;
	v46 =	vadd.s32 s24, v10;
	p0 =	slt.u32 s17, $0xF8;
	v45 =	vld [tilespmem:s19+$0xFFFFFFF0];
	[tilespmem:v32+s1+$0x0] =	vst.idx.msk $0xffff, v29;
	v32 =	vor.u32 $0x3000, v34  }
.Ltmp3:
0x9e: {  	v37 =	vadd.s32 s23, v10;
	v39 =	vadd.s32 s21, v10;
	v34 =	vld [tilespmem:s19+$0xFFFFFFD0];
	[tilespmem:v28+s1+$0x0] =	vst.idx.msk $0xffff, v31;
	v28 =	vmov v43;
	(pc) =	sbr.rel @p0 .LBB2_8-.Ltmp3, $4  }
0x9f: {  	v35 =	vld [tilespmem:s19+$0xFFFFFFE0];
	[tilespmem:v38+s1+$0x0] =	vst.idx.msk $0xffff, v36  }
0xa0: {  	v31 =	vld [tilespmem:s19+$0xFFFFFF90];
	[tilespmem:v30+s1+$0x0] =	vst.idx.msk $0xffff, v27;
	v29 =	vmov v40;
	v30 =	vmov v41  }
0xa1: {  	v36 =	vld [tilespmem:s19+$0xFFFFFFC0];
	[tilespmem:v42+s1+$0x0] =	vst.idx.msk $0xffff, v33;
	v27 =	vmov v44  }
0xa2: {  	s20 =	sadd.s32 $0xFFFFFFB0, s18;
	s18 =	sadd.s32 $0x80, s18;
	v38 =	vadd.s32 s22, v10;
	v33 =	vld [tilespmem:s19+$0xFFFFFFB0];
	[tilespmem:v46+s1+$0x0] =	vst.idx.msk $0xffff, v45;
	s19 =	sadd.s32 $0x80, s19  }
0xa3: {  	_ =	sdelay $0x3  }
0xa4: {  	[tilespmem:v39+s1+$0x0] =	vst.idx.msk $0xffff, v34  }
0xa5: {  	v62 =	vadd.s32 s20, v10;
	[tilespmem:v32+s1+$0x0] =	vst.idx.msk $0xffff, v29  }
0xa6: {  	[tilespmem:v30+s1+$0x0] =	vst.idx.msk $0xffff, v27  }
0xa7: {  	[tilespmem:v37+s1+$0x0] =	vst.idx.msk $0xffff, v35  }
0xa8: {  	[tilespmem:v28+s1+$0x0] =	vst.idx.msk $0xffff, v31  }
0xa9: {  	[tilespmem:v38+s1+$0x0] =	vst.idx.msk $0xffff, v36  }
0xaa: {  	[tilespmem:v62+s1+$0x0] =	vst.idx.msk $0xffff, v33  }
0xab: {  	s17 =	rddreg [dreg:$0x9]  }
0xac: {  	[tilespmem:s10], [sflag:$0x2] =	stream.strided.gather [hbm4b:s17+s7], $0x1000, s8, s7, $0x38;
	[tilespmem:$0x1E280] =	vst v63  }
0xad: {  	_ =	swait.ge [sflag:s11], $0x1000  }
0xae: {  	[sflag:s11] =	ssyncset.done $0x0  }
0xaf: {  	s18 =	simm.s32 $0x10040;
	[sflag:s11] =	ssyncadd.s32 $0xFFFFF000  }
0xb0: {  	v29 =	vld [tilespmem:s18+$0x30]  }
0xb1: {  	s21 =	simm.s32 $0x64;
	v27 =	vld [tilespmem:s18+$0xFFFFFFD0]  }
0xb2: {  	v41 =	vadd.s32 s21, v11;
	v40 =	vld [tilespmem:s18+$0x20]  }
0xb3: {  	s22 =	simm.s32 $0x74;
	s24 =	simm.s32 $0x44;
	v34 =	vld [tilespmem:s18+$0x0]  }
0xb4: {  	s25 =	simm.s32 $0x54;
	v30 =	vadd.s32 s22, v0;
	v39 =	vadd.s32 s24, v11;
	v35 =	vld [tilespmem:s18+$0x10]  }
0xb5: {  	s19 =	simm.s32 $0x4;
	v37 =	vadd.s32 s25, v11;
	v63 =	vand.u32 $0xFFF, v30;
	v31 =	vld [tilespmem:s18+$0xFFFFFFC0]  }
0xb6: {  	s23 =	simm.s32 $0x14;
	s20 =	simm.s32 $0x24;
	s21 =	simm.s32 $0x34;
	v28 =	vadd.s32 s19, v11;
	v32 =	vor.u32 $0x4000, v63;
	v36 =	vld [tilespmem:s18+$0xFFFFFFF0]  }
0xb7: {  	v30 =	vadd.s32 s23, v11;
	s19 =	simm.s32 $0x100C0;
	v38 =	vadd.s32 s21, v11;
	s17 =	simm.s32 $0x0;
	v33 =	vld [tilespmem:s18+$0xFFFFFFE0];
	s18 =	simm.s32 $0xF4;
	[tilespmem:v41+s1+$0x0] =	vst.idx.msk $0xffff, v40  }
.LBB2_10:
0xb8: {  	s21 =	sadd.s32 $0xFFFFFF90, s18  }
0xb9: {  	s22 =	sadd.s32 $0xFFFFFFC0, s18;
	s23 =	sadd.s32 $0xFFFFFFE0, s18;
	v40 =	vld [tilespmem:s19+$0x30];
	v41 =	vadd.s32 s18, v0;
	v42 =	vadd.s32 s20, v11;
	[tilespmem:v39+s1+$0x0] =	vst.idx.msk $0xffff, v34;
	s20 =	sadd.s32 $0xFFFFFFA0, s18  }
0xba: {  	s24 =	sadd.s32 $0xFFFFFFF0, s18;
	s17 =	sadd.s32 $0x8, s17;
	v43 =	vadd.s32 s21, v11;
	v44 =	vld [tilespmem:s19+$0xFFFFFFD0];
	s21 =	sadd.s32 $0xFFFFFFD0, s18;
	v34 =	vand.u32 $0xFFF, v41;
	[tilespmem:v37+s1+$0x0] =	vst.idx.msk $0xffff, v35  }
0xbb: {  	v41 =	vadd.s32 s20, v11;
	v46 =	vadd.s32 s24, v11;
	p0 =	slt.u32 s17, $0xF8;
	v45 =	vld [tilespmem:s19+$0x20];
	[tilespmem:v32+s1+$0x0] =	vst.idx.msk $0xffff, v29;
	v32 =	vor.u32 $0x4000, v34  }
.Ltmp4:
0xbc: {  	v37 =	vadd.s32 s23, v11;
	v39 =	vadd.s32 s21, v11;
	v34 =	vld [tilespmem:s19+$0x0];
	[tilespmem:v28+s1+$0x0] =	vst.idx.msk $0xffff, v31;
	v28 =	vmov v43;
	(pc) =	sbr.rel @p0 .LBB2_10-.Ltmp4, $4  }
0xbd: {  	v35 =	vld [tilespmem:s19+$0x10];
	[tilespmem:v38+s1+$0x0] =	vst.idx.msk $0xffff, v36  }
0xbe: {  	v31 =	vld [tilespmem:s19+$0xFFFFFFC0];
	[tilespmem:v30+s1+$0x0] =	vst.idx.msk $0xffff, v27;
	v29 =	vmov v40;
	v30 =	vmov v41  }
0xbf: {  	v36 =	vld [tilespmem:s19+$0xFFFFFFF0];
	[tilespmem:v42+s1+$0x0] =	vst.idx.msk $0xffff, v33;
	v27 =	vmov v44  }
0xc0: {  	s20 =	sadd.s32 $0xFFFFFFB0, s18;
	s18 =	sadd.s32 $0x80, s18;
	v38 =	vadd.s32 s22, v11;
	v33 =	vld [tilespmem:s19+$0xFFFFFFE0];
	[tilespmem:v46+s1+$0x0] =	vst.idx.msk $0xffff, v45;
	s19 =	sadd.s32 $0x80, s19  }
0xc1: {  	_ =	sdelay $0x3  }
0xc2: {  	[tilespmem:v39+s1+$0x0] =	vst.idx.msk $0xffff, v34  }
0xc3: {  	v62 =	vadd.s32 s20, v11;
	[tilespmem:v32+s1+$0x0] =	vst.idx.msk $0xffff, v29  }
0xc4: {  	[tilespmem:v30+s1+$0x0] =	vst.idx.msk $0xffff, v27  }
0xc5: {  	[tilespmem:v37+s1+$0x0] =	vst.idx.msk $0xffff, v35  }
0xc6: {  	[tilespmem:v28+s1+$0x0] =	vst.idx.msk $0xffff, v31  }
0xc7: {  	[tilespmem:v38+s1+$0x0] =	vst.idx.msk $0xffff, v36  }
0xc8: {  	[tilespmem:v62+s1+$0x0] =	vst.idx.msk $0xffff, v33  }
0xc9: {  	s17 =	rddreg [dreg:$0xa]  }
0xca: {  	[tilespmem:s9], [sflag:$0x1] =	stream.strided.gather [hbm4b:s17+s7], $0x1000, s8, s7, $0x38;
	[tilespmem:$0x1E280] =	vst v63  }
0xcb: {  	_ =	swait.ge [sflag:s12], $0x1000  }
0xcc: {  	[sflag:s12] =	ssyncset.done $0x0  }
0xcd: {  	s18 =	simm.s32 $0x11070;
	[sflag:s12] =	ssyncadd.s32 $0xFFFFF000  }
0xce: {  	v29 =	vld [tilespmem:s18+$0x0]  }
0xcf: {  	s21 =	simm.s32 $0x65;
	v27 =	vld [tilespmem:s18+$0xFFFFFFA0]  }
0xd0: {  	v41 =	vadd.s32 s21, v12;
	v40 =	vld [tilespmem:s18+$0xFFFFFFF0]  }
0xd1: {  	s22 =	simm.s32 $0x75;
	s24 =	simm.s32 $0x45;
	v34 =	vld [tilespmem:s18+$0xFFFFFFD0]  }
0xd2: {  	s25 =	simm.s32 $0x55;
	v30 =	vadd.s32 s22, v0;
	v39 =	vadd.s32 s24, v12;
	v35 =	vld [tilespmem:s18+$0xFFFFFFE0]  }
0xd3: {  	s19 =	simm.s32 $0x5;
	v37 =	vadd.s32 s25, v12;
	v63 =	vand.u32 $0xFFF, v30;
	v31 =	vld [tilespmem:s18+$0xFFFFFF90]  }
0xd4: {  	s23 =	simm.s32 $0x15;
	s20 =	simm.s32 $0x25;
	s21 =	simm.s32 $0x35;
	v28 =	vadd.s32 s19, v12;
	v32 =	vor.u32 $0x5000, v63;
	v36 =	vld [tilespmem:s18+$0xFFFFFFC0]  }
0xd5: {  	v30 =	vadd.s32 s23, v12;
	s19 =	simm.s32 $0x110F0;
	v38 =	vadd.s32 s21, v12;
	s17 =	simm.s32 $0x0;
	v33 =	vld [tilespmem:s18+$0xFFFFFFB0];
	s18 =	simm.s32 $0xF5;
	[tilespmem:v41+s1+$0x0] =	vst.idx.msk $0xffff, v40  }
.LBB2_12:
0xd6: {  	s21 =	sadd.s32 $0xFFFFFF90, s18  }
0xd7: {  	s22 =	sadd.s32 $0xFFFFFFC0, s18;
	s23 =	sadd.s32 $0xFFFFFFE0, s18;
	v40 =	vld [tilespmem:s19+$0x0];
	v41 =	vadd.s32 s18, v0;
	v42 =	vadd.s32 s20, v12;
	[tilespmem:v39+s1+$0x0] =	vst.idx.msk $0xffff, v34;
	s20 =	sadd.s32 $0xFFFFFFA0, s18  }
0xd8: {  	s24 =	sadd.s32 $0xFFFFFFF0, s18;
	s17 =	sadd.s32 $0x8, s17;
	v43 =	vadd.s32 s21, v12;
	v44 =	vld [tilespmem:s19+$0xFFFFFFA0];
	s21 =	sadd.s32 $0xFFFFFFD0, s18;
	v34 =	vand.u32 $0xFFF, v41;
	[tilespmem:v37+s1+$0x0] =	vst.idx.msk $0xffff, v35  }
0xd9: {  	v41 =	vadd.s32 s20, v12;
	v46 =	vadd.s32 s24, v12;
	p0 =	slt.u32 s17, $0xF8;
	v45 =	vld [tilespmem:s19+$0xFFFFFFF0];
	[tilespmem:v32+s1+$0x0] =	vst.idx.msk $0xffff, v29;
	v32 =	vor.u32 $0x5000, v34  }
.Ltmp5:
0xda: {  	v37 =	vadd.s32 s23, v12;
	v39 =	vadd.s32 s21, v12;
	v34 =	vld [tilespmem:s19+$0xFFFFFFD0];
	[tilespmem:v28+s1+$0x0] =	vst.idx.msk $0xffff, v31;
	v28 =	vmov v43;
	(pc) =	sbr.rel @p0 .LBB2_12-.Ltmp5, $4  }
0xdb: {  	v35 =	vld [tilespmem:s19+$0xFFFFFFE0];
	[tilespmem:v38+s1+$0x0] =	vst.idx.msk $0xffff, v36  }
0xdc: {  	v31 =	vld [tilespmem:s19+$0xFFFFFF90];
	[tilespmem:v30+s1+$0x0] =	vst.idx.msk $0xffff, v27;
	v29 =	vmov v40;
	v30 =	vmov v41  }
0xdd: {  	v36 =	vld [tilespmem:s19+$0xFFFFFFC0];
	[tilespmem:v42+s1+$0x0] =	vst.idx.msk $0xffff, v33;
	v27 =	vmov v44  }
0xde: {  	s20 =	sadd.s32 $0xFFFFFFB0, s18;
	s18 =	sadd.s32 $0x80, s18;
	v38 =	vadd.s32 s22, v12;
	v33 =	vld [tilespmem:s19+$0xFFFFFFB0];
	[tilespmem:v46+s1+$0x0] =	vst.idx.msk $0xffff, v45;
	s19 =	sadd.s32 $0x80, s19  }
0xdf: {  	_ =	sdelay $0x3  }
0xe0: {  	[tilespmem:v39+s1+$0x0] =	vst.idx.msk $0xffff, v34  }
0xe1: {  	v62 =	vadd.s32 s20, v12;
	[tilespmem:v32+s1+$0x0] =	vst.idx.msk $0xffff, v29  }
0xe2: {  	[tilespmem:v30+s1+$0x0] =	vst.idx.msk $0xffff, v27  }
0xe3: {  	[tilespmem:v37+s1+$0x0] =	vst.idx.msk $0xffff, v35  }
0xe4: {  	[tilespmem:v28+s1+$0x0] =	vst.idx.msk $0xffff, v31  }
0xe5: {  	[tilespmem:v38+s1+$0x0] =	vst.idx.msk $0xffff, v36  }
0xe6: {  	[tilespmem:v62+s1+$0x0] =	vst.idx.msk $0xffff, v33  }
0xe7: {  	s17 =	rddreg [dreg:$0xb]  }
0xe8: {  	[tilespmem:s10], [sflag:$0x2] =	stream.strided.gather [hbm4b:s17+s7], $0x1000, s8, s7, $0x38;
	[tilespmem:$0x1E280] =	vst v63  }
0xe9: {  	_ =	swait.ge [sflag:s11], $0x1000  }
0xea: {  	[sflag:s11] =	ssyncset.done $0x0  }
0xeb: {  	s18 =	simm.s32 $0x10040;
	[sflag:s11] =	ssyncadd.s32 $0xFFFFF000  }
0xec: {  	v29 =	vld [tilespmem:s18+$0x30]  }
0xed: {  	s21 =	simm.s32 $0x66;
	v27 =	vld [tilespmem:s18+$0xFFFFFFD0]  }
0xee: {  	v41 =	vadd.s32 s21, v13;
	v40 =	vld [tilespmem:s18+$0x20]  }
0xef: {  	s22 =	simm.s32 $0x76;
	s24 =	simm.s32 $0x46;
	v34 =	vld [tilespmem:s18+$0x0]  }
0xf0: {  	s25 =	simm.s32 $0x56;
	v30 =	vadd.s32 s22, v0;
	v39 =	vadd.s32 s24, v13;
	v35 =	vld [tilespmem:s18+$0x10]  }
0xf1: {  	s19 =	simm.s32 $0x6;
	v37 =	vadd.s32 s25, v13;
	v63 =	vand.u32 $0xFFF, v30;
	v31 =	vld [tilespmem:s18+$0xFFFFFFC0]  }
0xf2: {  	s23 =	simm.s32 $0x16;
	s20 =	simm.s32 $0x26;
	s21 =	simm.s32 $0x36;
	v28 =	vadd.s32 s19, v13;
	v32 =	vor.u32 $0x6000, v63;
	v36 =	vld [tilespmem:s18+$0xFFFFFFF0]  }
0xf3: {  	v30 =	vadd.s32 s23, v13;
	s19 =	simm.s32 $0x100C0;
	v38 =	vadd.s32 s21, v13;
	s17 =	simm.s32 $0x0;
	v33 =	vld [tilespmem:s18+$0xFFFFFFE0];
	s18 =	simm.s32 $0xF6;
	[tilespmem:v41+s1+$0x0] =	vst.idx.msk $0xffff, v40  }
.LBB2_14:
0xf4: {  	s21 =	sadd.s32 $0xFFFFFF90, s18  }
0xf5: {  	s22 =	sadd.s32 $0xFFFFFFC0, s18;
	s23 =	sadd.s32 $0xFFFFFFE0, s18;
	v40 =	vld [tilespmem:s19+$0x30];
	v41 =	vadd.s32 s18, v0;
	v42 =	vadd.s32 s20, v13;
	[tilespmem:v39+s1+$0x0] =	vst.idx.msk $0xffff, v34;
	s20 =	sadd.s32 $0xFFFFFFA0, s18  }
0xf6: {  	s24 =	sadd.s32 $0xFFFFFFF0, s18;
	s17 =	sadd.s32 $0x8, s17;
	v43 =	vadd.s32 s21, v13;
	v44 =	vld [tilespmem:s19+$0xFFFFFFD0];
	s21 =	sadd.s32 $0xFFFFFFD0, s18;
	v34 =	vand.u32 $0xFFF, v41;
	[tilespmem:v37+s1+$0x0] =	vst.idx.msk $0xffff, v35  }
0xf7: {  	v41 =	vadd.s32 s20, v13;
	v46 =	vadd.s32 s24, v13;
	p0 =	slt.u32 s17, $0xF8;
	v45 =	vld [tilespmem:s19+$0x20];
	[tilespmem:v32+s1+$0x0] =	vst.idx.msk $0xffff, v29;
	v32 =	vor.u32 $0x6000, v34  }
.Ltmp6:
0xf8: {  	v37 =	vadd.s32 s23, v13;
	v39 =	vadd.s32 s21, v13;
	v34 =	vld [tilespmem:s19+$0x0];
	[tilespmem:v28+s1+$0x0] =	vst.idx.msk $0xffff, v31;
	v28 =	vmov v43;
	(pc) =	sbr.rel @p0 .LBB2_14-.Ltmp6, $4  }
0xf9: {  	v35 =	vld [tilespmem:s19+$0x10];
	[tilespmem:v38+s1+$0x0] =	vst.idx.msk $0xffff, v36  }
0xfa: {  	v31 =	vld [tilespmem:s19+$0xFFFFFFC0];
	[tilespmem:v30+s1+$0x0] =	vst.idx.msk $0xffff, v27;
	v29 =	vmov v40;
	v30 =	vmov v41  }
0xfb: {  	v36 =	vld [tilespmem:s19+$0xFFFFFFF0];
	[tilespmem:v42+s1+$0x0] =	vst.idx.msk $0xffff, v33;
	v27 =	vmov v44  }
0xfc: {  	s20 =	sadd.s32 $0xFFFFFFB0, s18;
	s18 =	sadd.s32 $0x80, s18;
	v38 =	vadd.s32 s22, v13;
	v33 =	vld [tilespmem:s19+$0xFFFFFFE0];
	[tilespmem:v46+s1+$0x0] =	vst.idx.msk $0xffff, v45;
	s19 =	sadd.s32 $0x80, s19  }
0xfd: {  	_ =	sdelay $0x3  }
0xfe: {  	[tilespmem:v39+s1+$0x0] =	vst.idx.msk $0xffff, v34  }
0xff: {  	v62 =	vadd.s32 s20, v13;
	[tilespmem:v32+s1+$0x0] =	vst.idx.msk $0xffff, v29  }
0x100: {  	[tilespmem:v30+s1+$0x0] =	vst.idx.msk $0xffff, v27  }
0x101: {  	[tilespmem:v37+s1+$0x0] =	vst.idx.msk $0xffff, v35  }
0x102: {  	[tilespmem:v28+s1+$0x0] =	vst.idx.msk $0xffff, v31  }
0x103: {  	[tilespmem:v38+s1+$0x0] =	vst.idx.msk $0xffff, v36  }
0x104: {  	[tilespmem:v62+s1+$0x0] =	vst.idx.msk $0xffff, v33  }
0x105: {  	s17 =	rddreg [dreg:$0xc]  }
0x106: {  	[tilespmem:s9], [sflag:$0x1] =	stream.strided.gather [hbm4b:s17+s7], $0x1000, s8, s7, $0x38;
	[tilespmem:$0x1E280] =	vst v63  }
0x107: {  	_ =	swait.ge [sflag:s12], $0x1000  }
0x108: {  	[sflag:s12] =	ssyncset.done $0x0  }
0x109: {  	s18 =	simm.s32 $0x11070;
	[sflag:s12] =	ssyncadd.s32 $0xFFFFF000  }
0x10a: {  	v29 =	vld [tilespmem:s18+$0x0]  }
0x10b: {  	s21 =	simm.s32 $0x67;
	v27 =	vld [tilespmem:s18+$0xFFFFFFA0]  }
0x10c: {  	v41 =	vadd.s32 s21, v14;
	v40 =	vld [tilespmem:s18+$0xFFFFFFF0]  }
0x10d: {  	s22 =	simm.s32 $0x77;
	s24 =	simm.s32 $0x47;
	v34 =	vld [tilespmem:s18+$0xFFFFFFD0]  }
0x10e: {  	s25 =	simm.s32 $0x57;
	v30 =	vadd.s32 s22, v0;
	v39 =	vadd.s32 s24, v14;
	v35 =	vld [tilespmem:s18+$0xFFFFFFE0]  }
0x10f: {  	s19 =	simm.s32 $0x7;
	v37 =	vadd.s32 s25, v14;
	v63 =	vand.u32 $0xFFF, v30;
	v31 =	vld [tilespmem:s18+$0xFFFFFF90]  }
0x110: {  	s23 =	simm.s32 $0x17;
	s20 =	simm.s32 $0x27;
	s21 =	simm.s32 $0x37;
	v28 =	vadd.s32 s19, v14;
	v32 =	vor.u32 $0x7000, v63;
	v36 =	vld [tilespmem:s18+$0xFFFFFFC0]  }
0x111: {  	v30 =	vadd.s32 s23, v14;
	s19 =	simm.s32 $0x110F0;
	v38 =	vadd.s32 s21, v14;
	s17 =	simm.s32 $0x0;
	v33 =	vld [tilespmem:s18+$0xFFFFFFB0];
	s18 =	simm.s32 $0xF7;
	[tilespmem:v41+s1+$0x0] =	vst.idx.msk $0xffff, v40  }
.LBB2_16:
0x112: {  	s21 =	sadd.s32 $0xFFFFFF90, s18  }
0x113: {  	s22 =	sadd.s32 $0xFFFFFFC0, s18;
	s23 =	sadd.s32 $0xFFFFFFE0, s18;
	v40 =	vld [tilespmem:s19+$0x0];
	v41 =	vadd.s32 s18, v0;
	v42 =	vadd.s32 s20, v14;
	[tilespmem:v39+s1+$0x0] =	vst.idx.msk $0xffff, v34;
	s20 =	sadd.s32 $0xFFFFFFA0, s18  }
0x114: {  	s24 =	sadd.s32 $0xFFFFFFF0, s18;
	s17 =	sadd.s32 $0x8, s17;
	v43 =	vadd.s32 s21, v14;
	v44 =	vld [tilespmem:s19+$0xFFFFFFA0];
	s21 =	sadd.s32 $0xFFFFFFD0, s18;
	v34 =	vand.u32 $0xFFF, v41;
	[tilespmem:v37+s1+$0x0] =	vst.idx.msk $0xffff, v35  }
0x115: {  	v41 =	vadd.s32 s20, v14;
	v46 =	vadd.s32 s24, v14;
	p0 =	slt.u32 s17, $0xF8;
	v45 =	vld [tilespmem:s19+$0xFFFFFFF0];
	[tilespmem:v32+s1+$0x0] =	vst.idx.msk $0xffff, v29;
	v32 =	vor.u32 $0x7000, v34  }
.Ltmp7:
0x116: {  	v37 =	vadd.s32 s23, v14;
	v39 =	vadd.s32 s21, v14;
	v34 =	vld [tilespmem:s19+$0xFFFFFFD0];
	[tilespmem:v28+s1+$0x0] =	vst.idx.msk $0xffff, v31;
	v28 =	vmov v43;
	(pc) =	sbr.rel @p0 .LBB2_16-.Ltmp7, $4  }
0x117: {  	v35 =	vld [tilespmem:s19+$0xFFFFFFE0];
	[tilespmem:v38+s1+$0x0] =	vst.idx.msk $0xffff, v36  }
0x118: {  	v31 =	vld [tilespmem:s19+$0xFFFFFF90];
	[tilespmem:v30+s1+$0x0] =	vst.idx.msk $0xffff, v27;
	v29 =	vmov v40;
	v30 =	vmov v41  }
0x119: {  	v36 =	vld [tilespmem:s19+$0xFFFFFFC0];
	[tilespmem:v42+s1+$0x0] =	vst.idx.msk $0xffff, v33;
	v27 =	vmov v44  }
0x11a: {  	s20 =	sadd.s32 $0xFFFFFFB0, s18;
	s18 =	sadd.s32 $0x80, s18;
	v38 =	vadd.s32 s22, v14;
	v33 =	vld [tilespmem:s19+$0xFFFFFFB0];
	[tilespmem:v46+s1+$0x0] =	vst.idx.msk $0xffff, v45;
	s19 =	sadd.s32 $0x80, s19  }
0x11b: {  	_ =	sdelay $0x3  }
0x11c: {  	[tilespmem:v39+s1+$0x0] =	vst.idx.msk $0xffff, v34  }
0x11d: {  	v62 =	vadd.s32 s20, v14;
	[tilespmem:v32+s1+$0x0] =	vst.idx.msk $0xffff, v29  }
0x11e: {  	[tilespmem:v30+s1+$0x0] =	vst.idx.msk $0xffff, v27  }
0x11f: {  	[tilespmem:v37+s1+$0x0] =	vst.idx.msk $0xffff, v35  }
0x120: {  	[tilespmem:v28+s1+$0x0] =	vst.idx.msk $0xffff, v31  }
0x121: {  	[tilespmem:v38+s1+$0x0] =	vst.idx.msk $0xffff, v36  }
0x122: {  	[tilespmem:v62+s1+$0x0] =	vst.idx.msk $0xffff, v33  }
0x123: {  	s17 =	rddreg [dreg:$0xd]  }
0x124: {  	[tilespmem:s10], [sflag:$0x2] =	stream.strided.gather [hbm4b:s17+s7], $0x1000, s8, s7, $0x38;
	[tilespmem:$0x1E280] =	vst v63  }
0x125: {  	_ =	swait.ge [sflag:s11], $0x1000  }
0x126: {  	[sflag:s11] =	ssyncset.done $0x0  }
0x127: {  	s18 =	simm.s32 $0x10040;
	[sflag:s11] =	ssyncadd.s32 $0xFFFFF000  }
0x128: {  	v29 =	vld [tilespmem:s18+$0x30]  }
0x129: {  	s21 =	simm.s32 $0x68;
	v27 =	vld [tilespmem:s18+$0xFFFFFFD0]  }
0x12a: {  	v41 =	vadd.s32 s21, v15;
	v40 =	vld [tilespmem:s18+$0x20]  }
0x12b: {  	s22 =	simm.s32 $0x78;
	s24 =	simm.s32 $0x48;
	v34 =	vld [tilespmem:s18+$0x0]  }
0x12c: {  	s25 =	simm.s32 $0x58;
	v30 =	vadd.s32 s22, v0;
	v39 =	vadd.s32 s24, v15;
	v35 =	vld [tilespmem:s18+$0x10]  }
0x12d: {  	s19 =	simm.s32 $0x8;
	v37 =	vadd.s32 s25, v15;
	v63 =	vand.u32 $0xFFF, v30;
	v31 =	vld [tilespmem:s18+$0xFFFFFFC0]  }
0x12e: {  	s23 =	simm.s32 $0x18;
	s20 =	simm.s32 $0x28;
	s21 =	simm.s32 $0x38;
	v28 =	vadd.s32 s19, v15;
	v32 =	vor.u32 $0x8000, v63;
	v36 =	vld [tilespmem:s18+$0xFFFFFFF0]  }
0x12f: {  	v30 =	vadd.s32 s23, v15;
	s19 =	simm.s32 $0x100C0;
	v38 =	vadd.s32 s21, v15;
	s17 =	simm.s32 $0x0;
	v33 =	vld [tilespmem:s18+$0xFFFFFFE0];
	s18 =	simm.s32 $0xF8;
	[tilespmem:v41+s1+$0x0] =	vst.idx.msk $0xffff, v40  }
.LBB2_18:
0x130: {  	s21 =	sadd.s32 $0xFFFFFF90, s18  }
0x131: {  	s22 =	sadd.s32 $0xFFFFFFC0, s18;
	s23 =	sadd.s32 $0xFFFFFFE0, s18;
	v40 =	vld [tilespmem:s19+$0x30];
	v41 =	vadd.s32 s18, v0;
	v42 =	vadd.s32 s20, v15;
	[tilespmem:v39+s1+$0x0] =	vst.idx.msk $0xffff, v34;
	s20 =	sadd.s32 $0xFFFFFFA0, s18  }
0x132: {  	s24 =	sadd.s32 $0xFFFFFFF0, s18;
	s17 =	sadd.s32 $0x8, s17;
	v43 =	vadd.s32 s21, v15;
	v44 =	vld [tilespmem:s19+$0xFFFFFFD0];
	s21 =	sadd.s32 $0xFFFFFFD0, s18;
	v34 =	vand.u32 $0xFFF, v41;
	[tilespmem:v37+s1+$0x0] =	vst.idx.msk $0xffff, v35  }
0x133: {  	v41 =	vadd.s32 s20, v15;
	v46 =	vadd.s32 s24, v15;
	p0 =	slt.u32 s17, $0xF8;
	v45 =	vld [tilespmem:s19+$0x20];
	[tilespmem:v32+s1+$0x0] =	vst.idx.msk $0xffff, v29;
	v32 =	vor.u32 $0x8000, v34  }
.Ltmp8:
0x134: {  	v37 =	vadd.s32 s23, v15;
	v39 =	vadd.s32 s21, v15;
	v34 =	vld [tilespmem:s19+$0x0];
	[tilespmem:v28+s1+$0x0] =	vst.idx.msk $0xffff, v31;
	v28 =	vmov v43;
	(pc) =	sbr.rel @p0 .LBB2_18-.Ltmp8, $4  }
0x135: {  	v35 =	vld [tilespmem:s19+$0x10];
	[tilespmem:v38+s1+$0x0] =	vst.idx.msk $0xffff, v36  }
0x136: {  	v31 =	vld [tilespmem:s19+$0xFFFFFFC0];
	[tilespmem:v30+s1+$0x0] =	vst.idx.msk $0xffff, v27;
	v29 =	vmov v40;
	v30 =	vmov v41  }
0x137: {  	v36 =	vld [tilespmem:s19+$0xFFFFFFF0];
	[tilespmem:v42+s1+$0x0] =	vst.idx.msk $0xffff, v33;
	v27 =	vmov v44  }
0x138: {  	s20 =	sadd.s32 $0xFFFFFFB0, s18;
	s18 =	sadd.s32 $0x80, s18;
	v38 =	vadd.s32 s22, v15;
	v33 =	vld [tilespmem:s19+$0xFFFFFFE0];
	[tilespmem:v46+s1+$0x0] =	vst.idx.msk $0xffff, v45;
	s19 =	sadd.s32 $0x80, s19  }
0x139: {  	_ =	sdelay $0x3  }
0x13a: {  	[tilespmem:v39+s1+$0x0] =	vst.idx.msk $0xffff, v34  }
0x13b: {  	v62 =	vadd.s32 s20, v15;
	[tilespmem:v32+s1+$0x0] =	vst.idx.msk $0xffff, v29  }
0x13c: {  	[tilespmem:v30+s1+$0x0] =	vst.idx.msk $0xffff, v27  }
0x13d: {  	[tilespmem:v37+s1+$0x0] =	vst.idx.msk $0xffff, v35  }
0x13e: {  	[tilespmem:v28+s1+$0x0] =	vst.idx.msk $0xffff, v31  }
0x13f: {  	[tilespmem:v38+s1+$0x0] =	vst.idx.msk $0xffff, v36  }
0x140: {  	[tilespmem:v62+s1+$0x0] =	vst.idx.msk $0xffff, v33  }
0x141: {  	s17 =	rddreg [dreg:$0xe]  }
0x142: {  	[tilespmem:s9], [sflag:$0x1] =	stream.strided.gather [hbm4b:s17+s7], $0x1000, s8, s7, $0x38;
	[tilespmem:$0x1E280] =	vst v63  }
0x143: {  	_ =	swait.ge [sflag:s12], $0x1000  }
0x144: {  	[sflag:s12] =	ssyncset.done $0x0  }
0x145: {  	s18 =	simm.s32 $0x11070;
	[sflag:s12] =	ssyncadd.s32 $0xFFFFF000  }
0x146: {  	v29 =	vld [tilespmem:s18+$0x0]  }
0x147: {  	s21 =	simm.s32 $0x69;
	v27 =	vld [tilespmem:s18+$0xFFFFFFA0]  }
0x148: {  	v41 =	vadd.s32 s21, v16;
	v40 =	vld [tilespmem:s18+$0xFFFFFFF0]  }
0x149: {  	s22 =	simm.s32 $0x79;
	s24 =	simm.s32 $0x49;
	v34 =	vld [tilespmem:s18+$0xFFFFFFD0]  }
0x14a: {  	s25 =	simm.s32 $0x59;
	v30 =	vadd.s32 s22, v0;
	v39 =	vadd.s32 s24, v16;
	v35 =	vld [tilespmem:s18+$0xFFFFFFE0]  }
0x14b: {  	s19 =	simm.s32 $0x9;
	v37 =	vadd.s32 s25, v16;
	v63 =	vand.u32 $0xFFF, v30;
	v31 =	vld [tilespmem:s18+$0xFFFFFF90]  }
0x14c: {  	s23 =	simm.s32 $0x19;
	s20 =	simm.s32 $0x29;
	s21 =	simm.s32 $0x39;
	v28 =	vadd.s32 s19, v16;
	v32 =	vor.u32 $0x9000, v63;
	v36 =	vld [tilespmem:s18+$0xFFFFFFC0]  }
0x14d: {  	v30 =	vadd.s32 s23, v16;
	s19 =	simm.s32 $0x110F0;
	v38 =	vadd.s32 s21, v16;
	s17 =	simm.s32 $0x0;
	v33 =	vld [tilespmem:s18+$0xFFFFFFB0];
	s18 =	simm.s32 $0xF9;
	[tilespmem:v41+s1+$0x0] =	vst.idx.msk $0xffff, v40  }
.LBB2_20:
0x14e: {  	s21 =	sadd.s32 $0xFFFFFF90, s18  }
0x14f: {  	s22 =	sadd.s32 $0xFFFFFFC0, s18;
	s23 =	sadd.s32 $0xFFFFFFE0, s18;
	v40 =	vld [tilespmem:s19+$0x0];
	v41 =	vadd.s32 s18, v0;
	v42 =	vadd.s32 s20, v16;
	[tilespmem:v39+s1+$0x0] =	vst.idx.msk $0xffff, v34;
	s20 =	sadd.s32 $0xFFFFFFA0, s18  }
0x150: {  	s24 =	sadd.s32 $0xFFFFFFF0, s18;
	s17 =	sadd.s32 $0x8, s17;
	v43 =	vadd.s32 s21, v16;
	v44 =	vld [tilespmem:s19+$0xFFFFFFA0];
	s21 =	sadd.s32 $0xFFFFFFD0, s18;
	v34 =	vand.u32 $0xFFF, v41;
	[tilespmem:v37+s1+$0x0] =	vst.idx.msk $0xffff, v35  }
0x151: {  	v41 =	vadd.s32 s20, v16;
	v46 =	vadd.s32 s24, v16;
	p0 =	slt.u32 s17, $0xF8;
	v45 =	vld [tilespmem:s19+$0xFFFFFFF0];
	[tilespmem:v32+s1+$0x0] =	vst.idx.msk $0xffff, v29;
	v32 =	vor.u32 $0x9000, v34  }
.Ltmp9:
0x152: {  	v37 =	vadd.s32 s23, v16;
	v39 =	vadd.s32 s21, v16;
	v34 =	vld [tilespmem:s19+$0xFFFFFFD0];
	[tilespmem:v28+s1+$0x0] =	vst.idx.msk $0xffff, v31;
	v28 =	vmov v43;
	(pc) =	sbr.rel @p0 .LBB2_20-.Ltmp9, $4  }
0x153: {  	v35 =	vld [tilespmem:s19+$0xFFFFFFE0];
	[tilespmem:v38+s1+$0x0] =	vst.idx.msk $0xffff, v36  }
0x154: {  	v31 =	vld [tilespmem:s19+$0xFFFFFF90];
	[tilespmem:v30+s1+$0x0] =	vst.idx.msk $0xffff, v27;
	v29 =	vmov v40;
	v30 =	vmov v41  }
0x155: {  	v36 =	vld [tilespmem:s19+$0xFFFFFFC0];
	[tilespmem:v42+s1+$0x0] =	vst.idx.msk $0xffff, v33;
	v27 =	vmov v44  }
0x156: {  	s20 =	sadd.s32 $0xFFFFFFB0, s18;
	s18 =	sadd.s32 $0x80, s18;
	v38 =	vadd.s32 s22, v16;
	v33 =	vld [tilespmem:s19+$0xFFFFFFB0];
	[tilespmem:v46+s1+$0x0] =	vst.idx.msk $0xffff, v45;
	s19 =	sadd.s32 $0x80, s19  }
0x157: {  	_ =	sdelay $0x3  }
0x158: {  	[tilespmem:v39+s1+$0x0] =	vst.idx.msk $0xffff, v34  }
0x159: {  	v62 =	vadd.s32 s20, v16;
	[tilespmem:v32+s1+$0x0] =	vst.idx.msk $0xffff, v29  }
0x15a: {  	[tilespmem:v30+s1+$0x0] =	vst.idx.msk $0xffff, v27  }
0x15b: {  	[tilespmem:v37+s1+$0x0] =	vst.idx.msk $0xffff, v35  }
0x15c: {  	[tilespmem:v28+s1+$0x0] =	vst.idx.msk $0xffff, v31  }
0x15d: {  	[tilespmem:v38+s1+$0x0] =	vst.idx.msk $0xffff, v36  }
0x15e: {  	[tilespmem:v62+s1+$0x0] =	vst.idx.msk $0xffff, v33  }
0x15f: {  	s17 =	rddreg [dreg:$0xf]  }
0x160: {  	[tilespmem:s10], [sflag:$0x2] =	stream.strided.gather [hbm4b:s17+s7], $0x1000, s8, s7, $0x38;
	[tilespmem:$0x1E280] =	vst v63  }
0x161: {  	_ =	swait.ge [sflag:s11], $0x1000  }
0x162: {  	[sflag:s11] =	ssyncset.done $0x0  }
0x163: {  	s18 =	simm.s32 $0x10040;
	[sflag:s11] =	ssyncadd.s32 $0xFFFFF000  }
0x164: {  	v29 =	vld [tilespmem:s18+$0x30]  }
0x165: {  	s21 =	simm.s32 $0x6A;
	v27 =	vld [tilespmem:s18+$0xFFFFFFD0]  }
0x166: {  	v41 =	vadd.s32 s21, v17;
	v40 =	vld [tilespmem:s18+$0x20]  }
0x167: {  	s22 =	simm.s32 $0x7A;
	s24 =	simm.s32 $0x4A;
	v34 =	vld [tilespmem:s18+$0x0]  }
0x168: {  	s25 =	simm.s32 $0x5A;
	v30 =	vadd.s32 s22, v0;
	v39 =	vadd.s32 s24, v17;
	v35 =	vld [tilespmem:s18+$0x10]  }
0x169: {  	s19 =	simm.s32 $0xA;
	v37 =	vadd.s32 s25, v17;
	v63 =	vand.u32 $0xFFF, v30;
	v31 =	vld [tilespmem:s18+$0xFFFFFFC0]  }
0x16a: {  	s23 =	simm.s32 $0x1A;
	s20 =	simm.s32 $0x2A;
	s21 =	simm.s32 $0x3A;
	v28 =	vadd.s32 s19, v17;
	v32 =	vor.u32 $0xA000, v63;
	v36 =	vld [tilespmem:s18+$0xFFFFFFF0]  }
0x16b: {  	v30 =	vadd.s32 s23, v17;
	s19 =	simm.s32 $0x100C0;
	v38 =	vadd.s32 s21, v17;
	s17 =	simm.s32 $0x0;
	v33 =	vld [tilespmem:s18+$0xFFFFFFE0];
	s18 =	simm.s32 $0xFA;
	[tilespmem:v41+s1+$0x0] =	vst.idx.msk $0xffff, v40  }
.LBB2_22:
0x16c: {  	s21 =	sadd.s32 $0xFFFFFF90, s18  }
0x16d: {  	s22 =	sadd.s32 $0xFFFFFFC0, s18;
	s23 =	sadd.s32 $0xFFFFFFE0, s18;
	v40 =	vld [tilespmem:s19+$0x30];
	v41 =	vadd.s32 s18, v0;
	v42 =	vadd.s32 s20, v17;
	[tilespmem:v39+s1+$0x0] =	vst.idx.msk $0xffff, v34;
	s20 =	sadd.s32 $0xFFFFFFA0, s18  }
0x16e: {  	s24 =	sadd.s32 $0xFFFFFFF0, s18;
	s17 =	sadd.s32 $0x8, s17;
	v43 =	vadd.s32 s21, v17;
	v44 =	vld [tilespmem:s19+$0xFFFFFFD0];
	s21 =	sadd.s32 $0xFFFFFFD0, s18;
	v34 =	vand.u32 $0xFFF, v41;
	[tilespmem:v37+s1+$0x0] =	vst.idx.msk $0xffff, v35  }
0x16f: {  	v41 =	vadd.s32 s20, v17;
	v46 =	vadd.s32 s24, v17;
	p0 =	slt.u32 s17, $0xF8;
	v45 =	vld [tilespmem:s19+$0x20];
	[tilespmem:v32+s1+$0x0] =	vst.idx.msk $0xffff, v29;
	v32 =	vor.u32 $0xA000, v34  }
.Ltmp10:
0x170: {  	v37 =	vadd.s32 s23, v17;
	v39 =	vadd.s32 s21, v17;
	v34 =	vld [tilespmem:s19+$0x0];
	[tilespmem:v28+s1+$0x0] =	vst.idx.msk $0xffff, v31;
	v28 =	vmov v43;
	(pc) =	sbr.rel @p0 .LBB2_22-.Ltmp10, $4  }
0x171: {  	v35 =	vld [tilespmem:s19+$0x10];
	[tilespmem:v38+s1+$0x0] =	vst.idx.msk $0xffff, v36  }
0x172: {  	v31 =	vld [tilespmem:s19+$0xFFFFFFC0];
	[tilespmem:v30+s1+$0x0] =	vst.idx.msk $0xffff, v27;
	v29 =	vmov v40;
	v30 =	vmov v41  }
0x173: {  	v36 =	vld [tilespmem:s19+$0xFFFFFFF0];
	[tilespmem:v42+s1+$0x0] =	vst.idx.msk $0xffff, v33;
	v27 =	vmov v44  }
0x174: {  	s20 =	sadd.s32 $0xFFFFFFB0, s18;
	s18 =	sadd.s32 $0x80, s18;
	v38 =	vadd.s32 s22, v17;
	v33 =	vld [tilespmem:s19+$0xFFFFFFE0];
	[tilespmem:v46+s1+$0x0] =	vst.idx.msk $0xffff, v45;
	s19 =	sadd.s32 $0x80, s19  }
0x175: {  	_ =	sdelay $0x3  }
0x176: {  	[tilespmem:v39+s1+$0x0] =	vst.idx.msk $0xffff, v34  }
0x177: {  	v62 =	vadd.s32 s20, v17;
	[tilespmem:v32+s1+$0x0] =	vst.idx.msk $0xffff, v29  }
0x178: {  	[tilespmem:v30+s1+$0x0] =	vst.idx.msk $0xffff, v27  }
0x179: {  	[tilespmem:v37+s1+$0x0] =	vst.idx.msk $0xffff, v35  }
0x17a: {  	[tilespmem:v28+s1+$0x0] =	vst.idx.msk $0xffff, v31  }
0x17b: {  	[tilespmem:v38+s1+$0x0] =	vst.idx.msk $0xffff, v36  }
0x17c: {  	[tilespmem:v62+s1+$0x0] =	vst.idx.msk $0xffff, v33  }
0x17d: {  	s17 =	rddreg [dreg:$0x10]  }
0x17e: {  	[tilespmem:s9], [sflag:$0x1] =	stream.strided.gather [hbm4b:s17+s7], $0x1000, s8, s7, $0x38;
	[tilespmem:$0x1E280] =	vst v63  }
0x17f: {  	_ =	swait.ge [sflag:s12], $0x1000  }
0x180: {  	[sflag:s12] =	ssyncset.done $0x0  }
0x181: {  	s18 =	simm.s32 $0x11070;
	[sflag:s12] =	ssyncadd.s32 $0xFFFFF000  }
0x182: {  	v29 =	vld [tilespmem:s18+$0x0]  }
0x183: {  	s21 =	simm.s32 $0x6B;
	v27 =	vld [tilespmem:s18+$0xFFFFFFA0]  }
0x184: {  	v41 =	vadd.s32 s21, v18;
	v40 =	vld [tilespmem:s18+$0xFFFFFFF0]  }
0x185: {  	s22 =	simm.s32 $0x7B;
	s24 =	simm.s32 $0x4B;
	v34 =	vld [tilespmem:s18+$0xFFFFFFD0]  }
0x186: {  	s25 =	simm.s32 $0x5B;
	v30 =	vadd.s32 s22, v0;
	v39 =	vadd.s32 s24, v18;
	v35 =	vld [tilespmem:s18+$0xFFFFFFE0]  }
0x187: {  	s19 =	simm.s32 $0xB;
	v37 =	vadd.s32 s25, v18;
	v63 =	vand.u32 $0xFFF, v30;
	v31 =	vld [tilespmem:s18+$0xFFFFFF90]  }
0x188: {  	s23 =	simm.s32 $0x1B;
	s20 =	simm.s32 $0x2B;
	s21 =	simm.s32 $0x3B;
	v28 =	vadd.s32 s19, v18;
	v32 =	vor.u32 $0xB000, v63;
	v36 =	vld [tilespmem:s18+$0xFFFFFFC0]  }
0x189: {  	v30 =	vadd.s32 s23, v18;
	s19 =	simm.s32 $0x110F0;
	v38 =	vadd.s32 s21, v18;
	s17 =	simm.s32 $0x0;
	v33 =	vld [tilespmem:s18+$0xFFFFFFB0];
	s18 =	simm.s32 $0xFB;
	[tilespmem:v41+s1+$0x0] =	vst.idx.msk $0xffff, v40  }
.LBB2_24:
0x18a: {  	s21 =	sadd.s32 $0xFFFFFF90, s18  }
0x18b: {  	s22 =	sadd.s32 $0xFFFFFFC0, s18;
	s23 =	sadd.s32 $0xFFFFFFE0, s18;
	v40 =	vld [tilespmem:s19+$0x0];
	v41 =	vadd.s32 s18, v0;
	v42 =	vadd.s32 s20, v18;
	[tilespmem:v39+s1+$0x0] =	vst.idx.msk $0xffff, v34;
	s20 =	sadd.s32 $0xFFFFFFA0, s18  }
0x18c: {  	s24 =	sadd.s32 $0xFFFFFFF0, s18;
	s17 =	sadd.s32 $0x8, s17;
	v43 =	vadd.s32 s21, v18;
	v44 =	vld [tilespmem:s19+$0xFFFFFFA0];
	s21 =	sadd.s32 $0xFFFFFFD0, s18;
	v34 =	vand.u32 $0xFFF, v41;
	[tilespmem:v37+s1+$0x0] =	vst.idx.msk $0xffff, v35  }
0x18d: {  	v41 =	vadd.s32 s20, v18;
	v46 =	vadd.s32 s24, v18;
	p0 =	slt.u32 s17, $0xF8;
	v45 =	vld [tilespmem:s19+$0xFFFFFFF0];
	[tilespmem:v32+s1+$0x0] =	vst.idx.msk $0xffff, v29;
	v32 =	vor.u32 $0xB000, v34  }
.Ltmp11:
0x18e: {  	v37 =	vadd.s32 s23, v18;
	v39 =	vadd.s32 s21, v18;
	v34 =	vld [tilespmem:s19+$0xFFFFFFD0];
	[tilespmem:v28+s1+$0x0] =	vst.idx.msk $0xffff, v31;
	v28 =	vmov v43;
	(pc) =	sbr.rel @p0 .LBB2_24-.Ltmp11, $4  }
0x18f: {  	v35 =	vld [tilespmem:s19+$0xFFFFFFE0];
	[tilespmem:v38+s1+$0x0] =	vst.idx.msk $0xffff, v36  }
0x190: {  	v31 =	vld [tilespmem:s19+$0xFFFFFF90];
	[tilespmem:v30+s1+$0x0] =	vst.idx.msk $0xffff, v27;
	v29 =	vmov v40;
	v30 =	vmov v41  }
0x191: {  	v36 =	vld [tilespmem:s19+$0xFFFFFFC0];
	[tilespmem:v42+s1+$0x0] =	vst.idx.msk $0xffff, v33;
	v27 =	vmov v44  }
0x192: {  	s20 =	sadd.s32 $0xFFFFFFB0, s18;
	s18 =	sadd.s32 $0x80, s18;
	v38 =	vadd.s32 s22, v18;
	v33 =	vld [tilespmem:s19+$0xFFFFFFB0];
	[tilespmem:v46+s1+$0x0] =	vst.idx.msk $0xffff, v45;
	s19 =	sadd.s32 $0x80, s19  }
0x193: {  	_ =	sdelay $0x3  }
0x194: {  	[tilespmem:v39+s1+$0x0] =	vst.idx.msk $0xffff, v34  }
0x195: {  	v62 =	vadd.s32 s20, v18;
	[tilespmem:v32+s1+$0x0] =	vst.idx.msk $0xffff, v29  }
0x196: {  	[tilespmem:v30+s1+$0x0] =	vst.idx.msk $0xffff, v27  }
0x197: {  	[tilespmem:v37+s1+$0x0] =	vst.idx.msk $0xffff, v35  }
0x198: {  	[tilespmem:v28+s1+$0x0] =	vst.idx.msk $0xffff, v31  }
0x199: {  	[tilespmem:v38+s1+$0x0] =	vst.idx.msk $0xffff, v36  }
0x19a: {  	[tilespmem:v62+s1+$0x0] =	vst.idx.msk $0xffff, v33  }
0x19b: {  	s17 =	rddreg [dreg:$0x11]  }
0x19c: {  	[tilespmem:s10], [sflag:$0x2] =	stream.strided.gather [hbm4b:s17+s7], $0x1000, s8, s7, $0x38;
	[tilespmem:$0x1E280] =	vst v63  }
0x19d: {  	_ =	swait.ge [sflag:s11], $0x1000  }
0x19e: {  	[sflag:s11] =	ssyncset.done $0x0  }
0x19f: {  	s18 =	simm.s32 $0x10040;
	[sflag:s11] =	ssyncadd.s32 $0xFFFFF000  }
0x1a0: {  	v29 =	vld [tilespmem:s18+$0x30]  }
0x1a1: {  	s21 =	simm.s32 $0x6C;
	v27 =	vld [tilespmem:s18+$0xFFFFFFD0]  }
0x1a2: {  	v41 =	vadd.s32 s21, v19;
	v40 =	vld [tilespmem:s18+$0x20]  }
0x1a3: {  	s22 =	simm.s32 $0x7C;
	s24 =	simm.s32 $0x4C;
	v34 =	vld [tilespmem:s18+$0x0]  }
0x1a4: {  	s25 =	simm.s32 $0x5C;
	v30 =	vadd.s32 s22, v0;
	v39 =	vadd.s32 s24, v19;
	v35 =	vld [tilespmem:s18+$0x10]  }
0x1a5: {  	s19 =	simm.s32 $0xC;
	v37 =	vadd.s32 s25, v19;
	v63 =	vand.u32 $0xFFF, v30;
	v31 =	vld [tilespmem:s18+$0xFFFFFFC0]  }
0x1a6: {  	s23 =	simm.s32 $0x1C;
	s20 =	simm.s32 $0x2C;
	s21 =	simm.s32 $0x3C;
	v28 =	vadd.s32 s19, v19;
	v32 =	vor.u32 $0xC000, v63;
	v36 =	vld [tilespmem:s18+$0xFFFFFFF0]  }
0x1a7: {  	v30 =	vadd.s32 s23, v19;
	s19 =	simm.s32 $0x100C0;
	v38 =	vadd.s32 s21, v19;
	s17 =	simm.s32 $0x0;
	v33 =	vld [tilespmem:s18+$0xFFFFFFE0];
	s18 =	simm.s32 $0xFC;
	[tilespmem:v41+s1+$0x0] =	vst.idx.msk $0xffff, v40  }
.LBB2_26:
0x1a8: {  	s21 =	sadd.s32 $0xFFFFFF90, s18  }
0x1a9: {  	s22 =	sadd.s32 $0xFFFFFFC0, s18;
	s23 =	sadd.s32 $0xFFFFFFE0, s18;
	v40 =	vld [tilespmem:s19+$0x30];
	v41 =	vadd.s32 s18, v0;
	v42 =	vadd.s32 s20, v19;
	[tilespmem:v39+s1+$0x0] =	vst.idx.msk $0xffff, v34;
	s20 =	sadd.s32 $0xFFFFFFA0, s18  }
0x1aa: {  	s24 =	sadd.s32 $0xFFFFFFF0, s18;
	s17 =	sadd.s32 $0x8, s17;
	v43 =	vadd.s32 s21, v19;
	v44 =	vld [tilespmem:s19+$0xFFFFFFD0];
	s21 =	sadd.s32 $0xFFFFFFD0, s18;
	v34 =	vand.u32 $0xFFF, v41;
	[tilespmem:v37+s1+$0x0] =	vst.idx.msk $0xffff, v35  }
0x1ab: {  	v41 =	vadd.s32 s20, v19;
	v46 =	vadd.s32 s24, v19;
	p0 =	slt.u32 s17, $0xF8;
	v45 =	vld [tilespmem:s19+$0x20];
	[tilespmem:v32+s1+$0x0] =	vst.idx.msk $0xffff, v29;
	v32 =	vor.u32 $0xC000, v34  }
.Ltmp12:
0x1ac: {  	v37 =	vadd.s32 s23, v19;
	v39 =	vadd.s32 s21, v19;
	v34 =	vld [tilespmem:s19+$0x0];
	[tilespmem:v28+s1+$0x0] =	vst.idx.msk $0xffff, v31;
	v28 =	vmov v43;
	(pc) =	sbr.rel @p0 .LBB2_26-.Ltmp12, $4  }
0x1ad: {  	v35 =	vld [tilespmem:s19+$0x10];
	[tilespmem:v38+s1+$0x0] =	vst.idx.msk $0xffff, v36  }
0x1ae: {  	v31 =	vld [tilespmem:s19+$0xFFFFFFC0];
	[tilespmem:v30+s1+$0x0] =	vst.idx.msk $0xffff, v27;
	v29 =	vmov v40;
	v30 =	vmov v41  }
0x1af: {  	v36 =	vld [tilespmem:s19+$0xFFFFFFF0];
	[tilespmem:v42+s1+$0x0] =	vst.idx.msk $0xffff, v33;
	v27 =	vmov v44  }
0x1b0: {  	s20 =	sadd.s32 $0xFFFFFFB0, s18;
	s18 =	sadd.s32 $0x80, s18;
	v38 =	vadd.s32 s22, v19;
	v33 =	vld [tilespmem:s19+$0xFFFFFFE0];
	[tilespmem:v46+s1+$0x0] =	vst.idx.msk $0xffff, v45;
	s19 =	sadd.s32 $0x80, s19  }
0x1b1: {  	_ =	sdelay $0x3  }
0x1b2: {  	[tilespmem:v39+s1+$0x0] =	vst.idx.msk $0xffff, v34  }
0x1b3: {  	v62 =	vadd.s32 s20, v19;
	[tilespmem:v32+s1+$0x0] =	vst.idx.msk $0xffff, v29  }
0x1b4: {  	[tilespmem:v30+s1+$0x0] =	vst.idx.msk $0xffff, v27  }
0x1b5: {  	[tilespmem:v37+s1+$0x0] =	vst.idx.msk $0xffff, v35  }
0x1b6: {  	[tilespmem:v28+s1+$0x0] =	vst.idx.msk $0xffff, v31  }
0x1b7: {  	[tilespmem:v38+s1+$0x0] =	vst.idx.msk $0xffff, v36  }
0x1b8: {  	[tilespmem:v62+s1+$0x0] =	vst.idx.msk $0xffff, v33  }
0x1b9: {  	s17 =	rddreg [dreg:$0x12]  }
0x1ba: {  	[tilespmem:s9], [sflag:$0x1] =	stream.strided.gather [hbm4b:s17+s7], $0x1000, s8, s7, $0x38;
	[tilespmem:$0x1E280] =	vst v63  }
0x1bb: {  	_ =	swait.ge [sflag:s12], $0x1000  }
0x1bc: {  	[sflag:s12] =	ssyncset.done $0x0  }
0x1bd: {  	s18 =	simm.s32 $0x11070;
	[sflag:s12] =	ssyncadd.s32 $0xFFFFF000  }
0x1be: {  	v29 =	vld [tilespmem:s18+$0x0]  }
0x1bf: {  	s21 =	simm.s32 $0x6D;
	v27 =	vld [tilespmem:s18+$0xFFFFFFA0]  }
0x1c0: {  	v41 =	vadd.s32 s21, v20;
	v40 =	vld [tilespmem:s18+$0xFFFFFFF0]  }
0x1c1: {  	s22 =	simm.s32 $0x7D;
	s24 =	simm.s32 $0x4D;
	v34 =	vld [tilespmem:s18+$0xFFFFFFD0]  }
0x1c2: {  	s25 =	simm.s32 $0x5D;
	v30 =	vadd.s32 s22, v0;
	v39 =	vadd.s32 s24, v20;
	v35 =	vld [tilespmem:s18+$0xFFFFFFE0]  }
0x1c3: {  	s19 =	simm.s32 $0xD;
	v37 =	vadd.s32 s25, v20;
	v63 =	vand.u32 $0xFFF, v30;
	v31 =	vld [tilespmem:s18+$0xFFFFFF90]  }
0x1c4: {  	s23 =	simm.s32 $0x1D;
	s20 =	simm.s32 $0x2D;
	s21 =	simm.s32 $0x3D;
	v28 =	vadd.s32 s19, v20;
	v32 =	vor.u32 $0xD000, v63;
	v36 =	vld [tilespmem:s18+$0xFFFFFFC0]  }
0x1c5: {  	v30 =	vadd.s32 s23, v20;
	s19 =	simm.s32 $0x110F0;
	v38 =	vadd.s32 s21, v20;
	s17 =	simm.s32 $0x0;
	v33 =	vld [tilespmem:s18+$0xFFFFFFB0];
	s18 =	simm.s32 $0xFD;
	[tilespmem:v41+s1+$0x0] =	vst.idx.msk $0xffff, v40  }
.LBB2_28:
0x1c6: {  	s21 =	sadd.s32 $0xFFFFFF90, s18  }
0x1c7: {  	s22 =	sadd.s32 $0xFFFFFFC0, s18;
	s23 =	sadd.s32 $0xFFFFFFE0, s18;
	v40 =	vld [tilespmem:s19+$0x0];
	v41 =	vadd.s32 s18, v0;
	v42 =	vadd.s32 s20, v20;
	[tilespmem:v39+s1+$0x0] =	vst.idx.msk $0xffff, v34;
	s20 =	sadd.s32 $0xFFFFFFA0, s18  }
0x1c8: {  	s24 =	sadd.s32 $0xFFFFFFF0, s18;
	s17 =	sadd.s32 $0x8, s17;
	v43 =	vadd.s32 s21, v20;
	v44 =	vld [tilespmem:s19+$0xFFFFFFA0];
	s21 =	sadd.s32 $0xFFFFFFD0, s18;
	v34 =	vand.u32 $0xFFF, v41;
	[tilespmem:v37+s1+$0x0] =	vst.idx.msk $0xffff, v35  }
0x1c9: {  	v41 =	vadd.s32 s20, v20;
	v46 =	vadd.s32 s24, v20;
	p0 =	slt.u32 s17, $0xF8;
	v45 =	vld [tilespmem:s19+$0xFFFFFFF0];
	[tilespmem:v32+s1+$0x0] =	vst.idx.msk $0xffff, v29;
	v32 =	vor.u32 $0xD000, v34  }
.Ltmp13:
0x1ca: {  	v37 =	vadd.s32 s23, v20;
	v39 =	vadd.s32 s21, v20;
	v34 =	vld [tilespmem:s19+$0xFFFFFFD0];
	[tilespmem:v28+s1+$0x0] =	vst.idx.msk $0xffff, v31;
	v28 =	vmov v43;
	(pc) =	sbr.rel @p0 .LBB2_28-.Ltmp13, $4  }
0x1cb: {  	v35 =	vld [tilespmem:s19+$0xFFFFFFE0];
	[tilespmem:v38+s1+$0x0] =	vst.idx.msk $0xffff, v36  }
0x1cc: {  	v31 =	vld [tilespmem:s19+$0xFFFFFF90];
	[tilespmem:v30+s1+$0x0] =	vst.idx.msk $0xffff, v27;
	v29 =	vmov v40;
	v30 =	vmov v41  }
0x1cd: {  	v36 =	vld [tilespmem:s19+$0xFFFFFFC0];
	[tilespmem:v42+s1+$0x0] =	vst.idx.msk $0xffff, v33;
	v27 =	vmov v44  }
0x1ce: {  	s20 =	sadd.s32 $0xFFFFFFB0, s18;
	s18 =	sadd.s32 $0x80, s18;
	v38 =	vadd.s32 s22, v20;
	v33 =	vld [tilespmem:s19+$0xFFFFFFB0];
	[tilespmem:v46+s1+$0x0] =	vst.idx.msk $0xffff, v45;
	s19 =	sadd.s32 $0x80, s19  }
0x1cf: {  	_ =	sdelay $0x3  }
0x1d0: {  	[tilespmem:v39+s1+$0x0] =	vst.idx.msk $0xffff, v34  }
0x1d1: {  	v62 =	vadd.s32 s20, v20;
	[tilespmem:v32+s1+$0x0] =	vst.idx.msk $0xffff, v29  }
0x1d2: {  	[tilespmem:v30+s1+$0x0] =	vst.idx.msk $0xffff, v27  }
0x1d3: {  	[tilespmem:v37+s1+$0x0] =	vst.idx.msk $0xffff, v35  }
0x1d4: {  	[tilespmem:v28+s1+$0x0] =	vst.idx.msk $0xffff, v31  }
0x1d5: {  	[tilespmem:v38+s1+$0x0] =	vst.idx.msk $0xffff, v36  }
0x1d6: {  	[tilespmem:v62+s1+$0x0] =	vst.idx.msk $0xffff, v33  }
0x1d7: {  	s17 =	rddreg [dreg:$0x13]  }
0x1d8: {  	[tilespmem:s10], [sflag:$0x2] =	stream.strided.gather [hbm4b:s17+s7], $0x1000, s8, s7, $0x38;
	[tilespmem:$0x1E280] =	vst v63  }
0x1d9: {  	_ =	swait.ge [sflag:s11], $0x1000  }
0x1da: {  	[sflag:s11] =	ssyncset.done $0x0  }
0x1db: {  	s18 =	simm.s32 $0x10040;
	[sflag:s11] =	ssyncadd.s32 $0xFFFFF000  }
0x1dc: {  	v29 =	vld [tilespmem:s18+$0x30]  }
0x1dd: {  	s21 =	simm.s32 $0x6E;
	v27 =	vld [tilespmem:s18+$0xFFFFFFD0]  }
0x1de: {  	v41 =	vadd.s32 s21, v21;
	v40 =	vld [tilespmem:s18+$0x20]  }
0x1df: {  	s22 =	simm.s32 $0x7E;
	s24 =	simm.s32 $0x4E;
	v34 =	vld [tilespmem:s18+$0x0]  }
0x1e0: {  	s25 =	simm.s32 $0x5E;
	v30 =	vadd.s32 s22, v0;
	v39 =	vadd.s32 s24, v21;
	v35 =	vld [tilespmem:s18+$0x10]  }
0x1e1: {  	s19 =	simm.s32 $0xE;
	v37 =	vadd.s32 s25, v21;
	v63 =	vand.u32 $0xFFF, v30;
	v31 =	vld [tilespmem:s18+$0xFFFFFFC0]  }
0x1e2: {  	s23 =	simm.s32 $0x1E;
	s20 =	simm.s32 $0x2E;
	s21 =	simm.s32 $0x3E;
	v28 =	vadd.s32 s19, v21;
	v32 =	vor.u32 $0xE000, v63;
	v36 =	vld [tilespmem:s18+$0xFFFFFFF0]  }
0x1e3: {  	v30 =	vadd.s32 s23, v21;
	s19 =	simm.s32 $0x100C0;
	v38 =	vadd.s32 s21, v21;
	s17 =	simm.s32 $0x0;
	v33 =	vld [tilespmem:s18+$0xFFFFFFE0];
	s18 =	simm.s32 $0xFE;
	[tilespmem:v41+s1+$0x0] =	vst.idx.msk $0xffff, v40  }
.LBB2_30:
0x1e4: {  	s21 =	sadd.s32 $0xFFFFFF90, s18  }
0x1e5: {  	s22 =	sadd.s32 $0xFFFFFFC0, s18;
	s23 =	sadd.s32 $0xFFFFFFE0, s18;
	v40 =	vld [tilespmem:s19+$0x30];
	v41 =	vadd.s32 s18, v0;
	v42 =	vadd.s32 s20, v21;
	[tilespmem:v39+s1+$0x0] =	vst.idx.msk $0xffff, v34;
	s20 =	sadd.s32 $0xFFFFFFA0, s18  }
0x1e6: {  	s24 =	sadd.s32 $0xFFFFFFF0, s18;
	s17 =	sadd.s32 $0x8, s17;
	v43 =	vadd.s32 s21, v21;
	v44 =	vld [tilespmem:s19+$0xFFFFFFD0];
	s21 =	sadd.s32 $0xFFFFFFD0, s18;
	v34 =	vand.u32 $0xFFF, v41;
	[tilespmem:v37+s1+$0x0] =	vst.idx.msk $0xffff, v35  }
0x1e7: {  	v41 =	vadd.s32 s20, v21;
	v46 =	vadd.s32 s24, v21;
	p0 =	slt.u32 s17, $0xF8;
	v45 =	vld [tilespmem:s19+$0x20];
	[tilespmem:v32+s1+$0x0] =	vst.idx.msk $0xffff, v29;
	v32 =	vor.u32 $0xE000, v34  }
.Ltmp14:
0x1e8: {  	v37 =	vadd.s32 s23, v21;
	v39 =	vadd.s32 s21, v21;
	v34 =	vld [tilespmem:s19+$0x0];
	[tilespmem:v28+s1+$0x0] =	vst.idx.msk $0xffff, v31;
	v28 =	vmov v43;
	(pc) =	sbr.rel @p0 .LBB2_30-.Ltmp14, $4  }
0x1e9: {  	v35 =	vld [tilespmem:s19+$0x10];
	[tilespmem:v38+s1+$0x0] =	vst.idx.msk $0xffff, v36  }
0x1ea: {  	v31 =	vld [tilespmem:s19+$0xFFFFFFC0];
	[tilespmem:v30+s1+$0x0] =	vst.idx.msk $0xffff, v27;
	v29 =	vmov v40;
	v30 =	vmov v41  }
0x1eb: {  	v36 =	vld [tilespmem:s19+$0xFFFFFFF0];
	[tilespmem:v42+s1+$0x0] =	vst.idx.msk $0xffff, v33;
	v27 =	vmov v44  }
0x1ec: {  	s20 =	sadd.s32 $0xFFFFFFB0, s18;
	s18 =	sadd.s32 $0x80, s18;
	v38 =	vadd.s32 s22, v21;
	v33 =	vld [tilespmem:s19+$0xFFFFFFE0];
	[tilespmem:v46+s1+$0x0] =	vst.idx.msk $0xffff, v45;
	s19 =	sadd.s32 $0x80, s19  }
0x1ed: {  	_ =	sdelay $0x3  }
0x1ee: {  	[tilespmem:v39+s1+$0x0] =	vst.idx.msk $0xffff, v34  }
0x1ef: {  	v62 =	vadd.s32 s20, v21;
	[tilespmem:v32+s1+$0x0] =	vst.idx.msk $0xffff, v29  }
0x1f0: {  	[tilespmem:v30+s1+$0x0] =	vst.idx.msk $0xffff, v27  }
0x1f1: {  	[tilespmem:v37+s1+$0x0] =	vst.idx.msk $0xffff, v35  }
0x1f2: {  	[tilespmem:v28+s1+$0x0] =	vst.idx.msk $0xffff, v31  }
0x1f3: {  	[tilespmem:v38+s1+$0x0] =	vst.idx.msk $0xffff, v36  }
0x1f4: {  	[tilespmem:v62+s1+$0x0] =	vst.idx.msk $0xffff, v33  }
0x1f5: {  	_ =	swait.ge [sflag:s12], $0x1000  }
0x1f6: {  	[sflag:s12] =	ssyncset.done $0x0  }
0x1f7: {  	s19 =	simm.s32 $0x11070;
	[sflag:s12] =	ssyncadd.s32 $0xFFFFF000  }
0x1f8: {  	v29 =	vld [tilespmem:s19+$0x0]  }
0x1f9: {  	s17 =	simm.s32 $0x6F;
	v27 =	vld [tilespmem:s19+$0xFFFFFFA0]  }
0x1fa: {  	v41 =	vadd.s32 s17, v22;
	v40 =	vld [tilespmem:s19+$0xFFFFFFF0]  }
0x1fb: {  	s23 =	simm.s32 $0x7F;
	s21 =	simm.s32 $0x4F;
	v34 =	vld [tilespmem:s19+$0xFFFFFFD0]  }
0x1fc: {  	s22 =	simm.s32 $0x5F;
	v30 =	vadd.s32 s23, v0;
	v39 =	vadd.s32 s21, v22;
	v35 =	vld [tilespmem:s19+$0xFFFFFFE0]  }
0x1fd: {  	s18 =	simm.s32 $0xF;
	s24 =	simm.s32 $0x3F;
	v37 =	vadd.s32 s22, v22;
	v63 =	vand.u32 $0xFFF, v30;
	v31 =	vld [tilespmem:s19+$0xFFFFFF90]  }
0x1fe: {  	s25 =	simm.s32 $0x1F;
	s20 =	simm.s32 $0x110F0;
	s17 =	simm.s32 $0x120C0;
	v28 =	vadd.s32 s18, v22;
	v32 =	vor.u32 $0xF000, v63;
	v36 =	vld [tilespmem:s19+$0xFFFFFFC0]  }
0x1ff: {  	s21 =	simm.s32 $0x2F;
	v30 =	vadd.s32 s25, v22;
	s18 =	simm.s32 $0x0;
	v38 =	vadd.s32 s24, v22;
	v33 =	vld [tilespmem:s19+$0xFFFFFFB0];
	s19 =	simm.s32 $0xFF;
	[tilespmem:v41+s1+$0x0] =	vst.idx.msk $0xffff, v40  }
.LBB2_32:
0x200: {  	s22 =	sadd.s32 $0xFFFFFF90, s19  }
0x201: {  	s23 =	sadd.s32 $0xFFFFFFC0, s19;
	s24 =	sadd.s32 $0xFFFFFFE0, s19;
	v40 =	vld [tilespmem:s20+$0x0];
	v41 =	vadd.s32 s19, v0;
	v42 =	vadd.s32 s21, v22;
	[tilespmem:v39+s1+$0x0] =	vst.idx.msk $0xffff, v34;
	s21 =	sadd.s32 $0xFFFFFFA0, s19  }
0x202: {  	s25 =	sadd.s32 $0xFFFFFFF0, s19;
	s18 =	sadd.s32 $0x8, s18;
	v43 =	vadd.s32 s22, v22;
	v44 =	vld [tilespmem:s20+$0xFFFFFFA0];
	s22 =	sadd.s32 $0xFFFFFFD0, s19;
	v34 =	vand.u32 $0xFFF, v41;
	[tilespmem:v37+s1+$0x0] =	vst.idx.msk $0xffff, v35  }
0x203: {  	v41 =	vadd.s32 s21, v22;
	v46 =	vadd.s32 s25, v22;
	p0 =	slt.u32 s18, $0xF8;
	v45 =	vld [tilespmem:s20+$0xFFFFFFF0];
	[tilespmem:v32+s1+$0x0] =	vst.idx.msk $0xffff, v29;
	v32 =	vor.u32 $0xF000, v34  }
.Ltmp15:
0x204: {  	v37 =	vadd.s32 s24, v22;
	v39 =	vadd.s32 s22, v22;
	v34 =	vld [tilespmem:s20+$0xFFFFFFD0];
	[tilespmem:v28+s1+$0x0] =	vst.idx.msk $0xffff, v31;
	v28 =	vmov v43;
	(pc) =	sbr.rel @p0 .LBB2_32-.Ltmp15, $4  }
0x205: {  	v35 =	vld [tilespmem:s20+$0xFFFFFFE0];
	[tilespmem:v38+s1+$0x0] =	vst.idx.msk $0xffff, v36  }
0x206: {  	v31 =	vld [tilespmem:s20+$0xFFFFFF90];
	[tilespmem:v30+s1+$0x0] =	vst.idx.msk $0xffff, v27;
	v29 =	vmov v40;
	v30 =	vmov v41  }
0x207: {  	v36 =	vld [tilespmem:s20+$0xFFFFFFC0];
	[tilespmem:v42+s1+$0x0] =	vst.idx.msk $0xffff, v33;
	v27 =	vmov v44  }
0x208: {  	s21 =	sadd.s32 $0xFFFFFFB0, s19;
	s19 =	sadd.s32 $0x80, s19;
	v38 =	vadd.s32 s23, v22;
	v33 =	vld [tilespmem:s20+$0xFFFFFFB0];
	[tilespmem:v46+s1+$0x0] =	vst.idx.msk $0xffff, v45;
	s20 =	sadd.s32 $0x80, s20  }
0x209: {  	_ =	sdelay $0x3  }
0x20a: {  	[tilespmem:v39+s1+$0x0] =	vst.idx.msk $0xffff, v34  }
0x20b: {  	v63 =	vadd.s32 s21, v22;
	[tilespmem:v32+s1+$0x0] =	vst.idx.msk $0xffff, v29  }
0x20c: {  	[tilespmem:v30+s1+$0x0] =	vst.idx.msk $0xffff, v27  }
0x20d: {  	[tilespmem:v37+s1+$0x0] =	vst.idx.msk $0xffff, v35  }
0x20e: {  	[tilespmem:v28+s1+$0x0] =	vst.idx.msk $0xffff, v31  }
0x20f: {  	[tilespmem:v38+s1+$0x0] =	vst.idx.msk $0xffff, v36  }
0x210: {  	[tilespmem:v63+s1+$0x0] =	vst.idx.msk $0xffff, v33  }
0x211: {  	[tilespmem:s17+$0xFFFFFFC0] =	vst v23  }
0x212: {  	[tilespmem:s17+$0x30] =	vst v23  }
0x213: {  	[tilespmem:s17+$0x20] =	vst v23  }
0x214: {  	[tilespmem:s17+$0x10] =	vst v23  }
0x215: {  	[tilespmem:s17+$0x0] =	vst v23  }
0x216: {  	[tilespmem:s17+$0xFFFFFFF0] =	vst v23  }
0x217: {  	s19 =	simm.s32 $0x0;
	s18 =	simm.s32 $0x162C0;
	[tilespmem:s17+$0xFFFFFFE0] =	vst v23  }
.LBB2_34:
0x218: {  	s19 =	sadd.s32 $0x8, s19;
	[tilespmem:s17+$0xFFFFFFD0] =	vst v23;
	s17 =	sadd.s32 $0x80, s17  }
0x219: {  	[tilespmem:s17+$0xFFFFFFC0] =	vst v23;
	p0 =	slt.u32 s19, $0x418  }
0x21a: {  	[tilespmem:s17+$0x30] =	vst v23  }
.Ltmp16:
0x21b: {  	[tilespmem:s17+$0x20] =	vst v23;
	(pc) =	sbr.rel @p0 .LBB2_34-.Ltmp16, $4  }
0x21c: {  	[tilespmem:s17+$0x10] =	vst v23  }
0x21d: {  	[tilespmem:s17+$0x0] =	vst v23  }
0x21e: {  	[tilespmem:s17+$0xFFFFFFF0] =	vst v23  }
0x21f: {  	[tilespmem:s17+$0xFFFFFFE0] =	vst v23  }
0x220: {  	[tilespmem:s17+$0xFFFFFFD0] =	vst v23  }
0x221: {  	[tilespmem:s18+$0xFFFFFFC0] =	vst v23  }
0x222: {  	[tilespmem:s18+$0x30] =	vst v23  }
0x223: {  	[tilespmem:s18+$0x20] =	vst v23  }
0x224: {  	[tilespmem:s18+$0x10] =	vst v23  }
0x225: {  	[tilespmem:s18+$0x0] =	vst v23  }
0x226: {  	[tilespmem:s18+$0xFFFFFFF0] =	vst v23  }
0x227: {  	s19 =	simm.s32 $0x0;
	[tilespmem:s18+$0xFFFFFFE0] =	vst v23  }
.LBB2_36:
0x228: {  	s19 =	sadd.s32 $0x8, s19;
	[tilespmem:s18+$0xFFFFFFD0] =	vst v23;
	s18 =	sadd.s32 $0x80, s18;
	s17 =	simm.s32 $0x1A2C0  }
0x229: {  	[tilespmem:s18+$0xFFFFFFC0] =	vst v23;
	p0 =	slt.u32 s19, $0x3F8  }
0x22a: {  	[tilespmem:s18+$0x30] =	vst v23  }
.Ltmp17:
0x22b: {  	[tilespmem:s18+$0x20] =	vst v23;
	(pc) =	sbr.rel @p0 .LBB2_36-.Ltmp17, $4  }
0x22c: {  	[tilespmem:s18+$0x10] =	vst v23  }
0x22d: {  	[tilespmem:s18+$0x0] =	vst v23  }
0x22e: {  	[tilespmem:s18+$0xFFFFFFF0] =	vst v23  }
0x22f: {  	[tilespmem:s18+$0xFFFFFFE0] =	vst v23  }
0x230: {  	[tilespmem:s18+$0xFFFFFFD0] =	vst v23  }
0x231: {  	[tilespmem:s17+$0xFFFFFFC0] =	vst v23  }
0x232: {  	[tilespmem:s17+$0x30] =	vst v23  }
0x233: {  	[tilespmem:s17+$0x20] =	vst v23  }
0x234: {  	[tilespmem:s17+$0x10] =	vst v23  }
0x235: {  	[tilespmem:s17+$0x0] =	vst v23  }
0x236: {  	[tilespmem:s17+$0xFFFFFFF0] =	vst v23  }
0x237: {  	s18 =	simm.s32 $0x0;
	[tilespmem:s17+$0xFFFFFFE0] =	vst v23  }
.LBB2_38:
0x238: {  	s18 =	sadd.s32 $0x8, s18;
	[tilespmem:s17+$0xFFFFFFD0] =	vst v23;
	s17 =	sadd.s32 $0x80, s17  }
0x239: {  	[tilespmem:s17+$0xFFFFFFC0] =	vst v23;
	p0 =	slt.u32 s18, $0x3F8  }
0x23a: {  	[tilespmem:s17+$0x30] =	vst v23  }
.Ltmp18:
0x23b: {  	[tilespmem:s17+$0x20] =	vst v23;
	(pc) =	sbr.rel @p0 .LBB2_38-.Ltmp18, $4  }
0x23c: {  	[tilespmem:s17+$0x10] =	vst v23  }
0x23d: {  	[tilespmem:s17+$0x0] =	vst v23  }
0x23e: {  	[tilespmem:s17+$0xFFFFFFF0] =	vst v23  }
0x23f: {  	[tilespmem:s17+$0xFFFFFFE0] =	vst v23  }
0x240: {  	s18 =	simm.s32 $0x7  }
0x241: {  	s19 =	simm.s32 $0x1;
	v27 =	vadd.s32 s18, v0  }
0x242: {  	s20 =	simm.s32 $0x2;
	v28 =	vadd.s32 s19, v0;
	v27 =	vand.u32 $0xFFF, v27  }
0x243: {  	s21 =	simm.s32 $0x5;
	v29 =	vadd.s32 s20, v0;
	v28 =	vand.u32 $0xFFF, v28;
	v27 =	vor.u32 v24, v27  }
0x244: {  	s22 =	simm.s32 $0x4;
	v30 =	vadd.s32 s21, v0;
	v29 =	vand.u32 $0xFFF, v29;
	v28 =	vor.u32 v24, v28  }
0x245: {  	s25 =	simm.s32 $0x3;
	v31 =	vadd.s32 s22, v0;
	v30 =	vand.u32 $0xFFF, v30;
	v29 =	vor.u32 v24, v29  }
0x246: {  	v34 =	vadd.s32 s25, v0;
	v31 =	vand.u32 $0xFFF, v31;
	v30 =	vor.u32 v24, v30  }
0x247: {  	s23 =	simm.s32 $0x6;
	[tilespmem:s17+$0xFFFFFFD0] =	vst v23;
	v62 =	vand.u32 $0xFFF, v34;
	v31 =	vor.u32 v24, v31  }
0x248: {  	s24 =	simm.s32 $0x0;
	v32 =	vadd.s32 s23, v0;
	s23 =	simm.s32 $0xF;
	v51 =	vor.u32 v24, v62;
	v27 =	vld.idx.msk [tilespmem:v27+s1+$0x0], $0xffff  }
0x249: {  	v33 =	vadd.s32 s24, v0;
	s19 =	simm.s32 $0x9;
	s20 =	simm.s32 $0xA;
	v32 =	vand.u32 $0xFFF, v32;
	v43 =	vadd.s32 s23, v0;
	v28 =	vld.idx.msk [tilespmem:v28+s1+$0x0], $0xffff  }
0x24a: {  	s21 =	simm.s32 $0xC;
	s22 =	simm.s32 $0xD;
	v54 =	vadd.s32 s19, v0;
	v40 =	vadd.s32 s20, v0;
	v43 =	vand.u32 $0xFFF, v43;
	v29 =	vld.idx.msk [tilespmem:v29+s1+$0x0], $0xffff  }
0x24b: {  	s24 =	simm.s32 $0xB;
	s25 =	simm.s32 $0xE;
	v41 =	vadd.s32 s21, v0;
	v42 =	vadd.s32 s22, v0;
	v43 =	vor.u32 v24, v43;
	v35 =	vld.idx.msk [tilespmem:v30+s1+$0x0], $0xffff  }
0x24c: {  	v45 =	vadd.s32 s24, v0;
	v46 =	vadd.s32 s25, v0;
	v32 =	vor.u32 v24, v32;
	v31 =	vld.idx.msk [tilespmem:v31+s1+$0x0], $0xffff  }
0x24d: {  	v40 =	vand.u32 $0xFFF, v40;
	v41 =	vand.u32 $0xFFF, v41;
	v42 =	vand.u32 $0xFFF, v42;
	v38 =	vld.idx.msk [tilespmem:v51+s1+$0x0], $0xffff  }
0x24e: {  	v45 =	vand.u32 $0xFFF, v45;
	v55 =	vand.u32 $0xFFF, v46;
	v40 =	vor.u32 v24, v40  }
0x24f: {  	v41 =	vor.u32 v24, v41;
	v60 =	vor.u32 v24, v45;
	v30 =	vand.u32 $0xFFF, v33  }
0x250: {  	v30 =	vor.u32 v24, v30;
	v43 =	vld.idx.msk [tilespmem:v43+s1+$0x0], $0xffff;
	vm1 =	vgt.s32 v28, $0xFFFFFFFF;
	v28 =	vshra.s32 v28, $0x14  }
0x251: {  	v63 =	vld.idx.msk [tilespmem:v32+s1+$0x0], $0xffff;
	v52 =	vshra.s32 v27, $0x14;
	vm0 =	vgt.s32 v27, $0xFFFFFFFF;
	v27 =	vshra.s32 v29, $0x14  }
0x252: {  	v36 =	vshra.s32 v35, $0x14;
	v37 =	vshra.s32 v31, $0x14;
	v44 =	vshra.s32 v38, $0x14  }
0x253: {  	vm6 =	vgt.s32 v31, $0xFFFFFFFF;
	vm7 =	vgt.s32 v38, $0xFFFFFFFF;
	vm2 =	vgt.s32 v28, $0x0  }
0x254: {  	vm3 =	vgt.s32 v52, $0x0;
	vm4 =	vgt.s32 v27, $0x0;
	vm1 =	vmmov vm1  }
0x255: {  	v62 =	vshra.s32 v43, $0x14;
	v33 =	vnsel vm3, $0x0, v52;
	v28 =	vnsel vm2, $0x0, v28  }
0x256: {  	vm3 =	vgt.s32 v29, $0xFFFFFFFF;
	v29 =	vshra.s32 v63, $0x14;
	v27 =	vnsel vm4, $0x0, v27  }
0x257: {  	s18 =	simm.s32 $0x8;
	vm4 =	vgt.s32 v37, $0x0;
	v33 =	vmin.u32 v33, $0x41F;
	v39 =	vmin.u32 v28, $0x41F  }
0x258: {  	vm2 =	vgt.s32 v29, $0x0;
	v28 =	vadd.s32 s18, v0;
	v37 =	vnsel vm4, $0x0, v37  }
0x259: {  	v30 =	vld.idx.msk [tilespmem:v30+s1+$0x0], $0xffff;
	v27 =	vmin.u32 v27, $0x41F;
	vm4 =	vgt.s32 v44, $0x0;
	v53 =	vshll.u32 v33, $0x4  }
0x25a: {  	v33 =	vand.u32 $0xFFF, v54;
	v28 =	vand.u32 $0xFFF, v28;
	v44 =	vnsel vm4, $0x0, v44  }
0x25b: {  	vm4 =	vgt.s32 v36, $0x0;
	v27 =	vshll.u32 v27, $0x4;
	v33 =	vor.u32 v24, v33  }
0x25c: {  	v47 =	vor.u32 v24, v28;
	v28 =	vnsel vm2, $0x0, v29;
	v29 =	vor.u32 v24, v42  }
0x25d: {  	v42 =	vor.u32 v24, v55;
	v36 =	vnsel vm4, $0x0, v36;
	v28 =	vmin.u32 v28, $0x41F  }
0x25e: {  	v49 =	vor.u32 v0, v27;
	v56 =	vshra.s32 v30, $0x14;
	v28 =	vshll.u32 v28, $0x4  }
0x25f: {  	v50 =	vld.idx.msk [tilespmem:v40+s1+$0x0], $0xffff;
	v57 =	vor.u32 v0, v53;
	vm2 =	vgt.s32 v56, $0x0;
	v48 =	vor.u32 v0, v28  }
0x260: {  	v28 =	vmin.u32 v37, $0x41F;
	v58 =	vnsel vm2, $0x0, v56;
	vm2 =	vgt.s32 v30, $0xFFFFFFFF;
	v30 =	vld.idx.msk [tilespmem:v41+s1+$0x0], $0xffff  }
0x261: {  	vm9 =	vgt.s32 v62, $0x0;
	v27 =	vmin.u32 v36, $0x41F;
	v37 =	vshll.u32 v28, $0x4;
	v33 =	vld.idx.msk [tilespmem:v33+s1+$0x0], $0xffff  }
0x262: {  	v59 =	vshll.u32 v39, $0x4;
	v27 =	vshll.u32 v27, $0x4;
	v28 =	vld.idx.msk [tilespmem:v42+s1+$0x0], $0xffff;
	v31 =	vor.u32 v0, v37  }
0x263: {  	v44 =	vmin.u32 v44, $0x41F;
	v32 =	vor.u32 v0, v27;
	v36 =	vmin.u32 v58, $0x41F;
	v27 =	vld.idx.msk [tilespmem:v29+s1+$0x0], $0xffff  }
0x264: {  	v29 =	vshll.u32 v36, $0x4;
	v37 =	vor.u32 v0, v59;
	[tilespmem:v49+s13+$0x0] =	vst.idx.add.s32.msk vm3, v25;
	vm3 =	vgt.s32 v63, $0xFFFFFFFF  }
0x265: {  	v34 =	vnsel vm9, $0x0, v62;
	[tilespmem:v57+s13+$0x0] =	vst.idx.add.s32.msk vm0, v25;
	v36 =	vor.u32 v0, v29;
	v29 =	vshll.u32 v44, $0x4  }
0x266: {  	v40 =	vmin.u32 v34, $0x41F;
	v61 =	vor.u32 v0, v29;
	v29 =	vld.idx.msk [tilespmem:v47+s1+$0x0], $0xffff  }
0x267: {  	vm4 =	vgt.s32 v35, $0xFFFFFFFF;
	vm0 =	vgt.s32 v43, $0xFFFFFFFF;
	v63 =	vshra.s32 v50, $0x14;
	[tilespmem:v31+s13+$0x0] =	vst.idx.add.s32.msk vm6, v25  }
0x268: {  	v38 =	vshra.s32 v30, $0x14;
	vm5 =	vgt.s32 v33, $0xFFFFFFFF;
	v33 =	vshra.s32 v33, $0x14;
	v31 =	vld.idx.msk [tilespmem:v60+s1+$0x0], $0xffff  }
0x269: {  	v35 =	vshra.s32 v27, $0x14;
	vm6 =	vgt.s32 v63, $0x0;
	[tilespmem:v37+s13+$0x0] =	vst.idx.add.s32.msk vm1, v25;
	vm8 =	vgt.s32 v33, $0x0  }
0x26a: {  	vm1 =	vgt.s32 v50, $0xFFFFFFFF;
	v37 =	vshra.s32 v28, $0x14;
	[tilespmem:v48+s13+$0x0] =	vst.idx.add.s32.msk vm3, v25;
	v33 =	vnsel vm8, $0x0, v33  }
0x26b: {  	s17 =	simm.s32 $0x418;
	s19 =	simm.s32 $0x10;
	s18 =	simm.s32 $0x16200;
	v39 =	vnsel vm6, $0x0, v63;
	vm6 =	vgt.s32 v37, $0x0;
	[tilespmem:v61+s13+$0x0] =	vst.idx.add.s32.msk vm7, v25;
	v34 =	vmin.u32 v33, $0x41F  }
.LBB2_40:
0x26c: {  	v33 =	vadd.s32 s19, v0  }
0x26d: {  	s20 =	sadd.s32 $0x1, s19;
	s21 =	sadd.s32 $0x2, s19;
	s22 =	sadd.s32 $0x3, s19;
	vm7 =	vgt.s32 v38, $0x0;
	v40 =	vshll.u32 v40, $0x4;
	[tilespmem:v36+s13+$0x0] =	vst.idx.add.s32.msk vm2, v25;
	vm3 =	vmmov vm5  }
0x26e: {  	s23 =	sadd.s32 $0x6, s19;
	v36 =	vadd.s32 s20, v0;
	v41 =	vadd.s32 s21, v0;
	s20 =	sadd.s32 $0x4, s19;
	s21 =	sadd.s32 $0x5, s19;
	v38 =	vnsel vm7, $0x0, v38;
	[tilespmem:v32+s13+$0x0] =	vst.idx.add.s32.msk vm4, v25  }
0x26f: {  	p0 =	slt.u32 s19, $0xFF8;
	v39 =	vmin.u32 v39, $0x41F;
	v32 =	vadd.s32 s20, v0;
	v42 =	vadd.s32 s21, v0;
	s20 =	sadd.s32 $0x7, s19;
	s19 =	sadd.s32 $0x8, s19  }
0x270: {  	v44 =	vshra.s32 v31, $0x14;
	v36 =	vand.u32 $0xFFF, v36;
	v43 =	vadd.s32 s20, v0  }
0x271: {  	v45 =	vadd.s32 s22, v0;
	vm2 =	vgt.s32 v44, $0x0;
	v43 =	vand.u32 $0xFFF, v43  }
0x272: {  	v33 =	vand.u32 $0xFFF, v33;
	v44 =	vnsel vm2, $0x0, v44;
	v43 =	vor.u32 v24, v43  }
0x273: {  	v41 =	vand.u32 $0xFFF, v41;
	v36 =	vor.u32 v24, v36;
	v44 =	vmin.u32 v44, $0x41F  }
0x274: {  	v32 =	vand.u32 $0xFFF, v32;
	v42 =	vand.u32 $0xFFF, v42;
	vm2 =	vgt.s32 v35, $0x0  }
0x275: {  	v46 =	vadd.s32 s23, v0;
	v45 =	vand.u32 $0xFFF, v45;
	v41 =	vor.u32 v24, v41  }
0x276: {  	v47 =	vor.u32 v24, v33;
	v33 =	vor.u32 v24, v32;
	v32 =	vnsel vm6, $0x0, v37  }
0x277: {  	v37 =	vor.u32 v24, v42;
	v42 =	vand.u32 $0xFFF, v46;
	v32 =	vmin.u32 v32, $0x41F  }
0x278: {  	v46 =	vshra.s32 v29, $0x14;
	v42 =	vor.u32 v24, v42;
	v32 =	vshll.u32 v32, $0x4;
	v43 =	vld.idx.msk [tilespmem:v43+s1+$0x0], $0xffff  }
0x279: {  	v39 =	vshll.u32 v39, $0x4;
	v35 =	vnsel vm2, $0x0, v35;
	v48 =	vor.u32 v0, v32  }
0x27a: {  	v39 =	vor.u32 v0, v39;
	v32 =	vmin.u32 v35, $0x41F;
	v35 =	vor.u32 v0, v40;
	v41 =	vld.idx.msk [tilespmem:v41+s1+$0x0], $0xffff  }
0x27b: {  	v38 =	vmin.u32 v38, $0x41F;
	vm2 =	vgt.s32 v46, $0x0;
	v32 =	vshll.u32 v32, $0x4  }
0x27c: {  	v38 =	vshll.u32 v38, $0x4;
	v32 =	vor.u32 v0, v32;
	v40 =	vld.idx.msk [tilespmem:v36+s1+$0x0], $0xffff;
	v36 =	vnsel vm2, $0x0, v46  }
0x27d: {  	vm6 =	vgt.s32 v30, $0xFFFFFFFF;
	v38 =	vor.u32 v0, v38;
	v42 =	vld.idx.msk [tilespmem:v42+s1+$0x0], $0xffff;
	v36 =	vmin.u32 v36, $0x41F  }
0x27e: {  	v34 =	vshll.u32 v34, $0x4;
	vm2 =	vgt.s32 v29, $0xFFFFFFFF;
	v37 =	vld.idx.msk [tilespmem:v37+s1+$0x0], $0xffff;
	v29 =	vshll.u32 v36, $0x4  }
0x27f: {  	v34 =	vor.u32 v0, v34;
	v45 =	vor.u32 v24, v45;
	v30 =	vld.idx.msk [tilespmem:v33+s1+$0x0], $0xffff;
	v36 =	vor.u32 v0, v29  }
0x280: {  	vm8 =	vgt.s32 v28, $0xFFFFFFFF;
	vm7 =	vgt.s32 v31, $0xFFFFFFFF;
	v29 =	vshll.u32 v44, $0x4;
	[tilespmem:v39+s13+$0x0] =	vst.idx.add.s32.msk vm1, v25  }
0x281: {  	vm4 =	vgt.s32 v27, $0xFFFFFFFF;
	v33 =	vimm.s32 $0x0;
	v44 =	vor.u32 v0, v29;
	[tilespmem:v35+s13+$0x0] =	vst.idx.add.s32.msk vm0, v25  }
0x282: {  	v46 =	vshra.s32 v43, $0x14;
	vm5 =	vgt.s32 v40, $0xFFFFFFFF;
	v39 =	vshra.s32 v40, $0x14;
	v29 =	vld.idx.msk [tilespmem:v47+s1+$0x0], $0xffff  }
.Ltmp19:
0x283: {  	vm9 =	vgt.s32 v46, $0x0;
	vm0 =	vgt.s32 v43, $0xFFFFFFFF;
	vm1 =	vgt.s32 v39, $0x0;
	v28 =	vmovc v42;
	[tilespmem:v38+s13+$0x0] =	vst.idx.add.s32.msk vm6, v25;
	(pc) =	sbr.rel @p0 .LBB2_40-.Ltmp19, $4  }
0x284: {  	v40 =	vnsel vm9, $0x0, v46;
	v42 =	vshra.s32 v41, $0x14;
	v35 =	vshra.s32 v37, $0x14;
	v27 =	vmovc v37;
	v31 =	vld.idx.msk [tilespmem:v45+s1+$0x0], $0xffff  }
0x285: {  	v40 =	vmin.u32 v40, $0x41F;
	vm6 =	vgt.s32 v42, $0x0;
	v38 =	vshra.s32 v30, $0x14;
	[tilespmem:v34+s13+$0x0] =	vst.idx.add.s32.msk vm3, v25  }
0x286: {  	v37 =	vshra.s32 v28, $0x14;
	v34 =	vnsel vm1, $0x0, v39;
	vm1 =	vgt.s32 v41, $0xFFFFFFFF;
	[tilespmem:v48+s13+$0x0] =	vst.idx.add.s32.msk vm8, v25  }
0x287: {  	v39 =	vnsel vm6, $0x0, v42;
	vm6 =	vgt.s32 v37, $0x0;
	v34 =	vmin.u32 v34, $0x41F;
	[tilespmem:v44+s13+$0x0] =	vst.idx.add.s32.msk vm7, v25  }
0x288: {  	_ =	sdelay $0x1  }
0x289: {  	vm3 =	vgt.s32 v38, $0x0;
	v40 =	vshll.u32 v40, $0x4  }
0x28a: {  	v39 =	vmin.u32 v39, $0x41F;
	vm15 =	vgt.s32 v35, $0x0;
	v37 =	vnsel vm6, $0x0, v37  }
0x28b: {  	vm9 =	vgt.s32 v30, $0xFFFFFFFF;
	v30 =	vshra.s32 v29, $0x14;
	v34 =	vshll.u32 v34, $0x4  }
0x28c: {  	[tilespmem:v36+s13+$0x0] =	vst.idx.add.s32.msk vm2, v25;
	vm2 =	vgt.s32 v28, $0xFFFFFFFF;
	vm12 =	vgt.s32 v29, $0xFFFFFFFF;
	v41 =	vshra.s32 v31, $0x14  }
0x28d: {  	v38 =	vnsel vm3, $0x0, v38;
	vm3 =	vmmov vm5;
	v37 =	vmin.u32 v37, $0x41F  }
0x28e: {  	v39 =	vshll.u32 v39, $0x4;
	v35 =	vnsel vm15, $0x0, v35;
	v40 =	vor.u32 v0, v40  }
0x28f: {  	vm10 =	vgt.s32 v30, $0x0;
	v34 =	vor.u32 v0, v34;
	vm11 =	vgt.s32 v31, $0xFFFFFFFF  }
0x290: {  	vm7 =	vgt.s32 v41, $0x0;
	v37 =	vshll.u32 v37, $0x4;
	v39 =	vor.u32 v0, v39  }
0x291: {  	v38 =	vmin.u32 v38, $0x41F;
	v30 =	vnsel vm10, $0x0, v30;
	v41 =	vnsel vm7, $0x0, v41  }
0x292: {  	v37 =	vor.u32 v0, v37;
	v38 =	vshll.u32 v38, $0x4;
	v28 =	vmin.u32 v30, $0x41F  }
0x293: {  	[tilespmem:v32+s13+$0x0] =	vst.idx.add.s32.msk vm4, v25;
	v41 =	vmin.u32 v41, $0x41F;
	v38 =	vor.u32 v0, v38;
	v28 =	vshll.u32 v28, $0x4  }
0x294: {  	v35 =	vmin.u32 v35, $0x41F;
	v30 =	vshll.u32 v41, $0x4;
	v28 =	vor.u32 v0, v28;
	[tilespmem:v40+s13+$0x0] =	vst.idx.add.s32.msk vm0, v25  }
0x295: {  	v29 =	vor.u32 v0, v30;
	v30 =	vshll.u32 v35, $0x4;
	[tilespmem:v39+s13+$0x0] =	vst.idx.add.s32.msk vm1, v25;
	vm1 =	vgt.s32 v27, $0xFFFFFFFF  }
0x296: {  	v27 =	vor.u32 v0, v30;
	[tilespmem:v34+s13+$0x0] =	vst.idx.add.s32.msk vm3, v25  }
0x297: {  	[tilespmem:v37+s13+$0x0] =	vst.idx.add.s32.msk vm2, v25  }
0x298: {  	[tilespmem:v38+s13+$0x0] =	vst.idx.add.s32.msk vm9, v25  }
0x299: {  	[tilespmem:v28+s13+$0x0] =	vst.idx.add.s32.msk vm12, v25  }
0x29a: {  	[tilespmem:v29+s13+$0x0] =	vst.idx.add.s32.msk vm11, v25  }
0x29b: {  	[tilespmem:v27+s13+$0x0] =	vst.idx.add.s32.msk vm1, v25  }
0x29c: {  	v27 =	vld [tilespmem:s18+$0x70];
	_ =	sdelay $0x2  }
0x29d: {  	v28 =	vld [tilespmem:s18+$0x60];
	_ =	sdelay $0x1  }
0x29e: {  	v27 =	vadd.s32 v33, v27  }
0x29f: {  	vm1 =	veq.s32 v33, $0x0;
	v29 =	vld [tilespmem:s18+$0x50];
	vm0 =	vge.s32 v27, v26  }
0x2a0: {  	vm0 =	vmand vm1, vm0  }
0x2a1: {  	v28 =	vadd.s32 v28, v27;
	v30 =	vsel vm0, $0x1, v33  }
0x2a2: {  	v31 =	vld [tilespmem:s18+$0x40];
	vm2 =	vge.s32 v28, v26;
	vm1 =	veq.s32 v30, $0x0  }
0x2a3: {  	vm1 =	vmand vm2, vm1  }
0x2a4: {  	v29 =	vadd.s32 v29, v28;
	v30 =	vsel vm1, $0x1, v30  }
0x2a5: {  	v32 =	vld [tilespmem:s18+$0x30];
	vm3 =	vge.s32 v29, v26;
	vm2 =	veq.s32 v30, $0x0  }
0x2a6: {  	vm2 =	vmand vm3, vm2  }
0x2a7: {  	v55 =	vadd.s32 v31, v29;
	v30 =	vsel vm2, $0x1, v30  }
0x2a8: {  	v31 =	vld [tilespmem:s18+$0x20];
	vm13 =	vge.s32 v55, v26;
	vm3 =	veq.s32 v30, $0x0  }
0x2a9: {  	v56 =	vsel vm0, v33, v33;
	vm3 =	vmand vm13, vm3  }
0x2aa: {  	v58 =	vadd.s32 v32, v55;
	v27 =	vsel vm1, v27, v56;
	v30 =	vsel vm3, $0x1, v30  }
0x2ab: {  	s20 =	simm.s32 $0x41F;
	v57 =	vld [tilespmem:s18+$0x10];
	vm15 =	vge.s32 v58, v26;
	v27 =	vsel vm2, v28, v27;
	vm14 =	veq.s32 v30, $0x0  }
0x2ac: {  	s21 =	simm.s32 $0x41E;
	v59 =	vld [tilespmem:s18+$0x0];
	v29 =	vsel vm3, v29, v27;
	v27 =	vsel vm0, s20, v33;
	vm4 =	vmand vm15, vm14  }
0x2ad: {  	s22 =	simm.s32 $0x41D;
	v60 =	vadd.s32 v31, v58;
	v27 =	vsel vm1, s21, v27;
	v30 =	vsel vm4, $0x1, v30  }
0x2ae: {  	s23 =	simm.s32 $0x41C;
	vm1 =	vge.s32 v60, v26;
	v31 =	vsel vm2, s22, v27;
	vm0 =	veq.s32 v30, $0x0  }
0x2af: {  	s19 =	simm.s32 $0x41B;
	s18 =	simm.s32 $0x16180;
	v31 =	vsel vm3, s23, v31;
	vm0 =	vmand vm1, vm0  }
0x2b0: {  	v28 =	vadd.s32 v57, v60;
	v61 =	vsel vm4, s19, v31;
	v31 =	vld [tilespmem:s18+$0x70];
	v30 =	vsel vm0, $0x1, v30  }
0x2b1: {  	s24 =	simm.s32 $0x41A;
	v27 =	vadd.s32 v59, v28;
	vm1 =	vge.s32 v28, v26;
	vm2 =	veq.s32 v30, $0x0  }
0x2b2: {  	s25 =	simm.s32 $0x419;
	v32 =	vld [tilespmem:s18+$0x60];
	v29 =	vsel vm4, v55, v29;
	v62 =	vsel vm0, s24, v61;
	vm1 =	vmand vm1, vm2  }
0x2b3: {  	v33 =	vld [tilespmem:s18+$0x50];
	v63 =	vsel vm0, v58, v29;
	v29 =	vsel vm1, s25, v62;
	v34 =	vsel vm1, $0x1, v30  }
0x2b4: {  	s20 =	simm.s32 $0x8;
	s19 =	simm.s32 $0x418;
	v30 =	vsel vm1, v60, v63;
	vm1 =	vge.s32 v27, v26;
	vm0 =	veq.s32 v34, $0x0  }
.LBB2_42:
0x2b5: {  	s20 =	sadd.s32 $0x8, s20;
	v31 =	vadd.s32 v27, v31;
	vm0 =	vmand vm1, vm0;
	s17 =	sadd.s32 $0xFFFFFFF8, s17  }
0x2b6: {  	p0 =	slt.u32 s20, $0x418;
	vm1 =	vge.s32 v31, v26;
	v29 =	vsel vm0, s19, v29;
	v34 =	vsel vm0, $0x1, v34;
	s19 =	smov.u32 s17  }
0x2b7: {  	v28 =	vsel vm0, v28, v30;
	vm2 =	veq.s32 v34, $0x0;
	v32 =	vadd.s32 v32, v31  }
0x2b8: {  	vm0 =	vmand vm2, vm1;
	v30 =	vadd.s32 v33, v32  }
0x2b9: {  	v27 =	vsel vm0, v27, v28;
	v28 =	vsel vm0, $0x1, v34  }
0x2ba: {  	vm2 =	vge.s32 v32, v26;
	vm1 =	veq.s32 v28, $0x0;
	v33 =	vld [tilespmem:s18+$0x40]  }
0x2bb: {  	vm1 =	vmand vm2, vm1  }
0x2bc: {  	v27 =	vsel vm1, v31, v27;
	v28 =	vsel vm1, $0x1, v28  }
0x2bd: {  	vm3 =	vge.s32 v30, v26;
	vm2 =	veq.s32 v28, $0x0;
	v31 =	vld [tilespmem:s18+$0x30]  }
0x2be: {  	vm2 =	vmand vm3, vm2;
	v34 =	vld [tilespmem:s18+$0x20]  }
0x2bf: {  	v27 =	vsel vm2, v32, v27;
	v28 =	vsel vm2, $0x1, v28;
	v32 =	vadd.s32 v33, v30;
	v33 =	vld [tilespmem:s18+$0x10]  }
0x2c0: {  	vm3 =	veq.s32 v28, $0x0;
	vm4 =	vge.s32 v32, v26;
	v35 =	vld [tilespmem:s18+$0x0]  }
0x2c1: {  	vm3 =	vmand vm4, vm3  }
0x2c2: {  	v30 =	vsel vm3, v30, v27;
	v27 =	vsel vm3, $0x1, v28;
	v36 =	vadd.s32 v31, v32  }
0x2c3: {  	vm4 =	veq.s32 v27, $0x0;
	vm5 =	vge.s32 v36, v26;
	v34 =	vadd.s32 v34, v36  }
0x2c4: {  	s21 =	sadd.s32 $0x7, s17;
	vm4 =	vmand vm5, vm4;
	v28 =	vadd.s32 v33, v34  }
0x2c5: {  	v29 =	vsel vm0, s21, v29;
	s21 =	sadd.s32 $0x6, s17;
	v33 =	vsel vm4, $0x1, v27;
	v27 =	vadd.s32 v35, v28  }
0x2c6: {  	v29 =	vsel vm1, s21, v29;
	s21 =	sadd.s32 $0x5, s17;
	vm1 =	vge.s32 v34, v26;
	vm0 =	veq.s32 v33, $0x0  }
0x2c7: {  	v29 =	vsel vm2, s21, v29;
	s21 =	sadd.s32 $0x4, s17;
	s18 =	sadd.s32 $0xFFFFFF80, s18;
	vm0 =	vmand vm1, vm0  }
.Ltmp20:
0x2c8: {  	v29 =	vsel vm3, s21, v29;
	s21 =	sadd.s32 $0x3, s17;
	vm1 =	vge.s32 v28, v26;
	v31 =	vld [tilespmem:s18+$0x70];
	v35 =	vsel vm0, $0x1, v33;
	(pc) =	sbr.rel @p0 .LBB2_42-.Ltmp20, $4  }
0x2c9: {  	v29 =	vsel vm4, s21, v29;
	v30 =	vsel vm4, v32, v30;
	s21 =	sadd.s32 $0x2, s17;
	vm2 =	veq.s32 v35, $0x0  }
0x2ca: {  	v29 =	vsel vm0, s21, v29;
	v30 =	vsel vm0, v36, v30;
	s21 =	sadd.s32 $0x1, s17;
	v32 =	vld [tilespmem:s18+$0x60];
	vm0 =	vmand vm1, vm2  }
0x2cb: {  	v33 =	vld [tilespmem:s18+$0x50];
	v29 =	vsel vm0, s21, v29;
	v30 =	vsel vm0, v34, v30;
	v34 =	vsel vm0, $0x1, v35  }
0x2cc: {  	vm1 =	vge.s32 v27, v26;
	vm0 =	veq.s32 v34, $0x0  }
0x2cd: {  	vm0 =	vmand vm1, vm0;
	v31 =	vadd.s32 v27, v31  }
0x2ce: {  	s22 =	simm.s32 $0x4;
	s23 =	simm.s32 $0x1;
	v34 =	vsel vm0, $0x1, v34;
	vm1 =	vge.s32 v31, v26;
	v28 =	vsel vm0, v28, v30  }
0x2cf: {  	v35 =	vld [tilespmem:s18+$0x40];
	v29 =	vsel vm0, s19, v29;
	v58 =	vadd.s32 s22, v0;
	v59 =	vadd.s32 s23, v0;
	s22 =	simm.s32 $0x2  }
0x2d0: {  	s23 =	simm.s32 $0x7;
	vm2 =	veq.s32 v34, $0x0;
	v32 =	vadd.s32 v32, v31;
	v39 =	vadd.s32 s22, v0  }
0x2d1: {  	v36 =	vld [tilespmem:s18+$0x30];
	v63 =	vadd.s32 s23, v0;
	vm1 =	vmand vm2, vm1;
	vm3 =	vge.s32 v32, v26  }
0x2d2: {  	s17 =	sadd.s32 $0xFFFFFFF8, s17;
	v33 =	vadd.s32 v33, v32;
	v61 =	vand.u32 $0xFFF, v39;
	v34 =	vsel vm1, $0x1, v34  }
0x2d3: {  	v30 =	vld [tilespmem:s18+$0x20];
	s24 =	sadd.s32 $0x7, s17;
	vm4 =	vge.s32 v33, v26;
	v27 =	vsel vm1, v27, v28;
	vm2 =	veq.s32 v34, $0x0  }
0x2d4: {  	v29 =	vsel vm1, s24, v29;
	s24 =	simm.s32 $0x5;
	v35 =	vadd.s32 v35, v33;
	vm2 =	vmand vm3, vm2  }
0x2d5: {  	v60 =	vadd.s32 s24, v0;
	vm5 =	vge.s32 v35, v26;
	v34 =	vsel vm2, $0x1, v34  }
0x2d6: {  	v56 =	vadd.s32 v36, v35;
	v36 =	vand.u32 $0xFFF, v60;
	vm3 =	veq.s32 v34, $0x0  }
0x2d7: {  	s25 =	sadd.s32 $0x6, s17;
	v27 =	vsel vm2, v31, v27;
	vm6 =	vge.s32 v56, v26;
	vm3 =	vmand vm4, vm3  }
0x2d8: {  	v30 =	vadd.s32 v30, v56;
	v29 =	vsel vm2, s25, v29;
	s25 =	simm.s32 $0x6;
	v34 =	vsel vm3, $0x1, v34  }
0x2d9: {  	v36 =	vor.u32 v24, v36;
	v37 =	vadd.s32 s25, v0;
	vm4 =	veq.s32 v34, $0x0  }
0x2da: {  	s19 =	sadd.s32 $0x5, s17;
	v28 =	vld [tilespmem:s18+$0x10];
	vm1 =	vge.s32 v30, v26;
	v37 =	vand.u32 $0xFFF, v37;
	vm4 =	vmand vm5, vm4  }
0x2db: {  	v27 =	vsel vm3, v32, v27;
	v29 =	vsel vm3, s19, v29;
	v31 =	vsel vm4, $0x1, v34  }
0x2dc: {  	s20 =	sadd.s32 $0x4, s17;
	v37 =	vor.u32 v24, v37;
	v27 =	vsel vm4, v33, v27;
	vm5 =	veq.s32 v31, $0x0  }
0x2dd: {  	v29 =	vsel vm4, s20, v29;
	v33 =	vand.u32 $0xFFF, v58;
	s20 =	simm.s32 $0x3;
	vm5 =	vmand vm6, vm5  }
0x2de: {  	v33 =	vor.u32 v24, v33;
	v38 =	vadd.s32 s20, v0;
	v31 =	vsel vm5, $0x1, v31  }
0x2df: {  	v57 =	vld [tilespmem:s18+$0x0];
	s21 =	sadd.s32 $0x3, s17;
	v28 =	vadd.s32 v28, v30;
	v38 =	vand.u32 $0xFFF, v38;
	vm0 =	veq.s32 v31, $0x0  }
0x2e0: {  	v29 =	vsel vm5, s21, v29;
	v38 =	vor.u32 v24, v38;
	vm0 =	vmand vm1, vm0  }
0x2e1: {  	v27 =	vsel vm5, v35, v27;
	v35 =	vand.u32 $0xFFF, v59;
	v31 =	vsel vm0, $0x1, v31  }
0x2e2: {  	v37 =	vld.idx.msk [tilespmem:v37+s1+$0x0], $0xffff;
	s21 =	sadd.s32 $0x2, s17;
	v35 =	vor.u32 v24, v35;
	vm1 =	vge.s32 v28, v26;
	vm2 =	veq.s32 v31, $0x0  }
0x2e3: {  	v29 =	vsel vm0, s21, v29;
	v27 =	vsel vm0, v56, v27;
	v62 =	vld.idx.msk [tilespmem:v33+s1+$0x0], $0xffff;
	vm0 =	vmand vm1, vm2  }
0x2e4: {  	v32 =	vadd.s32 v57, v28;
	v34 =	vor.u32 v24, v61;
	v31 =	vsel vm0, $0x1, v31  }
0x2e5: {  	s24 =	sadd.s32 $0x1, s17;
	vm2 =	vge.s32 v32, v26;
	v42 =	vld.idx.msk [tilespmem:v38+s1+$0x0], $0xffff;
	vm1 =	veq.s32 v31, $0x0;
	v31 =	vand.u32 $0xFFF, v63  }
0x2e6: {  	v29 =	vsel vm0, s24, v29;
	vm1 =	vmand vm2, vm1;
	v31 =	vor.u32 v24, v31  }
0x2e7: {  	s25 =	simm.s32 $0x0;
	v36 =	vld.idx.msk [tilespmem:v36+s1+$0x0], $0xffff;
	v32 =	vshra.s32 v37, $0x14;
	v30 =	vsel vm0, v30, v27;
	v27 =	vsel vm1, s17, v29  }
0x2e8: {  	v40 =	vld.idx.msk [tilespmem:v35+s1+$0x0], $0xffff;
	v29 =	vadd.s32 s25, v0;
	v28 =	vsel vm1, v28, v30;
	v30 =	vshra.s32 v62, $0x14  }
0x2e9: {  	vm0 =	vgt.s32 v62, $0xFFFFFFFF;
	v29 =	vand.u32 $0xFFF, v29;
	vm1 =	veq.s32 v30, v27  }
0x2ea: {  	v33 =	vld.idx.msk [tilespmem:v34+s1+$0x0], $0xffff;
	v30 =	vshrl.u32 v62, $0x6;
	vm4 =	vgt.s32 v42, $0xFFFFFFFF;
	v41 =	vshra.s32 v42, $0x14  }
0x2eb: {  	v42 =	vshrl.u32 v42, $0x6;
	v38 =	vor.u32 v24, v29;
	vm3 =	vmand vm0, vm1;
	v34 =	vld.idx.msk [tilespmem:v31+s1+$0x0], $0xffff  }
0x2ec: {  	v29 =	vand.u32 $0x3FF0, v30;
	vm0 =	vgt.s32 v36, $0xFFFFFFFF;
	vm1 =	vgt.s32 v37, $0xFFFFFFFF  }
0x2ed: {  	v35 =	vshrl.u32 v40, $0x6;
	v30 =	vshra.s32 v36, $0x14;
	v39 =	vor.u32 v0, v29  }
0x2ee: {  	v37 =	vshrl.u32 v37, $0x6;
	v36 =	vshrl.u32 v36, $0x6;
	vm2 =	vgt.s32 v40, $0xFFFFFFFF  }
0x2ef: {  	v42 =	vand.u32 $0x3FF0, v42;
	v29 =	vshrl.u32 v33, $0x6;
	v36 =	vand.u32 $0x3FF0, v36  }
0x2f0: {  	s17 =	simm.s32 $0x8;
	v37 =	vand.u32 $0x3FF0, v37;
	v31 =	vshra.s32 v40, $0x14;
	v40 =	vshrl.u32 v34, $0x6  }
.LBB2_44:
0x2f1: {  	s19 =	sadd.s32 $0x1, s17  }
0x2f2: {  	s20 =	sadd.s32 $0x2, s17;
	s21 =	sadd.s32 $0x3, s17;
	vm6 =	veq.s32 v41, v27;
	v41 =	vor.u32 v0, v42;
	[tilespmem:v39+s14+$0x0] =	vst.idx.add.s32.msk vm3, v25;
	v39 =	vshra.s32 v34, $0x14;
	s18 =	smov.u32 s17  }
0x2f3: {  	s22 =	sadd.s32 $0x6, s17;
	v42 =	vadd.s32 s19, v0;
	v43 =	vadd.s32 s20, v0;
	s19 =	sadd.s32 $0x4, s17;
	s20 =	sadd.s32 $0x5, s17;
	v38 =	vld.idx.msk [tilespmem:v38+s1+$0x0], $0xffff;
	vm3 =	veq.s32 v39, v27  }
0x2f4: {  	p0 =	slt.u32 s17, $0xFF8;
	vm5 =	vgt.s32 v33, $0xFFFFFFFF;
	s17 =	sadd.s32 $0x8, s17;
	v39 =	vadd.s32 s19, v0;
	v44 =	vadd.s32 s20, v0;
	s19 =	sadd.s32 $0x7, s18  }
0x2f5: {  	v33 =	vshra.s32 v33, $0x14;
	v42 =	vand.u32 $0xFFF, v42;
	v45 =	vadd.s32 s19, v0  }
0x2f6: {  	v40 =	vand.u32 $0x3FF0, v40;
	v46 =	vadd.s32 s21, v0;
	v39 =	vand.u32 $0xFFF, v39  }
0x2f7: {  	vm7 =	vgt.s32 v34, $0xFFFFFFFF;
	v47 =	vadd.s32 s22, v0;
	v39 =	vor.u32 v24, v39  }
0x2f8: {  	vm4 =	vmand vm4, vm6;
	v34 =	vand.u32 $0xFFF, v44;
	v44 =	vand.u32 $0xFFF, v45  }
0x2f9: {  	v42 =	vor.u32 v24, v42;
	v34 =	vor.u32 v24, v34;
	vm6 =	vgt.s32 v38, $0xFFFFFFFF  }
0x2fa: {  	v43 =	vand.u32 $0xFFF, v43;
	v44 =	vor.u32 v24, v44;
	v45 =	vshrl.u32 v38, $0x6  }
0x2fb: {  	v48 =	vor.u32 v0, v36;
	v46 =	vand.u32 $0xFFF, v46;
	v47 =	vand.u32 $0xFFF, v47  }
0x2fc: {  	v35 =	vand.u32 $0x3FF0, v35;
	v38 =	vshra.s32 v38, $0x14;
	v36 =	vld.idx.msk [tilespmem:v39+s1+$0x0], $0xffff;
	v39 =	vor.u32 v24, v47  }
0x2fd: {  	v37 =	vor.u32 v0, v37;
	v43 =	vor.u32 v24, v43;
	v46 =	vor.u32 v24, v46  }
0x2fe: {  	vm8 =	veq.s32 v31, v27;
	vm9 =	veq.s32 v33, v27;
	v31 =	vor.u32 v0, v40;
	v42 =	vld.idx.msk [tilespmem:v42+s1+$0x0], $0xffff  }
0x2ff: {  	vm2 =	vmand vm2, vm8;
	vm8 =	veq.s32 v30, v27;
	vm10 =	veq.s32 v38, v27;
	v40 =	vld.idx.msk [tilespmem:v34+s1+$0x0], $0xffff  }
0x300: {  	vm7 =	vmand vm7, vm3;
	vm6 =	vmand vm6, vm10;
	[tilespmem:v41+s14+$0x0] =	vst.idx.add.s32.msk vm4, v25;
	vm4 =	veq.s32 v32, v27  }
0x301: {  	v30 =	vadd.s32 s18, v0;
	v32 =	vand.u32 $0x3FF0, v45;
	v41 =	vld.idx.msk [tilespmem:v39+s1+$0x0], $0xffff;
	vm10 =	vmand vm1, vm4  }
0x302: {  	v30 =	vand.u32 $0xFFF, v30;
	v34 =	vshra.s32 v36, $0x14;
	v45 =	vld.idx.msk [tilespmem:v46+s1+$0x0], $0xffff;
	v46 =	vor.u32 v0, v32  }
0x303: {  	v38 =	vor.u32 v24, v30;
	vm1 =	vgt.s32 v36, $0xFFFFFFFF;
	vm3 =	veq.s32 v34, v27;
	v33 =	vld.idx.msk [tilespmem:v43+s1+$0x0], $0xffff  }
0x304: {  	vm5 =	vmand vm5, vm9;
	vm3 =	vmand vm1, vm3;
	v43 =	vor.u32 v0, v35;
	v34 =	vld.idx.msk [tilespmem:v44+s1+$0x0], $0xffff  }
0x305: {  	v29 =	vand.u32 $0x3FF0, v29;
	vm8 =	vmand vm0, vm8;
	v30 =	vshrl.u32 v36, $0x6  }
0x306: {  	v30 =	vand.u32 $0x3FF0, v30;
	v44 =	vor.u32 v0, v29;
	[tilespmem:v31+s14+$0x0] =	vst.idx.add.s32.msk vm7, v25  }
0x307: {  	v39 =	vor.u32 v0, v30;
	vm0 =	vgt.s32 v40, $0xFFFFFFFF;
	vm1 =	vgt.s32 v41, $0xFFFFFFFF  }
.Ltmp21:
0x308: {  	v31 =	vshra.s32 v42, $0x14;
	v32 =	vshra.s32 v41, $0x14;
	vm4 =	vgt.s32 v45, $0xFFFFFFFF;
	[tilespmem:v37+s14+$0x0] =	vst.idx.add.s32.msk vm10, v25;
	(pc) =	sbr.rel @p0 .LBB2_44-.Ltmp21, $4  }
0x309: {  	v35 =	vshrl.u32 v42, $0x6;
	v30 =	vshra.s32 v40, $0x14;
	v37 =	vshrl.u32 v41, $0x6;
	[tilespmem:v46+s14+$0x0] =	vst.idx.add.s32.msk vm6, v25  }
0x30a: {  	v36 =	vshrl.u32 v40, $0x6;
	v29 =	vshrl.u32 v33, $0x6;
	v41 =	vshra.s32 v45, $0x14;
	[tilespmem:v43+s14+$0x0] =	vst.idx.add.s32.msk vm2, v25  }
0x30b: {  	v36 =	vand.u32 $0x3FF0, v36;
	v40 =	vshrl.u32 v45, $0x6;
	v37 =	vand.u32 $0x3FF0, v37;
	[tilespmem:v48+s14+$0x0] =	vst.idx.add.s32.msk vm8, v25  }
0x30c: {  	vm2 =	vgt.s32 v42, $0xFFFFFFFF;
	v42 =	vand.u32 $0x3FF0, v40;
	v40 =	vshrl.u32 v34, $0x6;
	[tilespmem:v44+s14+$0x0] =	vst.idx.add.s32.msk vm5, v25  }
0x30d: {  	_ = 	snop  }
0x30e: {  	v43 =	vshra.s32 v34, $0x14;
	vm5 =	veq.s32 v41, v27  }
0x30f: {  	v48 =	vor.u32 v0, v42;
	vm13 =	vgt.s32 v33, $0xFFFFFFFF;
	v49 =	vshra.s32 v33, $0x14  }
0x310: {  	v40 =	vand.u32 $0x3FF0, v40;
	vm7 =	vgt.s32 v34, $0xFFFFFFFF;
	vm8 =	veq.s32 v32, v27  }
0x311: {  	v38 =	vld.idx.msk [tilespmem:v38+s1+$0x0], $0xffff;
	v35 =	vand.u32 $0x3FF0, v35;
	v37 =	vor.u32 v0, v37;
	vm9 =	veq.s32 v31, v27  }
0x312: {  	vm12 =	veq.s32 v30, v27;
	v53 =	vor.u32 v0, v36;
	vm4 =	vmand vm4, vm5  }
0x313: {  	v29 =	vand.u32 $0x3FF0, v29;
	vm6 =	veq.s32 v43, v27;
	vm1 =	vmand vm1, vm8  }
0x314: {  	v52 =	vor.u32 v0, v40;
	vm2 =	vmand vm2, vm9;
	vm0 =	vmand vm0, vm12  }
0x315: {  	[tilespmem:v39+s14+$0x0] =	vst.idx.add.s32.msk vm3, v25;
	vm3 =	veq.s32 v49, v27;
	v29 =	vor.u32 v0, v29;
	vm6 =	vmand vm7, vm6  }
0x316: {  	vm3 =	vmand vm13, vm3;
	v50 =	vshrl.u32 v38, $0x6;
	v51 =	vshra.s32 v38, $0x14  }
0x317: {  	vm14 =	vgt.s32 v38, $0xFFFFFFFF;
	vm15 =	veq.s32 v51, v27;
	v31 =	vand.u32 $0x3FF0, v50  }
0x318: {  	vm7 =	vmand vm14, vm15;
	v30 =	vor.u32 v0, v31;
	v31 =	vor.u32 v0, v35;
	[tilespmem:v48+s14+$0x0] =	vst.idx.add.s32.msk vm4, v25  }
0x319: {  	[tilespmem:v37+s14+$0x0] =	vst.idx.add.s32.msk vm1, v25  }
0x31a: {  	[tilespmem:v53+s14+$0x0] =	vst.idx.add.s32.msk vm0, v25  }
0x31b: {  	[tilespmem:v52+s14+$0x0] =	vst.idx.add.s32.msk vm6, v25  }
0x31c: {  	[tilespmem:v29+s14+$0x0] =	vst.idx.add.s32.msk vm3, v25  }
0x31d: {  	[tilespmem:v31+s14+$0x0] =	vst.idx.add.s32.msk vm2, v25  }
0x31e: {  	s17 =	simm.s32 $0x1A270;
	[tilespmem:v30+s14+$0x0] =	vst.idx.add.s32.msk vm7, v25  }
0x31f: {  	v29 =	vld [tilespmem:s17+$0x0];
	_ =	sdelay $0x2  }
0x320: {  	v30 =	vld [tilespmem:s17+$0xFFFFFFF0]  }
0x321: {  	v31 =	vimm.s32 $0x0  }
0x322: {  	v28 =	vsub.s32 v26, v28;
	v26 =	vadd.s32 v31, v29  }
0x323: {  	vm1 =	veq.s32 v31, $0x0;
	v29 =	vld [tilespmem:s17+$0xFFFFFFE0];
	vm0 =	vge.s32 v26, v28  }
0x324: {  	vm0 =	vmand vm1, vm0  }
0x325: {  	v30 =	vadd.s32 v30, v26;
	v54 =	vsel vm0, $0x1, v31  }
0x326: {  	v55 =	vld [tilespmem:s17+$0xFFFFFFD0];
	vm2 =	vge.s32 v30, v28;
	vm1 =	veq.s32 v54, $0x0  }
0x327: {  	vm1 =	vmand vm2, vm1  }
0x328: {  	v29 =	vadd.s32 v29, v30;
	v32 =	vsel vm1, $0x1, v54  }
0x329: {  	v56 =	vld [tilespmem:s17+$0xFFFFFFC0];
	vm3 =	vge.s32 v29, v28;
	vm2 =	veq.s32 v32, $0x0  }
0x32a: {  	vm2 =	vmand vm3, vm2  }
0x32b: {  	v57 =	vld [tilespmem:s17+$0xFFFFFFB0];
	v33 =	vadd.s32 v55, v29;
	v32 =	vsel vm2, $0x1, v32  }
0x32c: {  	vm13 =	vge.s32 v33, v28;
	vm3 =	veq.s32 v32, $0x0  }
0x32d: {  	v58 =	vsel vm0, v31, v31;
	vm3 =	vmand vm13, vm3  }
0x32e: {  	v59 =	vld [tilespmem:s17+$0xFFFFFFA0];
	v26 =	vsel vm1, v26, v58;
	v34 =	vadd.s32 v56, v33;
	v32 =	vsel vm3, $0x1, v32  }
0x32f: {  	vm15 =	vge.s32 v34, v28;
	v26 =	vsel vm2, v30, v26;
	v30 =	vld [tilespmem:s17+$0xFFFFFF90];
	vm14 =	veq.s32 v32, $0x0  }
0x330: {  	s19 =	simm.s32 $0x3FF;
	v61 =	vadd.s32 v57, v34;
	vm4 =	vmand vm15, vm14  }
0x331: {  	s20 =	simm.s32 $0x3FE;
	v60 =	vsel vm3, v29, v26;
	v26 =	vsel vm0, s19, v31;
	v31 =	vsel vm4, $0x1, v32  }
0x332: {  	s21 =	simm.s32 $0x3FD;
	v26 =	vsel vm1, s20, v26;
	vm1 =	vge.s32 v61, v28;
	vm0 =	veq.s32 v31, $0x0  }
0x333: {  	s22 =	simm.s32 $0x3FC;
	v29 =	vadd.s32 v59, v61;
	s19 =	simm.s32 $0x1A1F0;
	v62 =	vsel vm2, s21, v26;
	vm0 =	vmand vm1, vm0  }
0x334: {  	s23 =	simm.s32 $0x3FB;
	v26 =	vadd.s32 v30, v29;
	v30 =	vsel vm3, s22, v62;
	v63 =	vsel vm0, $0x1, v31;
	v31 =	vld [tilespmem:s19+$0x0]  }
0x335: {  	s24 =	simm.s32 $0x3FA;
	v30 =	vsel vm4, s23, v30;
	vm1 =	vge.s32 v29, v28;
	vm2 =	veq.s32 v63, $0x0  }
0x336: {  	s25 =	simm.s32 $0x3F9;
	v33 =	vsel vm4, v33, v60;
	v32 =	vld [tilespmem:s19+$0xFFFFFFF0];
	v30 =	vsel vm0, s24, v30;
	vm1 =	vmand vm1, vm2  }
0x337: {  	s18 =	simm.s32 $0x3F7;
	s17 =	simm.s32 $0x3F0;
	v33 =	vsel vm0, v34, v33;
	v34 =	vld [tilespmem:s19+$0xFFFFFFE0];
	v30 =	vsel vm1, s25, v30;
	v35 =	vsel vm1, $0x1, v63  }
0x338: {  	s20 =	simm.s32 $0x3F8;
	s21 =	simm.s32 $0x8;
	s22 =	simm.s32 $0x3EF;
	v33 =	vsel vm1, v61, v33;
	vm1 =	vge.s32 v26, v28;
	vm0 =	veq.s32 v35, $0x0  }
.LBB2_46:
0x339: {  	s23 =	sadd.s32 $0xFFFFFFF9, s22;
	s21 =	sadd.s32 $0x8, s21;
	v31 =	vadd.s32 v26, v31;
	vm0 =	vmand vm1, vm0  }
0x33a: {  	p0 =	slt.u32 s21, $0x3F8;
	vm1 =	vge.s32 v31, v28;
	v30 =	vsel vm0, s20, v30;
	v35 =	vsel vm0, $0x1, v35;
	s20 =	smov.u32 s17;
	s17 =	smov.u32 s23  }
0x33b: {  	v29 =	vsel vm0, v29, v33;
	vm2 =	veq.s32 v35, $0x0;
	v32 =	vadd.s32 v32, v31  }
0x33c: {  	vm0 =	vmand vm2, vm1;
	v33 =	vadd.s32 v34, v32  }
0x33d: {  	v34 =	vsel vm0, $0x1, v35  }
0x33e: {  	vm2 =	vge.s32 v32, v28;
	vm1 =	veq.s32 v34, $0x0;
	v35 =	vld [tilespmem:s19+$0xFFFFFFD0]  }
0x33f: {  	v26 =	vsel vm0, v26, v29;
	vm1 =	vmand vm2, vm1  }
0x340: {  	v26 =	vsel vm1, v31, v26;
	v29 =	vsel vm1, $0x1, v34  }
0x341: {  	vm3 =	vge.s32 v33, v28;
	vm2 =	veq.s32 v29, $0x0;
	v31 =	vld [tilespmem:s19+$0xFFFFFFC0]  }
0x342: {  	vm2 =	vmand vm3, vm2;
	v34 =	vld [tilespmem:s19+$0xFFFFFFB0]  }
0x343: {  	v26 =	vsel vm2, v32, v26;
	v29 =	vsel vm2, $0x1, v29;
	v32 =	vadd.s32 v35, v33;
	v35 =	vld [tilespmem:s19+$0xFFFFFFA0]  }
0x344: {  	vm3 =	veq.s32 v29, $0x0;
	vm4 =	vge.s32 v32, v28;
	v36 =	vld [tilespmem:s19+$0xFFFFFF90]  }
0x345: {  	vm3 =	vmand vm4, vm3  }
0x346: {  	v33 =	vsel vm3, v33, v26;
	v26 =	vsel vm3, $0x1, v29;
	v37 =	vadd.s32 v31, v32  }
0x347: {  	vm4 =	veq.s32 v26, $0x0;
	vm5 =	vge.s32 v37, v28;
	v38 =	vadd.s32 v34, v37  }
0x348: {  	vm4 =	vmand vm5, vm4;
	v29 =	vadd.s32 v35, v38  }
0x349: {  	s23 =	sadd.s32 $0xFFFFFFFF, s18;
	v30 =	vsel vm0, s18, v30;
	v34 =	vsel vm4, $0x1, v26;
	v26 =	vadd.s32 v36, v29  }
0x34a: {  	v30 =	vsel vm1, s23, v30;
	s23 =	sadd.s32 $0xFFFFFFFE, s18;
	vm1 =	vge.s32 v38, v28;
	vm0 =	veq.s32 v34, $0x0  }
0x34b: {  	v30 =	vsel vm2, s23, v30;
	s23 =	sadd.s32 $0xFFFFFFFD, s18;
	s19 =	sadd.s32 $0xFFFFFF80, s19;
	vm0 =	vmand vm1, vm0  }
.Ltmp22:
0x34c: {  	v30 =	vsel vm3, s23, v30;
	s23 =	sadd.s32 $0xFFFFFFFC, s18;
	vm1 =	vge.s32 v29, v28;
	v31 =	vld [tilespmem:s19+$0x0];
	v35 =	vsel vm0, $0x1, v34;
	(pc) =	sbr.rel @p0 .LBB2_46-.Ltmp22, $4  }
0x34d: {  	v30 =	vsel vm4, s23, v30;
	v33 =	vsel vm4, v32, v33;
	s23 =	sadd.s32 $0xFFFFFFFB, s18;
	vm2 =	veq.s32 v35, $0x0  }
0x34e: {  	v30 =	vsel vm0, s23, v30;
	v33 =	vsel vm0, v37, v33;
	s23 =	sadd.s32 $0xFFFFFFFA, s18;
	s18 =	smov.u32 s22;
	v32 =	vld [tilespmem:s19+$0xFFFFFFF0];
	vm0 =	vmand vm1, vm2  }
0x34f: {  	v34 =	vld [tilespmem:s19+$0xFFFFFFE0];
	v30 =	vsel vm0, s23, v30;
	v33 =	vsel vm0, v38, v33;
	v35 =	vsel vm0, $0x1, v35  }
0x350: {  	s22 =	sadd.s32 $0xFFFFFFF8, s22;
	vm1 =	vge.s32 v26, v28;
	vm0 =	veq.s32 v35, $0x0  }
0x351: {  	vm0 =	vmand vm1, vm0  }
0x352: {  	v31 =	vadd.s32 v26, v31;
	v35 =	vsel vm0, $0x1, v35  }
0x353: {  	vm1 =	vge.s32 v31, v28;
	vm2 =	veq.s32 v35, $0x0  }
0x354: {  	vm1 =	vmand vm2, vm1  }
0x355: {  	v36 =	vld [tilespmem:s19+$0xFFFFFFD0];
	v32 =	vadd.s32 v32, v31;
	v35 =	vsel vm1, $0x1, v35  }
0x356: {  	v37 =	vld [tilespmem:s19+$0xFFFFFFC0];
	s23 =	simm.s32 $0x5;
	v29 =	vsel vm0, v29, v33;
	vm3 =	vge.s32 v32, v28;
	vm2 =	veq.s32 v35, $0x0  }
0x357: {  	v30 =	vsel vm0, s20, v30;
	v57 =	vadd.s32 s23, v0;
	s23 =	simm.s32 $0x7;
	vm2 =	vmand vm3, vm2  }
0x358: {  	v54 =	vld [tilespmem:s19+$0xFFFFFFB0];
	v60 =	vadd.s32 s23, v0;
	v34 =	vadd.s32 v34, v32;
	v35 =	vsel vm2, $0x1, v35  }
0x359: {  	vm4 =	vge.s32 v34, v28;
	v26 =	vsel vm1, v26, v29;
	v29 =	vld [tilespmem:s19+$0xFFFFFFA0];
	vm3 =	veq.s32 v35, $0x0  }
0x35a: {  	v30 =	vsel vm1, s18, v30;
	v36 =	vadd.s32 v36, v34;
	vm3 =	vmand vm4, vm3  }
0x35b: {  	v56 =	vld [tilespmem:s19+$0xFFFFFF90];
	vm5 =	vge.s32 v36, v28;
	v55 =	vadd.s32 v37, v36;
	v35 =	vsel vm3, $0x1, v35  }
0x35c: {  	s25 =	sadd.s32 $0xFFFFFFFF, s18;
	v26 =	vsel vm2, v31, v26;
	vm6 =	vge.s32 v55, v28;
	vm4 =	veq.s32 v35, $0x0  }
0x35d: {  	v33 =	vadd.s32 v54, v55;
	v30 =	vsel vm2, s25, v30;
	vm4 =	vmand vm5, vm4  }
0x35e: {  	s20 =	sadd.s32 $0xFFFFFFFE, s18;
	vm2 =	vge.s32 v33, v28;
	v29 =	vadd.s32 v29, v33;
	v31 =	vsel vm4, $0x1, v35  }
0x35f: {  	v26 =	vsel vm3, v32, v26;
	v30 =	vsel vm3, s20, v30;
	vm5 =	veq.s32 v31, $0x0  }
0x360: {  	s21 =	sadd.s32 $0xFFFFFFFD, s18;
	v32 =	vadd.s32 v56, v29;
	v26 =	vsel vm4, v34, v26;
	vm0 =	vmand vm6, vm5  }
0x361: {  	s22 =	sadd.s32 $0xFFFFFFFC, s18;
	v30 =	vsel vm4, s21, v30;
	v34 =	vand.u32 $0xFFF, v57;
	v31 =	vsel vm0, $0x1, v31  }
0x362: {  	v34 =	vor.u32 v24, v34;
	v30 =	vsel vm0, s22, v30;
	vm1 =	veq.s32 v31, $0x0  }
0x363: {  	v26 =	vsel vm0, v36, v26;
	s22 =	simm.s32 $0x1;
	v36 =	vand.u32 $0xFFF, v60;
	vm1 =	vmand vm2, vm1  }
0x364: {  	s24 =	sadd.s32 $0xFFFFFFFB, s18;
	v59 =	vadd.s32 s22, v0;
	v36 =	vor.u32 v24, v36;
	v31 =	vsel vm1, $0x1, v31  }
0x365: {  	vm2 =	vge.s32 v29, v28;
	v30 =	vsel vm1, s24, v30;
	vm0 =	veq.s32 v31, $0x0  }
0x366: {  	s25 =	sadd.s32 $0xFFFFFFFA, s18;
	v26 =	vsel vm1, v55, v26;
	vm1 =	vge.s32 v32, v28;
	vm0 =	vmand vm2, vm0  }
0x367: {  	s19 =	simm.s32 $0x2;
	s20 =	simm.s32 $0x4;
	v30 =	vsel vm0, s25, v30;
	v31 =	vsel vm0, $0x1, v31;
	v33 =	vsel vm0, v33, v26  }
0x368: {  	v26 =	vadd.s32 s19, v0;
	s25 =	simm.s32 $0x0;
	vm0 =	veq.s32 v31, $0x0;
	v31 =	vadd.s32 s20, v0  }
0x369: {  	v34 =	vld.idx.msk [tilespmem:v34+s1+$0x0], $0xffff;
	v26 =	vand.u32 $0xFFF, v26;
	v47 =	vadd.s32 s25, v0;
	vm0 =	vmand vm1, vm0  }
0x36a: {  	s21 =	simm.s32 $0x6;
	v31 =	vand.u32 $0xFFF, v31;
	v58 =	vor.u32 v24, v26;
	v32 =	vand.u32 $0xFFF, v47  }
0x36b: {  	s24 =	simm.s32 $0x3;
	v26 =	vsel vm0, s17, v30;
	v30 =	vadd.s32 s21, v0;
	v31 =	vor.u32 v24, v31  }
0x36c: {  	v61 =	vadd.s32 s24, v0;
	v44 =	vld.idx.msk [tilespmem:v36+s1+$0x0], $0xffff;
	v32 =	vor.u32 v24, v32;
	v30 =	vand.u32 $0xFFF, v30  }
0x36d: {  	v35 =	vand.u32 $0xFFF, v59;
	v37 =	vand.u32 $0xFFF, v61;
	v30 =	vor.u32 v24, v30  }
0x36e: {  	v62 =	vor.u32 v24, v35;
	v63 =	vor.u32 v24, v37;
	v39 =	vshrl.u32 v34, $0xA  }
0x36f: {  	v48 =	vshra.s32 v34, $0x14;
	vm2 =	vgt.s32 v34, $0xFFFFFFFF;
	v39 =	vand.u32 $0x3FF, v39;
	v38 =	vld.idx.msk [tilespmem:v58+s1+$0x0], $0xffff  }
0x370: {  	v29 =	vsel vm0, v29, v33;
	vm0 =	veq.s32 v48, v27;
	vm1 =	veq.s32 v39, v26;
	v31 =	vld.idx.msk [tilespmem:v31+s1+$0x0], $0xffff  }
0x371: {  	vm1 =	vmand vm0, vm1;
	v45 =	vshrl.u32 v44, $0xA;
	v55 =	vshll.u32 v44, $0x4;
	v40 =	vld.idx.msk [tilespmem:v32+s1+$0x0], $0xffff  }
0x372: {  	vm6 =	vmand vm1, vm2;
	vm1 =	vgt.s32 v44, $0xFFFFFFFF;
	v49 =	vld.idx.msk [tilespmem:v30+s1+$0x0], $0xffff;
	v30 =	vshll.u32 v34, $0x4  }
0x373: {  	v35 =	vor.u32 v0, v55;
	v45 =	vand.u32 $0x3FF, v45;
	v30 =	vor.u32 v0, v30  }
0x374: {  	v44 =	vshra.s32 v44, $0x14;
	vm0 =	vgt.s32 v38, $0xFFFFFFFF;
	v42 =	vand.u32 $0x3FFF, v30  }
0x375: {  	v43 =	vshrl.u32 v38, $0xA;
	v41 =	vshra.s32 v38, $0x14;
	v61 =	vshll.u32 v38, $0x4  }
0x376: {  	v50 =	vshra.s32 v31, $0x14;
	v51 =	vshrl.u32 v31, $0xA;
	vm3 =	vgt.s32 v31, $0xFFFFFFFF  }
0x377: {  	v53 =	vshll.u32 v31, $0x4;
	v57 =	vshra.s32 v40, $0x14;
	v58 =	vshrl.u32 v40, $0xA  }
0x378: {  	v31 =	vld.idx.msk [tilespmem:v62+s1+$0x0], $0xffff;
	v59 =	vshll.u32 v40, $0x4;
	v62 =	vor.u32 v0, v61;
	v43 =	vand.u32 $0x3FF, v43  }
0x379: {  	v30 =	vld.idx.msk [tilespmem:v63+s1+$0x0], $0xffff;
	v52 =	vand.u32 $0x3FF, v51;
	vm4 =	veq.s32 v50, v27;
	v37 =	vand.u32 $0x3FF, v58  }
0x37a: {  	v48 =	vor.u32 v0, v53;
	v36 =	vand.u32 $0x3FFF, v62;
	vm5 =	veq.s32 v52, v26  }
0x37b: {  	v54 =	vshrl.u32 v49, $0xA;
	v56 =	vshra.s32 v49, $0x14;
	vm8 =	vgt.s32 v49, $0xFFFFFFFF  }
0x37c: {  	v46 =	vshll.u32 v49, $0x4;
	v32 =	vand.u32 $0x3FF, v54;
	vm2 =	veq.s32 v56, v27  }
0x37d: {  	vm9 =	vmand vm4, vm5;
	vm4 =	veq.s32 v41, v27;
	v63 =	vor.u32 v0, v46  }
0x37e: {  	vm7 =	veq.s32 v32, v26;
	v32 =	vshll.u32 v30, $0x4;
	v34 =	vshra.s32 v30, $0x14  }
0x37f: {  	vm3 =	vmand vm9, vm3;
	v60 =	vshrl.u32 v30, $0xA;
	v41 =	vand.u32 $0x3FFF, v63  }
0x380: {  	[tilespmem:v42+s15+$0x0] =	vst.idx.add.s32.msk vm6, v25;
	v42 =	vand.u32 $0x3FFF, v48;
	vm2 =	vmand vm2, vm7;
	v47 =	vshrl.u32 v31, $0xA  }
0x381: {  	vm7 =	veq.s32 v57, v27;
	v33 =	vshll.u32 v31, $0x4;
	v39 =	vshra.s32 v31, $0x14  }
0x382: {  	v38 =	vand.u32 $0x3FF, v60;
	vm2 =	vmand vm2, vm8;
	vm8 =	veq.s32 v37, v26  }
0x383: {  	v37 =	vor.u32 v0, v59;
	vm5 =	vmand vm7, vm8;
	vm7 =	vgt.s32 v40, $0xFFFFFFFF  }
0x384: {  	s17 =	simm.s32 $0x8;
	v40 =	vand.u32 $0x3FF, v47;
	v37 =	vand.u32 $0x3FFF, v37;
	vm8 =	veq.s32 v45, v26  }
.LBB2_48:
0x385: {  	s19 =	sadd.s32 $0x1, s17  }
0x386: {  	s20 =	sadd.s32 $0x2, s17;
	s21 =	sadd.s32 $0x3, s17;
	vm7 =	vmand vm5, vm7;
	vm9 =	veq.s32 v43, v26;
	vm10 =	veq.s32 v44, v27;
	s18 =	smov.u32 s17  }
0x387: {  	s22 =	sadd.s32 $0x6, s17;
	vm5 =	veq.s32 v39, v27;
	v43 =	vadd.s32 s19, v0;
	v44 =	vadd.s32 s20, v0;
	s19 =	sadd.s32 $0x4, s17;
	s20 =	sadd.s32 $0x5, s17  }
0x388: {  	p0 =	slt.u32 s17, $0xFF8;
	vm6 =	veq.s32 v40, v26;
	s17 =	sadd.s32 $0x8, s17;
	v39 =	vadd.s32 s19, v0;
	v45 =	vadd.s32 s20, v0;
	s19 =	sadd.s32 $0x7, s18  }
0x389: {  	v35 =	vand.u32 $0x3FFF, v35;
	v40 =	vand.u32 $0xFFF, v45;
	v45 =	vadd.s32 s19, v0;
	[tilespmem:v41+s15+$0x0] =	vst.idx.add.s32.msk vm2, v25  }
0x38a: {  	v39 =	vand.u32 $0xFFF, v39;
	vm2 =	vmand vm10, vm8;
	v40 =	vor.u32 v24, v40;
	[tilespmem:v42+s15+$0x0] =	vst.idx.add.s32.msk vm3, v25  }
0x38b: {  	v41 =	vand.u32 $0xFFF, v43;
	v42 =	vand.u32 $0xFFF, v44;
	vm3 =	vmand vm4, vm9  }
0x38c: {  	v43 =	vadd.s32 s21, v0;
	v44 =	vadd.s32 s22, v0;
	v42 =	vor.u32 v24, v42;
	[tilespmem:v37+s15+$0x0] =	vst.idx.add.s32.msk vm7, v25  }
0x38d: {  	vm0 =	vmand vm3, vm0;
	v37 =	vand.u32 $0xFFF, v43;
	v43 =	vand.u32 $0xFFF, v44  }
0x38e: {  	v39 =	vor.u32 v24, v39;
	v44 =	vand.u32 $0xFFF, v45;
	v43 =	vor.u32 v24, v43  }
0x38f: {  	v41 =	vor.u32 v24, v41;
	v37 =	vor.u32 v24, v37;
	v44 =	vor.u32 v24, v44;
	v40 =	vld.idx.msk [tilespmem:v40+s1+$0x0], $0xffff  }
0x390: {  	vm4 =	veq.s32 v38, v26;
	vm1 =	vmand vm2, vm1;
	vm3 =	veq.s32 v34, v27  }
0x391: {  	vm2 =	vgt.s32 v30, $0xFFFFFFFF;
	v30 =	vor.u32 v0, v32;
	vm3 =	vmand vm3, vm4;
	v38 =	vld.idx.msk [tilespmem:v42+s1+$0x0], $0xffff  }
0x392: {  	vm5 =	vmand vm5, vm6;
	vm4 =	vgt.s32 v31, $0xFFFFFFFF;
	vm2 =	vmand vm3, vm2  }
0x393: {  	v30 =	vand.u32 $0x3FFF, v30;
	v31 =	vor.u32 v0, v33;
	vm3 =	vmand vm5, vm4;
	v42 =	vld.idx.msk [tilespmem:v43+s1+$0x0], $0xffff  }
0x394: {  	v31 =	vand.u32 $0x3FFF, v31;
	v32 =	vld.idx.msk [tilespmem:v39+s1+$0x0], $0xffff  }
0x395: {  	v33 =	vadd.s32 s18, v0;
	v34 =	vshra.s32 v40, $0x14;
	v39 =	vshrl.u32 v40, $0xA;
	[tilespmem:v36+s15+$0x0] =	vst.idx.add.s32.msk vm0, v25  }
0x396: {  	v33 =	vand.u32 $0xFFF, v33;
	v36 =	vand.u32 $0x3FF, v39;
	vm0 =	veq.s32 v34, v27;
	[tilespmem:v35+s15+$0x0] =	vst.idx.add.s32.msk vm1, v25  }
0x397: {  	v33 =	vor.u32 v24, v33;
	v34 =	vshll.u32 v40, $0x4;
	vm1 =	veq.s32 v36, v26;
	v44 =	vld.idx.msk [tilespmem:v44+s1+$0x0], $0xffff  }
0x398: {  	vm4 =	vgt.s32 v40, $0xFFFFFFFF;
	v34 =	vor.u32 v0, v34;
	vm1 =	vmand vm0, vm1;
	[tilespmem:v30+s15+$0x0] =	vst.idx.add.s32.msk vm2, v25  }
0x399: {  	vm0 =	vgt.s32 v38, $0xFFFFFFFF;
	v34 =	vand.u32 $0x3FFF, v34;
	vm2 =	vmand vm1, vm4;
	[tilespmem:v31+s15+$0x0] =	vst.idx.add.s32.msk vm3, v25  }
0x39a: {  	v35 =	vshra.s32 v32, $0x14;
	v36 =	vshrl.u32 v32, $0xA;
	vm3 =	vgt.s32 v32, $0xFFFFFFFF;
	v30 =	vld.idx.msk [tilespmem:v37+s1+$0x0], $0xffff  }
0x39b: {  	v43 =	vshrl.u32 v38, $0xA;
	v36 =	vand.u32 $0x3FF, v36;
	v31 =	vld.idx.msk [tilespmem:v41+s1+$0x0], $0xffff;
	v41 =	vshll.u32 v32, $0x4  }
0x39c: {  	v45 =	vshra.s32 v38, $0x14;
	vm4 =	veq.s32 v35, v27;
	vm5 =	veq.s32 v36, v26;
	v37 =	vld.idx.msk [tilespmem:v33+s1+$0x0], $0xffff  }
0x39d: {  	v32 =	vshrl.u32 v42, $0xA;
	v36 =	vshrl.u32 v44, $0xA;
	v33 =	vshll.u32 v44, $0x4  }
0x39e: {  	v35 =	vshra.s32 v42, $0x14;
	v32 =	vand.u32 $0x3FF, v32;
	vm1 =	vgt.s32 v44, $0xFFFFFFFF  }
0x39f: {  	vm6 =	veq.s32 v35, v27;
	vm7 =	veq.s32 v32, v26;
	v35 =	vor.u32 v0, v33  }
0x3a0: {  	vm6 =	vmand vm6, vm7;
	v32 =	vshll.u32 v30, $0x4;
	[tilespmem:v34+s15+$0x0] =	vst.idx.add.s32.msk vm2, v25;
	vm2 =	vgt.s32 v42, $0xFFFFFFFF  }
0x3a1: {  	v34 =	vshra.s32 v30, $0x14;
	v42 =	vshll.u32 v42, $0x4;
	vm2 =	vmand vm6, vm2  }
0x3a2: {  	v40 =	vshrl.u32 v31, $0xA;
	v33 =	vshra.s32 v37, $0x14;
	v39 =	vshrl.u32 v37, $0xA  }
0x3a3: {  	v39 =	vand.u32 $0x3FF, v39;
	vm6 =	veq.s32 v33, v27;
	v33 =	vshll.u32 v31, $0x4  }
0x3a4: {  	vm8 =	vmand vm4, vm5;
	vm7 =	veq.s32 v39, v26;
	v39 =	vshra.s32 v31, $0x14  }
0x3a5: {  	v46 =	vshll.u32 v37, $0x4;
	v40 =	vand.u32 $0x3FF, v40;
	vm5 =	vmand vm6, vm7  }
0x3a6: {  	vm7 =	vgt.s32 v37, $0xFFFFFFFF;
	v37 =	vor.u32 v0, v46;
	v46 =	vshrl.u32 v30, $0xA  }
.Ltmp23:
0x3a7: {  	vm4 =	veq.s32 v45, v27;
	vm3 =	vmand vm8, vm3;
	v37 =	vand.u32 $0x3FFF, v37;
	(pc) =	sbr.rel @p0 .LBB2_48-.Ltmp23, $4  }
0x3a8: {  	v45 =	vshll.u32 v38, $0x4;
	v38 =	vand.u32 $0x3FF, v46;
	v46 =	vor.u32 v0, v41  }
0x3a9: {  	v42 =	vor.u32 v0, v42;
	v41 =	vor.u32 v0, v45;
	v45 =	vand.u32 $0x3FF, v36  }
0x3aa: {  	v36 =	vand.u32 $0x3FFF, v41;
	v41 =	vand.u32 $0x3FFF, v42;
	vm8 =	veq.s32 v45, v26  }
0x3ab: {  	v43 =	vand.u32 $0x3FF, v43;
	v44 =	vshra.s32 v44, $0x14;
	v42 =	vand.u32 $0x3FFF, v46  }
0x3ac: {  	vm5 =	vmand vm5, vm7;
	vm6 =	veq.s32 v43, v26;
	vm15 =	veq.s32 v44, v27  }
0x3ad: {  	vm9 =	veq.s32 v39, v27;
	vm10 =	veq.s32 v40, v26;
	v35 =	vand.u32 $0x3FFF, v35  }
0x3ae: {  	vm12 =	veq.s32 v34, v27;
	vm13 =	veq.s32 v38, v26;
	vm4 =	vmand vm4, vm6  }
0x3af: {  	vm14 =	vgt.s32 v30, $0xFFFFFFFF;
	vm11 =	vmand vm15, vm8;
	vm0 =	vmand vm4, vm0  }
0x3b0: {  	v30 =	vor.u32 v0, v32;
	vm1 =	vmand vm11, vm1;
	vm4 =	vmand vm12, vm13  }
0x3b1: {  	vm15 =	vgt.s32 v31, $0xFFFFFFFF;
	vm12 =	vmand vm9, vm10;
	vm4 =	vmand vm4, vm14  }
0x3b2: {  	[tilespmem:v41+s15+$0x0] =	vst.idx.add.s32.msk vm2, v25;
	v31 =	vor.u32 v0, v33;
	v30 =	vand.u32 $0x3FFF, v30;
	vm2 =	vmand vm12, vm15  }
0x3b3: {  	[tilespmem:v42+s15+$0x0] =	vst.idx.add.s32.msk vm3, v25;
	v31 =	vand.u32 $0x3FFF, v31  }
0x3b4: {  	[tilespmem:v37+s15+$0x0] =	vst.idx.add.s32.msk vm5, v25  }
0x3b5: {  	[tilespmem:v36+s15+$0x0] =	vst.idx.add.s32.msk vm0, v25  }
0x3b6: {  	[tilespmem:v35+s15+$0x0] =	vst.idx.add.s32.msk vm1, v25  }
0x3b7: {  	[tilespmem:v30+s15+$0x0] =	vst.idx.add.s32.msk vm4, v25  }
0x3b8: {  	s17 =	simm.s32 $0x1E270;
	[tilespmem:v31+s15+$0x0] =	vst.idx.add.s32.msk vm2, v25  }
0x3b9: {  	v30 =	vld [tilespmem:s17+$0x0];
	_ =	sdelay $0x2  }
0x3ba: {  	v31 =	vld [tilespmem:s17+$0xFFFFFFF0]  }
0x3bb: {  	v56 =	vimm.s32 $0x0  }
0x3bc: {  	v34 =	vsub.s32 v28, v29;
	v28 =	vadd.s32 v56, v30  }
0x3bd: {  	vm1 =	veq.s32 v56, $0x0;
	v29 =	vld [tilespmem:s17+$0xFFFFFFE0];
	vm0 =	vge.s32 v28, v34  }
0x3be: {  	vm0 =	vmand vm1, vm0  }
0x3bf: {  	v30 =	vadd.s32 v31, v28;
	v31 =	vsel vm0, $0x1, v56  }
0x3c0: {  	v57 =	vld [tilespmem:s17+$0xFFFFFFD0];
	vm2 =	vge.s32 v30, v34;
	vm1 =	veq.s32 v31, $0x0  }
0x3c1: {  	vm1 =	vmand vm2, vm1  }
0x3c2: {  	v29 =	vadd.s32 v29, v30;
	v31 =	vsel vm1, $0x1, v31  }
0x3c3: {  	v35 =	vld [tilespmem:s17+$0xFFFFFFC0];
	vm3 =	vge.s32 v29, v34;
	vm2 =	veq.s32 v31, $0x0  }
0x3c4: {  	vm2 =	vmand vm3, vm2  }
0x3c5: {  	v36 =	vld [tilespmem:s17+$0xFFFFFFB0];
	v33 =	vadd.s32 v57, v29;
	v31 =	vsel vm2, $0x1, v31  }
0x3c6: {  	vm13 =	vge.s32 v33, v34;
	vm3 =	veq.s32 v31, $0x0  }
0x3c7: {  	v58 =	vsel vm0, v56, v56;
	vm3 =	vmand vm13, vm3  }
0x3c8: {  	v59 =	vld [tilespmem:s17+$0xFFFFFFA0];
	v35 =	vadd.s32 v35, v33;
	v28 =	vsel vm1, v28, v58;
	v31 =	vsel vm3, $0x1, v31  }
0x3c9: {  	vm15 =	vge.s32 v35, v34;
	v28 =	vsel vm2, v30, v28;
	v30 =	vld [tilespmem:s17+$0xFFFFFF90];
	vm14 =	veq.s32 v31, $0x0  }
0x3ca: {  	s20 =	simm.s32 $0x3FF;
	v61 =	vadd.s32 v36, v35;
	vm4 =	vmand vm15, vm14  }
0x3cb: {  	s21 =	simm.s32 $0x3FE;
	v60 =	vsel vm3, v29, v28;
	v28 =	vsel vm0, s20, v56;
	v31 =	vsel vm4, $0x1, v31  }
0x3cc: {  	s22 =	simm.s32 $0x3FD;
	v28 =	vsel vm1, s21, v28;
	vm1 =	vge.s32 v61, v34;
	vm0 =	veq.s32 v31, $0x0  }
0x3cd: {  	s23 =	simm.s32 $0x3FC;
	s19 =	simm.s32 $0x1E1F0;
	v29 =	vadd.s32 v59, v61;
	v62 =	vsel vm2, s22, v28;
	vm0 =	vmand vm1, vm0  }
0x3ce: {  	s24 =	simm.s32 $0x3FB;
	v28 =	vadd.s32 v30, v29;
	v30 =	vsel vm3, s23, v62;
	v63 =	vsel vm0, $0x1, v31;
	v31 =	vld [tilespmem:s19+$0x0]  }
0x3cf: {  	s25 =	simm.s32 $0x3FA;
	v30 =	vsel vm4, s24, v30;
	vm1 =	vge.s32 v29, v34;
	vm2 =	veq.s32 v63, $0x0  }
0x3d0: {  	s18 =	simm.s32 $0x3F9;
	v32 =	vld [tilespmem:s19+$0xFFFFFFF0];
	v33 =	vsel vm4, v33, v60;
	v30 =	vsel vm0, s25, v30;
	vm1 =	vmand vm1, vm2  }
0x3d1: {  	s17 =	simm.s32 $0x3F7;
	s20 =	simm.s32 $0x3F8;
	v33 =	vsel vm0, v35, v33;
	v35 =	vld [tilespmem:s19+$0xFFFFFFE0];
	v30 =	vsel vm1, s18, v30;
	v36 =	vsel vm1, $0x1, v63  }
0x3d2: {  	s21 =	simm.s32 $0x8;
	s22 =	simm.s32 $0x3EF;
	s18 =	simm.s32 $0x3F0;
	v33 =	vsel vm1, v61, v33;
	vm1 =	vge.s32 v28, v34;
	vm0 =	veq.s32 v36, $0x0  }
.LBB2_50:
0x3d3: {  	s23 =	sadd.s32 $0xFFFFFFF9, s22;
	s21 =	sadd.s32 $0x8, s21;
	v31 =	vadd.s32 v28, v31;
	vm0 =	vmand vm1, vm0  }
0x3d4: {  	p0 =	slt.u32 s21, $0x3F8;
	vm1 =	vge.s32 v31, v34;
	v30 =	vsel vm0, s20, v30;
	v36 =	vsel vm0, $0x1, v36;
	s20 =	smov.u32 s18;
	s18 =	smov.u32 s23  }
0x3d5: {  	v29 =	vsel vm0, v29, v33;
	vm2 =	veq.s32 v36, $0x0;
	v32 =	vadd.s32 v32, v31  }
0x3d6: {  	vm0 =	vmand vm2, vm1;
	v33 =	vadd.s32 v35, v32  }
0x3d7: {  	v35 =	vsel vm0, $0x1, v36  }
0x3d8: {  	vm2 =	vge.s32 v32, v34;
	vm1 =	veq.s32 v35, $0x0;
	v36 =	vld [tilespmem:s19+$0xFFFFFFD0]  }
0x3d9: {  	v28 =	vsel vm0, v28, v29;
	vm1 =	vmand vm2, vm1  }
0x3da: {  	v28 =	vsel vm1, v31, v28;
	v29 =	vsel vm1, $0x1, v35  }
0x3db: {  	vm3 =	vge.s32 v33, v34;
	vm2 =	veq.s32 v29, $0x0;
	v31 =	vld [tilespmem:s19+$0xFFFFFFC0]  }
0x3dc: {  	vm2 =	vmand vm3, vm2;
	v35 =	vld [tilespmem:s19+$0xFFFFFFB0]  }
0x3dd: {  	v28 =	vsel vm2, v32, v28;
	v29 =	vsel vm2, $0x1, v29;
	v32 =	vadd.s32 v36, v33;
	v36 =	vld [tilespmem:s19+$0xFFFFFFA0]  }
0x3de: {  	vm3 =	veq.s32 v29, $0x0;
	vm4 =	vge.s32 v32, v34;
	v37 =	vld [tilespmem:s19+$0xFFFFFF90]  }
0x3df: {  	vm3 =	vmand vm4, vm3  }
0x3e0: {  	v33 =	vsel vm3, v33, v28;
	v28 =	vsel vm3, $0x1, v29;
	v38 =	vadd.s32 v31, v32  }
0x3e1: {  	vm4 =	veq.s32 v28, $0x0;
	vm5 =	vge.s32 v38, v34;
	v39 =	vadd.s32 v35, v38  }
0x3e2: {  	vm4 =	vmand vm5, vm4;
	v29 =	vadd.s32 v36, v39  }
0x3e3: {  	s23 =	sadd.s32 $0xFFFFFFFF, s17;
	v30 =	vsel vm0, s17, v30;
	v35 =	vsel vm4, $0x1, v28;
	v28 =	vadd.s32 v37, v29  }
0x3e4: {  	v30 =	vsel vm1, s23, v30;
	s23 =	sadd.s32 $0xFFFFFFFE, s17;
	vm1 =	vge.s32 v39, v34;
	vm0 =	veq.s32 v35, $0x0  }
0x3e5: {  	v30 =	vsel vm2, s23, v30;
	s23 =	sadd.s32 $0xFFFFFFFD, s17;
	s19 =	sadd.s32 $0xFFFFFF80, s19;
	vm0 =	vmand vm1, vm0  }
.Ltmp24:
0x3e6: {  	v30 =	vsel vm3, s23, v30;
	s23 =	sadd.s32 $0xFFFFFFFC, s17;
	vm1 =	vge.s32 v29, v34;
	v31 =	vld [tilespmem:s19+$0x0];
	v36 =	vsel vm0, $0x1, v35;
	(pc) =	sbr.rel @p0 .LBB2_50-.Ltmp24, $4  }
0x3e7: {  	v30 =	vsel vm4, s23, v30;
	v33 =	vsel vm4, v32, v33;
	s23 =	sadd.s32 $0xFFFFFFFB, s17;
	vm2 =	veq.s32 v36, $0x0  }
0x3e8: {  	v30 =	vsel vm0, s23, v30;
	v33 =	vsel vm0, v38, v33;
	s23 =	sadd.s32 $0xFFFFFFFA, s17;
	s17 =	smov.u32 s22;
	v32 =	vld [tilespmem:s19+$0xFFFFFFF0];
	vm0 =	vmand vm1, vm2  }
0x3e9: {  	v35 =	vld [tilespmem:s19+$0xFFFFFFE0];
	v30 =	vsel vm0, s23, v30;
	v33 =	vsel vm0, v39, v33;
	v36 =	vsel vm0, $0x1, v36  }
0x3ea: {  	s22 =	sadd.s32 $0xFFFFFFF8, s22;
	vm1 =	vge.s32 v28, v34;
	vm0 =	veq.s32 v36, $0x0  }
0x3eb: {  	vm0 =	vmand vm1, vm0  }
0x3ec: {  	v31 =	vadd.s32 v28, v31;
	v36 =	vsel vm0, $0x1, v36  }
0x3ed: {  	vm1 =	vge.s32 v31, v34;
	vm2 =	veq.s32 v36, $0x0  }
0x3ee: {  	vm1 =	vmand vm2, vm1  }
0x3ef: {  	v32 =	vadd.s32 v32, v31;
	v36 =	vsel vm1, $0x1, v36  }
0x3f0: {  	v37 =	vld [tilespmem:s19+$0xFFFFFFD0];
	vm3 =	vge.s32 v32, v34;
	vm2 =	veq.s32 v36, $0x0  }
0x3f1: {  	vm2 =	vmand vm3, vm2  }
0x3f2: {  	v38 =	vld [tilespmem:s19+$0xFFFFFFC0];
	v35 =	vadd.s32 v35, v32;
	v36 =	vsel vm2, $0x1, v36  }
0x3f3: {  	vm4 =	vge.s32 v35, v34;
	vm3 =	veq.s32 v36, $0x0  }
0x3f4: {  	v45 =	vld [tilespmem:s19+$0xFFFFFFB0];
	v29 =	vsel vm0, v29, v33;
	vm3 =	vmand vm4, vm3  }
0x3f5: {  	v28 =	vsel vm1, v28, v29;
	v29 =	vld [tilespmem:s19+$0xFFFFFFA0];
	v37 =	vadd.s32 v37, v35;
	v36 =	vsel vm3, $0x1, v36  }
0x3f6: {  	v30 =	vsel vm0, s20, v30;
	vm5 =	vge.s32 v37, v34;
	vm4 =	veq.s32 v36, $0x0  }
0x3f7: {  	v47 =	vld [tilespmem:s19+$0xFFFFFF90];
	v30 =	vsel vm1, s17, v30;
	v46 =	vadd.s32 v38, v37;
	vm4 =	vmand vm5, vm4  }
0x3f8: {  	s25 =	sadd.s32 $0xFFFFFFFF, s17;
	v28 =	vsel vm2, v31, v28;
	vm6 =	vge.s32 v46, v34;
	v31 =	vsel vm4, $0x1, v36  }
0x3f9: {  	v33 =	vadd.s32 v45, v46;
	v30 =	vsel vm2, s25, v30;
	vm5 =	veq.s32 v31, $0x0  }
0x3fa: {  	s20 =	sadd.s32 $0xFFFFFFFE, s17;
	vm2 =	vge.s32 v33, v34;
	v48 =	vadd.s32 v29, v33;
	vm0 =	vmand vm6, vm5  }
0x3fb: {  	s21 =	sadd.s32 $0xFFFFFFFD, s17;
	v28 =	vsel vm3, v32, v28;
	v29 =	vsel vm3, s20, v30;
	v31 =	vsel vm0, $0x1, v31  }
0x3fc: {  	s22 =	sadd.s32 $0xFFFFFFFC, s17;
	v30 =	vadd.s32 v47, v48;
	v29 =	vsel vm4, s21, v29;
	vm1 =	veq.s32 v31, $0x0  }
0x3fd: {  	s23 =	sadd.s32 $0xFFFFFFFB, s17;
	v28 =	vsel vm4, v35, v28;
	v29 =	vsel vm0, s22, v29;
	vm1 =	vmand vm2, vm1  }
0x3fe: {  	s20 =	simm.s32 $0x2;
	v28 =	vsel vm0, v37, v28;
	v31 =	vsel vm1, $0x1, v31;
	v29 =	vsel vm1, s23, v29  }
0x3ff: {  	v28 =	vsel vm1, v46, v28;
	vm1 =	vge.s32 v30, v34;
	v30 =	vadd.s32 s20, v0  }
0x400: {  	vm2 =	vge.s32 v48, v34;
	s23 =	simm.s32 $0x5;
	vm3 =	veq.s32 v31, $0x0;
	v30 =	vand.u32 $0xFFF, v30  }
0x401: {  	s24 =	sadd.s32 $0xFFFFFFFA, s17;
	v52 =	vadd.s32 s23, v0;
	vm0 =	vmand vm2, vm3;
	v30 =	vor.u32 v24, v30  }
0x402: {  	s17 =	simm.s32 $0x0;
	v53 =	vand.u32 $0xFFF, v52;
	v49 =	vsel vm0, s24, v29;
	v29 =	vsel vm0, $0x1, v31  }
0x403: {  	s25 =	simm.s32 $0x1;
	v50 =	vsel vm0, v33, v28;
	v28 =	vadd.s32 s17, v0;
	v35 =	vor.u32 v24, v53  }
0x404: {  	s21 =	simm.s32 $0x3;
	vm0 =	veq.s32 v29, $0x0;
	v28 =	vand.u32 $0xFFF, v28;
	v29 =	vadd.s32 s25, v0  }
0x405: {  	s22 =	simm.s32 $0x4;
	v31 =	vadd.s32 s21, v0;
	v28 =	vor.u32 v24, v28;
	v29 =	vand.u32 $0xFFF, v29  }
0x406: {  	v51 =	vadd.s32 s22, v0;
	s24 =	simm.s32 $0x6;
	v31 =	vand.u32 $0xFFF, v31;
	v29 =	vor.u32 v24, v29  }
0x407: {  	v32 =	vand.u32 $0xFFF, v51;
	v39 =	vadd.s32 s24, v0;
	v31 =	vor.u32 v24, v31  }
0x408: {  	v33 =	vor.u32 v24, v32;
	s25 =	simm.s32 $0x7;
	v54 =	vand.u32 $0xFFF, v39;
	v43 =	vld.idx.msk [tilespmem:v30+s17+$0x0], $0xffff  }
0x409: {  	v42 =	vshll.u32 v27, $0x14;
	v55 =	vadd.s32 s25, v0;
	v32 =	vor.u32 v24, v54;
	v38 =	vld.idx.msk [tilespmem:v35+s17+$0x0], $0xffff  }
0x40a: {  	v26 =	vshll.u32 v26, $0xA;
	vm0 =	vmand vm1, vm0;
	v39 =	vand.u32 $0xFFF, v55;
	v40 =	vld.idx.msk [tilespmem:v28+s17+$0x0], $0xffff  }
0x40b: {  	v26 =	vor.u32 v42, v26;
	v36 =	vsel vm0, s18, v49;
	v27 =	vor.u32 v24, v39;
	v41 =	vld.idx.msk [tilespmem:v29+s17+$0x0], $0xffff  }
0x40c: {  	v57 =	vimm.s32 $0x0;
	v37 =	vsel vm0, v48, v50;
	v26 =	vor.u32 v36, v26;
	v56 =	vld.idx.msk [tilespmem:v31+s17+$0x0], $0xffff  }
0x40d: {  	v63 =	vimm.s32 $0x0;
	v34 =	vsub.s32 v34, v37;
	v37 =	vld.idx.msk [tilespmem:v33+s17+$0x0], $0xffff;
	vm5 =	veq.s32 v43, v26  }
0x40e: {  	vm0 =	vlt.s32 v57, v34;
	v42 =	vld.idx.msk [tilespmem:v32+s17+$0x0], $0xffff;
	v59 =	vsel vm5, $0x1, v23;
	vm4 =	veq.s32 v38, v26  }
0x40f: {  	v48 =	vsel vm4, $0x1, v23;
	vm3 =	veq.s32 v40, v26;
	vm1 =	vgt.s32 v40, v26  }
0x410: {  	v40 =	vld.idx.msk [tilespmem:v27+s17+$0x0], $0xffff;
	vm2 =	vmand vm0, vm3;
	v44 =	vsel vm3, $0x1, v23;
	vm3 =	veq.s32 v41, v26  }
0x411: {  	vm6 =	veq.s32 v56, v26;
	v44 =	vadd.s32 v44, v57;
	v58 =	vsel vm3, $0x1, v23  }
0x412: {  	v60 =	vsel vm6, $0x1, v23;
	vm0 =	veq.s32 v37, v26;
	v45 =	vadd.s32 v58, v44  }
0x413: {  	vm10 =	veq.s32 v42, v26;
	v61 =	vsel vm0, $0x1, v23;
	v46 =	vadd.s32 v59, v45  }
0x414: {  	v49 =	vsel vm10, $0x1, v23;
	vm12 =	vlt.s32 v45, v34;
	v47 =	vadd.s32 v60, v46  }
0x415: {  	vm7 =	veq.s32 v40, v26;
	vm13 =	vlt.s32 v46, v34;
	v36 =	vadd.s32 v61, v47  }
0x416: {  	v62 =	vsel vm7, $0x1, v23;
	v48 =	vadd.s32 v48, v36;
	vm9 =	vlt.s32 v36, v34  }
0x417: {  	vm11 =	vlt.s32 v48, v34;
	v48 =	vadd.s32 v49, v48;
	vm9 =	vmand vm4, vm9  }
0x418: {  	vm4 =	vlt.s32 v44, v34;
	vm8 =	vlt.s32 v48, v34;
	v36 =	vadd.s32 v62, v48  }
0x419: {  	vm10 =	vmand vm10, vm11;
	vm7 =	vmand vm7, vm8;
	vm8 =	vlt.s32 v47, v34  }
0x41a: {  	vm4 =	vmand vm3, vm4;
	vm8 =	vmand vm0, vm8;
	vm0 =	vlt.s32 v36, v34  }
0x41b: {  	vm3 =	vmand vm5, vm12;
	vm11 =	vmand vm6, vm13;
	v45 =	vsel vm0, $0xFFFFFFFF, v63  }
0x41c: {  	s19 =	simm.s32 $0x0;
	s20 =	simm.s32 $0x10;
	s18 =	simm.s32 $0x8;
	vm6 =	vgt.s32 v41, v26;
	vm5 =	vgt.s32 v43, v26;
	vm12 =	vgt.s32 v56, v26;
	[tilespmem:$0x1FFF0] =	vst v45  }
.LBB2_52:
0x41d: {  	vm13 =	vgt.s32 v37, v26;
	vm14 =	vgt.s32 v38, v26;
	vm15 =	vgt.s32 v42, v26  }
0x41e: {  	vm1 =	vmor vm1, vm2;
	vm2 =	vmor vm6, vm4;
	vm3 =	vmor vm5, vm3  }
0x41f: {  	v62 =	vadd.s32 s18, v0;
	vm14 =	vmor vm14, vm9;
	vm10 =	vmor vm15, vm10  }
0x420: {  	s21 =	sadd.s32 $0x1, s18;
	s23 =	sadd.s32 $0x2, s18;
	s24 =	sadd.s32 $0x3, s18;
	vm15 =	vgt.s32 v40, v26;
	vm9 =	vmor vm12, vm11;
	v37 =	vand.u32 $0xFFF, v62  }
0x421: {  	s25 =	sadd.s32 $0x4, s18;
	v48 =	vadd.s32 s21, v0;
	v50 =	vadd.s32 s23, v0;
	v52 =	vadd.s32 s24, v0  }
0x422: {  	s22 =	sadd.s32 $0x5, s18;
	v54 =	vadd.s32 s25, v0;
	v43 =	vor.u32 v24, v37;
	v49 =	vand.u32 $0xFFF, v48  }
0x423: {  	v56 =	vadd.s32 s22, v0;
	s23 =	sadd.s32 $0x6, s18;
	v51 =	vand.u32 $0xFFF, v50;
	v44 =	vor.u32 v24, v49  }
0x424: {  	v53 =	vand.u32 $0xFFF, v52;
	v58 =	vadd.s32 s23, v0;
	v45 =	vor.u32 v24, v51  }
0x425: {  	v55 =	vand.u32 $0xFFF, v54;
	v46 =	vor.u32 v24, v53;
	v59 =	vand.u32 $0xFFF, v58  }
0x426: {  	s24 =	sadd.s32 $0x7, s18;
	v57 =	vand.u32 $0xFFF, v56;
	v47 =	vor.u32 v24, v55;
	v50 =	vor.u32 v24, v59;
	v59 =	vld [tilespmem:$0x1FFF0]  }
0x427: {  	vm8 =	vmor vm13, vm8;
	v60 =	vadd.s32 s24, v0;
	v48 =	vor.u32 v24, v57;
	v42 =	vld.idx.msk [tilespmem:v43+s17+$0x0], $0xffff  }
0x428: {  	vm7 =	vmor vm15, vm7;
	v63 =	vsel vm10, $0x1, v23;
	v61 =	vand.u32 $0xFFF, v60;
	v49 =	vld.idx.msk [tilespmem:v44+s17+$0x0], $0xffff  }
0x429: {  	p1 =	sgt.u32 s19, $0xFBF;
	s22 =	simm.s32 $0x1;
	v41 =	vsel vm14, $0x1, v23;
	v62 =	vsel vm8, $0x1, v23;
	v52 =	vor.u32 v24, v61;
	v51 =	vld.idx.msk [tilespmem:v45+s17+$0x0], $0xffff  }
0x42a: {  	s25 =	sadd.s32 $0xFFFFF040, s19;
	v54 =	vsel vm9, $0x1, v23;
	s22 =	simm.s32 @!p1 $0x0;
	v56 =	vsel vm1, $0x1, v23;
	v39 =	vsel vm7, $0x1, v23;
	v55 =	vld.idx.msk [tilespmem:v46+s17+$0x0], $0xffff  }
0x42b: {  	s21 =	simm.s32 $0x1;
	p1 =	slt.u32 s25, $0xFFFFF044;
	v53 =	vsel vm3, $0x1, v23;
	v57 =	vsel vm2, $0x1, v23;
	v63 =	vor.u32 s22, v63;
	v37 =	vld.idx.msk [tilespmem:v47+s17+$0x0], $0xffff  }
0x42c: {  	s21 =	simm.s32 @!p1 $0x0;
	v58 =	vor.u32 s22, v62;
	v41 =	vor.u32 s22, v41;
	v39 =	vor.u32 s22, v39;
	[tilespmem:v32+s17+$0x0] =	vst.idx.msk $0xffff, v63;
	v38 =	vld.idx.msk [tilespmem:v48+s17+$0x0], $0xffff  }
0x42d: {  	v53 =	vor.u32 s21, v53;
	v54 =	vor.u32 s21, v54;
	[tilespmem:v27+s17+$0x0] =	vst.idx.msk $0xffff, v39;
	v39 =	vor.u32 s21, v57  }
0x42e: {  	vm0 =	vnez.u8 v59;
	v40 =	vld.idx.msk [tilespmem:v52+s17+$0x0], $0xffff;
	vm3 =	veq.s32 v42, v26;
	vm1 =	vgt.s32 v42, v26  }
0x42f: {  	v32 =	vmovc v50;
	[tilespmem:v35+s17+$0x0] =	vst.idx.msk $0xffff, v41;
	v42 =	vld.idx.msk [tilespmem:v50+s17+$0x0], $0xffff;
	v50 =	vor.u32 s21, v56;
	vm2 =	vmand vm0, vm3;
	v60 =	vsel vm3, $0x1, v23  }
0x430: {  	vm3 =	veq.s32 v49, v26;
	vm5 =	veq.s32 v51, v26;
	vm6 =	veq.s32 v55, v26  }
0x431: {  	vm4 =	veq.s32 v37, v26;
	vm9 =	veq.s32 v38, v26;
	v41 =	vadd.s32 v60, v36  }
0x432: {  	[tilespmem:v31+s17+$0x0] =	vst.idx.msk $0xffff, v54;
	v61 =	vsel vm3, $0x1, v23;
	v62 =	vsel vm5, $0x1, v23;
	v31 =	vsel vm6, $0x1, v23  }
0x433: {  	[tilespmem:v30+s17+$0x0] =	vst.idx.msk $0xffff, v53;
	v30 =	vsel vm4, $0x1, v23;
	vm7 =	veq.s32 v40, v26;
	v35 =	vadd.s32 v61, v41  }
0x434: {  	v59 =	vsel vm9, $0x1, v23;
	v63 =	vadd.s32 v62, v35;
	v62 =	vsel vm7, $0x1, v23  }
0x435: {  	vm13 =	vlt.s32 v35, v34;
	v57 =	vadd.s32 v31, v63;
	vm10 =	veq.s32 v42, v26  }
0x436: {  	[tilespmem:v33+s17+$0x0] =	vst.idx.msk $0xffff, v58;
	vm14 =	vlt.s32 v63, v34;
	v63 =	vimm.s32 $0x0;
	v58 =	vadd.s32 v30, v57  }
0x437: {  	v61 =	vsel vm10, $0x1, v23;
	vm15 =	vlt.s32 v57, v34;
	v60 =	vadd.s32 v59, v58  }
0x438: {  	p0 =	slt.u32 s20, $0xFF8;
	v27 =	vmovc v52;
	vm12 =	vlt.s32 v58, v34;
	vm11 =	vlt.s32 v60, v34;
	v36 =	vadd.s32 v61, v60  }
.Ltmp25:
0x439: {  	[tilespmem:v29+s17+$0x0] =	vst.idx.msk $0xffff, v39;
	vm9 =	vmand vm9, vm12;
	vm12 =	vgt.s32 v55, v26;
	vm8 =	vlt.s32 v36, v34;
	(pc) =	sbr.rel @p0 .LBB2_52-.Ltmp25, $4  }
0x43a: {  	v29 =	vmovc v44;
	v33 =	vmovc v47;
	v36 =	vadd.s32 v62, v36;
	vm10 =	vmand vm10, vm11;
	vm11 =	vmand vm6, vm14  }
0x43b: {  	[tilespmem:v28+s17+$0x0] =	vst.idx.msk $0xffff, v50;
	vm6 =	vgt.s32 v49, v26;
	vm0 =	vlt.s32 v36, v34;
	vm7 =	vmand vm7, vm8  }
0x43c: {  	v28 =	vmovc v43;
	v31 =	vmovc v46;
	vm8 =	vmand vm4, vm15;
	v39 =	vsel vm0, $0xFFFFFFFF, v63;
	vm0 =	vlt.s32 v41, v34  }
0x43d: {  	s19 =	smov.u32 s18;
	s18 =	smov.u32 s20;
	s20 =	sadd.s32 $0x8, s20;
	v30 =	vmovc v45;
	v35 =	vmovc v48;
	[tilespmem:$0x1FFF0] =	vst v39;
	vm4 =	vmand vm3, vm0;
	vm3 =	vmand vm5, vm13;
	vm5 =	vgt.s32 v51, v26  }
0x43e: {  	v39 =	vadd.s32 s18, v0  }
0x43f: {  	vm0 =	vgt.s32 v37, v26;
	vm13 =	vgt.s32 v38, v26;
	vm14 =	vgt.s32 v42, v26  }
0x440: {  	s20 =	sadd.s32 $0x1, s18;
	s23 =	sadd.s32 $0x2, s18;
	v49 =	vimm.s32 $0x0;
	vm15 =	vmor vm12, vm11;
	v59 =	vimm.s32 $0x0  }
0x441: {  	s24 =	sadd.s32 $0x3, s18;
	s25 =	sadd.s32 $0x4, s18;
	s21 =	sadd.s32 $0x5, s18;
	v39 =	vand.u32 $0xFFF, v39;
	v41 =	vadd.s32 s20, v0;
	v43 =	vadd.s32 s23, v0  }
0x442: {  	s22 =	sadd.s32 $0x6, s18;
	v44 =	vadd.s32 s24, v0;
	v45 =	vadd.s32 s25, v0;
	v46 =	vadd.s32 s21, v0  }
0x443: {  	v47 =	vadd.s32 s22, v0;
	v39 =	vor.u32 v24, v39;
	v41 =	vand.u32 $0xFFF, v41  }
0x444: {  	vm9 =	vmor vm13, vm9;
	v43 =	vand.u32 $0xFFF, v43;
	v41 =	vor.u32 v24, v41  }
0x445: {  	vm10 =	vmor vm14, vm10;
	v44 =	vand.u32 $0xFFF, v44;
	v43 =	vor.u32 v24, v43  }
0x446: {  	vm14 =	vgt.s32 v40, v26;
	v45 =	vand.u32 $0xFFF, v45;
	v44 =	vor.u32 v24, v44  }
0x447: {  	s23 =	sadd.s32 $0x7, s18;
	v40 =	vsel vm15, $0xFFFFFFFF, v59;
	v59 =	vld [tilespmem:$0x1FFF0];
	v46 =	vand.u32 $0xFFF, v46;
	v45 =	vor.u32 v24, v45  }
0x448: {  	v47 =	vand.u32 $0xFFF, v47;
	v58 =	vadd.s32 s23, v0;
	v46 =	vor.u32 v24, v46;
	v48 =	vld.idx.msk [tilespmem:v39+s17+$0x0], $0xffff  }
0x449: {  	v49 =	vsel vm9, $0xFFFFFFFF, v49;
	v47 =	vor.u32 v24, v47;
	v38 =	vand.u32 $0xFFF, v58;
	v37 =	vld.idx.msk [tilespmem:v41+s17+$0x0], $0xffff  }
0x44a: {  	v38 =	vor.u32 v24, v38;
	v42 =	vld.idx.msk [tilespmem:v43+s17+$0x0], $0xffff;
	[tilespmem:$0x1FFC0] =	vst v49  }
0x44b: {  	v49 =	vld.idx.msk [tilespmem:v44+s17+$0x0], $0xffff;
	[tilespmem:$0x1FFD0] =	vst v40  }
0x44c: {  	vm3 =	vmor vm5, vm3;
	v61 =	vimm.s32 $0x0;
	v40 =	vld.idx.msk [tilespmem:v45+s17+$0x0], $0xffff  }
0x44d: {  	vm13 =	vmor vm1, vm2;
	vm9 =	vmor vm0, vm8;
	vm12 =	vmor vm14, vm7;
	v50 =	vld.idx.msk [tilespmem:v46+s17+$0x0], $0xffff  }
0x44e: {  	vm14 =	vmor vm6, vm4;
	v62 =	vsel vm10, $0x1, v23;
	v51 =	vld.idx.msk [tilespmem:v47+s17+$0x0], $0xffff;
	vm7 =	veq.s32 v48, v26  }
0x44f: {  	v63 =	vsel vm12, $0x1, v23;
	vm4 =	vnez.u8 v59;
	v54 =	vld.idx.msk [tilespmem:v38+s17+$0x0], $0xffff;
	v52 =	vsel vm7, $0x1, v23  }
0x450: {  	vm15 =	veq.s32 v37, v26;
	vm8 =	veq.s32 v42, v26;
	vm4 =	vmand vm4, vm7  }
0x451: {  	v36 =	vadd.s32 v52, v36;
	v60 =	vsel vm15, $0x1, v23;
	v53 =	vsel vm8, $0x1, v23  }
0x452: {  	vm2 =	veq.s32 v49, v26;
	v59 =	vsel vm4, $0xFFFFFFFF, v61;
	v52 =	vadd.s32 v60, v36  }
0x453: {  	v55 =	vsel vm2, $0x1, v23;
	vm11 =	veq.s32 v40, v26;
	vm0 =	veq.s32 v50, v26  }
0x454: {  	p0 =	sgt.u32 s19, $0xFBF;
	s20 =	simm.s32 $0x1;
	vm1 =	veq.s32 v51, v26;
	vm5 =	veq.s32 v54, v26;
	v53 =	vadd.s32 v53, v52  }
0x455: {  	s20 =	simm.s32 @!p0 $0x0;
	vm7 =	vlt.s32 v36, v34;
	v56 =	vsel vm11, $0x1, v23;
	v55 =	vadd.s32 v55, v53  }
0x456: {  	v36 =	vor.u32 s20, v62;
	v57 =	vsel vm0, $0x1, v23;
	v56 =	vadd.s32 v56, v55  }
0x457: {  	[tilespmem:$0x1FFE0] =	vst v59;
	v59 =	vsel vm13, $0x1, v23;
	v58 =	vsel vm1, $0x1, v23;
	v57 =	vadd.s32 v57, v56  }
0x458: {  	v60 =	vsel vm14, $0x1, v23;
	vm10 =	vgt.s32 v40, v26;
	v58 =	vadd.s32 v58, v57  }
0x459: {  	s24 =	sadd.s32 $0xFFFFF040, s19;
	vm6 =	vlt.s32 v55, v34;
	vm4 =	vlt.s32 v58, v34;
	v58 =	vor.u32 s20, v63  }
0x45a: {  	s19 =	simm.s32 $0x1;
	p0 =	slt.u32 s24, $0xFFFFF044;
	vm5 =	vmand vm5, vm4;
	vm4 =	vmand vm11, vm6;
	vm11 =	vlt.s32 v56, v34;
	v56 =	vld [tilespmem:$0x1FFC0];
	[tilespmem:v27+s17+$0x0] =	vst.idx.msk $0xffff, v58  }
0x45b: {  	s19 =	simm.s32 @!p0 $0x0;
	vm6 =	vmand vm0, vm11;
	vm0 =	vmand vm15, vm7;
	vm7 =	vlt.s32 v53, v34;
	v53 =	vld [tilespmem:$0x1FFD0]  }
0x45c: {  	vm13 =	vgt.s32 v51, v26;
	vm14 =	vgt.s32 v54, v26;
	v62 =	vor.u32 s19, v60  }
0x45d: {  	v27 =	vsel vm3, $0x1, v23;
	vm3 =	vgt.s32 v48, v26;
	vm11 =	vlt.s32 v57, v34;
	[tilespmem:v32+s17+$0x0] =	vst.idx.msk $0xffff, v36  }
0x45e: {  	v57 =	vsel vm9, $0x1, v23;
	v27 =	vor.u32 s19, v27;
	v32 =	vor.u32 s19, v59;
	[tilespmem:v29+s17+$0x0] =	vst.idx.msk $0xffff, v62  }
0x45f: {  	vm11 =	vmand vm1, vm11;
	vm1 =	vlt.s32 v52, v34;
	[tilespmem:v30+s17+$0x0] =	vst.idx.msk $0xffff, v27;
	vm15 =	vnez.u8 v56  }
0x460: {  	v61 =	vor.u32 s20, v57;
	[tilespmem:v28+s17+$0x0] =	vst.idx.msk $0xffff, v32;
	v34 =	vsel vm15, $0x1, v23;
	vm12 =	vnez.u8 v53  }
0x461: {  	vm9 =	vgt.s32 v49, v26;
	[tilespmem:v33+s17+$0x0] =	vst.idx.msk $0xffff, v61;
	v53 =	vsel vm12, $0x1, v23;
	v34 =	vor.u32 s20, v34  }
0x462: {  	vm5 =	vmor vm14, vm5;
	vm4 =	vmor vm10, vm4;
	[tilespmem:v35+s17+$0x0] =	vst.idx.msk $0xffff, v34;
	v63 =	vor.u32 s19, v53  }
0x463: {  	vm2 =	vmand vm2, vm7;
	vm7 =	vgt.s32 v37, v26;
	vm1 =	vmand vm8, vm1;
	[tilespmem:v31+s17+$0x0] =	vst.idx.msk $0xffff, v63  }
0x464: {  	p0 =	sgt.u32 s18, $0xFBF;
	vm8 =	vgt.s32 v42, v26;
	vm11 =	vmor vm13, vm11;
	vm12 =	vgt.s32 v50, v26;
	s19 =	simm.s32 $0x1;
	v27 =	vld [tilespmem:$0x1FFE0]  }
0x465: {  	vm2 =	vmor vm9, vm2;
	v26 =	vsel vm5, $0x1, v23;
	vm6 =	vmor vm12, vm6;
	s19 =	simm.s32 @!p0 $0x0  }
0x466: {  	vm0 =	vmor vm7, vm0;
	v28 =	vsel vm6, $0x1, v23;
	v26 =	vor.u32 s19, v26  }
0x467: {  	s25 =	sadd.s32 $0xFFFFF040, s18;
	vm1 =	vmor vm8, vm1;
	v28 =	vor.u32 s19, v28;
	[tilespmem:v38+s17+$0x0] =	vst.idx.msk $0xffff, v26;
	v26 =	vsel vm4, $0x1, v23  }
0x468: {  	s18 =	simm.s32 $0x1;
	v29 =	vsel vm1, $0x1, v23;
	p0 =	slt.u32 s25, $0xFFFFF044;
	[tilespmem:v46+s17+$0x0] =	vst.idx.msk $0xffff, v28;
	v28 =	vmov s17;
	v26 =	vor.u32 s19, v26  }
0x469: {  	s18 =	simm.s32 @!p0 $0x0;
	[tilespmem:v45+s17+$0x0] =	vst.idx.msk $0xffff, v26;
	v26 =	vshrl.u32 v28, $0x7;
	vm15 =	vnez.u8 v27;
	v27 =	vsel vm11, $0x1, v23  }
0x46a: {  	p2 =	por $0x1, $0x1;
	v29 =	vor.u32 s18, v29;
	v26 =	vand.u32 $0x1F, v26;
	v27 =	vor.u32 s19, v27  }
.Ltmp26:
0x46b: {  	v28 =	vsel vm0, $0x1, v23;
	v26 =	vshll.u32 v26, $0x7;
	[tilespmem:v47+s17+$0x0] =	vst.idx.msk $0xffff, v27;
	v27 =	vsel vm2, $0x1, v23;
	(pc) =	sbr.rel @!p2 .LBB2_54-.Ltmp26, $4  }
0x46c: {  	[tilespmem:v43+s17+$0x0] =	vst.idx.msk $0xffff, v29;
	vm3 =	vmor vm3, vm15;
	v32 =	vbroadcast v26, $0x0;
	v27 =	vor.u32 s18, v27  }
0x46d: {  	v28 =	vor.u32 s18, v28;
	[tilespmem:v44+s17+$0x0] =	vst.idx.msk $0xffff, v27;
	v27 =	vsel vm3, $0x1, v23  }
0x46e: {  	p1 =	por $0x0, $0x0;
	[tilespmem:v41+s17+$0x0] =	vst.idx.msk $0xffff, v28;
	v26 =	vor.u32 v2, v32;
	v27 =	vor.u32 s18, v27  }
0x46f: {  	p0 =	por $0x0, $0x0;
	v28 =	vor.u32 v1, v32;
	s18 =	simm.s32 $0x10040;
	[tilespmem:v39+s17+$0x0] =	vst.idx.msk $0xffff, v27;
	v27 =	vor.u32 v0, v32;
	s17 =	simm.s32 $0x80  }
0x470: {  	_ =	sdelay $0x1  }
0x471: {  	v29 =	vmov s17;
	v33 =	vor.u32 v3, v32  }
0x472: {  	v37 =	vor.u32 v4, v32;
	p2 =	por $0x1, $0x1;
	v29 =	vshrl.u32 v29, $0x7  }
.Ltmp27:
0x473: {  	v30 =	vld.idx.msk [tilespmem:v27+s1+$0x0], $0xffff;
	v29 =	vand.u32 $0x1F, v29;
	(pc) =	sbr.rel @!p2 .LBB2_56-.Ltmp27, $4  }
0x474: {  	v31 =	vld.idx.msk [tilespmem:v28+s1+$0x0], $0xffff;
	v27 =	vshll.u32 v29, $0x7  }
0x475: {  	v29 =	vld.idx.msk [tilespmem:v26+s1+$0x0], $0xffff;
	v38 =	vbroadcast v27, $0x0  }
0x476: {  	v36 =	vor.u32 v5, v32;
	v34 =	vor.u32 v6, v32;
	v35 =	vor.u32 v7, v32;
	v32 =	vld.idx.msk [tilespmem:v33+s1+$0x0], $0xffff  }
0x477: {  	s17 =	simm.s32 $0x100;
	p0 =	por $0x1, $0x1;
	v33 =	vld.idx.msk [tilespmem:v37+s1+$0x0], $0xffff;
	v27 =	vor.u32 v0, v38;
	v26 =	vor.u32 v2, v38;
	v28 =	vor.u32 v1, v38  }
0x478: {  	_ =	sdelay $0x3  }
0x479: {  	v37 =	vmov s17;
	v40 =	vld.idx.msk [tilespmem:v36+s1+$0x0], $0xffff  }
0x47a: {  	v41 =	vor.u32 v3, v38;
	[tilespmem:s18+$0xFFFFFFC0] =	vst v30;
	v42 =	vld.idx.msk [tilespmem:v34+s1+$0x0], $0xffff;
	v63 =	vshrl.u32 v37, $0x7  }
0x47b: {  	v43 =	vor.u32 v4, v38;
	p2 =	por $0x1, $0x1;
	[tilespmem:s18+$0xFFFFFFD0] =	vst v31;
	v37 =	vld.idx.msk [tilespmem:v35+s1+$0x0], $0xffff;
	v30 =	vand.u32 $0x1F, v63  }
.Ltmp28:
0x47c: {  	v36 =	vor.u32 v5, v38;
	[tilespmem:s18+$0xFFFFFFE0] =	vst v29;
	v29 =	vld.idx.msk [tilespmem:v26+s1+$0x0], $0xffff;
	v31 =	vshll.u32 v30, $0x7;
	(pc) =	sbr.rel @!p2 .LBB2_58-.Ltmp28, $4  }
0x47d: {  	v34 =	vor.u32 v6, v38;
	v30 =	vld.idx.msk [tilespmem:v27+s1+$0x0], $0xffff;
	[tilespmem:s18+$0xFFFFFFF0] =	vst v32;
	v39 =	vbroadcast v31, $0x0  }
0x47e: {  	v35 =	vor.u32 v7, v38;
	v31 =	vld.idx.msk [tilespmem:v28+s1+$0x0], $0xffff;
	[tilespmem:s18+$0x0] =	vst v33  }
0x47f: {  	s19 =	simm.s32 $0x10;
	v32 =	vld.idx.msk [tilespmem:v41+s1+$0x0], $0xffff;
	[tilespmem:s18+$0x10] =	vst v40;
	v27 =	vor.u32 v0, v39  }
0x480: {  	s20 =	simm.s32 $0x180;
	p1 =	por $0x1, $0x1;
	s17 =	simm.s32 $0x10040;
	v33 =	vld.idx.msk [tilespmem:v43+s1+$0x0], $0xffff;
	[tilespmem:s18+$0x20] =	vst v42;
	v26 =	vor.u32 v2, v39;
	v28 =	vor.u32 v1, v39  }
.LBB2_59:
0x481: {  	v38 =	vmov s20;
	s19 =	sadd.s32 $0x8, s19;
	v40 =	vld.idx.msk [tilespmem:v36+s1+$0x0], $0xffff;
	[tilespmem:s17+$0x30] =	vst v37;
	s17 =	sadd.s32 $0x80, s17  }
0x482: {  	v36 =	vshrl.u32 v38, $0x7;
	p2 =	slt.u32 s19, $0xF8;
	v38 =	vor.u32 v3, v39;
	[tilespmem:s17+$0xFFFFFFC0] =	vst v30;
	v41 =	vld.idx.msk [tilespmem:v34+s1+$0x0], $0xffff  }
0x483: {  	v42 =	vor.u32 v4, v39;
	v30 =	vand.u32 $0x1F, v36;
	[tilespmem:s17+$0xFFFFFFD0] =	vst v31;
	v37 =	vld.idx.msk [tilespmem:v35+s1+$0x0], $0xffff  }
.Ltmp29:
0x484: {  	v36 =	vor.u32 v5, v39;
	v31 =	vshll.u32 v30, $0x7;
	v30 =	vld.idx.msk [tilespmem:v27+s1+$0x0], $0xffff;
	[tilespmem:s17+$0xFFFFFFE0] =	vst v29;
	(pc) =	sbr.rel @p2 .LBB2_59-.Ltmp29, $4  }
0x485: {  	v34 =	vor.u32 v6, v39;
	v43 =	vbroadcast v31, $0x0;
	v31 =	vld.idx.msk [tilespmem:v28+s1+$0x0], $0xffff;
	[tilespmem:s17+$0xFFFFFFF0] =	vst v32  }
0x486: {  	v35 =	vor.u32 v7, v39;
	v29 =	vld.idx.msk [tilespmem:v26+s1+$0x0], $0xffff;
	[tilespmem:s17+$0x0] =	vst v33  }
0x487: {  	v27 =	vor.u32 v0, v43;
	v26 =	vor.u32 v2, v43;
	v32 =	vld.idx.msk [tilespmem:v38+s1+$0x0], $0xffff;
	[tilespmem:s17+$0x10] =	vst v40;
	v39 =	vmov v43  }
0x488: {  	s20 =	sadd.s32 $0x80, s20;
	v28 =	vor.u32 v1, v39;
	v33 =	vld.idx.msk [tilespmem:v42+s1+$0x0], $0xffff;
	[tilespmem:s17+$0x20] =	vst v41  }
0x489: {  	v38 =	vmov v39  }
.LBB2_61:
0x48a: {  	_ =	sdelay $0x2  }
0x48b: {  	s19 =	sadd.s32 @p1 $0x80, s17;
	s20 =	simm.s32 $0x10040  }
0x48c: {  	v36 =	vld.idx.msk @p0 [tilespmem:v36+s1+$0x0], $0xffff;
	[tilespmem:s17+$0x30] =	vst @p1 v37;
	s20 =	smov.u32 @p1 s19  }
0x48d: {  	v27 =	vld.idx.msk [tilespmem:v27+s1+$0x0], $0xffff;
	[tilespmem:s20+$0xFFFFFFC0] =	vst @p0 v30  }
0x48e: {  	v57 =	vor.u32 v3, v38;
	v28 =	vld.idx.msk [tilespmem:v28+s1+$0x0], $0xffff;
	[tilespmem:s20+$0xFFFFFFD0] =	vst @p0 v31  }
0x48f: {  	v59 =	vor.u32 v6, v38;
	v26 =	vld.idx.msk [tilespmem:v26+s1+$0x0], $0xffff;
	[tilespmem:s20+$0xFFFFFFE0] =	vst @p0 v29  }
0x490: {  	v60 =	vor.u32 v7, v38;
	v30 =	vld.idx.msk @p0 [tilespmem:v34+s1+$0x0], $0xffff;
	[tilespmem:s20+$0xFFFFFFF0] =	vst @p0 v32  }
0x491: {  	v58 =	vor.u32 v4, v38;
	v31 =	vld.idx.msk @p0 [tilespmem:v35+s1+$0x0], $0xffff;
	s17 =	sadd.s32 @p0 $0x80, s20;
	[tilespmem:s20+$0x0] =	vst @p0 v33  }
0x492: {  	v29 =	vor.u32 v5, v38;
	s18 =	smov.u32 @p0 s17;
	[tilespmem:s20+$0x10] =	vst @p0 v36  }
0x493: {  	v34 =	vld.idx.msk [tilespmem:v57+s1+$0x0], $0xffff;
	[tilespmem:s18+$0xFFFFFFC0] =	vst v27  }
0x494: {  	v27 =	vld.idx.msk [tilespmem:v59+s1+$0x0], $0xffff;
	[tilespmem:s18+$0xFFFFFFD0] =	vst v28  }
0x495: {  	v28 =	vld.idx.msk [tilespmem:v60+s1+$0x0], $0xffff;
	[tilespmem:s18+$0xFFFFFFE0] =	vst v26  }
0x496: {  	[tilespmem:s20+$0x20] =	vst @p0 v30;
	v30 =	vpsel p0, v31, v0;
	v31 =	vld.idx.msk [tilespmem:v58+s1+$0x0], $0xffff  }
0x497: {  	v29 =	vld.idx.msk [tilespmem:v29+s1+$0x0], $0xffff;
	[tilespmem:s20+$0x30] =	vst @p0 v30  }
0x498: {  	s23 =	simm.s32 $0x71;
	[tilespmem:s18+$0xFFFFFFF0] =	vst v34  }
0x499: {  	s24 =	simm.s32 $0x11;
	v26 =	vadd.s32 s23, v0;
	[tilespmem:s18+$0x20] =	vst v27  }
0x49a: {  	v26 =	vand.u32 $0xFFF, v26;
	[tilespmem:s18+$0x30] =	vst v28;
	v27 =	vadd.s32 s24, v8  }
0x49b: {  	s19 =	simm.s32 $0x1;
	v26 =	vor.u32 $0x1000, v26;
	[tilespmem:s18+$0x0] =	vst v31  }
0x49c: {  	s21 =	simm.s32 $0x31;
	v28 =	vadd.s32 s19, v8;
	[tilespmem:s18+$0x10] =	vst v29  }
0x49d: {  	s23 =	simm.s32 $0x51;
	s20 =	simm.s32 $0x21;
	v30 =	vadd.s32 s21, v8;
	s25 =	rddreg [dreg:$0x14]  }
0x49e: {  	v61 =	vadd.s32 s23, v8;
	[hbm4b:s25+s7] =	stream.strided.scatter [tilespmem:s9], [sflag:$0x1], $0x1000, s8, s7, $0x38;
	[tilespmem:$0x1E280] =	vst v63  }
0x49f: {  	s22 =	simm.s32 $0x41;
	v29 =	vadd.s32 s20, v8;
	v27 =	vld.idx.msk [tilespmem:v27+s1+$0x0], $0xffff  }
0x4a0: {  	s24 =	simm.s32 $0x61;
	v31 =	vadd.s32 s22, v8;
	v26 =	vld.idx.msk [tilespmem:v26+s1+$0x0], $0xffff  }
0x4a1: {  	s19 =	simm.s32 $0x91;
	v62 =	vadd.s32 s24, v8;
	s25 =	simm.s32 $0xF1;
	v36 =	vld.idx.msk [tilespmem:v28+s1+$0x0], $0xffff  }
0x4a2: {  	v63 =	vadd.s32 s19, v8;
	s20 =	simm.s32 $0x81;
	v28 =	vadd.s32 s25, v0;
	v39 =	vld.idx.msk [tilespmem:v30+s1+$0x0], $0xffff  }
0x4a3: {  	v40 =	vadd.s32 s20, v8;
	v33 =	vld.idx.msk [tilespmem:v61+s1+$0x0], $0xffff;
	v28 =	vand.u32 $0xFFF, v28  }
0x4a4: {  	s17 =	simm.s32 $0x11070;
	s21 =	simm.s32 $0xA1;
	v37 =	vld.idx.msk [tilespmem:v29+s1+$0x0], $0xffff;
	v30 =	vor.u32 $0x1000, v28  }
0x4a5: {  	s22 =	simm.s32 $0xB1;
	v34 =	vld.idx.msk [tilespmem:v31+s1+$0x0], $0xffff;
	v29 =	vadd.s32 s21, v8;
	[tilespmem:s17+$0x0] =	vst v26  }
0x4a6: {  	s23 =	simm.s32 $0xC1;
	v32 =	vadd.s32 s22, v8;
	v28 =	vld.idx.msk [tilespmem:v62+s1+$0x0], $0xffff;
	[tilespmem:s17+$0xFFFFFF90] =	vst v36  }
0x4a7: {  	s24 =	simm.s32 $0xD1;
	v26 =	vld.idx.msk [tilespmem:v63+s1+$0x0], $0xffff;
	[tilespmem:s17+$0xFFFFFFA0] =	vst v27;
	v27 =	vadd.s32 s23, v8  }
0x4a8: {  	s25 =	simm.s32 $0xE1;
	v31 =	vadd.s32 s24, v8;
	v36 =	vld.idx.msk [tilespmem:v40+s1+$0x0], $0xffff;
	[tilespmem:s17+$0xFFFFFFC0] =	vst v39  }
0x4a9: {  	s19 =	simm.s32 $0x171;
	s18 =	simm.s32 $0x8;
	v35 =	vld.idx.msk [tilespmem:v30+s1+$0x0], $0xffff;
	[tilespmem:s17+$0xFFFFFFB0] =	vst v37;
	v30 =	vadd.s32 s25, v8  }
.LBB2_62:
0x4aa: {  	s20 =	sadd.s32 $0xFFFFFFA0, s19;
	s21 =	sadd.s32 $0xFFFFFFB0, s19;
	v37 =	vadd.s32 s19, v0;
	s18 =	sadd.s32 $0x8, s18;
	v38 =	vld.idx.msk [tilespmem:v29+s1+$0x0], $0xffff;
	[tilespmem:s17+$0xFFFFFFD0] =	vst v34  }
0x4ab: {  	v39 =	vadd.s32 s20, v8;
	v29 =	vadd.s32 s21, v8;
	s20 =	sadd.s32 $0xFFFFFFC0, s19;
	s21 =	sadd.s32 $0xFFFFFFD0, s19;
	v34 =	vand.u32 $0xFFF, v37;
	p0 =	slt.u32 s18, $0xF8;
	v37 =	vld.idx.msk [tilespmem:v32+s1+$0x0], $0xffff;
	[tilespmem:s17+$0xFFFFFFE0] =	vst v33  }
0x4ac: {  	s22 =	sadd.s32 $0xFFFFFF90, s19;
	s23 =	sadd.s32 $0xFFFFFFF0, s19;
	v32 =	vadd.s32 s20, v8;
	s20 =	sadd.s32 $0xFFFFFFE0, s19;
	v40 =	vor.u32 $0x1000, v34;
	v34 =	vld.idx.msk [tilespmem:v27+s1+$0x0], $0xffff;
	v27 =	vadd.s32 s21, v8;
	[tilespmem:s17+$0xFFFFFFF0] =	vst v28  }
0x4ad: {  	v41 =	vadd.s32 s22, v8;
	v42 =	vadd.s32 s23, v8;
	s17 =	sadd.s32 $0x80, s17;
	v33 =	vld.idx.msk [tilespmem:v31+s1+$0x0], $0xffff;
	v31 =	vadd.s32 s20, v8  }
.Ltmp30:
0x4ae: {  	v28 =	vld.idx.msk [tilespmem:v30+s1+$0x0], $0xffff;
	[tilespmem:s17+$0x0] =	vst v35;
	v30 =	vmov v42;
	(pc) =	sbr.rel @p0 .LBB2_62-.Ltmp30, $4  }
0x4af: {  	[tilespmem:s17+$0xFFFFFF90] =	vst v36  }
0x4b0: {  	[tilespmem:s17+$0xFFFFFFA0] =	vst v26;
	v26 =	vld.idx.msk [tilespmem:v39+s1+$0x0], $0xffff  }
0x4b1: {  	v35 =	vld.idx.msk [tilespmem:v40+s1+$0x0], $0xffff;
	[tilespmem:s17+$0xFFFFFFB0] =	vst v38  }
0x4b2: {  	s19 =	sadd.s32 $0x80, s19;
	v36 =	vld.idx.msk [tilespmem:v41+s1+$0x0], $0xffff;
	[tilespmem:s17+$0xFFFFFFC0] =	vst v37  }
0x4b3: {  	_ =	sdelay $0x2  }
0x4b4: {  	[tilespmem:s17+$0xFFFFFFD0] =	vst v34  }
0x4b5: {  	v29 =	vld.idx.msk [tilespmem:v29+s1+$0x0], $0xffff;
	[tilespmem:s17+$0xFFFFFFE0] =	vst v33  }
0x4b6: {  	v32 =	vld.idx.msk [tilespmem:v32+s1+$0x0], $0xffff;
	[tilespmem:s17+$0xFFFFFFF0] =	vst v28;
	s19 =	sadd.s32 $0x80, s17  }
0x4b7: {  	v27 =	vld.idx.msk [tilespmem:v27+s1+$0x0], $0xffff;
	[tilespmem:s19+$0xFFFFFFA0] =	vst v26  }
0x4b8: {  	v28 =	vld.idx.msk [tilespmem:v31+s1+$0x0], $0xffff;
	[tilespmem:s19+$0x0] =	vst v35  }
0x4b9: {  	v30 =	vld.idx.msk [tilespmem:v30+s1+$0x0], $0xffff;
	[tilespmem:s19+$0xFFFFFF90] =	vst v36  }
0x4ba: {  	[tilespmem:s19+$0xFFFFFFB0] =	vst v29  }
0x4bb: {  	[tilespmem:s19+$0xFFFFFFC0] =	vst v32  }
0x4bc: {  	[tilespmem:s19+$0xFFFFFFD0] =	vst v27  }
0x4bd: {  	s18 =	simm.s32 $0x72;
	[tilespmem:s19+$0xFFFFFFE0] =	vst v28  }
0x4be: {  	s20 =	simm.s32 $0x12;
	v26 =	vadd.s32 s18, v0;
	[tilespmem:s19+$0xFFFFFFF0] =	vst v30  }
0x4bf: {  	s22 =	simm.s32 $0x2;
	v26 =	vand.u32 $0xFFF, v26;
	v27 =	vadd.s32 s20, v9;
	s21 =	rddreg [dreg:$0x15]  }
0x4c0: {  	v26 =	vor.u32 $0x2000, v26;
	[hbm4b:s21+s7] =	stream.strided.scatter [tilespmem:s10], [sflag:$0x2], $0x1000, s8, s7, $0x38;
	[tilespmem:$0x1E280] =	vst v63  }
0x4c1: {  	s23 =	simm.s32 $0x22;
	v28 =	vadd.s32 s22, v9;
	_ =	swait.ge [sflag:s11], $0x1000  }
0x4c2: {  	s24 =	simm.s32 $0x32;
	v29 =	vadd.s32 s23, v9;
	[sflag:s11] =	ssyncset.done $0x0  }
0x4c3: {  	s25 =	simm.s32 $0x42;
	v30 =	vadd.s32 s24, v9;
	[sflag:s11] =	ssyncadd.s32 $0xFFFFF000  }
0x4c4: {  	v31 =	vadd.s32 s25, v9;
	s18 =	simm.s32 $0x52;
	v27 =	vld.idx.msk [tilespmem:v27+s1+$0x0], $0xffff  }
0x4c5: {  	v61 =	vadd.s32 s18, v9;
	s22 =	simm.s32 $0x82;
	v26 =	vld.idx.msk [tilespmem:v26+s1+$0x0], $0xffff  }
0x4c6: {  	s19 =	simm.s32 $0x62;
	s20 =	simm.s32 $0xF2;
	v40 =	vadd.s32 s22, v9;
	v63 =	vld.idx.msk [tilespmem:v28+s1+$0x0], $0xffff  }
0x4c7: {  	v62 =	vadd.s32 s19, v9;
	s21 =	simm.s32 $0x92;
	v28 =	vadd.s32 s20, v0;
	v37 =	vld.idx.msk [tilespmem:v29+s1+$0x0], $0xffff  }
0x4c8: {  	v38 =	vadd.s32 s21, v9;
	v39 =	vld.idx.msk [tilespmem:v30+s1+$0x0], $0xffff;
	v28 =	vand.u32 $0xFFF, v28  }
0x4c9: {  	s17 =	simm.s32 $0x10040;
	s23 =	simm.s32 $0xA2;
	v34 =	vld.idx.msk [tilespmem:v31+s1+$0x0], $0xffff;
	v30 =	vor.u32 $0x2000, v28  }
0x4ca: {  	s24 =	simm.s32 $0xB2;
	v33 =	vld.idx.msk [tilespmem:v61+s1+$0x0], $0xffff;
	v29 =	vadd.s32 s23, v9;
	[tilespmem:s17+$0x30] =	vst v26  }
0x4cb: {  	s19 =	simm.s32 $0xC2;
	v32 =	vadd.s32 s24, v9;
	v36 =	vld.idx.msk [tilespmem:v40+s1+$0x0], $0xffff;
	[tilespmem:s17+$0xFFFFFFC0] =	vst v63  }
0x4cc: {  	s25 =	simm.s32 $0xD2;
	v28 =	vld.idx.msk [tilespmem:v62+s1+$0x0], $0xffff;
	[tilespmem:s17+$0xFFFFFFD0] =	vst v27;
	v27 =	vadd.s32 s19, v9  }
0x4cd: {  	s20 =	simm.s32 $0xE2;
	v31 =	vadd.s32 s25, v9;
	v26 =	vld.idx.msk [tilespmem:v38+s1+$0x0], $0xffff;
	[tilespmem:s17+$0xFFFFFFE0] =	vst v37  }
0x4ce: {  	s18 =	simm.s32 $0x8;
	s19 =	simm.s32 $0x172;
	[tilespmem:s17+$0xFFFFFFF0] =	vst v39;
	v35 =	vld.idx.msk [tilespmem:v30+s1+$0x0], $0xffff;
	v30 =	vadd.s32 s20, v9  }
.LBB2_64:
0x4cf: {  	s20 =	sadd.s32 $0xFFFFFFA0, s19;
	s21 =	sadd.s32 $0xFFFFFFB0, s19;
	v37 =	vadd.s32 s19, v0;
	s18 =	sadd.s32 $0x8, s18;
	v38 =	vld.idx.msk [tilespmem:v29+s1+$0x0], $0xffff;
	[tilespmem:s17+$0x0] =	vst v34  }
0x4d0: {  	v39 =	vadd.s32 s20, v9;
	v29 =	vadd.s32 s21, v9;
	s20 =	sadd.s32 $0xFFFFFFC0, s19;
	s21 =	sadd.s32 $0xFFFFFFD0, s19;
	v34 =	vand.u32 $0xFFF, v37;
	p0 =	slt.u32 s18, $0xF8;
	v37 =	vld.idx.msk [tilespmem:v32+s1+$0x0], $0xffff;
	[tilespmem:s17+$0x10] =	vst v33  }
0x4d1: {  	s22 =	sadd.s32 $0xFFFFFF90, s19;
	s23 =	sadd.s32 $0xFFFFFFF0, s19;
	v32 =	vadd.s32 s20, v9;
	s20 =	sadd.s32 $0xFFFFFFE0, s19;
	v40 =	vor.u32 $0x2000, v34;
	v34 =	vld.idx.msk [tilespmem:v27+s1+$0x0], $0xffff;
	v27 =	vadd.s32 s21, v9;
	[tilespmem:s17+$0x20] =	vst v28  }
0x4d2: {  	v41 =	vadd.s32 s22, v9;
	v42 =	vadd.s32 s23, v9;
	s17 =	sadd.s32 $0x80, s17;
	v33 =	vld.idx.msk [tilespmem:v31+s1+$0x0], $0xffff;
	v31 =	vadd.s32 s20, v9  }
.Ltmp31:
0x4d3: {  	v28 =	vld.idx.msk [tilespmem:v30+s1+$0x0], $0xffff;
	[tilespmem:s17+$0x30] =	vst v35;
	v30 =	vmov v42;
	(pc) =	sbr.rel @p0 .LBB2_64-.Ltmp31, $4  }
0x4d4: {  	[tilespmem:s17+$0xFFFFFFC0] =	vst v36  }
0x4d5: {  	[tilespmem:s17+$0xFFFFFFD0] =	vst v26;
	v26 =	vld.idx.msk [tilespmem:v39+s1+$0x0], $0xffff  }
0x4d6: {  	v35 =	vld.idx.msk [tilespmem:v40+s1+$0x0], $0xffff;
	[tilespmem:s17+$0xFFFFFFE0] =	vst v38  }
0x4d7: {  	s19 =	sadd.s32 $0x80, s19;
	v36 =	vld.idx.msk [tilespmem:v41+s1+$0x0], $0xffff;
	[tilespmem:s17+$0xFFFFFFF0] =	vst v37  }
0x4d8: {  	_ =	sdelay $0x2  }
0x4d9: {  	[tilespmem:s17+$0x0] =	vst v34  }
0x4da: {  	v29 =	vld.idx.msk [tilespmem:v29+s1+$0x0], $0xffff;
	[tilespmem:s17+$0x10] =	vst v33  }
0x4db: {  	v32 =	vld.idx.msk [tilespmem:v32+s1+$0x0], $0xffff;
	[tilespmem:s17+$0x20] =	vst v28;
	s19 =	sadd.s32 $0x80, s17  }
0x4dc: {  	v27 =	vld.idx.msk [tilespmem:v27+s1+$0x0], $0xffff;
	[tilespmem:s19+$0xFFFFFFD0] =	vst v26  }
0x4dd: {  	v28 =	vld.idx.msk [tilespmem:v31+s1+$0x0], $0xffff;
	[tilespmem:s19+$0x30] =	vst v35  }
0x4de: {  	v30 =	vld.idx.msk [tilespmem:v30+s1+$0x0], $0xffff;
	[tilespmem:s19+$0xFFFFFFC0] =	vst v36  }
0x4df: {  	[tilespmem:s19+$0xFFFFFFE0] =	vst v29  }
0x4e0: {  	[tilespmem:s19+$0xFFFFFFF0] =	vst v32  }
0x4e1: {  	[tilespmem:s19+$0x0] =	vst v27  }
0x4e2: {  	s18 =	simm.s32 $0x73;
	[tilespmem:s19+$0x10] =	vst v28  }
0x4e3: {  	s20 =	simm.s32 $0x13;
	v26 =	vadd.s32 s18, v0;
	[tilespmem:s19+$0x20] =	vst v30  }
0x4e4: {  	s22 =	simm.s32 $0x3;
	v26 =	vand.u32 $0xFFF, v26;
	v27 =	vadd.s32 s20, v10;
	s21 =	rddreg [dreg:$0x16]  }
0x4e5: {  	v26 =	vor.u32 $0x3000, v26;
	[hbm4b:s21+s7] =	stream.strided.scatter [tilespmem:s9], [sflag:$0x1], $0x1000, s8, s7, $0x38;
	[tilespmem:$0x1E280] =	vst v63  }
0x4e6: {  	s23 =	simm.s32 $0x23;
	v28 =	vadd.s32 s22, v10;
	_ =	swait.ge [sflag:s12], $0x1000  }
0x4e7: {  	s24 =	simm.s32 $0x33;
	v29 =	vadd.s32 s23, v10;
	[sflag:s12] =	ssyncset.done $0x0  }
0x4e8: {  	s25 =	simm.s32 $0x43;
	v30 =	vadd.s32 s24, v10;
	[sflag:s12] =	ssyncadd.s32 $0xFFFFF000  }
0x4e9: {  	v31 =	vadd.s32 s25, v10;
	s18 =	simm.s32 $0x53;
	v27 =	vld.idx.msk [tilespmem:v27+s1+$0x0], $0xffff  }
0x4ea: {  	v61 =	vadd.s32 s18, v10;
	s22 =	simm.s32 $0x83;
	v26 =	vld.idx.msk [tilespmem:v26+s1+$0x0], $0xffff  }
0x4eb: {  	s19 =	simm.s32 $0x63;
	s20 =	simm.s32 $0xF3;
	v40 =	vadd.s32 s22, v10;
	v63 =	vld.idx.msk [tilespmem:v28+s1+$0x0], $0xffff  }
0x4ec: {  	v62 =	vadd.s32 s19, v10;
	s21 =	simm.s32 $0x93;
	v28 =	vadd.s32 s20, v0;
	v37 =	vld.idx.msk [tilespmem:v29+s1+$0x0], $0xffff  }
0x4ed: {  	v38 =	vadd.s32 s21, v10;
	v39 =	vld.idx.msk [tilespmem:v30+s1+$0x0], $0xffff;
	v28 =	vand.u32 $0xFFF, v28  }
0x4ee: {  	s17 =	simm.s32 $0x11070;
	s23 =	simm.s32 $0xA3;
	v34 =	vld.idx.msk [tilespmem:v31+s1+$0x0], $0xffff;
	v30 =	vor.u32 $0x3000, v28  }
0x4ef: {  	s24 =	simm.s32 $0xB3;
	v33 =	vld.idx.msk [tilespmem:v61+s1+$0x0], $0xffff;
	v29 =	vadd.s32 s23, v10;
	[tilespmem:s17+$0x0] =	vst v26  }
0x4f0: {  	s19 =	simm.s32 $0xC3;
	v32 =	vadd.s32 s24, v10;
	v36 =	vld.idx.msk [tilespmem:v40+s1+$0x0], $0xffff;
	[tilespmem:s17+$0xFFFFFF90] =	vst v63  }
0x4f1: {  	s25 =	simm.s32 $0xD3;
	v28 =	vld.idx.msk [tilespmem:v62+s1+$0x0], $0xffff;
	[tilespmem:s17+$0xFFFFFFA0] =	vst v27;
	v27 =	vadd.s32 s19, v10  }
0x4f2: {  	s20 =	simm.s32 $0xE3;
	v31 =	vadd.s32 s25, v10;
	v26 =	vld.idx.msk [tilespmem:v38+s1+$0x0], $0xffff;
	[tilespmem:s17+$0xFFFFFFB0] =	vst v37  }
0x4f3: {  	s18 =	simm.s32 $0x8;
	s19 =	simm.s32 $0x173;
	[tilespmem:s17+$0xFFFFFFC0] =	vst v39;
	v35 =	vld.idx.msk [tilespmem:v30+s1+$0x0], $0xffff;
	v30 =	vadd.s32 s20, v10  }
.LBB2_66:
0x4f4: {  	s20 =	sadd.s32 $0xFFFFFFA0, s19;
	s21 =	sadd.s32 $0xFFFFFFB0, s19;
	v37 =	vadd.s32 s19, v0;
	s18 =	sadd.s32 $0x8, s18;
	v38 =	vld.idx.msk [tilespmem:v29+s1+$0x0], $0xffff;
	[tilespmem:s17+$0xFFFFFFD0] =	vst v34  }
0x4f5: {  	v39 =	vadd.s32 s20, v10;
	v29 =	vadd.s32 s21, v10;
	s20 =	sadd.s32 $0xFFFFFFC0, s19;
	s21 =	sadd.s32 $0xFFFFFFD0, s19;
	v34 =	vand.u32 $0xFFF, v37;
	p0 =	slt.u32 s18, $0xF8;
	v37 =	vld.idx.msk [tilespmem:v32+s1+$0x0], $0xffff;
	[tilespmem:s17+$0xFFFFFFE0] =	vst v33  }
0x4f6: {  	s22 =	sadd.s32 $0xFFFFFF90, s19;
	s23 =	sadd.s32 $0xFFFFFFF0, s19;
	v32 =	vadd.s32 s20, v10;
	s20 =	sadd.s32 $0xFFFFFFE0, s19;
	v40 =	vor.u32 $0x3000, v34;
	v34 =	vld.idx.msk [tilespmem:v27+s1+$0x0], $0xffff;
	v27 =	vadd.s32 s21, v10;
	[tilespmem:s17+$0xFFFFFFF0] =	vst v28  }
0x4f7: {  	v41 =	vadd.s32 s22, v10;
	v42 =	vadd.s32 s23, v10;
	s17 =	sadd.s32 $0x80, s17;
	v33 =	vld.idx.msk [tilespmem:v31+s1+$0x0], $0xffff;
	v31 =	vadd.s32 s20, v10  }
.Ltmp32:
0x4f8: {  	v28 =	vld.idx.msk [tilespmem:v30+s1+$0x0], $0xffff;
	[tilespmem:s17+$0x0] =	vst v35;
	v30 =	vmov v42;
	(pc) =	sbr.rel @p0 .LBB2_66-.Ltmp32, $4  }
0x4f9: {  	[tilespmem:s17+$0xFFFFFF90] =	vst v36  }
0x4fa: {  	[tilespmem:s17+$0xFFFFFFA0] =	vst v26;
	v26 =	vld.idx.msk [tilespmem:v39+s1+$0x0], $0xffff  }
0x4fb: {  	v35 =	vld.idx.msk [tilespmem:v40+s1+$0x0], $0xffff;
	[tilespmem:s17+$0xFFFFFFB0] =	vst v38  }
0x4fc: {  	s19 =	sadd.s32 $0x80, s19;
	v36 =	vld.idx.msk [tilespmem:v41+s1+$0x0], $0xffff;
	[tilespmem:s17+$0xFFFFFFC0] =	vst v37  }
0x4fd: {  	_ =	sdelay $0x2  }
0x4fe: {  	[tilespmem:s17+$0xFFFFFFD0] =	vst v34  }
0x4ff: {  	v29 =	vld.idx.msk [tilespmem:v29+s1+$0x0], $0xffff;
	[tilespmem:s17+$0xFFFFFFE0] =	vst v33  }
0x500: {  	v32 =	vld.idx.msk [tilespmem:v32+s1+$0x0], $0xffff;
	[tilespmem:s17+$0xFFFFFFF0] =	vst v28;
	s19 =	sadd.s32 $0x80, s17  }
0x501: {  	v27 =	vld.idx.msk [tilespmem:v27+s1+$0x0], $0xffff;
	[tilespmem:s19+$0xFFFFFFA0] =	vst v26  }
0x502: {  	v28 =	vld.idx.msk [tilespmem:v31+s1+$0x0], $0xffff;
	[tilespmem:s19+$0x0] =	vst v35  }
0x503: {  	v30 =	vld.idx.msk [tilespmem:v30+s1+$0x0], $0xffff;
	[tilespmem:s19+$0xFFFFFF90] =	vst v36  }
0x504: {  	[tilespmem:s19+$0xFFFFFFB0] =	vst v29  }
0x505: {  	[tilespmem:s19+$0xFFFFFFC0] =	vst v32  }
0x506: {  	[tilespmem:s19+$0xFFFFFFD0] =	vst v27  }
0x507: {  	s18 =	simm.s32 $0x74;
	[tilespmem:s19+$0xFFFFFFE0] =	vst v28  }
0x508: {  	s20 =	simm.s32 $0x14;
	v26 =	vadd.s32 s18, v0;
	[tilespmem:s19+$0xFFFFFFF0] =	vst v30  }
0x509: {  	s22 =	simm.s32 $0x4;
	v26 =	vand.u32 $0xFFF, v26;
	v27 =	vadd.s32 s20, v11;
	s21 =	rddreg [dreg:$0x17]  }
0x50a: {  	v26 =	vor.u32 $0x4000, v26;
	[hbm4b:s21+s7] =	stream.strided.scatter [tilespmem:s10], [sflag:$0x2], $0x1000, s8, s7, $0x38;
	[tilespmem:$0x1E280] =	vst v63  }
0x50b: {  	s23 =	simm.s32 $0x24;
	v28 =	vadd.s32 s22, v11;
	_ =	swait.ge [sflag:s11], $0x1000  }
0x50c: {  	s24 =	simm.s32 $0x34;
	v29 =	vadd.s32 s23, v11;
	[sflag:s11] =	ssyncset.done $0x0  }
0x50d: {  	s25 =	simm.s32 $0x44;
	v30 =	vadd.s32 s24, v11;
	[sflag:s11] =	ssyncadd.s32 $0xFFFFF000  }
0x50e: {  	v31 =	vadd.s32 s25, v11;
	s18 =	simm.s32 $0x54;
	v27 =	vld.idx.msk [tilespmem:v27+s1+$0x0], $0xffff  }
0x50f: {  	v61 =	vadd.s32 s18, v11;
	s22 =	simm.s32 $0x84;
	v26 =	vld.idx.msk [tilespmem:v26+s1+$0x0], $0xffff  }
0x510: {  	s19 =	simm.s32 $0x64;
	s20 =	simm.s32 $0xF4;
	v40 =	vadd.s32 s22, v11;
	v63 =	vld.idx.msk [tilespmem:v28+s1+$0x0], $0xffff  }
0x511: {  	v62 =	vadd.s32 s19, v11;
	s21 =	simm.s32 $0x94;
	v28 =	vadd.s32 s20, v0;
	v37 =	vld.idx.msk [tilespmem:v29+s1+$0x0], $0xffff  }
0x512: {  	v38 =	vadd.s32 s21, v11;
	v39 =	vld.idx.msk [tilespmem:v30+s1+$0x0], $0xffff;
	v28 =	vand.u32 $0xFFF, v28  }
0x513: {  	s17 =	simm.s32 $0x10040;
	s23 =	simm.s32 $0xA4;
	v34 =	vld.idx.msk [tilespmem:v31+s1+$0x0], $0xffff;
	v30 =	vor.u32 $0x4000, v28  }
0x514: {  	s24 =	simm.s32 $0xB4;
	v33 =	vld.idx.msk [tilespmem:v61+s1+$0x0], $0xffff;
	v29 =	vadd.s32 s23, v11;
	[tilespmem:s17+$0x30] =	vst v26  }
0x515: {  	s19 =	simm.s32 $0xC4;
	v32 =	vadd.s32 s24, v11;
	v36 =	vld.idx.msk [tilespmem:v40+s1+$0x0], $0xffff;
	[tilespmem:s17+$0xFFFFFFC0] =	vst v63  }
0x516: {  	s25 =	simm.s32 $0xD4;
	v28 =	vld.idx.msk [tilespmem:v62+s1+$0x0], $0xffff;
	[tilespmem:s17+$0xFFFFFFD0] =	vst v27;
	v27 =	vadd.s32 s19, v11  }
0x517: {  	s20 =	simm.s32 $0xE4;
	v31 =	vadd.s32 s25, v11;
	v26 =	vld.idx.msk [tilespmem:v38+s1+$0x0], $0xffff;
	[tilespmem:s17+$0xFFFFFFE0] =	vst v37  }
0x518: {  	s18 =	simm.s32 $0x8;
	s19 =	simm.s32 $0x174;
	[tilespmem:s17+$0xFFFFFFF0] =	vst v39;
	v35 =	vld.idx.msk [tilespmem:v30+s1+$0x0], $0xffff;
	v30 =	vadd.s32 s20, v11  }
.LBB2_68:
0x519: {  	s20 =	sadd.s32 $0xFFFFFFA0, s19;
	s21 =	sadd.s32 $0xFFFFFFB0, s19;
	v37 =	vadd.s32 s19, v0;
	s18 =	sadd.s32 $0x8, s18;
	v38 =	vld.idx.msk [tilespmem:v29+s1+$0x0], $0xffff;
	[tilespmem:s17+$0x0] =	vst v34  }
0x51a: {  	v39 =	vadd.s32 s20, v11;
	v29 =	vadd.s32 s21, v11;
	s20 =	sadd.s32 $0xFFFFFFC0, s19;
	s21 =	sadd.s32 $0xFFFFFFD0, s19;
	v34 =	vand.u32 $0xFFF, v37;
	p0 =	slt.u32 s18, $0xF8;
	v37 =	vld.idx.msk [tilespmem:v32+s1+$0x0], $0xffff;
	[tilespmem:s17+$0x10] =	vst v33  }
0x51b: {  	s22 =	sadd.s32 $0xFFFFFF90, s19;
	s23 =	sadd.s32 $0xFFFFFFF0, s19;
	v32 =	vadd.s32 s20, v11;
	s20 =	sadd.s32 $0xFFFFFFE0, s19;
	v40 =	vor.u32 $0x4000, v34;
	v34 =	vld.idx.msk [tilespmem:v27+s1+$0x0], $0xffff;
	v27 =	vadd.s32 s21, v11;
	[tilespmem:s17+$0x20] =	vst v28  }
0x51c: {  	v41 =	vadd.s32 s22, v11;
	v42 =	vadd.s32 s23, v11;
	s17 =	sadd.s32 $0x80, s17;
	v33 =	vld.idx.msk [tilespmem:v31+s1+$0x0], $0xffff;
	v31 =	vadd.s32 s20, v11  }
.Ltmp33:
0x51d: {  	v28 =	vld.idx.msk [tilespmem:v30+s1+$0x0], $0xffff;
	[tilespmem:s17+$0x30] =	vst v35;
	v30 =	vmov v42;
	(pc) =	sbr.rel @p0 .LBB2_68-.Ltmp33, $4  }
0x51e: {  	[tilespmem:s17+$0xFFFFFFC0] =	vst v36  }
0x51f: {  	[tilespmem:s17+$0xFFFFFFD0] =	vst v26;
	v26 =	vld.idx.msk [tilespmem:v39+s1+$0x0], $0xffff  }
0x520: {  	v35 =	vld.idx.msk [tilespmem:v40+s1+$0x0], $0xffff;
	[tilespmem:s17+$0xFFFFFFE0] =	vst v38  }
0x521: {  	s19 =	sadd.s32 $0x80, s19;
	v36 =	vld.idx.msk [tilespmem:v41+s1+$0x0], $0xffff;
	[tilespmem:s17+$0xFFFFFFF0] =	vst v37  }
0x522: {  	_ =	sdelay $0x2  }
0x523: {  	[tilespmem:s17+$0x0] =	vst v34  }
0x524: {  	v29 =	vld.idx.msk [tilespmem:v29+s1+$0x0], $0xffff;
	[tilespmem:s17+$0x10] =	vst v33  }
0x525: {  	v32 =	vld.idx.msk [tilespmem:v32+s1+$0x0], $0xffff;
	[tilespmem:s17+$0x20] =	vst v28;
	s19 =	sadd.s32 $0x80, s17  }
0x526: {  	v27 =	vld.idx.msk [tilespmem:v27+s1+$0x0], $0xffff;
	[tilespmem:s19+$0xFFFFFFD0] =	vst v26  }
0x527: {  	v28 =	vld.idx.msk [tilespmem:v31+s1+$0x0], $0xffff;
	[tilespmem:s19+$0x30] =	vst v35  }
0x528: {  	v30 =	vld.idx.msk [tilespmem:v30+s1+$0x0], $0xffff;
	[tilespmem:s19+$0xFFFFFFC0] =	vst v36  }
0x529: {  	[tilespmem:s19+$0xFFFFFFE0] =	vst v29  }
0x52a: {  	[tilespmem:s19+$0xFFFFFFF0] =	vst v32  }
0x52b: {  	[tilespmem:s19+$0x0] =	vst v27  }
0x52c: {  	s18 =	simm.s32 $0x75;
	[tilespmem:s19+$0x10] =	vst v28  }
0x52d: {  	s20 =	simm.s32 $0x15;
	v26 =	vadd.s32 s18, v0;
	[tilespmem:s19+$0x20] =	vst v30  }
0x52e: {  	s22 =	simm.s32 $0x5;
	v26 =	vand.u32 $0xFFF, v26;
	v27 =	vadd.s32 s20, v12;
	s21 =	rddreg [dreg:$0x18]  }
0x52f: {  	v26 =	vor.u32 $0x5000, v26;
	[hbm4b:s21+s7] =	stream.strided.scatter [tilespmem:s9], [sflag:$0x1], $0x1000, s8, s7, $0x38;
	[tilespmem:$0x1E280] =	vst v63  }
0x530: {  	s23 =	simm.s32 $0x25;
	v28 =	vadd.s32 s22, v12;
	_ =	swait.ge [sflag:s12], $0x1000  }
0x531: {  	s24 =	simm.s32 $0x35;
	v29 =	vadd.s32 s23, v12;
	[sflag:s12] =	ssyncset.done $0x0  }
0x532: {  	s25 =	simm.s32 $0x45;
	v30 =	vadd.s32 s24, v12;
	[sflag:s12] =	ssyncadd.s32 $0xFFFFF000  }
0x533: {  	v31 =	vadd.s32 s25, v12;
	s18 =	simm.s32 $0x55;
	v27 =	vld.idx.msk [tilespmem:v27+s1+$0x0], $0xffff  }
0x534: {  	v61 =	vadd.s32 s18, v12;
	s22 =	simm.s32 $0x85;
	v26 =	vld.idx.msk [tilespmem:v26+s1+$0x0], $0xffff  }
0x535: {  	s19 =	simm.s32 $0x65;
	s20 =	simm.s32 $0xF5;
	v40 =	vadd.s32 s22, v12;
	v63 =	vld.idx.msk [tilespmem:v28+s1+$0x0], $0xffff  }
0x536: {  	v62 =	vadd.s32 s19, v12;
	s21 =	simm.s32 $0x95;
	v28 =	vadd.s32 s20, v0;
	v37 =	vld.idx.msk [tilespmem:v29+s1+$0x0], $0xffff  }
0x537: {  	v38 =	vadd.s32 s21, v12;
	v39 =	vld.idx.msk [tilespmem:v30+s1+$0x0], $0xffff;
	v28 =	vand.u32 $0xFFF, v28  }
0x538: {  	s17 =	simm.s32 $0x11070;
	s23 =	simm.s32 $0xA5;
	v34 =	vld.idx.msk [tilespmem:v31+s1+$0x0], $0xffff;
	v30 =	vor.u32 $0x5000, v28  }
0x539: {  	s24 =	simm.s32 $0xB5;
	v33 =	vld.idx.msk [tilespmem:v61+s1+$0x0], $0xffff;
	v29 =	vadd.s32 s23, v12;
	[tilespmem:s17+$0x0] =	vst v26  }
0x53a: {  	s19 =	simm.s32 $0xC5;
	v32 =	vadd.s32 s24, v12;
	v36 =	vld.idx.msk [tilespmem:v40+s1+$0x0], $0xffff;
	[tilespmem:s17+$0xFFFFFF90] =	vst v63  }
0x53b: {  	s25 =	simm.s32 $0xD5;
	v28 =	vld.idx.msk [tilespmem:v62+s1+$0x0], $0xffff;
	[tilespmem:s17+$0xFFFFFFA0] =	vst v27;
	v27 =	vadd.s32 s19, v12  }
0x53c: {  	s20 =	simm.s32 $0xE5;
	v31 =	vadd.s32 s25, v12;
	v26 =	vld.idx.msk [tilespmem:v38+s1+$0x0], $0xffff;
	[tilespmem:s17+$0xFFFFFFB0] =	vst v37  }
0x53d: {  	s18 =	simm.s32 $0x8;
	s19 =	simm.s32 $0x175;
	[tilespmem:s17+$0xFFFFFFC0] =	vst v39;
	v35 =	vld.idx.msk [tilespmem:v30+s1+$0x0], $0xffff;
	v30 =	vadd.s32 s20, v12  }
.LBB2_70:
0x53e: {  	s20 =	sadd.s32 $0xFFFFFFA0, s19;
	s21 =	sadd.s32 $0xFFFFFFB0, s19;
	v37 =	vadd.s32 s19, v0;
	s18 =	sadd.s32 $0x8, s18;
	v38 =	vld.idx.msk [tilespmem:v29+s1+$0x0], $0xffff;
	[tilespmem:s17+$0xFFFFFFD0] =	vst v34  }
0x53f: {  	v39 =	vadd.s32 s20, v12;
	v29 =	vadd.s32 s21, v12;
	s20 =	sadd.s32 $0xFFFFFFC0, s19;
	s21 =	sadd.s32 $0xFFFFFFD0, s19;
	v34 =	vand.u32 $0xFFF, v37;
	p0 =	slt.u32 s18, $0xF8;
	v37 =	vld.idx.msk [tilespmem:v32+s1+$0x0], $0xffff;
	[tilespmem:s17+$0xFFFFFFE0] =	vst v33  }
0x540: {  	s22 =	sadd.s32 $0xFFFFFF90, s19;
	s23 =	sadd.s32 $0xFFFFFFF0, s19;
	v32 =	vadd.s32 s20, v12;
	s20 =	sadd.s32 $0xFFFFFFE0, s19;
	v40 =	vor.u32 $0x5000, v34;
	v34 =	vld.idx.msk [tilespmem:v27+s1+$0x0], $0xffff;
	v27 =	vadd.s32 s21, v12;
	[tilespmem:s17+$0xFFFFFFF0] =	vst v28  }
0x541: {  	v41 =	vadd.s32 s22, v12;
	v42 =	vadd.s32 s23, v12;
	s17 =	sadd.s32 $0x80, s17;
	v33 =	vld.idx.msk [tilespmem:v31+s1+$0x0], $0xffff;
	v31 =	vadd.s32 s20, v12  }
.Ltmp34:
0x542: {  	v28 =	vld.idx.msk [tilespmem:v30+s1+$0x0], $0xffff;
	[tilespmem:s17+$0x0] =	vst v35;
	v30 =	vmov v42;
	(pc) =	sbr.rel @p0 .LBB2_70-.Ltmp34, $4  }
0x543: {  	[tilespmem:s17+$0xFFFFFF90] =	vst v36  }
0x544: {  	[tilespmem:s17+$0xFFFFFFA0] =	vst v26;
	v26 =	vld.idx.msk [tilespmem:v39+s1+$0x0], $0xffff  }
0x545: {  	v35 =	vld.idx.msk [tilespmem:v40+s1+$0x0], $0xffff;
	[tilespmem:s17+$0xFFFFFFB0] =	vst v38  }
0x546: {  	s19 =	sadd.s32 $0x80, s19;
	v36 =	vld.idx.msk [tilespmem:v41+s1+$0x0], $0xffff;
	[tilespmem:s17+$0xFFFFFFC0] =	vst v37  }
0x547: {  	_ =	sdelay $0x2  }
0x548: {  	[tilespmem:s17+$0xFFFFFFD0] =	vst v34  }
0x549: {  	v29 =	vld.idx.msk [tilespmem:v29+s1+$0x0], $0xffff;
	[tilespmem:s17+$0xFFFFFFE0] =	vst v33  }
0x54a: {  	v32 =	vld.idx.msk [tilespmem:v32+s1+$0x0], $0xffff;
	[tilespmem:s17+$0xFFFFFFF0] =	vst v28;
	s19 =	sadd.s32 $0x80, s17  }
0x54b: {  	v27 =	vld.idx.msk [tilespmem:v27+s1+$0x0], $0xffff;
	[tilespmem:s19+$0xFFFFFFA0] =	vst v26  }
0x54c: {  	v28 =	vld.idx.msk [tilespmem:v31+s1+$0x0], $0xffff;
	[tilespmem:s19+$0x0] =	vst v35  }
0x54d: {  	v30 =	vld.idx.msk [tilespmem:v30+s1+$0x0], $0xffff;
	[tilespmem:s19+$0xFFFFFF90] =	vst v36  }
0x54e: {  	[tilespmem:s19+$0xFFFFFFB0] =	vst v29  }
0x54f: {  	[tilespmem:s19+$0xFFFFFFC0] =	vst v32  }
0x550: {  	[tilespmem:s19+$0xFFFFFFD0] =	vst v27  }
0x551: {  	s18 =	simm.s32 $0x76;
	[tilespmem:s19+$0xFFFFFFE0] =	vst v28  }
0x552: {  	s20 =	simm.s32 $0x16;
	v26 =	vadd.s32 s18, v0;
	[tilespmem:s19+$0xFFFFFFF0] =	vst v30  }
0x553: {  	s22 =	simm.s32 $0x6;
	v26 =	vand.u32 $0xFFF, v26;
	v27 =	vadd.s32 s20, v13;
	s21 =	rddreg [dreg:$0x19]  }
0x554: {  	v26 =	vor.u32 $0x6000, v26;
	[hbm4b:s21+s7] =	stream.strided.scatter [tilespmem:s10], [sflag:$0x2], $0x1000, s8, s7, $0x38;
	[tilespmem:$0x1E280] =	vst v63  }
0x555: {  	s23 =	simm.s32 $0x26;
	v28 =	vadd.s32 s22, v13;
	_ =	swait.ge [sflag:s11], $0x1000  }
0x556: {  	s24 =	simm.s32 $0x36;
	v29 =	vadd.s32 s23, v13;
	[sflag:s11] =	ssyncset.done $0x0  }
0x557: {  	s25 =	simm.s32 $0x46;
	v30 =	vadd.s32 s24, v13;
	[sflag:s11] =	ssyncadd.s32 $0xFFFFF000  }
0x558: {  	v31 =	vadd.s32 s25, v13;
	s18 =	simm.s32 $0x56;
	v27 =	vld.idx.msk [tilespmem:v27+s1+$0x0], $0xffff  }
0x559: {  	v61 =	vadd.s32 s18, v13;
	s22 =	simm.s32 $0x86;
	v26 =	vld.idx.msk [tilespmem:v26+s1+$0x0], $0xffff  }
0x55a: {  	s19 =	simm.s32 $0x66;
	s20 =	simm.s32 $0xF6;
	v40 =	vadd.s32 s22, v13;
	v63 =	vld.idx.msk [tilespmem:v28+s1+$0x0], $0xffff  }
0x55b: {  	v62 =	vadd.s32 s19, v13;
	s21 =	simm.s32 $0x96;
	v28 =	vadd.s32 s20, v0;
	v37 =	vld.idx.msk [tilespmem:v29+s1+$0x0], $0xffff  }
0x55c: {  	v38 =	vadd.s32 s21, v13;
	v39 =	vld.idx.msk [tilespmem:v30+s1+$0x0], $0xffff;
	v28 =	vand.u32 $0xFFF, v28  }
0x55d: {  	s17 =	simm.s32 $0x10040;
	s23 =	simm.s32 $0xA6;
	v34 =	vld.idx.msk [tilespmem:v31+s1+$0x0], $0xffff;
	v30 =	vor.u32 $0x6000, v28  }
0x55e: {  	s24 =	simm.s32 $0xB6;
	v33 =	vld.idx.msk [tilespmem:v61+s1+$0x0], $0xffff;
	v29 =	vadd.s32 s23, v13;
	[tilespmem:s17+$0x30] =	vst v26  }
0x55f: {  	s19 =	simm.s32 $0xC6;
	v32 =	vadd.s32 s24, v13;
	v36 =	vld.idx.msk [tilespmem:v40+s1+$0x0], $0xffff;
	[tilespmem:s17+$0xFFFFFFC0] =	vst v63  }
0x560: {  	s25 =	simm.s32 $0xD6;
	v28 =	vld.idx.msk [tilespmem:v62+s1+$0x0], $0xffff;
	[tilespmem:s17+$0xFFFFFFD0] =	vst v27;
	v27 =	vadd.s32 s19, v13  }
0x561: {  	s20 =	simm.s32 $0xE6;
	v31 =	vadd.s32 s25, v13;
	v26 =	vld.idx.msk [tilespmem:v38+s1+$0x0], $0xffff;
	[tilespmem:s17+$0xFFFFFFE0] =	vst v37  }
0x562: {  	s18 =	simm.s32 $0x8;
	s19 =	simm.s32 $0x176;
	[tilespmem:s17+$0xFFFFFFF0] =	vst v39;
	v35 =	vld.idx.msk [tilespmem:v30+s1+$0x0], $0xffff;
	v30 =	vadd.s32 s20, v13  }
.LBB2_72:
0x563: {  	s20 =	sadd.s32 $0xFFFFFFA0, s19;
	s21 =	sadd.s32 $0xFFFFFFB0, s19;
	v37 =	vadd.s32 s19, v0;
	s18 =	sadd.s32 $0x8, s18;
	v38 =	vld.idx.msk [tilespmem:v29+s1+$0x0], $0xffff;
	[tilespmem:s17+$0x0] =	vst v34  }
0x564: {  	v39 =	vadd.s32 s20, v13;
	v29 =	vadd.s32 s21, v13;
	s20 =	sadd.s32 $0xFFFFFFC0, s19;
	s21 =	sadd.s32 $0xFFFFFFD0, s19;
	v34 =	vand.u32 $0xFFF, v37;
	p0 =	slt.u32 s18, $0xF8;
	v37 =	vld.idx.msk [tilespmem:v32+s1+$0x0], $0xffff;
	[tilespmem:s17+$0x10] =	vst v33  }
0x565: {  	s22 =	sadd.s32 $0xFFFFFF90, s19;
	s23 =	sadd.s32 $0xFFFFFFF0, s19;
	v32 =	vadd.s32 s20, v13;
	s20 =	sadd.s32 $0xFFFFFFE0, s19;
	v40 =	vor.u32 $0x6000, v34;
	v34 =	vld.idx.msk [tilespmem:v27+s1+$0x0], $0xffff;
	v27 =	vadd.s32 s21, v13;
	[tilespmem:s17+$0x20] =	vst v28  }
0x566: {  	v41 =	vadd.s32 s22, v13;
	v42 =	vadd.s32 s23, v13;
	s17 =	sadd.s32 $0x80, s17;
	v33 =	vld.idx.msk [tilespmem:v31+s1+$0x0], $0xffff;
	v31 =	vadd.s32 s20, v13  }
.Ltmp35:
0x567: {  	v28 =	vld.idx.msk [tilespmem:v30+s1+$0x0], $0xffff;
	[tilespmem:s17+$0x30] =	vst v35;
	v30 =	vmov v42;
	(pc) =	sbr.rel @p0 .LBB2_72-.Ltmp35, $4  }
0x568: {  	[tilespmem:s17+$0xFFFFFFC0] =	vst v36  }
0x569: {  	[tilespmem:s17+$0xFFFFFFD0] =	vst v26;
	v26 =	vld.idx.msk [tilespmem:v39+s1+$0x0], $0xffff  }
0x56a: {  	v35 =	vld.idx.msk [tilespmem:v40+s1+$0x0], $0xffff;
	[tilespmem:s17+$0xFFFFFFE0] =	vst v38  }
0x56b: {  	s19 =	sadd.s32 $0x80, s19;
	v36 =	vld.idx.msk [tilespmem:v41+s1+$0x0], $0xffff;
	[tilespmem:s17+$0xFFFFFFF0] =	vst v37  }
0x56c: {  	_ =	sdelay $0x2  }
0x56d: {  	[tilespmem:s17+$0x0] =	vst v34  }
0x56e: {  	v29 =	vld.idx.msk [tilespmem:v29+s1+$0x0], $0xffff;
	[tilespmem:s17+$0x10] =	vst v33  }
0x56f: {  	v32 =	vld.idx.msk [tilespmem:v32+s1+$0x0], $0xffff;
	[tilespmem:s17+$0x20] =	vst v28;
	s19 =	sadd.s32 $0x80, s17  }
0x570: {  	v27 =	vld.idx.msk [tilespmem:v27+s1+$0x0], $0xffff;
	[tilespmem:s19+$0xFFFFFFD0] =	vst v26  }
0x571: {  	v28 =	vld.idx.msk [tilespmem:v31+s1+$0x0], $0xffff;
	[tilespmem:s19+$0x30] =	vst v35  }
0x572: {  	v30 =	vld.idx.msk [tilespmem:v30+s1+$0x0], $0xffff;
	[tilespmem:s19+$0xFFFFFFC0] =	vst v36  }
0x573: {  	[tilespmem:s19+$0xFFFFFFE0] =	vst v29  }
0x574: {  	[tilespmem:s19+$0xFFFFFFF0] =	vst v32  }
0x575: {  	[tilespmem:s19+$0x0] =	vst v27  }
0x576: {  	s18 =	simm.s32 $0x77;
	[tilespmem:s19+$0x10] =	vst v28  }
0x577: {  	s20 =	simm.s32 $0x17;
	v26 =	vadd.s32 s18, v0;
	[tilespmem:s19+$0x20] =	vst v30  }
0x578: {  	s22 =	simm.s32 $0x7;
	v26 =	vand.u32 $0xFFF, v26;
	v27 =	vadd.s32 s20, v14;
	s21 =	rddreg [dreg:$0x1a]  }
0x579: {  	v26 =	vor.u32 $0x7000, v26;
	[hbm4b:s21+s7] =	stream.strided.scatter [tilespmem:s9], [sflag:$0x1], $0x1000, s8, s7, $0x38;
	[tilespmem:$0x1E280] =	vst v63  }
0x57a: {  	s23 =	simm.s32 $0x27;
	v28 =	vadd.s32 s22, v14;
	_ =	swait.ge [sflag:s12], $0x1000  }
0x57b: {  	s24 =	simm.s32 $0x37;
	v29 =	vadd.s32 s23, v14;
	[sflag:s12] =	ssyncset.done $0x0  }
0x57c: {  	s25 =	simm.s32 $0x47;
	v30 =	vadd.s32 s24, v14;
	[sflag:s12] =	ssyncadd.s32 $0xFFFFF000  }
0x57d: {  	v31 =	vadd.s32 s25, v14;
	s18 =	simm.s32 $0x57;
	v27 =	vld.idx.msk [tilespmem:v27+s1+$0x0], $0xffff  }
0x57e: {  	v61 =	vadd.s32 s18, v14;
	s22 =	simm.s32 $0x87;
	v26 =	vld.idx.msk [tilespmem:v26+s1+$0x0], $0xffff  }
0x57f: {  	s19 =	simm.s32 $0x67;
	s20 =	simm.s32 $0xF7;
	v40 =	vadd.s32 s22, v14;
	v63 =	vld.idx.msk [tilespmem:v28+s1+$0x0], $0xffff  }
0x580: {  	v62 =	vadd.s32 s19, v14;
	s21 =	simm.s32 $0x97;
	v28 =	vadd.s32 s20, v0;
	v37 =	vld.idx.msk [tilespmem:v29+s1+$0x0], $0xffff  }
0x581: {  	v38 =	vadd.s32 s21, v14;
	v39 =	vld.idx.msk [tilespmem:v30+s1+$0x0], $0xffff;
	v28 =	vand.u32 $0xFFF, v28  }
0x582: {  	s17 =	simm.s32 $0x11070;
	s23 =	simm.s32 $0xA7;
	v34 =	vld.idx.msk [tilespmem:v31+s1+$0x0], $0xffff;
	v30 =	vor.u32 $0x7000, v28  }
0x583: {  	s24 =	simm.s32 $0xB7;
	v33 =	vld.idx.msk [tilespmem:v61+s1+$0x0], $0xffff;
	v29 =	vadd.s32 s23, v14;
	[tilespmem:s17+$0x0] =	vst v26  }
0x584: {  	s19 =	simm.s32 $0xC7;
	v32 =	vadd.s32 s24, v14;
	v36 =	vld.idx.msk [tilespmem:v40+s1+$0x0], $0xffff;
	[tilespmem:s17+$0xFFFFFF90] =	vst v63  }
0x585: {  	s25 =	simm.s32 $0xD7;
	v28 =	vld.idx.msk [tilespmem:v62+s1+$0x0], $0xffff;
	[tilespmem:s17+$0xFFFFFFA0] =	vst v27;
	v27 =	vadd.s32 s19, v14  }
0x586: {  	s20 =	simm.s32 $0xE7;
	v31 =	vadd.s32 s25, v14;
	v26 =	vld.idx.msk [tilespmem:v38+s1+$0x0], $0xffff;
	[tilespmem:s17+$0xFFFFFFB0] =	vst v37  }
0x587: {  	s18 =	simm.s32 $0x8;
	s19 =	simm.s32 $0x177;
	[tilespmem:s17+$0xFFFFFFC0] =	vst v39;
	v35 =	vld.idx.msk [tilespmem:v30+s1+$0x0], $0xffff;
	v30 =	vadd.s32 s20, v14  }
.LBB2_74:
0x588: {  	s20 =	sadd.s32 $0xFFFFFFA0, s19;
	s21 =	sadd.s32 $0xFFFFFFB0, s19;
	v37 =	vadd.s32 s19, v0;
	s18 =	sadd.s32 $0x8, s18;
	v38 =	vld.idx.msk [tilespmem:v29+s1+$0x0], $0xffff;
	[tilespmem:s17+$0xFFFFFFD0] =	vst v34  }
0x589: {  	v39 =	vadd.s32 s20, v14;
	v29 =	vadd.s32 s21, v14;
	s20 =	sadd.s32 $0xFFFFFFC0, s19;
	s21 =	sadd.s32 $0xFFFFFFD0, s19;
	v34 =	vand.u32 $0xFFF, v37;
	p0 =	slt.u32 s18, $0xF8;
	v37 =	vld.idx.msk [tilespmem:v32+s1+$0x0], $0xffff;
	[tilespmem:s17+$0xFFFFFFE0] =	vst v33  }
0x58a: {  	s22 =	sadd.s32 $0xFFFFFF90, s19;
	s23 =	sadd.s32 $0xFFFFFFF0, s19;
	v32 =	vadd.s32 s20, v14;
	s20 =	sadd.s32 $0xFFFFFFE0, s19;
	v40 =	vor.u32 $0x7000, v34;
	v34 =	vld.idx.msk [tilespmem:v27+s1+$0x0], $0xffff;
	v27 =	vadd.s32 s21, v14;
	[tilespmem:s17+$0xFFFFFFF0] =	vst v28  }
0x58b: {  	v41 =	vadd.s32 s22, v14;
	v42 =	vadd.s32 s23, v14;
	s17 =	sadd.s32 $0x80, s17;
	v33 =	vld.idx.msk [tilespmem:v31+s1+$0x0], $0xffff;
	v31 =	vadd.s32 s20, v14  }
.Ltmp36:
0x58c: {  	v28 =	vld.idx.msk [tilespmem:v30+s1+$0x0], $0xffff;
	[tilespmem:s17+$0x0] =	vst v35;
	v30 =	vmov v42;
	(pc) =	sbr.rel @p0 .LBB2_74-.Ltmp36, $4  }
0x58d: {  	[tilespmem:s17+$0xFFFFFF90] =	vst v36  }
0x58e: {  	[tilespmem:s17+$0xFFFFFFA0] =	vst v26;
	v26 =	vld.idx.msk [tilespmem:v39+s1+$0x0], $0xffff  }
0x58f: {  	v35 =	vld.idx.msk [tilespmem:v40+s1+$0x0], $0xffff;
	[tilespmem:s17+$0xFFFFFFB0] =	vst v38  }
0x590: {  	s19 =	sadd.s32 $0x80, s19;
	v36 =	vld.idx.msk [tilespmem:v41+s1+$0x0], $0xffff;
	[tilespmem:s17+$0xFFFFFFC0] =	vst v37  }
0x591: {  	_ =	sdelay $0x2  }
0x592: {  	[tilespmem:s17+$0xFFFFFFD0] =	vst v34  }
0x593: {  	v29 =	vld.idx.msk [tilespmem:v29+s1+$0x0], $0xffff;
	[tilespmem:s17+$0xFFFFFFE0] =	vst v33  }
0x594: {  	v32 =	vld.idx.msk [tilespmem:v32+s1+$0x0], $0xffff;
	[tilespmem:s17+$0xFFFFFFF0] =	vst v28;
	s20 =	sadd.s32 $0x80, s17  }
0x595: {  	v27 =	vld.idx.msk [tilespmem:v27+s1+$0x0], $0xffff;
	[tilespmem:s20+$0xFFFFFFA0] =	vst v26  }
0x596: {  	v28 =	vld.idx.msk [tilespmem:v31+s1+$0x0], $0xffff;
	[tilespmem:s20+$0x0] =	vst v35  }
0x597: {  	v30 =	vld.idx.msk [tilespmem:v30+s1+$0x0], $0xffff;
	[tilespmem:s20+$0xFFFFFF90] =	vst v36  }
0x598: {  	[tilespmem:s20+$0xFFFFFFB0] =	vst v29  }
0x599: {  	[tilespmem:s20+$0xFFFFFFC0] =	vst v32  }
0x59a: {  	s18 =	simm.s32 $0x78;
	[tilespmem:s20+$0xFFFFFFD0] =	vst v27  }
0x59b: {  	s21 =	simm.s32 $0x18;
	v26 =	vadd.s32 s18, v0;
	[tilespmem:s20+$0xFFFFFFE0] =	vst v28  }
0x59c: {  	s22 =	simm.s32 $0x8;
	v26 =	vand.u32 $0xFFF, v26;
	[tilespmem:s20+$0xFFFFFFF0] =	vst v30;
	v27 =	vadd.s32 s21, v15  }
0x59d: {  	v26 =	vor.u32 $0x8000, v26;
	[hbm4b:s26+s7] =	stream.strided.scatter [tilespmem:s10], [sflag:$0x2], $0x1000, s8, s7, $0x38;
	[tilespmem:$0x1E280] =	vst v63  }
0x59e: {  	s23 =	simm.s32 $0x28;
	v28 =	vadd.s32 s22, v15;
	_ =	swait.ge [sflag:s11], $0x1000  }
0x59f: {  	s24 =	simm.s32 $0x38;
	v29 =	vadd.s32 s23, v15;
	[sflag:s11] =	ssyncset.done $0x0  }
0x5a0: {  	s25 =	simm.s32 $0x48;
	v30 =	vadd.s32 s24, v15;
	[sflag:s11] =	ssyncadd.s32 $0xFFFFF000  }
0x5a1: {  	v31 =	vadd.s32 s25, v15;
	s18 =	simm.s32 $0x58;
	v27 =	vld.idx.msk [tilespmem:v27+s1+$0x0], $0xffff  }
0x5a2: {  	v61 =	vadd.s32 s18, v15;
	s22 =	simm.s32 $0x88;
	v26 =	vld.idx.msk [tilespmem:v26+s1+$0x0], $0xffff  }
0x5a3: {  	s19 =	simm.s32 $0x68;
	s20 =	simm.s32 $0xF8;
	v40 =	vadd.s32 s22, v15;
	v63 =	vld.idx.msk [tilespmem:v28+s1+$0x0], $0xffff  }
0x5a4: {  	v62 =	vadd.s32 s19, v15;
	s21 =	simm.s32 $0x98;
	v28 =	vadd.s32 s20, v0;
	v37 =	vld.idx.msk [tilespmem:v29+s1+$0x0], $0xffff  }
0x5a5: {  	v38 =	vadd.s32 s21, v15;
	v39 =	vld.idx.msk [tilespmem:v30+s1+$0x0], $0xffff;
	v28 =	vand.u32 $0xFFF, v28  }
0x5a6: {  	s17 =	simm.s32 $0x10040;
	s23 =	simm.s32 $0xA8;
	v34 =	vld.idx.msk [tilespmem:v31+s1+$0x0], $0xffff;
	v30 =	vor.u32 $0x8000, v28  }
0x5a7: {  	s24 =	simm.s32 $0xB8;
	v33 =	vld.idx.msk [tilespmem:v61+s1+$0x0], $0xffff;
	v29 =	vadd.s32 s23, v15;
	[tilespmem:s17+$0x30] =	vst v26  }
0x5a8: {  	s19 =	simm.s32 $0xC8;
	v32 =	vadd.s32 s24, v15;
	v36 =	vld.idx.msk [tilespmem:v40+s1+$0x0], $0xffff;
	[tilespmem:s17+$0xFFFFFFC0] =	vst v63  }
0x5a9: {  	s25 =	simm.s32 $0xD8;
	v28 =	vld.idx.msk [tilespmem:v62+s1+$0x0], $0xffff;
	[tilespmem:s17+$0xFFFFFFD0] =	vst v27;
	v27 =	vadd.s32 s19, v15  }
0x5aa: {  	s20 =	simm.s32 $0xE8;
	v31 =	vadd.s32 s25, v15;
	v26 =	vld.idx.msk [tilespmem:v38+s1+$0x0], $0xffff;
	[tilespmem:s17+$0xFFFFFFE0] =	vst v37  }
0x5ab: {  	s18 =	simm.s32 $0x8;
	s19 =	simm.s32 $0x178;
	[tilespmem:s17+$0xFFFFFFF0] =	vst v39;
	v35 =	vld.idx.msk [tilespmem:v30+s1+$0x0], $0xffff;
	v30 =	vadd.s32 s20, v15  }
.LBB2_76:
0x5ac: {  	s20 =	sadd.s32 $0xFFFFFFA0, s19;
	s21 =	sadd.s32 $0xFFFFFFB0, s19;
	v37 =	vadd.s32 s19, v0;
	s18 =	sadd.s32 $0x8, s18;
	v38 =	vld.idx.msk [tilespmem:v29+s1+$0x0], $0xffff;
	[tilespmem:s17+$0x0] =	vst v34  }
0x5ad: {  	v39 =	vadd.s32 s20, v15;
	v29 =	vadd.s32 s21, v15;
	s20 =	sadd.s32 $0xFFFFFFC0, s19;
	s21 =	sadd.s32 $0xFFFFFFD0, s19;
	v34 =	vand.u32 $0xFFF, v37;
	p0 =	slt.u32 s18, $0xF8;
	v37 =	vld.idx.msk [tilespmem:v32+s1+$0x0], $0xffff;
	[tilespmem:s17+$0x10] =	vst v33  }
0x5ae: {  	s22 =	sadd.s32 $0xFFFFFF90, s19;
	s23 =	sadd.s32 $0xFFFFFFF0, s19;
	v32 =	vadd.s32 s20, v15;
	s20 =	sadd.s32 $0xFFFFFFE0, s19;
	v40 =	vor.u32 $0x8000, v34;
	v34 =	vld.idx.msk [tilespmem:v27+s1+$0x0], $0xffff;
	v27 =	vadd.s32 s21, v15;
	[tilespmem:s17+$0x20] =	vst v28  }
0x5af: {  	v41 =	vadd.s32 s22, v15;
	v42 =	vadd.s32 s23, v15;
	s17 =	sadd.s32 $0x80, s17;
	v33 =	vld.idx.msk [tilespmem:v31+s1+$0x0], $0xffff;
	v31 =	vadd.s32 s20, v15  }
.Ltmp37:
0x5b0: {  	v28 =	vld.idx.msk [tilespmem:v30+s1+$0x0], $0xffff;
	[tilespmem:s17+$0x30] =	vst v35;
	v30 =	vmov v42;
	(pc) =	sbr.rel @p0 .LBB2_76-.Ltmp37, $4  }
0x5b1: {  	[tilespmem:s17+$0xFFFFFFC0] =	vst v36  }
0x5b2: {  	[tilespmem:s17+$0xFFFFFFD0] =	vst v26;
	v26 =	vld.idx.msk [tilespmem:v39+s1+$0x0], $0xffff  }
0x5b3: {  	v35 =	vld.idx.msk [tilespmem:v40+s1+$0x0], $0xffff;
	[tilespmem:s17+$0xFFFFFFE0] =	vst v38  }
0x5b4: {  	s19 =	sadd.s32 $0x80, s19;
	v36 =	vld.idx.msk [tilespmem:v41+s1+$0x0], $0xffff;
	[tilespmem:s17+$0xFFFFFFF0] =	vst v37  }
0x5b5: {  	_ =	sdelay $0x2  }
0x5b6: {  	[tilespmem:s17+$0x0] =	vst v34  }
0x5b7: {  	v29 =	vld.idx.msk [tilespmem:v29+s1+$0x0], $0xffff;
	[tilespmem:s17+$0x10] =	vst v33  }
0x5b8: {  	v32 =	vld.idx.msk [tilespmem:v32+s1+$0x0], $0xffff;
	[tilespmem:s17+$0x20] =	vst v28;
	s20 =	sadd.s32 $0x80, s17  }
0x5b9: {  	v27 =	vld.idx.msk [tilespmem:v27+s1+$0x0], $0xffff;
	[tilespmem:s20+$0xFFFFFFD0] =	vst v26  }
0x5ba: {  	v28 =	vld.idx.msk [tilespmem:v31+s1+$0x0], $0xffff;
	[tilespmem:s20+$0x30] =	vst v35  }
0x5bb: {  	v30 =	vld.idx.msk [tilespmem:v30+s1+$0x0], $0xffff;
	[tilespmem:s20+$0xFFFFFFC0] =	vst v36  }
0x5bc: {  	[tilespmem:s20+$0xFFFFFFE0] =	vst v29  }
0x5bd: {  	[tilespmem:s20+$0xFFFFFFF0] =	vst v32  }
0x5be: {  	s18 =	simm.s32 $0x79;
	[tilespmem:s20+$0x0] =	vst v27  }
0x5bf: {  	s21 =	simm.s32 $0x19;
	v26 =	vadd.s32 s18, v0;
	[tilespmem:s20+$0x10] =	vst v28  }
0x5c0: {  	s22 =	simm.s32 $0x9;
	v26 =	vand.u32 $0xFFF, v26;
	[tilespmem:s20+$0x20] =	vst v30;
	v27 =	vadd.s32 s21, v16  }
0x5c1: {  	v26 =	vor.u32 $0x9000, v26;
	[hbm4b:s28+s7] =	stream.strided.scatter [tilespmem:s9], [sflag:$0x1], $0x1000, s8, s7, $0x38;
	[tilespmem:$0x1E280] =	vst v63  }
0x5c2: {  	s23 =	simm.s32 $0x29;
	v28 =	vadd.s32 s22, v16;
	_ =	swait.ge [sflag:s12], $0x1000  }
0x5c3: {  	s24 =	simm.s32 $0x39;
	v29 =	vadd.s32 s23, v16;
	[sflag:s12] =	ssyncset.done $0x0  }
0x5c4: {  	s25 =	simm.s32 $0x49;
	v30 =	vadd.s32 s24, v16;
	[sflag:s12] =	ssyncadd.s32 $0xFFFFF000  }
0x5c5: {  	v31 =	vadd.s32 s25, v16;
	s18 =	simm.s32 $0x59;
	v27 =	vld.idx.msk [tilespmem:v27+s1+$0x0], $0xffff  }
0x5c6: {  	v61 =	vadd.s32 s18, v16;
	s22 =	simm.s32 $0x89;
	v26 =	vld.idx.msk [tilespmem:v26+s1+$0x0], $0xffff  }
0x5c7: {  	s19 =	simm.s32 $0x69;
	s20 =	simm.s32 $0xF9;
	v40 =	vadd.s32 s22, v16;
	v63 =	vld.idx.msk [tilespmem:v28+s1+$0x0], $0xffff  }
0x5c8: {  	v62 =	vadd.s32 s19, v16;
	s21 =	simm.s32 $0x99;
	v28 =	vadd.s32 s20, v0;
	v37 =	vld.idx.msk [tilespmem:v29+s1+$0x0], $0xffff  }
0x5c9: {  	v38 =	vadd.s32 s21, v16;
	v39 =	vld.idx.msk [tilespmem:v30+s1+$0x0], $0xffff;
	v28 =	vand.u32 $0xFFF, v28  }
0x5ca: {  	s17 =	simm.s32 $0x11070;
	s23 =	simm.s32 $0xA9;
	v34 =	vld.idx.msk [tilespmem:v31+s1+$0x0], $0xffff;
	v30 =	vor.u32 $0x9000, v28  }
0x5cb: {  	s24 =	simm.s32 $0xB9;
	v33 =	vld.idx.msk [tilespmem:v61+s1+$0x0], $0xffff;
	v29 =	vadd.s32 s23, v16;
	[tilespmem:s17+$0x0] =	vst v26  }
0x5cc: {  	s19 =	simm.s32 $0xC9;
	v32 =	vadd.s32 s24, v16;
	v36 =	vld.idx.msk [tilespmem:v40+s1+$0x0], $0xffff;
	[tilespmem:s17+$0xFFFFFF90] =	vst v63  }
0x5cd: {  	s25 =	simm.s32 $0xD9;
	v28 =	vld.idx.msk [tilespmem:v62+s1+$0x0], $0xffff;
	[tilespmem:s17+$0xFFFFFFA0] =	vst v27;
	v27 =	vadd.s32 s19, v16  }
0x5ce: {  	s20 =	simm.s32 $0xE9;
	v31 =	vadd.s32 s25, v16;
	v26 =	vld.idx.msk [tilespmem:v38+s1+$0x0], $0xffff;
	[tilespmem:s17+$0xFFFFFFB0] =	vst v37  }
0x5cf: {  	s18 =	simm.s32 $0x8;
	s19 =	simm.s32 $0x179;
	[tilespmem:s17+$0xFFFFFFC0] =	vst v39;
	v35 =	vld.idx.msk [tilespmem:v30+s1+$0x0], $0xffff;
	v30 =	vadd.s32 s20, v16  }
.LBB2_78:
0x5d0: {  	s20 =	sadd.s32 $0xFFFFFFA0, s19;
	s21 =	sadd.s32 $0xFFFFFFB0, s19;
	v37 =	vadd.s32 s19, v0;
	s18 =	sadd.s32 $0x8, s18;
	v38 =	vld.idx.msk [tilespmem:v29+s1+$0x0], $0xffff;
	[tilespmem:s17+$0xFFFFFFD0] =	vst v34  }
0x5d1: {  	v39 =	vadd.s32 s20, v16;
	v29 =	vadd.s32 s21, v16;
	s20 =	sadd.s32 $0xFFFFFFC0, s19;
	s21 =	sadd.s32 $0xFFFFFFD0, s19;
	v34 =	vand.u32 $0xFFF, v37;
	p0 =	slt.u32 s18, $0xF8;
	v37 =	vld.idx.msk [tilespmem:v32+s1+$0x0], $0xffff;
	[tilespmem:s17+$0xFFFFFFE0] =	vst v33  }
0x5d2: {  	s22 =	sadd.s32 $0xFFFFFF90, s19;
	s23 =	sadd.s32 $0xFFFFFFF0, s19;
	v32 =	vadd.s32 s20, v16;
	s20 =	sadd.s32 $0xFFFFFFE0, s19;
	v40 =	vor.u32 $0x9000, v34;
	v34 =	vld.idx.msk [tilespmem:v27+s1+$0x0], $0xffff;
	v27 =	vadd.s32 s21, v16;
	[tilespmem:s17+$0xFFFFFFF0] =	vst v28  }
0x5d3: {  	v41 =	vadd.s32 s22, v16;
	v42 =	vadd.s32 s23, v16;
	s17 =	sadd.s32 $0x80, s17;
	v33 =	vld.idx.msk [tilespmem:v31+s1+$0x0], $0xffff;
	v31 =	vadd.s32 s20, v16  }
.Ltmp38:
0x5d4: {  	v28 =	vld.idx.msk [tilespmem:v30+s1+$0x0], $0xffff;
	[tilespmem:s17+$0x0] =	vst v35;
	v30 =	vmov v42;
	(pc) =	sbr.rel @p0 .LBB2_78-.Ltmp38, $4  }
0x5d5: {  	[tilespmem:s17+$0xFFFFFF90] =	vst v36  }
0x5d6: {  	[tilespmem:s17+$0xFFFFFFA0] =	vst v26;
	v26 =	vld.idx.msk [tilespmem:v39+s1+$0x0], $0xffff  }
0x5d7: {  	v35 =	vld.idx.msk [tilespmem:v40+s1+$0x0], $0xffff;
	[tilespmem:s17+$0xFFFFFFB0] =	vst v38  }
0x5d8: {  	s19 =	sadd.s32 $0x80, s19;
	v36 =	vld.idx.msk [tilespmem:v41+s1+$0x0], $0xffff;
	[tilespmem:s17+$0xFFFFFFC0] =	vst v37  }
0x5d9: {  	_ =	sdelay $0x2  }
0x5da: {  	[tilespmem:s17+$0xFFFFFFD0] =	vst v34  }
0x5db: {  	v29 =	vld.idx.msk [tilespmem:v29+s1+$0x0], $0xffff;
	[tilespmem:s17+$0xFFFFFFE0] =	vst v33  }
0x5dc: {  	v32 =	vld.idx.msk [tilespmem:v32+s1+$0x0], $0xffff;
	[tilespmem:s17+$0xFFFFFFF0] =	vst v28;
	s20 =	sadd.s32 $0x80, s17  }
0x5dd: {  	v27 =	vld.idx.msk [tilespmem:v27+s1+$0x0], $0xffff;
	[tilespmem:s20+$0xFFFFFFA0] =	vst v26  }
0x5de: {  	v28 =	vld.idx.msk [tilespmem:v31+s1+$0x0], $0xffff;
	[tilespmem:s20+$0x0] =	vst v35  }
0x5df: {  	v30 =	vld.idx.msk [tilespmem:v30+s1+$0x0], $0xffff;
	[tilespmem:s20+$0xFFFFFF90] =	vst v36  }
0x5e0: {  	[tilespmem:s20+$0xFFFFFFB0] =	vst v29  }
0x5e1: {  	[tilespmem:s20+$0xFFFFFFC0] =	vst v32  }
0x5e2: {  	s18 =	simm.s32 $0x7A;
	[tilespmem:s20+$0xFFFFFFD0] =	vst v27  }
0x5e3: {  	s21 =	simm.s32 $0x1A;
	v26 =	vadd.s32 s18, v0;
	[tilespmem:s20+$0xFFFFFFE0] =	vst v28  }
0x5e4: {  	s22 =	simm.s32 $0xA;
	v26 =	vand.u32 $0xFFF, v26;
	[tilespmem:s20+$0xFFFFFFF0] =	vst v30;
	v27 =	vadd.s32 s21, v17  }
0x5e5: {  	v26 =	vor.u32 $0xA000, v26;
	[hbm4b:s29+s7] =	stream.strided.scatter [tilespmem:s10], [sflag:$0x2], $0x1000, s8, s7, $0x38;
	[tilespmem:$0x1E280] =	vst v63  }
0x5e6: {  	s23 =	simm.s32 $0x2A;
	v28 =	vadd.s32 s22, v17;
	_ =	swait.ge [sflag:s11], $0x1000  }
0x5e7: {  	s24 =	simm.s32 $0x3A;
	v29 =	vadd.s32 s23, v17;
	[sflag:s11] =	ssyncset.done $0x0  }
0x5e8: {  	s25 =	simm.s32 $0x4A;
	v30 =	vadd.s32 s24, v17;
	[sflag:s11] =	ssyncadd.s32 $0xFFFFF000  }
0x5e9: {  	v31 =	vadd.s32 s25, v17;
	s18 =	simm.s32 $0x5A;
	v27 =	vld.idx.msk [tilespmem:v27+s1+$0x0], $0xffff  }
0x5ea: {  	v61 =	vadd.s32 s18, v17;
	s22 =	simm.s32 $0x8A;
	v26 =	vld.idx.msk [tilespmem:v26+s1+$0x0], $0xffff  }
0x5eb: {  	s19 =	simm.s32 $0x6A;
	s20 =	simm.s32 $0xFA;
	v40 =	vadd.s32 s22, v17;
	v63 =	vld.idx.msk [tilespmem:v28+s1+$0x0], $0xffff  }
0x5ec: {  	v62 =	vadd.s32 s19, v17;
	s21 =	simm.s32 $0x9A;
	v28 =	vadd.s32 s20, v0;
	v37 =	vld.idx.msk [tilespmem:v29+s1+$0x0], $0xffff  }
0x5ed: {  	v38 =	vadd.s32 s21, v17;
	v39 =	vld.idx.msk [tilespmem:v30+s1+$0x0], $0xffff;
	v28 =	vand.u32 $0xFFF, v28  }
0x5ee: {  	s17 =	simm.s32 $0x10040;
	s23 =	simm.s32 $0xAA;
	v34 =	vld.idx.msk [tilespmem:v31+s1+$0x0], $0xffff;
	v30 =	vor.u32 $0xA000, v28  }
0x5ef: {  	s24 =	simm.s32 $0xBA;
	v33 =	vld.idx.msk [tilespmem:v61+s1+$0x0], $0xffff;
	v29 =	vadd.s32 s23, v17;
	[tilespmem:s17+$0x30] =	vst v26  }
0x5f0: {  	s19 =	simm.s32 $0xCA;
	v32 =	vadd.s32 s24, v17;
	v36 =	vld.idx.msk [tilespmem:v40+s1+$0x0], $0xffff;
	[tilespmem:s17+$0xFFFFFFC0] =	vst v63  }
0x5f1: {  	s25 =	simm.s32 $0xDA;
	v28 =	vld.idx.msk [tilespmem:v62+s1+$0x0], $0xffff;
	[tilespmem:s17+$0xFFFFFFD0] =	vst v27;
	v27 =	vadd.s32 s19, v17  }
0x5f2: {  	s20 =	simm.s32 $0xEA;
	v31 =	vadd.s32 s25, v17;
	v26 =	vld.idx.msk [tilespmem:v38+s1+$0x0], $0xffff;
	[tilespmem:s17+$0xFFFFFFE0] =	vst v37  }
0x5f3: {  	s18 =	simm.s32 $0x8;
	s19 =	simm.s32 $0x17A;
	[tilespmem:s17+$0xFFFFFFF0] =	vst v39;
	v35 =	vld.idx.msk [tilespmem:v30+s1+$0x0], $0xffff;
	v30 =	vadd.s32 s20, v17  }
.LBB2_80:
0x5f4: {  	s20 =	sadd.s32 $0xFFFFFFA0, s19;
	s21 =	sadd.s32 $0xFFFFFFB0, s19;
	v37 =	vadd.s32 s19, v0;
	s18 =	sadd.s32 $0x8, s18;
	v38 =	vld.idx.msk [tilespmem:v29+s1+$0x0], $0xffff;
	[tilespmem:s17+$0x0] =	vst v34  }
0x5f5: {  	v39 =	vadd.s32 s20, v17;
	v29 =	vadd.s32 s21, v17;
	s20 =	sadd.s32 $0xFFFFFFC0, s19;
	s21 =	sadd.s32 $0xFFFFFFD0, s19;
	v34 =	vand.u32 $0xFFF, v37;
	p0 =	slt.u32 s18, $0xF8;
	v37 =	vld.idx.msk [tilespmem:v32+s1+$0x0], $0xffff;
	[tilespmem:s17+$0x10] =	vst v33  }
0x5f6: {  	s22 =	sadd.s32 $0xFFFFFF90, s19;
	s23 =	sadd.s32 $0xFFFFFFF0, s19;
	v32 =	vadd.s32 s20, v17;
	s20 =	sadd.s32 $0xFFFFFFE0, s19;
	v40 =	vor.u32 $0xA000, v34;
	v34 =	vld.idx.msk [tilespmem:v27+s1+$0x0], $0xffff;
	v27 =	vadd.s32 s21, v17;
	[tilespmem:s17+$0x20] =	vst v28  }
0x5f7: {  	v41 =	vadd.s32 s22, v17;
	v42 =	vadd.s32 s23, v17;
	s17 =	sadd.s32 $0x80, s17;
	v33 =	vld.idx.msk [tilespmem:v31+s1+$0x0], $0xffff;
	v31 =	vadd.s32 s20, v17  }
.Ltmp39:
0x5f8: {  	v28 =	vld.idx.msk [tilespmem:v30+s1+$0x0], $0xffff;
	[tilespmem:s17+$0x30] =	vst v35;
	v30 =	vmov v42;
	(pc) =	sbr.rel @p0 .LBB2_80-.Ltmp39, $4  }
0x5f9: {  	[tilespmem:s17+$0xFFFFFFC0] =	vst v36  }
0x5fa: {  	[tilespmem:s17+$0xFFFFFFD0] =	vst v26;
	v26 =	vld.idx.msk [tilespmem:v39+s1+$0x0], $0xffff  }
0x5fb: {  	v35 =	vld.idx.msk [tilespmem:v40+s1+$0x0], $0xffff;
	[tilespmem:s17+$0xFFFFFFE0] =	vst v38  }
0x5fc: {  	s19 =	sadd.s32 $0x80, s19;
	v36 =	vld.idx.msk [tilespmem:v41+s1+$0x0], $0xffff;
	[tilespmem:s17+$0xFFFFFFF0] =	vst v37  }
0x5fd: {  	_ =	sdelay $0x2  }
0x5fe: {  	[tilespmem:s17+$0x0] =	vst v34  }
0x5ff: {  	v29 =	vld.idx.msk [tilespmem:v29+s1+$0x0], $0xffff;
	[tilespmem:s17+$0x10] =	vst v33  }
0x600: {  	v32 =	vld.idx.msk [tilespmem:v32+s1+$0x0], $0xffff;
	[tilespmem:s17+$0x20] =	vst v28;
	s20 =	sadd.s32 $0x80, s17  }
0x601: {  	v27 =	vld.idx.msk [tilespmem:v27+s1+$0x0], $0xffff;
	[tilespmem:s20+$0xFFFFFFD0] =	vst v26  }
0x602: {  	v28 =	vld.idx.msk [tilespmem:v31+s1+$0x0], $0xffff;
	[tilespmem:s20+$0x30] =	vst v35  }
0x603: {  	v30 =	vld.idx.msk [tilespmem:v30+s1+$0x0], $0xffff;
	[tilespmem:s20+$0xFFFFFFC0] =	vst v36  }
0x604: {  	[tilespmem:s20+$0xFFFFFFE0] =	vst v29  }
0x605: {  	[tilespmem:s20+$0xFFFFFFF0] =	vst v32  }
0x606: {  	s18 =	simm.s32 $0x7B;
	[tilespmem:s20+$0x0] =	vst v27  }
0x607: {  	s21 =	simm.s32 $0x1B;
	v26 =	vadd.s32 s18, v0;
	[tilespmem:s20+$0x10] =	vst v28  }
0x608: {  	s22 =	simm.s32 $0xB;
	v26 =	vand.u32 $0xFFF, v26;
	[tilespmem:s20+$0x20] =	vst v30;
	v27 =	vadd.s32 s21, v18  }
0x609: {  	v26 =	vor.u32 $0xB000, v26;
	[hbm4b:s30+s7] =	stream.strided.scatter [tilespmem:s9], [sflag:$0x1], $0x1000, s8, s7, $0x38;
	[tilespmem:$0x1E280] =	vst v63  }
0x60a: {  	s23 =	simm.s32 $0x2B;
	v28 =	vadd.s32 s22, v18;
	_ =	swait.ge [sflag:s12], $0x1000  }
0x60b: {  	s24 =	simm.s32 $0x3B;
	v29 =	vadd.s32 s23, v18;
	[sflag:s12] =	ssyncset.done $0x0  }
0x60c: {  	s25 =	simm.s32 $0x4B;
	v30 =	vadd.s32 s24, v18;
	[sflag:s12] =	ssyncadd.s32 $0xFFFFF000  }
0x60d: {  	v31 =	vadd.s32 s25, v18;
	s18 =	simm.s32 $0x5B;
	v27 =	vld.idx.msk [tilespmem:v27+s1+$0x0], $0xffff  }
0x60e: {  	v61 =	vadd.s32 s18, v18;
	s22 =	simm.s32 $0x8B;
	v26 =	vld.idx.msk [tilespmem:v26+s1+$0x0], $0xffff  }
0x60f: {  	s19 =	simm.s32 $0x6B;
	s20 =	simm.s32 $0xFB;
	v40 =	vadd.s32 s22, v18;
	v63 =	vld.idx.msk [tilespmem:v28+s1+$0x0], $0xffff  }
0x610: {  	v62 =	vadd.s32 s19, v18;
	s21 =	simm.s32 $0x9B;
	v28 =	vadd.s32 s20, v0;
	v37 =	vld.idx.msk [tilespmem:v29+s1+$0x0], $0xffff  }
0x611: {  	v38 =	vadd.s32 s21, v18;
	v39 =	vld.idx.msk [tilespmem:v30+s1+$0x0], $0xffff;
	v28 =	vand.u32 $0xFFF, v28  }
0x612: {  	s17 =	simm.s32 $0x11070;
	s23 =	simm.s32 $0xAB;
	v34 =	vld.idx.msk [tilespmem:v31+s1+$0x0], $0xffff;
	v30 =	vor.u32 $0xB000, v28  }
0x613: {  	s24 =	simm.s32 $0xBB;
	v33 =	vld.idx.msk [tilespmem:v61+s1+$0x0], $0xffff;
	v29 =	vadd.s32 s23, v18;
	[tilespmem:s17+$0x0] =	vst v26  }
0x614: {  	s19 =	simm.s32 $0xCB;
	v32 =	vadd.s32 s24, v18;
	v36 =	vld.idx.msk [tilespmem:v40+s1+$0x0], $0xffff;
	[tilespmem:s17+$0xFFFFFF90] =	vst v63  }
0x615: {  	s25 =	simm.s32 $0xDB;
	v28 =	vld.idx.msk [tilespmem:v62+s1+$0x0], $0xffff;
	[tilespmem:s17+$0xFFFFFFA0] =	vst v27;
	v27 =	vadd.s32 s19, v18  }
0x616: {  	s20 =	simm.s32 $0xEB;
	v31 =	vadd.s32 s25, v18;
	v26 =	vld.idx.msk [tilespmem:v38+s1+$0x0], $0xffff;
	[tilespmem:s17+$0xFFFFFFB0] =	vst v37  }
0x617: {  	s18 =	simm.s32 $0x8;
	s19 =	simm.s32 $0x17B;
	[tilespmem:s17+$0xFFFFFFC0] =	vst v39;
	v35 =	vld.idx.msk [tilespmem:v30+s1+$0x0], $0xffff;
	v30 =	vadd.s32 s20, v18  }
.LBB2_82:
0x618: {  	s20 =	sadd.s32 $0xFFFFFFA0, s19;
	s21 =	sadd.s32 $0xFFFFFFB0, s19;
	v37 =	vadd.s32 s19, v0;
	s18 =	sadd.s32 $0x8, s18;
	v38 =	vld.idx.msk [tilespmem:v29+s1+$0x0], $0xffff;
	[tilespmem:s17+$0xFFFFFFD0] =	vst v34  }
0x619: {  	v39 =	vadd.s32 s20, v18;
	v29 =	vadd.s32 s21, v18;
	s20 =	sadd.s32 $0xFFFFFFC0, s19;
	s21 =	sadd.s32 $0xFFFFFFD0, s19;
	v34 =	vand.u32 $0xFFF, v37;
	p0 =	slt.u32 s18, $0xF8;
	v37 =	vld.idx.msk [tilespmem:v32+s1+$0x0], $0xffff;
	[tilespmem:s17+$0xFFFFFFE0] =	vst v33  }
0x61a: {  	s22 =	sadd.s32 $0xFFFFFF90, s19;
	s23 =	sadd.s32 $0xFFFFFFF0, s19;
	v32 =	vadd.s32 s20, v18;
	s20 =	sadd.s32 $0xFFFFFFE0, s19;
	v40 =	vor.u32 $0xB000, v34;
	v34 =	vld.idx.msk [tilespmem:v27+s1+$0x0], $0xffff;
	v27 =	vadd.s32 s21, v18;
	[tilespmem:s17+$0xFFFFFFF0] =	vst v28  }
0x61b: {  	v41 =	vadd.s32 s22, v18;
	v42 =	vadd.s32 s23, v18;
	s17 =	sadd.s32 $0x80, s17;
	v33 =	vld.idx.msk [tilespmem:v31+s1+$0x0], $0xffff;
	v31 =	vadd.s32 s20, v18  }
.Ltmp40:
0x61c: {  	v28 =	vld.idx.msk [tilespmem:v30+s1+$0x0], $0xffff;
	[tilespmem:s17+$0x0] =	vst v35;
	v30 =	vmov v42;
	(pc) =	sbr.rel @p0 .LBB2_82-.Ltmp40, $4  }
0x61d: {  	[tilespmem:s17+$0xFFFFFF90] =	vst v36  }
0x61e: {  	[tilespmem:s17+$0xFFFFFFA0] =	vst v26;
	v26 =	vld.idx.msk [tilespmem:v39+s1+$0x0], $0xffff  }
0x61f: {  	v35 =	vld.idx.msk [tilespmem:v40+s1+$0x0], $0xffff;
	[tilespmem:s17+$0xFFFFFFB0] =	vst v38  }
0x620: {  	s19 =	sadd.s32 $0x80, s19;
	v36 =	vld.idx.msk [tilespmem:v41+s1+$0x0], $0xffff;
	[tilespmem:s17+$0xFFFFFFC0] =	vst v37  }
0x621: {  	_ =	sdelay $0x2  }
0x622: {  	[tilespmem:s17+$0xFFFFFFD0] =	vst v34  }
0x623: {  	v29 =	vld.idx.msk [tilespmem:v29+s1+$0x0], $0xffff;
	[tilespmem:s17+$0xFFFFFFE0] =	vst v33  }
0x624: {  	v32 =	vld.idx.msk [tilespmem:v32+s1+$0x0], $0xffff;
	[tilespmem:s17+$0xFFFFFFF0] =	vst v28;
	s20 =	sadd.s32 $0x80, s17  }
0x625: {  	v27 =	vld.idx.msk [tilespmem:v27+s1+$0x0], $0xffff;
	[tilespmem:s20+$0xFFFFFFA0] =	vst v26  }
0x626: {  	v28 =	vld.idx.msk [tilespmem:v31+s1+$0x0], $0xffff;
	[tilespmem:s20+$0x0] =	vst v35  }
0x627: {  	v30 =	vld.idx.msk [tilespmem:v30+s1+$0x0], $0xffff;
	[tilespmem:s20+$0xFFFFFF90] =	vst v36  }
0x628: {  	[tilespmem:s20+$0xFFFFFFB0] =	vst v29  }
0x629: {  	[tilespmem:s20+$0xFFFFFFC0] =	vst v32  }
0x62a: {  	s18 =	simm.s32 $0x7C;
	[tilespmem:s20+$0xFFFFFFD0] =	vst v27  }
0x62b: {  	s21 =	simm.s32 $0x1C;
	v26 =	vadd.s32 s18, v0;
	[tilespmem:s20+$0xFFFFFFE0] =	vst v28  }
0x62c: {  	s22 =	simm.s32 $0xC;
	v26 =	vand.u32 $0xFFF, v26;
	[tilespmem:s20+$0xFFFFFFF0] =	vst v30;
	v27 =	vadd.s32 s21, v19  }
0x62d: {  	v26 =	vor.u32 $0xC000, v26;
	[hbm4b:s31+s7] =	stream.strided.scatter [tilespmem:s10], [sflag:$0x2], $0x1000, s8, s7, $0x38;
	[tilespmem:$0x1E280] =	vst v63  }
0x62e: {  	s23 =	simm.s32 $0x2C;
	v28 =	vadd.s32 s22, v19;
	_ =	swait.ge [sflag:s11], $0x1000  }
0x62f: {  	s24 =	simm.s32 $0x3C;
	v29 =	vadd.s32 s23, v19;
	[sflag:s11] =	ssyncset.done $0x0  }
0x630: {  	s25 =	simm.s32 $0x4C;
	v30 =	vadd.s32 s24, v19;
	[sflag:s11] =	ssyncadd.s32 $0xFFFFF000  }
0x631: {  	v31 =	vadd.s32 s25, v19;
	s18 =	simm.s32 $0x5C;
	v27 =	vld.idx.msk [tilespmem:v27+s1+$0x0], $0xffff  }
0x632: {  	v61 =	vadd.s32 s18, v19;
	s22 =	simm.s32 $0x8C;
	v26 =	vld.idx.msk [tilespmem:v26+s1+$0x0], $0xffff  }
0x633: {  	s19 =	simm.s32 $0x6C;
	s20 =	simm.s32 $0xFC;
	v40 =	vadd.s32 s22, v19;
	v63 =	vld.idx.msk [tilespmem:v28+s1+$0x0], $0xffff  }
0x634: {  	v62 =	vadd.s32 s19, v19;
	s21 =	simm.s32 $0x9C;
	v28 =	vadd.s32 s20, v0;
	v37 =	vld.idx.msk [tilespmem:v29+s1+$0x0], $0xffff  }
0x635: {  	v38 =	vadd.s32 s21, v19;
	v39 =	vld.idx.msk [tilespmem:v30+s1+$0x0], $0xffff;
	v28 =	vand.u32 $0xFFF, v28  }
0x636: {  	s17 =	simm.s32 $0x10040;
	s23 =	simm.s32 $0xAC;
	v34 =	vld.idx.msk [tilespmem:v31+s1+$0x0], $0xffff;
	v30 =	vor.u32 $0xC000, v28  }
0x637: {  	s24 =	simm.s32 $0xBC;
	v33 =	vld.idx.msk [tilespmem:v61+s1+$0x0], $0xffff;
	v29 =	vadd.s32 s23, v19;
	[tilespmem:s17+$0x30] =	vst v26  }
0x638: {  	s19 =	simm.s32 $0xCC;
	v32 =	vadd.s32 s24, v19;
	v36 =	vld.idx.msk [tilespmem:v40+s1+$0x0], $0xffff;
	[tilespmem:s17+$0xFFFFFFC0] =	vst v63  }
0x639: {  	s25 =	simm.s32 $0xDC;
	v28 =	vld.idx.msk [tilespmem:v62+s1+$0x0], $0xffff;
	[tilespmem:s17+$0xFFFFFFD0] =	vst v27;
	v27 =	vadd.s32 s19, v19  }
0x63a: {  	s20 =	simm.s32 $0xEC;
	v31 =	vadd.s32 s25, v19;
	v26 =	vld.idx.msk [tilespmem:v38+s1+$0x0], $0xffff;
	[tilespmem:s17+$0xFFFFFFE0] =	vst v37  }
0x63b: {  	s18 =	simm.s32 $0x8;
	s19 =	simm.s32 $0x17C;
	[tilespmem:s17+$0xFFFFFFF0] =	vst v39;
	v35 =	vld.idx.msk [tilespmem:v30+s1+$0x0], $0xffff;
	v30 =	vadd.s32 s20, v19  }
.LBB2_84:
0x63c: {  	s20 =	sadd.s32 $0xFFFFFFA0, s19;
	s21 =	sadd.s32 $0xFFFFFFB0, s19;
	v37 =	vadd.s32 s19, v0;
	s18 =	sadd.s32 $0x8, s18;
	v38 =	vld.idx.msk [tilespmem:v29+s1+$0x0], $0xffff;
	[tilespmem:s17+$0x0] =	vst v34  }
0x63d: {  	v39 =	vadd.s32 s20, v19;
	v29 =	vadd.s32 s21, v19;
	s20 =	sadd.s32 $0xFFFFFFC0, s19;
	s21 =	sadd.s32 $0xFFFFFFD0, s19;
	v34 =	vand.u32 $0xFFF, v37;
	p0 =	slt.u32 s18, $0xF8;
	v37 =	vld.idx.msk [tilespmem:v32+s1+$0x0], $0xffff;
	[tilespmem:s17+$0x10] =	vst v33  }
0x63e: {  	s22 =	sadd.s32 $0xFFFFFF90, s19;
	s23 =	sadd.s32 $0xFFFFFFF0, s19;
	v32 =	vadd.s32 s20, v19;
	s20 =	sadd.s32 $0xFFFFFFE0, s19;
	v40 =	vor.u32 $0xC000, v34;
	v34 =	vld.idx.msk [tilespmem:v27+s1+$0x0], $0xffff;
	v27 =	vadd.s32 s21, v19;
	[tilespmem:s17+$0x20] =	vst v28  }
0x63f: {  	v41 =	vadd.s32 s22, v19;
	v42 =	vadd.s32 s23, v19;
	s17 =	sadd.s32 $0x80, s17;
	v33 =	vld.idx.msk [tilespmem:v31+s1+$0x0], $0xffff;
	v31 =	vadd.s32 s20, v19  }
.Ltmp41:
0x640: {  	v28 =	vld.idx.msk [tilespmem:v30+s1+$0x0], $0xffff;
	[tilespmem:s17+$0x30] =	vst v35;
	v30 =	vmov v42;
	(pc) =	sbr.rel @p0 .LBB2_84-.Ltmp41, $4  }
0x641: {  	[tilespmem:s17+$0xFFFFFFC0] =	vst v36  }
0x642: {  	[tilespmem:s17+$0xFFFFFFD0] =	vst v26;
	v26 =	vld.idx.msk [tilespmem:v39+s1+$0x0], $0xffff  }
0x643: {  	v35 =	vld.idx.msk [tilespmem:v40+s1+$0x0], $0xffff;
	[tilespmem:s17+$0xFFFFFFE0] =	vst v38  }
0x644: {  	s19 =	sadd.s32 $0x80, s19;
	v36 =	vld.idx.msk [tilespmem:v41+s1+$0x0], $0xffff;
	[tilespmem:s17+$0xFFFFFFF0] =	vst v37  }
0x645: {  	_ =	sdelay $0x2  }
0x646: {  	[tilespmem:s17+$0x0] =	vst v34  }
0x647: {  	v29 =	vld.idx.msk [tilespmem:v29+s1+$0x0], $0xffff;
	[tilespmem:s17+$0x10] =	vst v33  }
0x648: {  	v32 =	vld.idx.msk [tilespmem:v32+s1+$0x0], $0xffff;
	[tilespmem:s17+$0x20] =	vst v28;
	s20 =	sadd.s32 $0x80, s17  }
0x649: {  	v27 =	vld.idx.msk [tilespmem:v27+s1+$0x0], $0xffff;
	[tilespmem:s20+$0xFFFFFFD0] =	vst v26  }
0x64a: {  	v28 =	vld.idx.msk [tilespmem:v31+s1+$0x0], $0xffff;
	[tilespmem:s20+$0x30] =	vst v35  }
0x64b: {  	v30 =	vld.idx.msk [tilespmem:v30+s1+$0x0], $0xffff;
	[tilespmem:s20+$0xFFFFFFC0] =	vst v36  }
0x64c: {  	[tilespmem:s20+$0xFFFFFFE0] =	vst v29  }
0x64d: {  	[tilespmem:s20+$0xFFFFFFF0] =	vst v32  }
0x64e: {  	s18 =	simm.s32 $0x7D;
	[tilespmem:s20+$0x0] =	vst v27  }
0x64f: {  	s21 =	simm.s32 $0x1D;
	v26 =	vadd.s32 s18, v0;
	[tilespmem:s20+$0x10] =	vst v28  }
0x650: {  	s22 =	simm.s32 $0xD;
	v26 =	vand.u32 $0xFFF, v26;
	[tilespmem:s20+$0x20] =	vst v30;
	v27 =	vadd.s32 s21, v20  }
0x651: {  	v26 =	vor.u32 $0xD000, v26;
	[hbm4b:s0+s7] =	stream.strided.scatter [tilespmem:s9], [sflag:$0x1], $0x1000, s8, s7, $0x38;
	[tilespmem:$0x1E280] =	vst v63  }
0x652: {  	s23 =	simm.s32 $0x2D;
	v28 =	vadd.s32 s22, v20;
	_ =	swait.ge [sflag:s12], $0x1000  }
0x653: {  	s24 =	simm.s32 $0x3D;
	v29 =	vadd.s32 s23, v20;
	[sflag:s12] =	ssyncset.done $0x0  }
0x654: {  	s25 =	simm.s32 $0x4D;
	v30 =	vadd.s32 s24, v20;
	[sflag:s12] =	ssyncadd.s32 $0xFFFFF000  }
0x655: {  	v31 =	vadd.s32 s25, v20;
	s18 =	simm.s32 $0x5D;
	v27 =	vld.idx.msk [tilespmem:v27+s1+$0x0], $0xffff  }
0x656: {  	v61 =	vadd.s32 s18, v20;
	s22 =	simm.s32 $0x8D;
	v26 =	vld.idx.msk [tilespmem:v26+s1+$0x0], $0xffff  }
0x657: {  	s19 =	simm.s32 $0x6D;
	s20 =	simm.s32 $0xFD;
	v40 =	vadd.s32 s22, v20;
	v63 =	vld.idx.msk [tilespmem:v28+s1+$0x0], $0xffff  }
0x658: {  	v62 =	vadd.s32 s19, v20;
	s21 =	simm.s32 $0x9D;
	v28 =	vadd.s32 s20, v0;
	v37 =	vld.idx.msk [tilespmem:v29+s1+$0x0], $0xffff  }
0x659: {  	v38 =	vadd.s32 s21, v20;
	v39 =	vld.idx.msk [tilespmem:v30+s1+$0x0], $0xffff;
	v28 =	vand.u32 $0xFFF, v28  }
0x65a: {  	s17 =	simm.s32 $0x11070;
	s23 =	simm.s32 $0xAD;
	v34 =	vld.idx.msk [tilespmem:v31+s1+$0x0], $0xffff;
	v30 =	vor.u32 $0xD000, v28  }
0x65b: {  	s24 =	simm.s32 $0xBD;
	v33 =	vld.idx.msk [tilespmem:v61+s1+$0x0], $0xffff;
	v29 =	vadd.s32 s23, v20;
	[tilespmem:s17+$0x0] =	vst v26  }
0x65c: {  	s19 =	simm.s32 $0xCD;
	v32 =	vadd.s32 s24, v20;
	v36 =	vld.idx.msk [tilespmem:v40+s1+$0x0], $0xffff;
	[tilespmem:s17+$0xFFFFFF90] =	vst v63  }
0x65d: {  	s25 =	simm.s32 $0xDD;
	v28 =	vld.idx.msk [tilespmem:v62+s1+$0x0], $0xffff;
	[tilespmem:s17+$0xFFFFFFA0] =	vst v27;
	v27 =	vadd.s32 s19, v20  }
0x65e: {  	s20 =	simm.s32 $0xED;
	v31 =	vadd.s32 s25, v20;
	v26 =	vld.idx.msk [tilespmem:v38+s1+$0x0], $0xffff;
	[tilespmem:s17+$0xFFFFFFB0] =	vst v37  }
0x65f: {  	s18 =	simm.s32 $0x8;
	s19 =	simm.s32 $0x17D;
	[tilespmem:s17+$0xFFFFFFC0] =	vst v39;
	v35 =	vld.idx.msk [tilespmem:v30+s1+$0x0], $0xffff;
	v30 =	vadd.s32 s20, v20  }
.LBB2_86:
0x660: {  	s20 =	sadd.s32 $0xFFFFFFA0, s19;
	s21 =	sadd.s32 $0xFFFFFFB0, s19;
	v37 =	vadd.s32 s19, v0;
	s18 =	sadd.s32 $0x8, s18;
	v38 =	vld.idx.msk [tilespmem:v29+s1+$0x0], $0xffff;
	[tilespmem:s17+$0xFFFFFFD0] =	vst v34  }
0x661: {  	v39 =	vadd.s32 s20, v20;
	v29 =	vadd.s32 s21, v20;
	s20 =	sadd.s32 $0xFFFFFFC0, s19;
	s21 =	sadd.s32 $0xFFFFFFD0, s19;
	v34 =	vand.u32 $0xFFF, v37;
	p0 =	slt.u32 s18, $0xF8;
	v37 =	vld.idx.msk [tilespmem:v32+s1+$0x0], $0xffff;
	[tilespmem:s17+$0xFFFFFFE0] =	vst v33  }
0x662: {  	s22 =	sadd.s32 $0xFFFFFF90, s19;
	s23 =	sadd.s32 $0xFFFFFFF0, s19;
	v32 =	vadd.s32 s20, v20;
	s20 =	sadd.s32 $0xFFFFFFE0, s19;
	v40 =	vor.u32 $0xD000, v34;
	v34 =	vld.idx.msk [tilespmem:v27+s1+$0x0], $0xffff;
	v27 =	vadd.s32 s21, v20;
	[tilespmem:s17+$0xFFFFFFF0] =	vst v28  }
0x663: {  	v41 =	vadd.s32 s22, v20;
	v42 =	vadd.s32 s23, v20;
	s17 =	sadd.s32 $0x80, s17;
	v33 =	vld.idx.msk [tilespmem:v31+s1+$0x0], $0xffff;
	v31 =	vadd.s32 s20, v20  }
.Ltmp42:
0x664: {  	v28 =	vld.idx.msk [tilespmem:v30+s1+$0x0], $0xffff;
	[tilespmem:s17+$0x0] =	vst v35;
	v30 =	vmov v42;
	(pc) =	sbr.rel @p0 .LBB2_86-.Ltmp42, $4  }
0x665: {  	[tilespmem:s17+$0xFFFFFF90] =	vst v36  }
0x666: {  	[tilespmem:s17+$0xFFFFFFA0] =	vst v26;
	v26 =	vld.idx.msk [tilespmem:v39+s1+$0x0], $0xffff  }
0x667: {  	v35 =	vld.idx.msk [tilespmem:v40+s1+$0x0], $0xffff;
	[tilespmem:s17+$0xFFFFFFB0] =	vst v38  }
0x668: {  	s19 =	sadd.s32 $0x80, s19;
	v36 =	vld.idx.msk [tilespmem:v41+s1+$0x0], $0xffff;
	[tilespmem:s17+$0xFFFFFFC0] =	vst v37  }
0x669: {  	_ =	sdelay $0x2  }
0x66a: {  	[tilespmem:s17+$0xFFFFFFD0] =	vst v34  }
0x66b: {  	v29 =	vld.idx.msk [tilespmem:v29+s1+$0x0], $0xffff;
	[tilespmem:s17+$0xFFFFFFE0] =	vst v33  }
0x66c: {  	v32 =	vld.idx.msk [tilespmem:v32+s1+$0x0], $0xffff;
	[tilespmem:s17+$0xFFFFFFF0] =	vst v28;
	s20 =	sadd.s32 $0x80, s17  }
0x66d: {  	v27 =	vld.idx.msk [tilespmem:v27+s1+$0x0], $0xffff;
	[tilespmem:s20+$0xFFFFFFA0] =	vst v26  }
0x66e: {  	v28 =	vld.idx.msk [tilespmem:v31+s1+$0x0], $0xffff;
	[tilespmem:s20+$0x0] =	vst v35  }
0x66f: {  	v30 =	vld.idx.msk [tilespmem:v30+s1+$0x0], $0xffff;
	[tilespmem:s20+$0xFFFFFF90] =	vst v36  }
0x670: {  	[tilespmem:s20+$0xFFFFFFB0] =	vst v29  }
0x671: {  	[tilespmem:s20+$0xFFFFFFC0] =	vst v32  }
0x672: {  	s18 =	simm.s32 $0x7E;
	[tilespmem:s20+$0xFFFFFFD0] =	vst v27  }
0x673: {  	s21 =	simm.s32 $0x1E;
	v26 =	vadd.s32 s18, v0;
	[tilespmem:s20+$0xFFFFFFE0] =	vst v28  }
0x674: {  	s22 =	simm.s32 $0xE;
	v26 =	vand.u32 $0xFFF, v26;
	[tilespmem:s20+$0xFFFFFFF0] =	vst v30;
	v27 =	vadd.s32 s21, v21  }
0x675: {  	v26 =	vor.u32 $0xE000, v26;
	[hbm4b:s2+s7] =	stream.strided.scatter [tilespmem:s10], [sflag:$0x2], $0x1000, s8, s7, $0x38;
	[tilespmem:$0x1E280] =	vst v63  }
0x676: {  	s23 =	simm.s32 $0x2E;
	v28 =	vadd.s32 s22, v21;
	_ =	swait.ge [sflag:s11], $0x1000  }
0x677: {  	s24 =	simm.s32 $0x3E;
	v29 =	vadd.s32 s23, v21;
	[sflag:s11] =	ssyncset.done $0x0  }
0x678: {  	s25 =	simm.s32 $0x4E;
	v30 =	vadd.s32 s24, v21;
	[sflag:s11] =	ssyncadd.s32 $0xFFFFF000  }
0x679: {  	v31 =	vadd.s32 s25, v21;
	s18 =	simm.s32 $0x5E;
	v27 =	vld.idx.msk [tilespmem:v27+s1+$0x0], $0xffff  }
0x67a: {  	v61 =	vadd.s32 s18, v21;
	s22 =	simm.s32 $0x8E;
	v26 =	vld.idx.msk [tilespmem:v26+s1+$0x0], $0xffff  }
0x67b: {  	s19 =	simm.s32 $0x6E;
	s20 =	simm.s32 $0xFE;
	v40 =	vadd.s32 s22, v21;
	v63 =	vld.idx.msk [tilespmem:v28+s1+$0x0], $0xffff  }
0x67c: {  	v62 =	vadd.s32 s19, v21;
	s21 =	simm.s32 $0x9E;
	v28 =	vadd.s32 s20, v0;
	v37 =	vld.idx.msk [tilespmem:v29+s1+$0x0], $0xffff  }
0x67d: {  	v38 =	vadd.s32 s21, v21;
	v39 =	vld.idx.msk [tilespmem:v30+s1+$0x0], $0xffff;
	v28 =	vand.u32 $0xFFF, v28  }
0x67e: {  	s17 =	simm.s32 $0x10040;
	s23 =	simm.s32 $0xAE;
	v34 =	vld.idx.msk [tilespmem:v31+s1+$0x0], $0xffff;
	v30 =	vor.u32 $0xE000, v28  }
0x67f: {  	s24 =	simm.s32 $0xBE;
	v33 =	vld.idx.msk [tilespmem:v61+s1+$0x0], $0xffff;
	v29 =	vadd.s32 s23, v21;
	[tilespmem:s17+$0x30] =	vst v26  }
0x680: {  	s19 =	simm.s32 $0xCE;
	v32 =	vadd.s32 s24, v21;
	v36 =	vld.idx.msk [tilespmem:v40+s1+$0x0], $0xffff;
	[tilespmem:s17+$0xFFFFFFC0] =	vst v63  }
0x681: {  	s25 =	simm.s32 $0xDE;
	v28 =	vld.idx.msk [tilespmem:v62+s1+$0x0], $0xffff;
	[tilespmem:s17+$0xFFFFFFD0] =	vst v27;
	v27 =	vadd.s32 s19, v21  }
0x682: {  	s20 =	simm.s32 $0xEE;
	v31 =	vadd.s32 s25, v21;
	v26 =	vld.idx.msk [tilespmem:v38+s1+$0x0], $0xffff;
	[tilespmem:s17+$0xFFFFFFE0] =	vst v37  }
0x683: {  	s18 =	simm.s32 $0x8;
	s19 =	simm.s32 $0x17E;
	[tilespmem:s17+$0xFFFFFFF0] =	vst v39;
	v35 =	vld.idx.msk [tilespmem:v30+s1+$0x0], $0xffff;
	v30 =	vadd.s32 s20, v21  }
.LBB2_88:
0x684: {  	s20 =	sadd.s32 $0xFFFFFFA0, s19;
	s21 =	sadd.s32 $0xFFFFFFB0, s19;
	v37 =	vadd.s32 s19, v0;
	s18 =	sadd.s32 $0x8, s18;
	v38 =	vld.idx.msk [tilespmem:v29+s1+$0x0], $0xffff;
	[tilespmem:s17+$0x0] =	vst v34  }
0x685: {  	v39 =	vadd.s32 s20, v21;
	v29 =	vadd.s32 s21, v21;
	s20 =	sadd.s32 $0xFFFFFFC0, s19;
	s21 =	sadd.s32 $0xFFFFFFD0, s19;
	v34 =	vand.u32 $0xFFF, v37;
	p0 =	slt.u32 s18, $0xF8;
	v37 =	vld.idx.msk [tilespmem:v32+s1+$0x0], $0xffff;
	[tilespmem:s17+$0x10] =	vst v33  }
0x686: {  	s22 =	sadd.s32 $0xFFFFFF90, s19;
	s23 =	sadd.s32 $0xFFFFFFF0, s19;
	v32 =	vadd.s32 s20, v21;
	s20 =	sadd.s32 $0xFFFFFFE0, s19;
	v40 =	vor.u32 $0xE000, v34;
	v34 =	vld.idx.msk [tilespmem:v27+s1+$0x0], $0xffff;
	v27 =	vadd.s32 s21, v21;
	[tilespmem:s17+$0x20] =	vst v28  }
0x687: {  	v41 =	vadd.s32 s22, v21;
	v42 =	vadd.s32 s23, v21;
	s17 =	sadd.s32 $0x80, s17;
	v33 =	vld.idx.msk [tilespmem:v31+s1+$0x0], $0xffff;
	v31 =	vadd.s32 s20, v21  }
.Ltmp43:
0x688: {  	v28 =	vld.idx.msk [tilespmem:v30+s1+$0x0], $0xffff;
	[tilespmem:s17+$0x30] =	vst v35;
	v30 =	vmov v42;
	(pc) =	sbr.rel @p0 .LBB2_88-.Ltmp43, $4  }
0x689: {  	[tilespmem:s17+$0xFFFFFFC0] =	vst v36  }
0x68a: {  	[tilespmem:s17+$0xFFFFFFD0] =	vst v26;
	v26 =	vld.idx.msk [tilespmem:v39+s1+$0x0], $0xffff  }
0x68b: {  	v35 =	vld.idx.msk [tilespmem:v40+s1+$0x0], $0xffff;
	[tilespmem:s17+$0xFFFFFFE0] =	vst v38  }
0x68c: {  	s19 =	sadd.s32 $0x80, s19;
	v36 =	vld.idx.msk [tilespmem:v41+s1+$0x0], $0xffff;
	[tilespmem:s17+$0xFFFFFFF0] =	vst v37  }
0x68d: {  	_ =	sdelay $0x2  }
0x68e: {  	[tilespmem:s17+$0x0] =	vst v34  }
0x68f: {  	v29 =	vld.idx.msk [tilespmem:v29+s1+$0x0], $0xffff;
	[tilespmem:s17+$0x10] =	vst v33  }
0x690: {  	v32 =	vld.idx.msk [tilespmem:v32+s1+$0x0], $0xffff;
	[tilespmem:s17+$0x20] =	vst v28;
	s20 =	sadd.s32 $0x80, s17  }
0x691: {  	v27 =	vld.idx.msk [tilespmem:v27+s1+$0x0], $0xffff;
	[tilespmem:s20+$0xFFFFFFD0] =	vst v26  }
0x692: {  	v28 =	vld.idx.msk [tilespmem:v31+s1+$0x0], $0xffff;
	[tilespmem:s20+$0x30] =	vst v35  }
0x693: {  	v30 =	vld.idx.msk [tilespmem:v30+s1+$0x0], $0xffff;
	[tilespmem:s20+$0xFFFFFFC0] =	vst v36  }
0x694: {  	[tilespmem:s20+$0xFFFFFFE0] =	vst v29  }
0x695: {  	[tilespmem:s20+$0xFFFFFFF0] =	vst v32  }
0x696: {  	s18 =	simm.s32 $0x7F;
	[tilespmem:s20+$0x0] =	vst v27  }
0x697: {  	s21 =	simm.s32 $0x1F;
	v26 =	vadd.s32 s18, v0;
	[tilespmem:s20+$0x10] =	vst v28  }
0x698: {  	s22 =	simm.s32 $0xF;
	v26 =	vand.u32 $0xFFF, v26;
	[tilespmem:s20+$0x20] =	vst v30;
	v27 =	vadd.s32 s21, v22  }
0x699: {  	v26 =	vor.u32 $0xF000, v26;
	[hbm4b:s3+s7] =	stream.strided.scatter [tilespmem:s9], [sflag:$0x1], $0x1000, s8, s7, $0x38;
	[tilespmem:$0x1E280] =	vst v63  }
0x69a: {  	s23 =	simm.s32 $0x2F;
	v28 =	vadd.s32 s22, v22;
	_ =	swait.ge [sflag:s12], $0x1000  }
0x69b: {  	s24 =	simm.s32 $0x3F;
	v29 =	vadd.s32 s23, v22;
	[sflag:s12] =	ssyncset.done $0x0  }
0x69c: {  	s25 =	simm.s32 $0x4F;
	v30 =	vadd.s32 s24, v22;
	[sflag:s12] =	ssyncadd.s32 $0xFFFFF000  }
0x69d: {  	v31 =	vadd.s32 s25, v22;
	s18 =	simm.s32 $0x5F;
	v27 =	vld.idx.msk [tilespmem:v27+s1+$0x0], $0xffff  }
0x69e: {  	v61 =	vadd.s32 s18, v22;
	s22 =	simm.s32 $0x8F;
	v26 =	vld.idx.msk [tilespmem:v26+s1+$0x0], $0xffff  }
0x69f: {  	s19 =	simm.s32 $0x6F;
	s20 =	simm.s32 $0xFF;
	v40 =	vadd.s32 s22, v22;
	v63 =	vld.idx.msk [tilespmem:v28+s1+$0x0], $0xffff  }
0x6a0: {  	v62 =	vadd.s32 s19, v22;
	s21 =	simm.s32 $0x9F;
	v28 =	vadd.s32 s20, v0;
	v37 =	vld.idx.msk [tilespmem:v29+s1+$0x0], $0xffff  }
0x6a1: {  	v38 =	vadd.s32 s21, v22;
	v39 =	vld.idx.msk [tilespmem:v30+s1+$0x0], $0xffff;
	v28 =	vand.u32 $0xFFF, v28  }
0x6a2: {  	s17 =	simm.s32 $0x11070;
	s23 =	simm.s32 $0xAF;
	v34 =	vld.idx.msk [tilespmem:v31+s1+$0x0], $0xffff;
	v30 =	vor.u32 $0xF000, v28  }
0x6a3: {  	s24 =	simm.s32 $0xBF;
	v33 =	vld.idx.msk [tilespmem:v61+s1+$0x0], $0xffff;
	v29 =	vadd.s32 s23, v22;
	[tilespmem:s17+$0x0] =	vst v26  }
0x6a4: {  	s19 =	simm.s32 $0xCF;
	v32 =	vadd.s32 s24, v22;
	v36 =	vld.idx.msk [tilespmem:v40+s1+$0x0], $0xffff;
	[tilespmem:s17+$0xFFFFFF90] =	vst v63  }
0x6a5: {  	s25 =	simm.s32 $0xDF;
	v28 =	vld.idx.msk [tilespmem:v62+s1+$0x0], $0xffff;
	[tilespmem:s17+$0xFFFFFFA0] =	vst v27;
	v27 =	vadd.s32 s19, v22  }
0x6a6: {  	s20 =	simm.s32 $0xEF;
	v31 =	vadd.s32 s25, v22;
	v26 =	vld.idx.msk [tilespmem:v38+s1+$0x0], $0xffff;
	[tilespmem:s17+$0xFFFFFFB0] =	vst v37  }
0x6a7: {  	s18 =	simm.s32 $0x8;
	s19 =	simm.s32 $0x17F;
	[tilespmem:s17+$0xFFFFFFC0] =	vst v39;
	v35 =	vld.idx.msk [tilespmem:v30+s1+$0x0], $0xffff;
	v30 =	vadd.s32 s20, v22  }
.LBB2_90:
0x6a8: {  	s20 =	sadd.s32 $0xFFFFFFA0, s19;
	s21 =	sadd.s32 $0xFFFFFFB0, s19;
	v37 =	vadd.s32 s19, v0;
	s18 =	sadd.s32 $0x8, s18;
	v38 =	vld.idx.msk [tilespmem:v29+s1+$0x0], $0xffff;
	[tilespmem:s17+$0xFFFFFFD0] =	vst v34  }
0x6a9: {  	v39 =	vadd.s32 s20, v22;
	v29 =	vadd.s32 s21, v22;
	s20 =	sadd.s32 $0xFFFFFFC0, s19;
	s21 =	sadd.s32 $0xFFFFFFD0, s19;
	v34 =	vand.u32 $0xFFF, v37;
	p0 =	slt.u32 s18, $0xF8;
	v37 =	vld.idx.msk [tilespmem:v32+s1+$0x0], $0xffff;
	[tilespmem:s17+$0xFFFFFFE0] =	vst v33  }
0x6aa: {  	s22 =	sadd.s32 $0xFFFFFF90, s19;
	s23 =	sadd.s32 $0xFFFFFFF0, s19;
	v32 =	vadd.s32 s20, v22;
	s20 =	sadd.s32 $0xFFFFFFE0, s19;
	v40 =	vor.u32 $0xF000, v34;
	v34 =	vld.idx.msk [tilespmem:v27+s1+$0x0], $0xffff;
	v27 =	vadd.s32 s21, v22;
	[tilespmem:s17+$0xFFFFFFF0] =	vst v28  }
0x6ab: {  	v41 =	vadd.s32 s22, v22;
	v42 =	vadd.s32 s23, v22;
	s17 =	sadd.s32 $0x80, s17;
	v33 =	vld.idx.msk [tilespmem:v31+s1+$0x0], $0xffff;
	v31 =	vadd.s32 s20, v22  }
.Ltmp44:
0x6ac: {  	v28 =	vld.idx.msk [tilespmem:v30+s1+$0x0], $0xffff;
	[tilespmem:s17+$0x0] =	vst v35;
	v30 =	vmov v42;
	(pc) =	sbr.rel @p0 .LBB2_90-.Ltmp44, $4  }
0x6ad: {  	[tilespmem:s17+$0xFFFFFF90] =	vst v36  }
0x6ae: {  	[tilespmem:s17+$0xFFFFFFA0] =	vst v26;
	v26 =	vld.idx.msk [tilespmem:v39+s1+$0x0], $0xffff  }
0x6af: {  	v35 =	vld.idx.msk [tilespmem:v40+s1+$0x0], $0xffff;
	[tilespmem:s17+$0xFFFFFFB0] =	vst v38  }
0x6b0: {  	s19 =	sadd.s32 $0x80, s19;
	v36 =	vld.idx.msk [tilespmem:v41+s1+$0x0], $0xffff;
	[tilespmem:s17+$0xFFFFFFC0] =	vst v37  }
0x6b1: {  	_ =	sdelay $0x2  }
0x6b2: {  	[tilespmem:s17+$0xFFFFFFD0] =	vst v34  }
0x6b3: {  	v29 =	vld.idx.msk [tilespmem:v29+s1+$0x0], $0xffff;
	[tilespmem:s17+$0xFFFFFFE0] =	vst v33  }
0x6b4: {  	v32 =	vld.idx.msk [tilespmem:v32+s1+$0x0], $0xffff;
	[tilespmem:s17+$0xFFFFFFF0] =	vst v28;
	s25 =	sadd.s32 $0x80, s17  }
0x6b5: {  	v27 =	vld.idx.msk [tilespmem:v27+s1+$0x0], $0xffff;
	[tilespmem:s25+$0xFFFFFFA0] =	vst v26  }
0x6b6: {  	v63 =	vld.idx.msk [tilespmem:v31+s1+$0x0], $0xffff;
	[tilespmem:s25+$0x0] =	vst v35  }
0x6b7: {  	v30 =	vld.idx.msk [tilespmem:v30+s1+$0x0], $0xffff;
	[tilespmem:s25+$0xFFFFFF90] =	vst v36  }
0x6b8: {  	[tilespmem:s25+$0xFFFFFFB0] =	vst v29  }
0x6b9: {  	[tilespmem:s25+$0xFFFFFFC0] =	vst v32  }
0x6ba: {  	[tilespmem:s25+$0xFFFFFFD0] =	vst v27  }
0x6bb: {  	[tilespmem:s25+$0xFFFFFFE0] =	vst v63  }
0x6bc: {  	s16 =	sadd.s32 $0x1, s16;
	[tilespmem:s25+$0xFFFFFFF0] =	vst v30  }
0x6bd: {  	[hbm4b:s4+s7] =	stream.strided.scatter [tilespmem:s10], [sflag:$0x2], $0x1000, s8, s7, $0x38;
	[tilespmem:$0x1E280] =	vst v63  }
0x6be: {  	p0 =	sne.s32 s16, s5;
	_ =	swait.ge [sflag:s11], $0x1000  }
.Ltmp45:
0x6bf: {  	[sflag:s11] =	ssyncset.done $0x0;
	(pc) =	sbr.rel @p0 .LBB2_1-.Ltmp45, $4  }
.Ltmp46:
0x6c0: {  	[sflag:s11] =	ssyncadd.s32 $0xFFFFF000;
	(pc) =	sbr.rel @!p0 .LBB2_92-.Ltmp46, $4  }
0x6c1: {  	_ =	swait.ge [sflag:s12], $0x1000  }
0x6c2: {  	[sflag:s12] =	ssyncset.done $0x0  }
0x6c3: {  	[sflag:s12] =	ssyncadd.s32 $0xFFFFF000  }
0x6c4: {  	_ = 	snop  }
.LBB2_54:
.Ltmp47:
0x6c5: {  	(pc) =	sbr.rel .LBB2_61-.Ltmp47, $2  }
0x6c6: {  	_ =	sdelay $0x2  }
0x6c7: {  	s17 =	simm.s32 $0x10040;
	v38 =	vmov v32  }
.LBB2_56:
.Ltmp48:
0x6c8: {  	(pc) =	sbr.rel .LBB2_61-.Ltmp48, $2  }
0x6c9: {  	_ =	sdelay $0x2  }
0x6ca: {  	s17 =	simm.s32 $0x10040  }
.LBB2_58:
.Ltmp49:
0x6cb: {  	(pc) =	sbr.rel .LBB2_61-.Ltmp49, $2  }
0x6cc: {  	_ =	sdelay $0x2  }
0x6cd: {  	s17 =	simm.s32 $0x10040;
	v38 =	vmov v39  }
.LBB2_92:
0x6ce: {  	_ =	sfence.sel $0x180000  }
0x6cf: {  	[bflag:$0x0] =	sbarrier.arrive $0xFFFF  }
0x6d0: {  	_ =	strace $0x90000047  }
0x6d1: {  	s0 =	stileid.u32;
	[bflag:$0x2] =	sbarrier.arrive $0xFFFF  }
0x6d2: {  	p0 =	sne.s32 s0, $0x0;
	s0 =	rddreg [dreg:$0x2]  }
0x6d3: {  	s0 =	sadd.s32 @!p0 $0x100000, s0  }
0x6d4: {  	[sflag:s0] =	ssyncadd.tile.s32 @!p0 $0x1;
	_ =	shalt  }
.Lfunc_end2:
_tile_overlayer_lowered:
.L_overlay_start_2:
0x6d5: {  	(tag) =	ssettag $0x2  }
0x6d6: {  	s0 =	rddreg [dreg:$0x0];
	s2 =	stileid.u32  }
0x6d7: {  	s1 =	rddreg [dreg:$0x1];
	p0 =	sne.s32 s2, $0x0  }
0x6d8: {  	s3 =	rddreg [dreg:$0x2];
	[bflag:$0x3] =	sbarrier.arrive $0xFFFF;
	s2 =	simm.s32 @!p0 $0x1C03  }
0x6d9: {  	[timem:s3], [sflag:s2] =	dma.local @!p0 [hbm:s0], s1  }
0x6da: {  	s0 =	simm.s32 @!p0 $0x3  }
0x6db: {  	_ =	swait.ge @!p0 [sflag:s0], s1  }
0x6dc: {  	s1 =	ssub.s32 @!p0 $0x0, s1;
	[sflag:s0] =	ssyncset.done @!p0 $0x0  }
0x6dd: {  	[sflag:s0] =	ssyncadd.s32 @!p0 s1  }
0x6de: {  	[bflag:$0x3] =	sbarrier.arrive $0xFFFF  }
0x6df: {  	_ =	shalt  }

</sc_bundles>
